<compile_context>
chip_gen: v7x
topology: tpu7x:2x2x1
jax: 0.10.2.dev20260603
libtpu: 0.0.44.dev20260713+nightly
codegen_flags: <defaults>
</compile_context>

<pallas_src>
import functools

import jax
import jax.numpy as jnp
from jax import lax
from jax.experimental import pallas as pl
from jax.experimental.pallas import tpu as pltpu
from jax.experimental.pallas import tpu_sc as plsc

B, H, W, C = 4, 384, 384, 96
N = B * H * W

NUM_CORES = 2
NUM_SUBCORES = 16
NUM_TILES = NUM_CORES * NUM_SUBCORES
PER_TILE = N // NUM_TILES
P = 128
CHUNKS = PER_TILE // P
CT, CI, XT = C // 8, 8, W // P


def _derive(base, fy_v, fx_v, i00_v, i01_v, i10_v, i11_v,
            w00_v, w01_v, w10_v, w11_v):
    lane = lax.broadcasted_iota(jnp.int32, (16,), 0)
    for g in range(P // 16):
        s = pl.ds(g * 16, 16)
        pix = base + g * 16 + lane
        row = pix // W
        j = pix - row * W
        i = lax.rem(row, H)
        qy = i.astype(jnp.float32) - fy_v[s]
        qx = j.astype(jnp.float32) - fx_v[s]
        qyc = jnp.clip(qy, 0.0, float(H - 2))
        qxc = jnp.clip(qx, 0.0, float(W - 2))
        y0 = qyc.astype(jnp.int32)
        x0 = qxc.astype(jnp.int32)
        ay = jnp.clip(qy - y0.astype(jnp.float32), 0.0, 1.0)
        ax = jnp.clip(qx - x0.astype(jnp.float32), 0.0, 1.0)
        idx = (row - i + y0) * W + x0
        i00_v[s] = idx
        i01_v[s] = idx + 1
        i10_v[s] = idx + W
        i11_v[s] = idx + W + 1
        by = 1.0 - ay
        bx = 1.0 - ax
        w00_v[s] = by * bx
        w01_v[s] = by * ax
        w10_v[s] = ay * bx
        w11_v[s] = ay * ax


def _blend(r00_v, r01_v, r10_v, r11_v, w00_v, w01_v, w10_v, w11_v, out_v):
    lane = lax.broadcasted_iota(jnp.int32, (16,), 0)
    ctv = []
    civ = []
    for u in range(C // 16):
        c = u * 16 + lane
        ctv.append(lax.shift_right_logical(c, 3))
        civ.append(lax.bitwise_and(c, 7))

    def px_body(p, cc):
        pcol = jnp.full((16,), p, jnp.int32)
        w00 = plsc.load_gather(w00_v, [pcol])
        w01 = plsc.load_gather(w01_v, [pcol])
        w10 = plsc.load_gather(w10_v, [pcol])
        w11 = plsc.load_gather(w11_v, [pcol])
        NG = C // 16
        g00 = [r00_v[p, pl.ds(u * 16, 16)] for u in range(NG)]
        g01 = [r01_v[p, pl.ds(u * 16, 16)] for u in range(NG)]
        g10 = [r10_v[p, pl.ds(u * 16, 16)] for u in range(NG)]
        g11 = [r11_v[p, pl.ds(u * 16, 16)] for u in range(NG)]
        accs = [(w00 * g00[u] + w01 * g01[u])
                + (w10 * g10[u] + w11 * g11[u]) for u in range(NG)]
        for u in range(NG):
            plsc.store_scatter(out_v, [ctv[u], civ[u], pcol], accs[u])
        return cc

    lax.fori_loop(0, P, px_body, 0, unroll=4)


def _warp_sc_body(img_hbm, fy_hbm, fx_hbm, out_hbm, *refs):
    (fy0, fy1, fx0, fx1,
     i00a, i01a, i10a, i11a, i00b, i01b, i10b, i11b,
     w00a, w01a, w10a, w11a, w00b, w01b, w10b, w11b,
     r00a, r01a, r10a, r11a, r00b, r01b, r10b, r11b,
     outa, outb,
     sem_f0, sem_f1, sem_g0, sem_g1, sem_o0, sem_o1) = refs

    wid = lax.axis_index("s") * NUM_CORES + lax.axis_index("c")
    tile_base = wid * PER_TILE

    bufs = (
        ((fy0, fx0), (i00a, i01a, i10a, i11a), (w00a, w01a, w10a, w11a),
         (r00a, r01a, r10a, r11a), outa, sem_f0, sem_g0, sem_o0),
        ((fy1, fx1), (i00b, i01b, i10b, i11b), (w00b, w01b, w10b, w11b),
         (r00b, r01b, r10b, r11b), outb, sem_f1, sem_g1, sem_o1),
    )

    def issue_flow(k, bi):
        fy_v, fx_v = bufs[bi][0]
        base = tile_base + k * P
        pltpu.async_copy(fy_hbm.at[pl.ds(base, P)], fy_v, bufs[bi][5])
        pltpu.async_copy(fx_hbm.at[pl.ds(base, P)], fx_v, bufs[bi][5])

    def wait_flow(bi):
        fy_v, fx_v = bufs[bi][0]
        pltpu.make_async_copy(fy_hbm.at[pl.ds(0, P)], fy_v, bufs[bi][5]).wait()
        pltpu.make_async_copy(fx_hbm.at[pl.ds(0, P)], fx_v, bufs[bi][5]).wait()

    def derive_issue_gathers(k, bi):
        (fy_v, fx_v), iv, wv, rv, _, _, sem_g, _ = bufs[bi]
        _derive(tile_base + k * P, fy_v, fx_v, *iv, *wv)
        pltpu.async_copy(img_hbm.at[iv[0]], rv[0], sem_g)
        pltpu.async_copy(img_hbm.at[iv[1]], rv[1], sem_g)
        pltpu.async_copy(img_hbm.at[iv[2]], rv[2], sem_g)
        pltpu.async_copy(img_hbm.at[iv[3]], rv[3], sem_g)

    def wait_gathers(bi):
        iv, rv, sem_g = bufs[bi][1], bufs[bi][3], bufs[bi][6]
        for q in range(4):
            pltpu.make_async_copy(img_hbm.at[iv[q]], rv[q], sem_g).wait()

    def issue_out(k, bi):
        out_v, sem_o = bufs[bi][4], bufs[bi][7]
        base = tile_base + k * P
        by = base // W
        xt = (base - by * W) // P
        pltpu.async_copy(out_v.at[:, :, pl.ds(0, P)], out_hbm.at[by, :, xt],
                         sem_o)

    def wait_out(bi):
        out_v, sem_o = bufs[bi][4], bufs[bi][7]
        pltpu.make_async_copy(out_v.at[:, :, pl.ds(0, P)],
                              out_hbm.at[0, :, 0], sem_o).wait()

    def blend(bi):
        _, _, wv, rv, out_v, _, _, _ = bufs[bi]
        _blend(*rv, *wv, out_v)

    issue_flow(0, 0)
    wait_flow(0)
    derive_issue_gathers(0, 0)
    issue_flow(1, 1)

    def pair_body(kk, cc):
        k = kk * 2
        wait_flow(1)
        derive_issue_gathers(k + 1, 1)

        @pl.when(kk + 1 < CHUNKS // 2)
        def _():
            issue_flow(k + 2, 0)

        wait_gathers(0)

        @pl.when(kk >= 1)
        def _():
            wait_out(0)

        blend(0)
        issue_out(k, 0)

        @pl.when(kk + 1 < CHUNKS // 2)
        def _():
            wait_flow(0)
            derive_issue_gathers(k + 2, 0)
            issue_flow(k + 3, 1)

        wait_gathers(1)

        @pl.when(kk >= 1)
        def _():
            wait_out(1)

        blend(1)
        issue_out(k + 1, 1)
        return cc

    lax.fori_loop(0, CHUNKS // 2, pair_body, 0)
    wait_out(0)
    wait_out(1)


@functools.cache
def _make_warp_sc():
    mesh = plsc.VectorSubcoreMesh(
        core_axis_name="c", subcore_axis_name="s",
        num_cores=NUM_CORES, num_subcores=NUM_SUBCORES,
    )
    idx_t = pltpu.VMEM((P,), jnp.int32)
    wgt_t = pltpu.VMEM((P,), jnp.float32)
    row_t = pltpu.VMEM((P, C), jnp.float32)
    out_t = pltpu.VMEM((CT, CI, P + 1), jnp.float32)
    return pl.kernel(
        _warp_sc_body,
        out_type=jax.ShapeDtypeStruct((B * H, CT, XT, CI, P), jnp.float32),
        mesh=mesh,
        compiler_params=pltpu.CompilerParams(
            needs_layout_passes=False, use_tc_tiling_on_sc=False),
        scratch_types=(
            [wgt_t] * 4
            + [idx_t] * 8
            + [wgt_t] * 8
            + [row_t] * 8
            + [out_t] * 2
            + [pltpu.SemaphoreType.DMA] * 6
        ),
    )


def kernel(frame_tail, flow):
    fy = flow[..., 0].reshape(N)
    fx = flow[..., 1].reshape(N)
    warp = _make_warp_sc()
    out = warp(frame_tail.reshape(N, C), fy, fx)
    return (out.transpose(0, 2, 4, 1, 3)
               .reshape(B, H, W, C))

# --- scband reference (transcript-rebuilt; emitter-appended) ---
"""Pipeline reference for scband-back-warp-9603546874299 (READ-ONLY COPY).

The authoritative reference and input builder live on the scoring server;
editing this copy changes nothing except your own understanding.
"""

import jax, jax.numpy as jnp
import numpy as np


def _interpolate_bilinear(grid, query_points):
    # grid: [B, H, W, C]; query_points: [B, N, 2] in (y, x) 'ij' indexing.
    # Faithful port of tfa.image.interpolate_bilinear.
    B, H, W, C = grid.shape
    alphas = []
    floors = []
    ceils = []
    unstacked = [query_points[..., 0], query_points[..., 1]]
    for dim in (0, 1):
        queries = unstacked[dim]
        size = grid.shape[dim + 1]
        max_floor = float(size - 2)
        floor_f = jnp.clip(jnp.floor(queries), 0.0, max_floor)
        int_floor = floor_f.astype(jnp.int32)
        ceil = int_floor + 1
        alpha = jnp.clip(queries - floor_f, 0.0, 1.0).astype(grid.dtype)
        alphas.append(alpha[..., None])  # [B, N, 1]
        floors.append(int_floor)
        ceils.append(ceil)

    flattened_grid = grid.reshape(B, H * W, C)
    batch_idx = jnp.arange(B)[:, None]  # [B, 1]

    def gather(y_coords, x_coords):
        linear = y_coords * W + x_coords  # [B, N]
        return flattened_grid[batch_idx, linear]  # [B, N, C]

    top_left = gather(floors[0], floors[1])
    top_right = gather(floors[0], ceils[1])
    bottom_left = gather(ceils[0], floors[1])
    bottom_right = gather(ceils[0], ceils[1])

    interp_top = alphas[1] * (top_right - top_left) + top_left
    interp_bottom = alphas[1] * (bottom_right - bottom_left) + bottom_left
    interp = alphas[0] * (interp_bottom - interp_top) + interp_top
    return interp


def dense_image_warp(image, flow):
    # Faithful port of tfa.image.dense_image_warp:
    # output[b, i, j, c] = bilinear(image)[b, i - flow[b,i,j,0], j - flow[b,i,j,1], c]
    B, H, W, C = image.shape
    grid_y, grid_x = jnp.meshgrid(jnp.arange(H), jnp.arange(W), indexing="ij")
    stacked_grid = jnp.stack([grid_y, grid_x], axis=2).astype(flow.dtype)  # [H, W, 2]
    batched_grid = stacked_grid[None]  # [1, H, W, 2]
    query_points_on_grid = batched_grid - flow  # [B, H, W, 2]
    query_points_flattened = query_points_on_grid.reshape(B, H * W, 2)
    interpolated = _interpolate_bilinear(image, query_points_flattened)
    return interpolated.reshape(B, H, W, C)


def setup_inputs(seed: int = 0) -> dict:
    key = jax.random.key(seed)
    k1, k2 = jax.random.split(key)
    frame_tail = jax.random.normal(k1, (4, 384, 384, 96), dtype=jnp.float32)
    flow = jax.random.normal(k2, (4, 384, 384, 2), dtype=jnp.float32)
    return {"frame_tail": frame_tail, "flow": flow}


def reference(frame_tail, flow):
    # BackWarp.call: frame_head = dense_image_warp(frame_tail, flow)
    return dense_image_warp(frame_tail, flow)

if __name__ == "__main__":
    import jax
    _d = setup_inputs()
    print(jax.jit(kernel)(*tuple(_d.values())))

</pallas_src>

<mosaic_0001>
#map = affine_map<(d0, d1) -> (0, 0)>
#map1 = affine_map<(d0, d1) -> (0)>
#map2 = affine_map<(d0, d1) -> (0, 0, 0, 0, 0)>
module attributes {stable_mosaic.version = 14 : i64} {
  func.func @_warp_sc_body(%arg0: i32, %arg1: i32, %arg2: memref<589824x96xf32, #tpu.memory_space<hbm>>, %arg3: memref<589824xf32, #tpu.memory_space<hbm>>, %arg4: memref<589824xf32, #tpu.memory_space<hbm>>, %arg5: memref<1536x12x3x8x128xf32, #tpu.memory_space<hbm>>, %arg6: memref<128xf32, #tpu.memory_space<vmem>>, %arg7: memref<128xf32, #tpu.memory_space<vmem>>, %arg8: memref<128xf32, #tpu.memory_space<vmem>>, %arg9: memref<128xf32, #tpu.memory_space<vmem>>, %arg10: memref<128xi32, #tpu.memory_space<vmem>>, %arg11: memref<128xi32, #tpu.memory_space<vmem>>, %arg12: memref<128xi32, #tpu.memory_space<vmem>>, %arg13: memref<128xi32, #tpu.memory_space<vmem>>, %arg14: memref<128xi32, #tpu.memory_space<vmem>>, %arg15: memref<128xi32, #tpu.memory_space<vmem>>, %arg16: memref<128xi32, #tpu.memory_space<vmem>>, %arg17: memref<128xi32, #tpu.memory_space<vmem>>, %arg18: memref<128xf32, #tpu.memory_space<vmem>>, %arg19: memref<128xf32, #tpu.memory_space<vmem>>, %arg20: memref<128xf32, #tpu.memory_space<vmem>>, %arg21: memref<128xf32, #tpu.memory_space<vmem>>, %arg22: memref<128xf32, #tpu.memory_space<vmem>>, %arg23: memref<128xf32, #tpu.memory_space<vmem>>, %arg24: memref<128xf32, #tpu.memory_space<vmem>>, %arg25: memref<128xf32, #tpu.memory_space<vmem>>, %arg26: memref<128x96xf32, #tpu.memory_space<vmem>>, %arg27: memref<128x96xf32, #tpu.memory_space<vmem>>, %arg28: memref<128x96xf32, #tpu.memory_space<vmem>>, %arg29: memref<128x96xf32, #tpu.memory_space<vmem>>, %arg30: memref<128x96xf32, #tpu.memory_space<vmem>>, %arg31: memref<128x96xf32, #tpu.memory_space<vmem>>, %arg32: memref<128x96xf32, #tpu.memory_space<vmem>>, %arg33: memref<128x96xf32, #tpu.memory_space<vmem>>, %arg34: memref<12x8x129xf32, #tpu.memory_space<vmem>>, %arg35: memref<12x8x129xf32, #tpu.memory_space<vmem>>, %arg36: memref<!tpu.dma_semaphore, #tpu.memory_space<semaphore_mem>>, %arg37: memref<!tpu.dma_semaphore, #tpu.memory_space<semaphore_mem>>, %arg38: memref<!tpu.dma_semaphore, #tpu.memory_space<semaphore_mem>>, %arg39: memref<!tpu.dma_semaphore, #tpu.memory_space<semaphore_mem>>, %arg40: memref<!tpu.dma_semaphore, #tpu.memory_space<semaphore_mem>>, %arg41: memref<!tpu.dma_semaphore, #tpu.memory_space<semaphore_mem>>) attributes {dimension_semantics = [#tpu.dimension_semantics<core_parallel>, #tpu.dimension_semantics<subcore_parallel>], iteration_bounds = array<i64: 2, 16>, scalar_prefetch = 0 : i64, scratch_operands = 36 : i64, tpu.core_type = #tpu.core_type<sc_vector_subcore>, window_params = [{transform_indices = #map}, {transform_indices = #map1}, {transform_indices = #map1}, {transform_indices = #map2}]} {
    %mul3A = arith.constant 2 : i32
    %mul3A_0 = arith.muli %arg1, %mul3A : i32
    %add3A = arith.addi %mul3A_0, %arg0 : i32
    %mul3A_1 = arith.constant 18432 : i32
    %mul3A_2 = arith.muli %add3A, %mul3A_1 : i32
    %add3A_3 = arith.constant 0 : i32
    %add3A_4 = arith.addi %mul3A_2, %add3A_3 : i32
    %dma_start3A = tpu.memref_slice %arg3[%add3A_4] : memref<589824xf32, #tpu.memory_space<hbm>> -> memref<128xf32, #tpu.memory_space<hbm>>
    %dma_start3A_5 = tpu.memref_slice %arg3[%add3A_4] : memref<589824xf32, #tpu.memory_space<hbm>> -> memref<128xf32, #tpu.memory_space<hbm>>
    tpu.enqueue_dma source(%dma_start3A_5 : memref<128xf32, #tpu.memory_space<hbm>>) target(%arg6 : memref<128xf32, #tpu.memory_space<vmem>>) target_semaphore(%arg36 : memref<!tpu.dma_semaphore, #tpu.memory_space<semaphore_mem>>)
    %dma_start3A_6 = tpu.memref_slice %arg4[%add3A_4] : memref<589824xf32, #tpu.memory_space<hbm>> -> memref<128xf32, #tpu.memory_space<hbm>>
    %dma_start3A_7 = tpu.memref_slice %arg4[%add3A_4] : memref<589824xf32, #tpu.memory_space<hbm>> -> memref<128xf32, #tpu.memory_space<hbm>>
    tpu.enqueue_dma source(%dma_start3A_7 : memref<128xf32, #tpu.memory_space<hbm>>) target(%arg8 : memref<128xf32, #tpu.memory_space<vmem>>) target_semaphore(%arg36 : memref<!tpu.dma_semaphore, #tpu.memory_space<semaphore_mem>>)
    %dma_wait3A = arith.constant 0 : i32
    %dma_wait3A_8 = tpu.memref_slice %arg3[%dma_wait3A] : memref<589824xf32, #tpu.memory_space<hbm>> -> memref<128xf32, #tpu.memory_space<hbm>>
    %dma_wait3A_9 = arith.constant 0 : i32
    %dma_wait3A_10 = tpu.memref_slice %arg3[%dma_wait3A_9] : memref<589824xf32, #tpu.memory_space<hbm>> -> memref<128xf32, #tpu.memory_space<hbm>>
    tpu.wait_dma2 semaphore(%arg36 : memref<!tpu.dma_semaphore, #tpu.memory_space<semaphore_mem>>) src(%dma_wait3A_10 : memref<128xf32, #tpu.memory_space<hbm>>) dst(%arg6 : memref<128xf32, #tpu.memory_space<vmem>>)
    %dma_wait3A_11 = arith.constant 0 : i32
    %dma_wait3A_12 = tpu.memref_slice %arg4[%dma_wait3A_11] : memref<589824xf32, #tpu.memory_space<hbm>> -> memref<128xf32, #tpu.memory_space<hbm>>
    %dma_wait3A_13 = arith.constant 0 : i32
    %dma_wait3A_14 = tpu.memref_slice %arg4[%dma_wait3A_13] : memref<589824xf32, #tpu.memory_space<hbm>> -> memref<128xf32, #tpu.memory_space<hbm>>
    tpu.wait_dma2 semaphore(%arg36 : memref<!tpu.dma_semaphore, #tpu.memory_space<semaphore_mem>>) src(%dma_wait3A_14 : memref<128xf32, #tpu.memory_space<hbm>>) dst(%arg8 : memref<128xf32, #tpu.memory_space<vmem>>)
    %add3A_15 = arith.constant 0 : i32
    %add3A_16 = arith.addi %mul3A_2, %add3A_15 : i32
    %iota3A = tpu.iota {dimensions = array<i32: 0>} : vector<16xi32>
    %add3A_17 = arith.constant 0 : i32
    %add3A_18 = arith.addi %add3A_16, %add3A_17 : i32
    %add3A_19 = vector.broadcast %add3A_18 : i32 to vector<16xi32>
    %add3A_20 = arith.addi %add3A_19, %iota3A : vector<16xi32>
    %jit3A = arith.constant 384 : i32
    %div3A = vector.broadcast %jit3A : i32 to vector<16xi32>
    %div3A_21 = arith.divsi %add3A_20, %div3A : vector<16xi32>
    %sign3A = arith.constant 0 : i32
    %sign3A_22 = vector.broadcast %sign3A : i32 to vector<16xi32>
    %sign3A_23 = arith.cmpi sgt, %add3A_20, %sign3A_22 : vector<16xi32>
    %sign3A_24 = arith.extui %sign3A_23 : vector<16xi1> to vector<16xi32>
    %sign3A_25 = arith.constant 0 : i32
    %sign3A_26 = vector.broadcast %sign3A_25 : i32 to vector<16xi32>
    %sign3A_27 = arith.cmpi slt, %add3A_20, %sign3A_26 : vector<16xi32>
    %sign3A_28 = arith.extui %sign3A_27 : vector<16xi1> to vector<16xi32>
    %sign3A_29 = arith.subi %sign3A_24, %sign3A_28 : vector<16xi32>
    %sign3A_30 = arith.constant 0 : i32
    %sign3A_31 = arith.cmpi sgt, %jit3A, %sign3A_30 : i32
    %sign3A_32 = arith.extui %sign3A_31 : i1 to i32
    %sign3A_33 = arith.constant 0 : i32
    %sign3A_34 = arith.cmpi slt, %jit3A, %sign3A_33 : i32
    %sign3A_35 = arith.extui %sign3A_34 : i1 to i32
    %sign3A_36 = arith.subi %sign3A_32, %sign3A_35 : i32
    %ne3A = vector.broadcast %sign3A_36 : i32 to vector<16xi32>
    %ne3A_37 = arith.cmpi ne, %sign3A_29, %ne3A : vector<16xi32>
    %rem3A = vector.broadcast %jit3A : i32 to vector<16xi32>
    %rem3A_38 = arith.remsi %add3A_20, %rem3A : vector<16xi32>
    %ne3A_39 = arith.constant 0 : i32
    %ne3A_40 = vector.broadcast %ne3A_39 : i32 to vector<16xi32>
    %ne3A_41 = arith.cmpi ne, %rem3A_38, %ne3A_40 : vector<16xi32>
    %and3A = arith.andi %ne3A_37, %ne3A_41 : vector<16xi1>
    %sub3A = arith.constant 1 : i32
    %sub3A_42 = vector.broadcast %sub3A : i32 to vector<16xi32>
    %sub3A_43 = arith.subi %div3A_21, %sub3A_42 : vector<16xi32>
    %select_n3A = arith.select %and3A, %sub3A_43, %div3A_21 : vector<16xi1>, vector<16xi32>
    %mul3A_44 = arith.constant 384 : i32
    %mul3A_45 = vector.broadcast %mul3A_44 : i32 to vector<16xi32>
    %mul3A_46 = arith.muli %select_n3A, %mul3A_45 : vector<16xi32>
    %sub3A_47 = arith.subi %add3A_20, %mul3A_46 : vector<16xi32>
    %rem3A_48 = arith.constant 384 : i32
    %rem3A_49 = vector.broadcast %rem3A_48 : i32 to vector<16xi32>
    %rem3A_50 = arith.remsi %select_n3A, %rem3A_49 : vector<16xi32>
    %convert_element_type3A = arith.sitofp %rem3A_50 : vector<16xi32> to vector<16xf32>
    %get3A = arith.constant 0 : index
    %get3A_51 = tpu.vector_load %arg6[%get3A] {strides = array<i32>} : memref<128xf32, #tpu.memory_space<vmem>>, vector<16xf32>,
    %sub3A_52 = arith.subf %convert_element_type3A, %get3A_51 : vector<16xf32>
    %convert_element_type3A_53 = arith.sitofp %sub3A_47 : vector<16xi32> to vector<16xf32>
    %get3A_54 = arith.constant 0 : index
    %get3A_55 = tpu.vector_load %arg8[%get3A_54] {strides = array<i32>} : memref<128xf32, #tpu.memory_space<vmem>>, vector<16xf32>,
    %sub3A_56 = arith.subf %convert_element_type3A_53, %get3A_55 : vector<16xf32>
    %jit3A_57 = arith.constant 0.000000e+00 : f32
    %jit3A_58 = arith.constant 3.820000e+02 : f32
    %max3A = vector.broadcast %jit3A_57 : f32 to vector<16xf32>
    %max3A_59 = arith.maximumf %max3A, %sub3A_52 : vector<16xf32>
    %min3A = vector.broadcast %jit3A_58 : f32 to vector<16xf32>
    %min3A_60 = arith.minimumf %min3A, %max3A_59 : vector<16xf32>
    %jit3A_61 = arith.constant 0.000000e+00 : f32
    %jit3A_62 = arith.constant 3.820000e+02 : f32
    %max3A_63 = vector.broadcast %jit3A_61 : f32 to vector<16xf32>
    %max3A_64 = arith.maximumf %max3A_63, %sub3A_56 : vector<16xf32>
    %min3A_65 = vector.broadcast %jit3A_62 : f32 to vector<16xf32>
    %min3A_66 = arith.minimumf %min3A_65, %max3A_64 : vector<16xf32>
    %convert_element_type3A_67 = arith.fptosi %min3A_60 : vector<16xf32> to vector<16xi32>
    %convert_element_type3A_68 = arith.fptosi %min3A_66 : vector<16xf32> to vector<16xi32>
    %convert_element_type3A_69 = arith.sitofp %convert_element_type3A_67 : vector<16xi32> to vector<16xf32>
    %sub3A_70 = arith.subf %sub3A_52, %convert_element_type3A_69 : vector<16xf32>
    %jit3A_71 = arith.constant 0.000000e+00 : f32
    %jit3A_72 = arith.constant 1.000000e+00 : f32
    %max3A_73 = vector.broadcast %jit3A_71 : f32 to vector<16xf32>
    %max3A_74 = arith.maximumf %max3A_73, %sub3A_70 : vector<16xf32>
    %min3A_75 = vector.broadcast %jit3A_72 : f32 to vector<16xf32>
    %min3A_76 = arith.minimumf %min3A_75, %max3A_74 : vector<16xf32>
    %convert_element_type3A_77 = arith.sitofp %convert_element_type3A_68 : vector<16xi32> to vector<16xf32>
    %sub3A_78 = arith.subf %sub3A_56, %convert_element_type3A_77 : vector<16xf32>
    %jit3A_79 = arith.constant 0.000000e+00 : f32
    %jit3A_80 = arith.constant 1.000000e+00 : f32
    %max3A_81 = vector.broadcast %jit3A_79 : f32 to vector<16xf32>
    %max3A_82 = arith.maximumf %max3A_81, %sub3A_78 : vector<16xf32>
    %min3A_83 = vector.broadcast %jit3A_80 : f32 to vector<16xf32>
    %min3A_84 = arith.minimumf %min3A_83, %max3A_82 : vector<16xf32>
    %sub3A_85 = arith.subi %select_n3A, %rem3A_50 : vector<16xi32>
    %add3A_86 = arith.addi %sub3A_85, %convert_element_type3A_67 : vector<16xi32>
    %mul3A_87 = arith.constant 384 : i32
    %mul3A_88 = vector.broadcast %mul3A_87 : i32 to vector<16xi32>
    %mul3A_89 = arith.muli %add3A_86, %mul3A_88 : vector<16xi32>
    %add3A_90 = arith.addi %mul3A_89, %convert_element_type3A_68 : vector<16xi32>
    %swap3A = arith.constant 0 : index
    %swap3A_91 = tpu.vector_load %arg10[%swap3A] {strides = array<i32>} : memref<128xi32, #tpu.memory_space<vmem>>, vector<16xi32>,
    tpu.vector_store %arg10[%swap3A], %add3A_90 {strides = array<i32>} : memref<128xi32, #tpu.memory_space<vmem>>, vector<16xi32>,
    %add3A_92 = arith.constant 1 : i32
    %add3A_93 = vector.broadcast %add3A_92 : i32 to vector<16xi32>
    %add3A_94 = arith.addi %add3A_90, %add3A_93 : vector<16xi32>
    %swap3A_95 = arith.constant 0 : index
    %swap3A_96 = tpu.vector_load %arg11[%swap3A_95] {strides = array<i32>} : memref<128xi32, #tpu.memory_space<vmem>>, vector<16xi32>,
    tpu.vector_store %arg11[%swap3A_95], %add3A_94 {strides = array<i32>} : memref<128xi32, #tpu.memory_space<vmem>>, vector<16xi32>,
    %add3A_97 = arith.constant 384 : i32
    %add3A_98 = vector.broadcast %add3A_97 : i32 to vector<16xi32>
    %add3A_99 = arith.addi %add3A_90, %add3A_98 : vector<16xi32>
    %swap3A_100 = arith.constant 0 : index
    %swap3A_101 = tpu.vector_load %arg12[%swap3A_100] {strides = array<i32>} : memref<128xi32, #tpu.memory_space<vmem>>, vector<16xi32>,
    tpu.vector_store %arg12[%swap3A_100], %add3A_99 {strides = array<i32>} : memref<128xi32, #tpu.memory_space<vmem>>, vector<16xi32>,
    %add3A_102 = arith.constant 384 : i32
    %add3A_103 = vector.broadcast %add3A_102 : i32 to vector<16xi32>
    %add3A_104 = arith.addi %add3A_90, %add3A_103 : vector<16xi32>
    %add3A_105 = arith.constant 1 : i32
    %add3A_106 = vector.broadcast %add3A_105 : i32 to vector<16xi32>
    %add3A_107 = arith.addi %add3A_104, %add3A_106 : vector<16xi32>
    %swap3A_108 = arith.constant 0 : index
    %swap3A_109 = tpu.vector_load %arg13[%swap3A_108] {strides = array<i32>} : memref<128xi32, #tpu.memory_space<vmem>>, vector<16xi32>,
    tpu.vector_store %arg13[%swap3A_108], %add3A_107 {strides = array<i32>} : memref<128xi32, #tpu.memory_space<vmem>>, vector<16xi32>,
    %sub3A_110 = arith.constant 1.000000e+00 : f32
    %sub3A_111 = vector.broadcast %sub3A_110 : f32 to vector<16xf32>
    %sub3A_112 = arith.subf %sub3A_111, %min3A_76 : vector<16xf32>
    %sub3A_113 = arith.constant 1.000000e+00 : f32
    %sub3A_114 = vector.broadcast %sub3A_113 : f32 to vector<16xf32>
    %sub3A_115 = arith.subf %sub3A_114, %min3A_84 : vector<16xf32>
    %mul3A_116 = arith.mulf %sub3A_112, %sub3A_115 : vector<16xf32>
    %swap3A_117 = arith.constant 0 : index
    %swap3A_118 = tpu.vector_load %arg18[%swap3A_117] {strides = array<i32>} : memref<128xf32, #tpu.memory_space<vmem>>, vector<16xf32>,
    tpu.vector_store %arg18[%swap3A_117], %mul3A_116 {strides = array<i32>} : memref<128xf32, #tpu.memory_space<vmem>>, vector<16xf32>,
    %mul3A_119 = arith.mulf %sub3A_112, %min3A_84 : vector<16xf32>
    %swap3A_120 = arith.constant 0 : index
    %swap3A_121 = tpu.vector_load %arg19[%swap3A_120] {strides = array<i32>} : memref<128xf32, #tpu.memory_space<vmem>>, vector<16xf32>,
    tpu.vector_store %arg19[%swap3A_120], %mul3A_119 {strides = array<i32>} : memref<128xf32, #tpu.memory_space<vmem>>, vector<16xf32>,
    %mul3A_122 = arith.mulf %min3A_76, %sub3A_115 : vector<16xf32>
    %swap3A_123 = arith.constant 0 : index
    %swap3A_124 = tpu.vector_load %arg20[%swap3A_123] {strides = array<i32>} : memref<128xf32, #tpu.memory_space<vmem>>, vector<16xf32>,
    tpu.vector_store %arg20[%swap3A_123], %mul3A_122 {strides = array<i32>} : memref<128xf32, #tpu.memory_space<vmem>>, vector<16xf32>,
    %mul3A_125 = arith.mulf %min3A_76, %min3A_84 : vector<16xf32>
    %swap3A_126 = arith.constant 0 : index
    %swap3A_127 = tpu.vector_load %arg21[%swap3A_126] {strides = array<i32>} : memref<128xf32, #tpu.memory_space<vmem>>, vector<16xf32>,
    tpu.vector_store %arg21[%swap3A_126], %mul3A_125 {strides = array<i32>} : memref<128xf32, #tpu.memory_space<vmem>>, vector<16xf32>,
    %add3A_128 = arith.constant 16 : i32
    %add3A_129 = arith.addi %add3A_16, %add3A_128 : i32
    %add3A_130 = vector.broadcast %add3A_129 : i32 to vector<16xi32>
    %add3A_131 = arith.addi %add3A_130, %iota3A : vector<16xi32>
    %jit3A_132 = arith.constant 384 : i32
    %div3A_133 = vector.broadcast %jit3A_132 : i32 to vector<16xi32>
    %div3A_134 = arith.divsi %add3A_131, %div3A_133 : vector<16xi32>
    %sign3A_135 = arith.constant 0 : i32
    %sign3A_136 = vector.broadcast %sign3A_135 : i32 to vector<16xi32>
    %sign3A_137 = arith.cmpi sgt, %add3A_131, %sign3A_136 : vector<16xi32>
    %sign3A_138 = arith.extui %sign3A_137 : vector<16xi1> to vector<16xi32>
    %sign3A_139 = arith.constant 0 : i32
    %sign3A_140 = vector.broadcast %sign3A_139 : i32 to vector<16xi32>
    %sign3A_141 = arith.cmpi slt, %add3A_131, %sign3A_140 : vector<16xi32>
    %sign3A_142 = arith.extui %sign3A_141 : vector<16xi1> to vector<16xi32>
    %sign3A_143 = arith.subi %sign3A_138, %sign3A_142 : vector<16xi32>
    %sign3A_144 = arith.constant 0 : i32
    %sign3A_145 = arith.cmpi sgt, %jit3A_132, %sign3A_144 : i32
    %sign3A_146 = arith.extui %sign3A_145 : i1 to i32
    %sign3A_147 = arith.constant 0 : i32
    %sign3A_148 = arith.cmpi slt, %jit3A_132, %sign3A_147 : i32
    %sign3A_149 = arith.extui %sign3A_148 : i1 to i32
    %sign3A_150 = arith.subi %sign3A_146, %sign3A_149 : i32
    %ne3A_151 = vector.broadcast %sign3A_150 : i32 to vector<16xi32>
    %ne3A_152 = arith.cmpi ne, %sign3A_143, %ne3A_151 : vector<16xi32>
    %rem3A_153 = vector.broadcast %jit3A_132 : i32 to vector<16xi32>
    %rem3A_154 = arith.remsi %add3A_131, %rem3A_153 : vector<16xi32>
    %ne3A_155 = arith.constant 0 : i32
    %ne3A_156 = vector.broadcast %ne3A_155 : i32 to vector<16xi32>
    %ne3A_157 = arith.cmpi ne, %rem3A_154, %ne3A_156 : vector<16xi32>
    %and3A_158 = arith.andi %ne3A_152, %ne3A_157 : vector<16xi1>
    %sub3A_159 = arith.constant 1 : i32
    %sub3A_160 = vector.broadcast %sub3A_159 : i32 to vector<16xi32>
    %sub3A_161 = arith.subi %div3A_134, %sub3A_160 : vector<16xi32>
    %select_n3A_162 = arith.select %and3A_158, %sub3A_161, %div3A_134 : vector<16xi1>, vector<16xi32>
    %mul3A_163 = arith.constant 384 : i32
    %mul3A_164 = vector.broadcast %mul3A_163 : i32 to vector<16xi32>
    %mul3A_165 = arith.muli %select_n3A_162, %mul3A_164 : vector<16xi32>
    %sub3A_166 = arith.subi %add3A_131, %mul3A_165 : vector<16xi32>
    %rem3A_167 = arith.constant 384 : i32
    %rem3A_168 = vector.broadcast %rem3A_167 : i32 to vector<16xi32>
    %rem3A_169 = arith.remsi %select_n3A_162, %rem3A_168 : vector<16xi32>
    %convert_element_type3A_170 = arith.sitofp %rem3A_169 : vector<16xi32> to vector<16xf32>
    %get3A_171 = arith.constant 16 : index
    %get3A_172 = tpu.vector_load %arg6[%get3A_171] {strides = array<i32>} : memref<128xf32, #tpu.memory_space<vmem>>, vector<16xf32>,
    %sub3A_173 = arith.subf %convert_element_type3A_170, %get3A_172 : vector<16xf32>
    %convert_element_type3A_174 = arith.sitofp %sub3A_166 : vector<16xi32> to vector<16xf32>
    %get3A_175 = arith.constant 16 : index
    %get3A_176 = tpu.vector_load %arg8[%get3A_175] {strides = array<i32>} : memref<128xf32, #tpu.memory_space<vmem>>, vector<16xf32>,
    %sub3A_177 = arith.subf %convert_element_type3A_174, %get3A_176 : vector<16xf32>
    %jit3A_178 = arith.constant 0.000000e+00 : f32
    %jit3A_179 = arith.constant 3.820000e+02 : f32
    %max3A_180 = vector.broadcast %jit3A_178 : f32 to vector<16xf32>
    %max3A_181 = arith.maximumf %max3A_180, %sub3A_173 : vector<16xf32>
    %min3A_182 = vector.broadcast %jit3A_179 : f32 to vector<16xf32>
    %min3A_183 = arith.minimumf %min3A_182, %max3A_181 : vector<16xf32>
    %jit3A_184 = arith.constant 0.000000e+00 : f32
    %jit3A_185 = arith.constant 3.820000e+02 : f32
    %max3A_186 = vector.broadcast %jit3A_184 : f32 to vector<16xf32>
    %max3A_187 = arith.maximumf %max3A_186, %sub3A_177 : vector<16xf32>
    %min3A_188 = vector.broadcast %jit3A_185 : f32 to vector<16xf32>
    %min3A_189 = arith.minimumf %min3A_188, %max3A_187 : vector<16xf32>
    %convert_element_type3A_190 = arith.fptosi %min3A_183 : vector<16xf32> to vector<16xi32>
    %convert_element_type3A_191 = arith.fptosi %min3A_189 : vector<16xf32> to vector<16xi32>
    %convert_element_type3A_192 = arith.sitofp %convert_element_type3A_190 : vector<16xi32> to vector<16xf32>
    %sub3A_193 = arith.subf %sub3A_173, %convert_element_type3A_192 : vector<16xf32>
    %jit3A_194 = arith.constant 0.000000e+00 : f32
    %jit3A_195 = arith.constant 1.000000e+00 : f32
    %max3A_196 = vector.broadcast %jit3A_194 : f32 to vector<16xf32>
    %max3A_197 = arith.maximumf %max3A_196, %sub3A_193 : vector<16xf32>
    %min3A_198 = vector.broadcast %jit3A_195 : f32 to vector<16xf32>
    %min3A_199 = arith.minimumf %min3A_198, %max3A_197 : vector<16xf32>
    %convert_element_type3A_200 = arith.sitofp %convert_element_type3A_191 : vector<16xi32> to vector<16xf32>
    %sub3A_201 = arith.subf %sub3A_177, %convert_element_type3A_200 : vector<16xf32>
    %jit3A_202 = arith.constant 0.000000e+00 : f32
    %jit3A_203 = arith.constant 1.000000e+00 : f32
    %max3A_204 = vector.broadcast %jit3A_202 : f32 to vector<16xf32>
    %max3A_205 = arith.maximumf %max3A_204, %sub3A_201 : vector<16xf32>
    %min3A_206 = vector.broadcast %jit3A_203 : f32 to vector<16xf32>
    %min3A_207 = arith.minimumf %min3A_206, %max3A_205 : vector<16xf32>
    %sub3A_208 = arith.subi %select_n3A_162, %rem3A_169 : vector<16xi32>
    %add3A_209 = arith.addi %sub3A_208, %convert_element_type3A_190 : vector<16xi32>
    %mul3A_210 = arith.constant 384 : i32
    %mul3A_211 = vector.broadcast %mul3A_210 : i32 to vector<16xi32>
    %mul3A_212 = arith.muli %add3A_209, %mul3A_211 : vector<16xi32>
    %add3A_213 = arith.addi %mul3A_212, %convert_element_type3A_191 : vector<16xi32>
    %swap3A_214 = arith.constant 16 : index
    %swap3A_215 = tpu.vector_load %arg10[%swap3A_214] {strides = array<i32>} : memref<128xi32, #tpu.memory_space<vmem>>, vector<16xi32>,
    tpu.vector_store %arg10[%swap3A_214], %add3A_213 {strides = array<i32>} : memref<128xi32, #tpu.memory_space<vmem>>, vector<16xi32>,
    %add3A_216 = arith.constant 1 : i32
    %add3A_217 = vector.broadcast %add3A_216 : i32 to vector<16xi32>
    %add3A_218 = arith.addi %add3A_213, %add3A_217 : vector<16xi32>
    %swap3A_219 = arith.constant 16 : index
    %swap3A_220 = tpu.vector_load %arg11[%swap3A_219] {strides = array<i32>} : memref<128xi32, #tpu.memory_space<vmem>>, vector<16xi32>,
    tpu.vector_store %arg11[%swap3A_219], %add3A_218 {strides = array<i32>} : memref<128xi32, #tpu.memory_space<vmem>>, vector<16xi32>,
    %add3A_221 = arith.constant 384 : i32
    %add3A_222 = vector.broadcast %add3A_221 : i32 to vector<16xi32>
    %add3A_223 = arith.addi %add3A_213, %add3A_222 : vector<16xi32>
    %swap3A_224 = arith.constant 16 : index
    %swap3A_225 = tpu.vector_load %arg12[%swap3A_224] {strides = array<i32>} : memref<128xi32, #tpu.memory_space<vmem>>, vector<16xi32>,
    tpu.vector_store %arg12[%swap3A_224], %add3A_223 {strides = array<i32>} : memref<128xi32, #tpu.memory_space<vmem>>, vector<16xi32>,
    %add3A_226 = arith.constant 384 : i32
    %add3A_227 = vector.broadcast %add3A_226 : i32 to vector<16xi32>
    %add3A_228 = arith.addi %add3A_213, %add3A_227 : vector<16xi32>
    %add3A_229 = arith.constant 1 : i32
    %add3A_230 = vector.broadcast %add3A_229 : i32 to vector<16xi32>
    %add3A_231 = arith.addi %add3A_228, %add3A_230 : vector<16xi32>
    %swap3A_232 = arith.constant 16 : index
    %swap3A_233 = tpu.vector_load %arg13[%swap3A_232] {strides = array<i32>} : memref<128xi32, #tpu.memory_space<vmem>>, vector<16xi32>,
    tpu.vector_store %arg13[%swap3A_232], %add3A_231 {strides = array<i32>} : memref<128xi32, #tpu.memory_space<vmem>>, vector<16xi32>,
    %sub3A_234 = arith.constant 1.000000e+00 : f32
    %sub3A_235 = vector.broadcast %sub3A_234 : f32 to vector<16xf32>
    %sub3A_236 = arith.subf %sub3A_235, %min3A_199 : vector<16xf32>
    %sub3A_237 = arith.constant 1.000000e+00 : f32
    %sub3A_238 = vector.broadcast %sub3A_237 : f32 to vector<16xf32>
    %sub3A_239 = arith.subf %sub3A_238, %min3A_207 : vector<16xf32>
    %mul3A_240 = arith.mulf %sub3A_236, %sub3A_239 : vector<16xf32>
    %swap3A_241 = arith.constant 16 : index
    %swap3A_242 = tpu.vector_load %arg18[%swap3A_241] {strides = array<i32>} : memref<128xf32, #tpu.memory_space<vmem>>, vector<16xf32>,
    tpu.vector_store %arg18[%swap3A_241], %mul3A_240 {strides = array<i32>} : memref<128xf32, #tpu.memory_space<vmem>>, vector<16xf32>,
    %mul3A_243 = arith.mulf %sub3A_236, %min3A_207 : vector<16xf32>
    %swap3A_244 = arith.constant 16 : index
    %swap3A_245 = tpu.vector_load %arg19[%swap3A_244] {strides = array<i32>} : memref<128xf32, #tpu.memory_space<vmem>>, vector<16xf32>,
    tpu.vector_store %arg19[%swap3A_244], %mul3A_243 {strides = array<i32>} : memref<128xf32, #tpu.memory_space<vmem>>, vector<16xf32>,
    %mul3A_246 = arith.mulf %min3A_199, %sub3A_239 : vector<16xf32>
    %swap3A_247 = arith.constant 16 : index
    %swap3A_248 = tpu.vector_load %arg20[%swap3A_247] {strides = array<i32>} : memref<128xf32, #tpu.memory_space<vmem>>, vector<16xf32>,
    tpu.vector_store %arg20[%swap3A_247], %mul3A_246 {strides = array<i32>} : memref<128xf32, #tpu.memory_space<vmem>>, vector<16xf32>,
    %mul3A_249 = arith.mulf %min3A_199, %min3A_207 : vector<16xf32>
    %swap3A_250 = arith.constant 16 : index
    %swap3A_251 = tpu.vector_load %arg21[%swap3A_250] {strides = array<i32>} : memref<128xf32, #tpu.memory_space<vmem>>, vector<16xf32>,
    tpu.vector_store %arg21[%swap3A_250], %mul3A_249 {strides = array<i32>} : memref<128xf32, #tpu.memory_space<vmem>>, vector<16xf32>,
    %add3A_252 = arith.constant 32 : i32
    %add3A_253 = arith.addi %add3A_16, %add3A_252 : i32
    %add3A_254 = vector.broadcast %add3A_253 : i32 to vector<16xi32>
    %add3A_255 = arith.addi %add3A_254, %iota3A : vector<16xi32>
    %jit3A_256 = arith.constant 384 : i32
    %div3A_257 = vector.broadcast %jit3A_256 : i32 to vector<16xi32>
    %div3A_258 = arith.divsi %add3A_255, %div3A_257 : vector<16xi32>
    %sign3A_259 = arith.constant 0 : i32
    %sign3A_260 = vector.broadcast %sign3A_259 : i32 to vector<16xi32>
    %sign3A_261 = arith.cmpi sgt, %add3A_255, %sign3A_260 : vector<16xi32>
    %sign3A_262 = arith.extui %sign3A_261 : vector<16xi1> to vector<16xi32>
    %sign3A_263 = arith.constant 0 : i32
    %sign3A_264 = vector.broadcast %sign3A_263 : i32 to vector<16xi32>
    %sign3A_265 = arith.cmpi slt, %add3A_255, %sign3A_264 : vector<16xi32>
    %sign3A_266 = arith.extui %sign3A_265 : vector<16xi1> to vector<16xi32>
    %sign3A_267 = arith.subi %sign3A_262, %sign3A_266 : vector<16xi32>
    %sign3A_268 = arith.constant 0 : i32
    %sign3A_269 = arith.cmpi sgt, %jit3A_256, %sign3A_268 : i32
    %sign3A_270 = arith.extui %sign3A_269 : i1 to i32
    %sign3A_271 = arith.constant 0 : i32
    %sign3A_272 = arith.cmpi slt, %jit3A_256, %sign3A_271 : i32
    %sign3A_273 = arith.extui %sign3A_272 : i1 to i32
    %sign3A_274 = arith.subi %sign3A_270, %sign3A_273 : i32
    %ne3A_275 = vector.broadcast %sign3A_274 : i32 to vector<16xi32>
    %ne3A_276 = arith.cmpi ne, %sign3A_267, %ne3A_275 : vector<16xi32>
    %rem3A_277 = vector.broadcast %jit3A_256 : i32 to vector<16xi32>
    %rem3A_278 = arith.remsi %add3A_255, %rem3A_277 : vector<16xi32>
    %ne3A_279 = arith.constant 0 : i32
    %ne3A_280 = vector.broadcast %ne3A_279 : i32 to vector<16xi32>
    %ne3A_281 = arith.cmpi ne, %rem3A_278, %ne3A_280 : vector<16xi32>
    %and3A_282 = arith.andi %ne3A_276, %ne3A_281 : vector<16xi1>
    %sub3A_283 = arith.constant 1 : i32
    %sub3A_284 = vector.broadcast %sub3A_283 : i32 to vector<16xi32>
    %sub3A_285 = arith.subi %div3A_258, %sub3A_284 : vector<16xi32>
    %select_n3A_286 = arith.select %and3A_282, %sub3A_285, %div3A_258 : vector<16xi1>, vector<16xi32>
    %mul3A_287 = arith.constant 384 : i32
    %mul3A_288 = vector.broadcast %mul3A_287 : i32 to vector<16xi32>
    %mul3A_289 = arith.muli %select_n3A_286, %mul3A_288 : vector<16xi32>
    %sub3A_290 = arith.subi %add3A_255, %mul3A_289 : vector<16xi32>
    %rem3A_291 = arith.constant 384 : i32
    %rem3A_292 = vector.broadcast %rem3A_291 : i32 to vector<16xi32>
    %rem3A_293 = arith.remsi %select_n3A_286, %rem3A_292 : vector<16xi32>
    %convert_element_type3A_294 = arith.sitofp %rem3A_293 : vector<16xi32> to vector<16xf32>
    %get3A_295 = arith.constant 32 : index
    %get3A_296 = tpu.vector_load %arg6[%get3A_295] {strides = array<i32>} : memref<128xf32, #tpu.memory_space<vmem>>, vector<16xf32>,
    %sub3A_297 = arith.subf %convert_element_type3A_294, %get3A_296 : vector<16xf32>
    %convert_element_type3A_298 = arith.sitofp %sub3A_290 : vector<16xi32> to vector<16xf32>
    %get3A_299 = arith.constant 32 : index
    %get3A_300 = tpu.vector_load %arg8[%get3A_299] {strides = array<i32>} : memref<128xf32, #tpu.memory_space<vmem>>, vector<16xf32>,
    %sub3A_301 = arith.subf %convert_element_type3A_298, %get3A_300 : vector<16xf32>
    %jit3A_302 = arith.constant 0.000000e+00 : f32
    %jit3A_303 = arith.constant 3.820000e+02 : f32
    %max3A_304 = vector.broadcast %jit3A_302 : f32 to vector<16xf32>
    %max3A_305 = arith.maximumf %max3A_304, %sub3A_297 : vector<16xf32>
    %min3A_306 = vector.broadcast %jit3A_303 : f32 to vector<16xf32>
    %min3A_307 = arith.minimumf %min3A_306, %max3A_305 : vector<16xf32>
    %jit3A_308 = arith.constant 0.000000e+00 : f32
    %jit3A_309 = arith.constant 3.820000e+02 : f32
    %max3A_310 = vector.broadcast %jit3A_308 : f32 to vector<16xf32>
    %max3A_311 = arith.maximumf %max3A_310, %sub3A_301 : vector<16xf32>
    %min3A_312 = vector.broadcast %jit3A_309 : f32 to vector<16xf32>
    %min3A_313 = arith.minimumf %min3A_312, %max3A_311 : vector<16xf32>
    %convert_element_type3A_314 = arith.fptosi %min3A_307 : vector<16xf32> to vector<16xi32>
    %convert_element_type3A_315 = arith.fptosi %min3A_313 : vector<16xf32> to vector<16xi32>
    %convert_element_type3A_316 = arith.sitofp %convert_element_type3A_314 : vector<16xi32> to vector<16xf32>
    %sub3A_317 = arith.subf %sub3A_297, %convert_element_type3A_316 : vector<16xf32>
    %jit3A_318 = arith.constant 0.000000e+00 : f32
    %jit3A_319 = arith.constant 1.000000e+00 : f32
    %max3A_320 = vector.broadcast %jit3A_318 : f32 to vector<16xf32>
    %max3A_321 = arith.maximumf %max3A_320, %sub3A_317 : vector<16xf32>
    %min3A_322 = vector.broadcast %jit3A_319 : f32 to vector<16xf32>
    %min3A_323 = arith.minimumf %min3A_322, %max3A_321 : vector<16xf32>
    %convert_element_type3A_324 = arith.sitofp %convert_element_type3A_315 : vector<16xi32> to vector<16xf32>
    %sub3A_325 = arith.subf %sub3A_301, %convert_element_type3A_324 : vector<16xf32>
    %jit3A_326 = arith.constant 0.000000e+00 : f32
    %jit3A_327 = arith.constant 1.000000e+00 : f32
    %max3A_328 = vector.broadcast %jit3A_326 : f32 to vector<16xf32>
    %max3A_329 = arith.maximumf %max3A_328, %sub3A_325 : vector<16xf32>
    %min3A_330 = vector.broadcast %jit3A_327 : f32 to vector<16xf32>
    %min3A_331 = arith.minimumf %min3A_330, %max3A_329 : vector<16xf32>
    %sub3A_332 = arith.subi %select_n3A_286, %rem3A_293 : vector<16xi32>
    %add3A_333 = arith.addi %sub3A_332, %convert_element_type3A_314 : vector<16xi32>
    %mul3A_334 = arith.constant 384 : i32
    %mul3A_335 = vector.broadcast %mul3A_334 : i32 to vector<16xi32>
    %mul3A_336 = arith.muli %add3A_333, %mul3A_335 : vector<16xi32>
    %add3A_337 = arith.addi %mul3A_336, %convert_element_type3A_315 : vector<16xi32>
    %swap3A_338 = arith.constant 32 : index
    %swap3A_339 = tpu.vector_load %arg10[%swap3A_338] {strides = array<i32>} : memref<128xi32, #tpu.memory_space<vmem>>, vector<16xi32>,
    tpu.vector_store %arg10[%swap3A_338], %add3A_337 {strides = array<i32>} : memref<128xi32, #tpu.memory_space<vmem>>, vector<16xi32>,
    %add3A_340 = arith.constant 1 : i32
    %add3A_341 = vector.broadcast %add3A_340 : i32 to vector<16xi32>
    %add3A_342 = arith.addi %add3A_337, %add3A_341 : vector<16xi32>
    %swap3A_343 = arith.constant 32 : index
    %swap3A_344 = tpu.vector_load %arg11[%swap3A_343] {strides = array<i32>} : memref<128xi32, #tpu.memory_space<vmem>>, vector<16xi32>,
    tpu.vector_store %arg11[%swap3A_343], %add3A_342 {strides = array<i32>} : memref<128xi32, #tpu.memory_space<vmem>>, vector<16xi32>,
    %add3A_345 = arith.constant 384 : i32
    %add3A_346 = vector.broadcast %add3A_345 : i32 to vector<16xi32>
    %add3A_347 = arith.addi %add3A_337, %add3A_346 : vector<16xi32>
    %swap3A_348 = arith.constant 32 : index
    %swap3A_349 = tpu.vector_load %arg12[%swap3A_348] {strides = array<i32>} : memref<128xi32, #tpu.memory_space<vmem>>, vector<16xi32>,
    tpu.vector_store %arg12[%swap3A_348], %add3A_347 {strides = array<i32>} : memref<128xi32, #tpu.memory_space<vmem>>, vector<16xi32>,
    %add3A_350 = arith.constant 384 : i32
    %add3A_351 = vector.broadcast %add3A_350 : i32 to vector<16xi32>
    %add3A_352 = arith.addi %add3A_337, %add3A_351 : vector<16xi32>
    %add3A_353 = arith.constant 1 : i32
    %add3A_354 = vector.broadcast %add3A_353 : i32 to vector<16xi32>
    %add3A_355 = arith.addi %add3A_352, %add3A_354 : vector<16xi32>
    %swap3A_356 = arith.constant 32 : index
    %swap3A_357 = tpu.vector_load %arg13[%swap3A_356] {strides = array<i32>} : memref<128xi32, #tpu.memory_space<vmem>>, vector<16xi32>,
    tpu.vector_store %arg13[%swap3A_356], %add3A_355 {strides = array<i32>} : memref<128xi32, #tpu.memory_space<vmem>>, vector<16xi32>,
    %sub3A_358 = arith.constant 1.000000e+00 : f32
    %sub3A_359 = vector.broadcast %sub3A_358 : f32 to vector<16xf32>
    %sub3A_360 = arith.subf %sub3A_359, %min3A_323 : vector<16xf32>
    %sub3A_361 = arith.constant 1.000000e+00 : f32
    %sub3A_362 = vector.broadcast %sub3A_361 : f32 to vector<16xf32>
    %sub3A_363 = arith.subf %sub3A_362, %min3A_331 : vector<16xf32>
    %mul3A_364 = arith.mulf %sub3A_360, %sub3A_363 : vector<16xf32>
    %swap3A_365 = arith.constant 32 : index
    %swap3A_366 = tpu.vector_load %arg18[%swap3A_365] {strides = array<i32>} : memref<128xf32, #tpu.memory_space<vmem>>, vector<16xf32>,
    tpu.vector_store %arg18[%swap3A_365], %mul3A_364 {strides = array<i32>} : memref<128xf32, #tpu.memory_space<vmem>>, vector<16xf32>,
    %mul3A_367 = arith.mulf %sub3A_360, %min3A_331 : vector<16xf32>
    %swap3A_368 = arith.constant 32 : index
    %swap3A_369 = tpu.vector_load %arg19[%swap3A_368] {strides = array<i32>} : memref<128xf32, #tpu.memory_space<vmem>>, vector<16xf32>,
    tpu.vector_store %arg19[%swap3A_368], %mul3A_367 {strides = array<i32>} : memref<128xf32, #tpu.memory_space<vmem>>, vector<16xf32>,
    %mul3A_370 = arith.mulf %min3A_323, %sub3A_363 : vector<16xf32>
    %swap3A_371 = arith.constant 32 : index
    %swap3A_372 = tpu.vector_load %arg20[%swap3A_371] {strides = array<i32>} : memref<128xf32, #tpu.memory_space<vmem>>, vector<16xf32>,
    tpu.vector_store %arg20[%swap3A_371], %mul3A_370 {strides = array<i32>} : memref<128xf32, #tpu.memory_space<vmem>>, vector<16xf32>,
    %mul3A_373 = arith.mulf %min3A_323, %min3A_331 : vector<16xf32>
    %swap3A_374 = arith.constant 32 : index
    %swap3A_375 = tpu.vector_load %arg21[%swap3A_374] {strides = array<i32>} : memref<128xf32, #tpu.memory_space<vmem>>, vector<16xf32>,
    tpu.vector_store %arg21[%swap3A_374], %mul3A_373 {strides = array<i32>} : memref<128xf32, #tpu.memory_space<vmem>>, vector<16xf32>,
    %add3A_376 = arith.constant 48 : i32
    %add3A_377 = arith.addi %add3A_16, %add3A_376 : i32
    %add3A_378 = vector.broadcast %add3A_377 : i32 to vector<16xi32>
    %add3A_379 = arith.addi %add3A_378, %iota3A : vector<16xi32>
    %jit3A_380 = arith.constant 384 : i32
    %div3A_381 = vector.broadcast %jit3A_380 : i32 to vector<16xi32>
    %div3A_382 = arith.divsi %add3A_379, %div3A_381 : vector<16xi32>
    %sign3A_383 = arith.constant 0 : i32
    %sign3A_384 = vector.broadcast %sign3A_383 : i32 to vector<16xi32>
    %sign3A_385 = arith.cmpi sgt, %add3A_379, %sign3A_384 : vector<16xi32>
    %sign3A_386 = arith.extui %sign3A_385 : vector<16xi1> to vector<16xi32>
    %sign3A_387 = arith.constant 0 : i32
    %sign3A_388 = vector.broadcast %sign3A_387 : i32 to vector<16xi32>
    %sign3A_389 = arith.cmpi slt, %add3A_379, %sign3A_388 : vector<16xi32>
    %sign3A_390 = arith.extui %sign3A_389 : vector<16xi1> to vector<16xi32>
    %sign3A_391 = arith.subi %sign3A_386, %sign3A_390 : vector<16xi32>
    %sign3A_392 = arith.constant 0 : i32
    %sign3A_393 = arith.cmpi sgt, %jit3A_380, %sign3A_392 : i32
    %sign3A_394 = arith.extui %sign3A_393 : i1 to i32
    %sign3A_395 = arith.constant 0 : i32
    %sign3A_396 = arith.cmpi slt, %jit3A_380, %sign3A_395 : i32
    %sign3A_397 = arith.extui %sign3A_396 : i1 to i32
    %sign3A_398 = arith.subi %sign3A_394, %sign3A_397 : i32
    %ne3A_399 = vector.broadcast %sign3A_398 : i32 to vector<16xi32>
    %ne3A_400 = arith.cmpi ne, %sign3A_391, %ne3A_399 : vector<16xi32>
    %rem3A_401 = vector.broadcast %jit3A_380 : i32 to vector<16xi32>
    %rem3A_402 = arith.remsi %add3A_379, %rem3A_401 : vector<16xi32>
    %ne3A_403 = arith.constant 0 : i32
    %ne3A_404 = vector.broadcast %ne3A_403 : i32 to vector<16xi32>
    %ne3A_405 = arith.cmpi ne, %rem3A_402, %ne3A_404 : vector<16xi32>
    %and3A_406 = arith.andi %ne3A_400, %ne3A_405 : vector<16xi1>
    %sub3A_407 = arith.constant 1 : i32
    %sub3A_408 = vector.broadcast %sub3A_407 : i32 to vector<16xi32>
    %sub3A_409 = arith.subi %div3A_382, %sub3A_408 : vector<16xi32>
    %select_n3A_410 = arith.select %and3A_406, %sub3A_409, %div3A_382 : vector<16xi1>, vector<16xi32>
    %mul3A_411 = arith.constant 384 : i32
    %mul3A_412 = vector.broadcast %mul3A_411 : i32 to vector<16xi32>
    %mul3A_413 = arith.muli %select_n3A_410, %mul3A_412 : vector<16xi32>
    %sub3A_414 = arith.subi %add3A_379, %mul3A_413 : vector<16xi32>
    %rem3A_415 = arith.constant 384 : i32
    %rem3A_416 = vector.broadcast %rem3A_415 : i32 to vector<16xi32>
    %rem3A_417 = arith.remsi %select_n3A_410, %rem3A_416 : vector<16xi32>
    %convert_element_type3A_418 = arith.sitofp %rem3A_417 : vector<16xi32> to vector<16xf32>
    %get3A_419 = arith.constant 48 : index
    %get3A_420 = tpu.vector_load %arg6[%get3A_419] {strides = array<i32>} : memref<128xf32, #tpu.memory_space<vmem>>, vector<16xf32>,
    %sub3A_421 = arith.subf %convert_element_type3A_418, %get3A_420 : vector<16xf32>
    %convert_element_type3A_422 = arith.sitofp %sub3A_414 : vector<16xi32> to vector<16xf32>
    %get3A_423 = arith.constant 48 : index
    %get3A_424 = tpu.vector_load %arg8[%get3A_423] {strides = array<i32>} : memref<128xf32, #tpu.memory_space<vmem>>, vector<16xf32>,
    %sub3A_425 = arith.subf %convert_element_type3A_422, %get3A_424 : vector<16xf32>
    %jit3A_426 = arith.constant 0.000000e+00 : f32
    %jit3A_427 = arith.constant 3.820000e+02 : f32
    %max3A_428 = vector.broadcast %jit3A_426 : f32 to vector<16xf32>
    %max3A_429 = arith.maximumf %max3A_428, %sub3A_421 : vector<16xf32>
    %min3A_430 = vector.broadcast %jit3A_427 : f32 to vector<16xf32>
    %min3A_431 = arith.minimumf %min3A_430, %max3A_429 : vector<16xf32>
    %jit3A_432 = arith.constant 0.000000e+00 : f32
    %jit3A_433 = arith.constant 3.820000e+02 : f32
    %max3A_434 = vector.broadcast %jit3A_432 : f32 to vector<16xf32>
    %max3A_435 = arith.maximumf %max3A_434, %sub3A_425 : vector<16xf32>
    %min3A_436 = vector.broadcast %jit3A_433 : f32 to vector<16xf32>
    %min3A_437 = arith.minimumf %min3A_436, %max3A_435 : vector<16xf32>
    %convert_element_type3A_438 = arith.fptosi %min3A_431 : vector<16xf32> to vector<16xi32>
    %convert_element_type3A_439 = arith.fptosi %min3A_437 : vector<16xf32> to vector<16xi32>
    %convert_element_type3A_440 = arith.sitofp %convert_element_type3A_438 : vector<16xi32> to vector<16xf32>
    %sub3A_441 = arith.subf %sub3A_421, %convert_element_type3A_440 : vector<16xf32>
    %jit3A_442 = arith.constant 0.000000e+00 : f32
    %jit3A_443 = arith.constant 1.000000e+00 : f32
    %max3A_444 = vector.broadcast %jit3A_442 : f32 to vector<16xf32>
    %max3A_445 = arith.maximumf %max3A_444, %sub3A_441 : vector<16xf32>
    %min3A_446 = vector.broadcast %jit3A_443 : f32 to vector<16xf32>
    %min3A_447 = arith.minimumf %min3A_446, %max3A_445 : vector<16xf32>
    %convert_element_type3A_448 = arith.sitofp %convert_element_type3A_439 : vector<16xi32> to vector<16xf32>
    %sub3A_449 = arith.subf %sub3A_425, %convert_element_type3A_448 : vector<16xf32>
    %jit3A_450 = arith.constant 0.000000e+00 : f32
    %jit3A_451 = arith.constant 1.000000e+00 : f32
    %max3A_452 = vector.broadcast %jit3A_450 : f32 to vector<16xf32>
    %max3A_453 = arith.maximumf %max3A_452, %sub3A_449 : vector<16xf32>
    %min3A_454 = vector.broadcast %jit3A_451 : f32 to vector<16xf32>
    %min3A_455 = arith.minimumf %min3A_454, %max3A_453 : vector<16xf32>
    %sub3A_456 = arith.subi %select_n3A_410, %rem3A_417 : vector<16xi32>
    %add3A_457 = arith.addi %sub3A_456, %convert_element_type3A_438 : vector<16xi32>
    %mul3A_458 = arith.constant 384 : i32
    %mul3A_459 = vector.broadcast %mul3A_458 : i32 to vector<16xi32>
    %mul3A_460 = arith.muli %add3A_457, %mul3A_459 : vector<16xi32>
    %add3A_461 = arith.addi %mul3A_460, %convert_element_type3A_439 : vector<16xi32>
    %swap3A_462 = arith.constant 48 : index
    %swap3A_463 = tpu.vector_load %arg10[%swap3A_462] {strides = array<i32>} : memref<128xi32, #tpu.memory_space<vmem>>, vector<16xi32>,
    tpu.vector_store %arg10[%swap3A_462], %add3A_461 {strides = array<i32>} : memref<128xi32, #tpu.memory_space<vmem>>, vector<16xi32>,
    %add3A_464 = arith.constant 1 : i32
    %add3A_465 = vector.broadcast %add3A_464 : i32 to vector<16xi32>
    %add3A_466 = arith.addi %add3A_461, %add3A_465 : vector<16xi32>
    %swap3A_467 = arith.constant 48 : index
    %swap3A_468 = tpu.vector_load %arg11[%swap3A_467] {strides = array<i32>} : memref<128xi32, #tpu.memory_space<vmem>>, vector<16xi32>,
    tpu.vector_store %arg11[%swap3A_467], %add3A_466 {strides = array<i32>} : memref<128xi32, #tpu.memory_space<vmem>>, vector<16xi32>,
    %add3A_469 = arith.constant 384 : i32
    %add3A_470 = vector.broadcast %add3A_469 : i32 to vector<16xi32>
    %add3A_471 = arith.addi %add3A_461, %add3A_470 : vector<16xi32>
    %swap3A_472 = arith.constant 48 : index
    %swap3A_473 = tpu.vector_load %arg12[%swap3A_472] {strides = array<i32>} : memref<128xi32, #tpu.memory_space<vmem>>, vector<16xi32>,
    tpu.vector_store %arg12[%swap3A_472], %add3A_471 {strides = array<i32>} : memref<128xi32, #tpu.memory_space<vmem>>, vector<16xi32>,
    %add3A_474 = arith.constant 384 : i32
    %add3A_475 = vector.broadcast %add3A_474 : i32 to vector<16xi32>
    %add3A_476 = arith.addi %add3A_461, %add3A_475 : vector<16xi32>
    %add3A_477 = arith.constant 1 : i32
    %add3A_478 = vector.broadcast %add3A_477 : i32 to vector<16xi32>
    %add3A_479 = arith.addi %add3A_476, %add3A_478 : vector<16xi32>
    %swap3A_480 = arith.constant 48 : index
    %swap3A_481 = tpu.vector_load %arg13[%swap3A_480] {strides = array<i32>} : memref<128xi32, #tpu.memory_space<vmem>>, vector<16xi32>,
    tpu.vector_store %arg13[%swap3A_480], %add3A_479 {strides = array<i32>} : memref<128xi32, #tpu.memory_space<vmem>>, vector<16xi32>,
    %sub3A_482 = arith.constant 1.000000e+00 : f32
    %sub3A_483 = vector.broadcast %sub3A_482 : f32 to vector<16xf32>
    %sub3A_484 = arith.subf %sub3A_483, %min3A_447 : vector<16xf32>
    %sub3A_485 = arith.constant 1.000000e+00 : f32
    %sub3A_486 = vector.broadcast %sub3A_485 : f32 to vector<16xf32>
    %sub3A_487 = arith.subf %sub3A_486, %min3A_455 : vector<16xf32>
    %mul3A_488 = arith.mulf %sub3A_484, %sub3A_487 : vector<16xf32>
    %swap3A_489 = arith.constant 48 : index
    %swap3A_490 = tpu.vector_load %arg18[%swap3A_489] {strides = array<i32>} : memref<128xf32, #tpu.memory_space<vmem>>, vector<16xf32>,
    tpu.vector_store %arg18[%swap3A_489], %mul3A_488 {strides = array<i32>} : memref<128xf32, #tpu.memory_space<vmem>>, vector<16xf32>,
    %mul3A_491 = arith.mulf %sub3A_484, %min3A_455 : vector<16xf32>
    %swap3A_492 = arith.constant 48 : index
    %swap3A_493 = tpu.vector_load %arg19[%swap3A_492] {strides = array<i32>} : memref<128xf32, #tpu.memory_space<vmem>>, vector<16xf32>,
    tpu.vector_store %arg19[%swap3A_492], %mul3A_491 {strides = array<i32>} : memref<128xf32, #tpu.memory_space<vmem>>, vector<16xf32>,
    %mul3A_494 = arith.mulf %min3A_447, %sub3A_487 : vector<16xf32>
    %swap3A_495 = arith.constant 48 : index
    %swap3A_496 = tpu.vector_load %arg20[%swap3A_495] {strides = array<i32>} : memref<128xf32, #tpu.memory_space<vmem>>, vector<16xf32>,
    tpu.vector_store %arg20[%swap3A_495], %mul3A_494 {strides = array<i32>} : memref<128xf32, #tpu.memory_space<vmem>>, vector<16xf32>,
    %mul3A_497 = arith.mulf %min3A_447, %min3A_455 : vector<16xf32>
    %swap3A_498 = arith.constant 48 : index
    %swap3A_499 = tpu.vector_load %arg21[%swap3A_498] {strides = array<i32>} : memref<128xf32, #tpu.memory_space<vmem>>, vector<16xf32>,
    tpu.vector_store %arg21[%swap3A_498], %mul3A_497 {strides = array<i32>} : memref<128xf32, #tpu.memory_space<vmem>>, vector<16xf32>,
    %add3A_500 = arith.constant 64 : i32
    %add3A_501 = arith.addi %add3A_16, %add3A_500 : i32
    %add3A_502 = vector.broadcast %add3A_501 : i32 to vector<16xi32>
    %add3A_503 = arith.addi %add3A_502, %iota3A : vector<16xi32>
    %jit3A_504 = arith.constant 384 : i32
    %div3A_505 = vector.broadcast %jit3A_504 : i32 to vector<16xi32>
    %div3A_506 = arith.divsi %add3A_503, %div3A_505 : vector<16xi32>
    %sign3A_507 = arith.constant 0 : i32
    %sign3A_508 = vector.broadcast %sign3A_507 : i32 to vector<16xi32>
    %sign3A_509 = arith.cmpi sgt, %add3A_503, %sign3A_508 : vector<16xi32>
    %sign3A_510 = arith.extui %sign3A_509 : vector<16xi1> to vector<16xi32>
    %sign3A_511 = arith.constant 0 : i32
    %sign3A_512 = vector.broadcast %sign3A_511 : i32 to vector<16xi32>
    %sign3A_513 = arith.cmpi slt, %add3A_503, %sign3A_512 : vector<16xi32>
    %sign3A_514 = arith.extui %sign3A_513 : vector<16xi1> to vector<16xi32>
    %sign3A_515 = arith.subi %sign3A_510, %sign3A_514 : vector<16xi32>
    %sign3A_516 = arith.constant 0 : i32
    %sign3A_517 = arith.cmpi sgt, %jit3A_504, %sign3A_516 : i32
    %sign3A_518 = arith.extui %sign3A_517 : i1 to i32
    %sign3A_519 = arith.constant 0 : i32
    %sign3A_520 = arith.cmpi slt, %jit3A_504, %sign3A_519 : i32
    %sign3A_521 = arith.extui %sign3A_520 : i1 to i32
    %sign3A_522 = arith.subi %sign3A_518, %sign3A_521 : i32
    %ne3A_523 = vector.broadcast %sign3A_522 : i32 to vector<16xi32>
    %ne3A_524 = arith.cmpi ne, %sign3A_515, %ne3A_523 : vector<16xi32>
    %rem3A_525 = vector.broadcast %jit3A_504 : i32 to vector<16xi32>
    %rem3A_526 = arith.remsi %add3A_503, %rem3A_525 : vector<16xi32>
    %ne3A_527 = arith.constant 0 : i32
    %ne3A_528 = vector.broadcast %ne3A_527 : i32 to vector<16xi32>
    %ne3A_529 = arith.cmpi ne, %rem3A_526, %ne3A_528 : vector<16xi32>
    %and3A_530 = arith.andi %ne3A_524, %ne3A_529 : vector<16xi1>
    %sub3A_531 = arith.constant 1 : i32
    %sub3A_532 = vector.broadcast %sub3A_531 : i32 to vector<16xi32>
    %sub3A_533 = arith.subi %div3A_506, %sub3A_532 : vector<16xi32>
    %select_n3A_534 = arith.select %and3A_530, %sub3A_533, %div3A_506 : vector<16xi1>, vector<16xi32>
    %mul3A_535 = arith.constant 384 : i32
    %mul3A_536 = vector.broadcast %mul3A_535 : i32 to vector<16xi32>
    %mul3A_537 = arith.muli %select_n3A_534, %mul3A_536 : vector<16xi32>
    %sub3A_538 = arith.subi %add3A_503, %mul3A_537 : vector<16xi32>
    %rem3A_539 = arith.constant 384 : i32
    %rem3A_540 = vector.broadcast %rem3A_539 : i32 to vector<16xi32>
    %rem3A_541 = arith.remsi %select_n3A_534, %rem3A_540 : vector<16xi32>
    %convert_element_type3A_542 = arith.sitofp %rem3A_541 : vector<16xi32> to vector<16xf32>
    %get3A_543 = arith.constant 64 : index
    %get3A_544 = tpu.vector_load %arg6[%get3A_543] {strides = array<i32>} : memref<128xf32, #tpu.memory_space<vmem>>, vector<16xf32>,
    %sub3A_545 = arith.subf %convert_element_type3A_542, %get3A_544 : vector<16xf32>
    %convert_element_type3A_546 = arith.sitofp %sub3A_538 : vector<16xi32> to vector<16xf32>
    %get3A_547 = arith.constant 64 : index
    %get3A_548 = tpu.vector_load %arg8[%get3A_547] {strides = array<i32>} : memref<128xf32, #tpu.memory_space<vmem>>, vector<16xf32>,
    %sub3A_549 = arith.subf %convert_element_type3A_546, %get3A_548 : vector<16xf32>
    %jit3A_550 = arith.constant 0.000000e+00 : f32
    %jit3A_551 = arith.constant 3.820000e+02 : f32
    %max3A_552 = vector.broadcast %jit3A_550 : f32 to vector<16xf32>
    %max3A_553 = arith.maximumf %max3A_552, %sub3A_545 : vector<16xf32>
    %min3A_554 = vector.broadcast %jit3A_551 : f32 to vector<16xf32>
    %min3A_555 = arith.minimumf %min3A_554, %max3A_553 : vector<16xf32>
    %jit3A_556 = arith.constant 0.000000e+00 : f32
    %jit3A_557 = arith.constant 3.820000e+02 : f32
    %max3A_558 = vector.broadcast %jit3A_556 : f32 to vector<16xf32>
    %max3A_559 = arith.maximumf %max3A_558, %sub3A_549 : vector<16xf32>
    %min3A_560 = vector.broadcast %jit3A_557 : f32 to vector<16xf32>
    %min3A_561 = arith.minimumf %min3A_560, %max3A_559 : vector<16xf32>
    %convert_element_type3A_562 = arith.fptosi %min3A_555 : vector<16xf32> to vector<16xi32>
    %convert_element_type3A_563 = arith.fptosi %min3A_561 : vector<16xf32> to vector<16xi32>
    %convert_element_type3A_564 = arith.sitofp %convert_element_type3A_562 : vector<16xi32> to vector<16xf32>
    %sub3A_565 = arith.subf %sub3A_545, %convert_element_type3A_564 : vector<16xf32>
    %jit3A_566 = arith.constant 0.000000e+00 : f32
    %jit3A_567 = arith.constant 1.000000e+00 : f32
    %max3A_568 = vector.broadcast %jit3A_566 : f32 to vector<16xf32>
    %max3A_569 = arith.maximumf %max3A_568, %sub3A_565 : vector<16xf32>
    %min3A_570 = vector.broadcast %jit3A_567 : f32 to vector<16xf32>
    %min3A_571 = arith.minimumf %min3A_570, %max3A_569 : vector<16xf32>
    %convert_element_type3A_572 = arith.sitofp %convert_element_type3A_563 : vector<16xi32> to vector<16xf32>
    %sub3A_573 = arith.subf %sub3A_549, %convert_element_type3A_572 : vector<16xf32>
    %jit3A_574 = arith.constant 0.000000e+00 : f32
    %jit3A_575 = arith.constant 1.000000e+00 : f32
    %max3A_576 = vector.broadcast %jit3A_574 : f32 to vector<16xf32>
    %max3A_577 = arith.maximumf %max3A_576, %sub3A_573 : vector<16xf32>
    %min3A_578 = vector.broadcast %jit3A_575 : f32 to vector<16xf32>
    %min3A_579 = arith.minimumf %min3A_578, %max3A_577 : vector<16xf32>
    %sub3A_580 = arith.subi %select_n3A_534, %rem3A_541 : vector<16xi32>
    %add3A_581 = arith.addi %sub3A_580, %convert_element_type3A_562 : vector<16xi32>
    %mul3A_582 = arith.constant 384 : i32
    %mul3A_583 = vector.broadcast %mul3A_582 : i32 to vector<16xi32>
    %mul3A_584 = arith.muli %add3A_581, %mul3A_583 : vector<16xi32>
    %add3A_585 = arith.addi %mul3A_584, %convert_element_type3A_563 : vector<16xi32>
    %swap3A_586 = arith.constant 64 : index
    %swap3A_587 = tpu.vector_load %arg10[%swap3A_586] {strides = array<i32>} : memref<128xi32, #tpu.memory_space<vmem>>, vector<16xi32>,
    tpu.vector_store %arg10[%swap3A_586], %add3A_585 {strides = array<i32>} : memref<128xi32, #tpu.memory_space<vmem>>, vector<16xi32>,
    %add3A_588 = arith.constant 1 : i32
    %add3A_589 = vector.broadcast %add3A_588 : i32 to vector<16xi32>
    %add3A_590 = arith.addi %add3A_585, %add3A_589 : vector<16xi32>
    %swap3A_591 = arith.constant 64 : index
    %swap3A_592 = tpu.vector_load %arg11[%swap3A_591] {strides = array<i32>} : memref<128xi32, #tpu.memory_space<vmem>>, vector<16xi32>,
    tpu.vector_store %arg11[%swap3A_591], %add3A_590 {strides = array<i32>} : memref<128xi32, #tpu.memory_space<vmem>>, vector<16xi32>,
    %add3A_593 = arith.constant 384 : i32
    %add3A_594 = vector.broadcast %add3A_593 : i32 to vector<16xi32>
    %add3A_595 = arith.addi %add3A_585, %add3A_594 : vector<16xi32>
    %swap3A_596 = arith.constant 64 : index
    %swap3A_597 = tpu.vector_load %arg12[%swap3A_596] {strides = array<i32>} : memref<128xi32, #tpu.memory_space<vmem>>, vector<16xi32>,
    tpu.vector_store %arg12[%swap3A_596], %add3A_595 {strides = array<i32>} : memref<128xi32, #tpu.memory_space<vmem>>, vector<16xi32>,
    %add3A_598 = arith.constant 384 : i32
    %add3A_599 = vector.broadcast %add3A_598 : i32 to vector<16xi32>
    %add3A_600 = arith.addi %add3A_585, %add3A_599 : vector<16xi32>
    %add3A_601 = arith.constant 1 : i32
    %add3A_602 = vector.broadcast %add3A_601 : i32 to vector<16xi32>
    %add3A_603 = arith.addi %add3A_600, %add3A_602 : vector<16xi32>
    %swap3A_604 = arith.constant 64 : index
    %swap3A_605 = tpu.vector_load %arg13[%swap3A_604] {strides = array<i32>} : memref<128xi32, #tpu.memory_space<vmem>>, vector<16xi32>,
    tpu.vector_store %arg13[%swap3A_604], %add3A_603 {strides = array<i32>} : memref<128xi32, #tpu.memory_space<vmem>>, vector<16xi32>,
    %sub3A_606 = arith.constant 1.000000e+00 : f32
    %sub3A_607 = vector.broadcast %sub3A_606 : f32 to vector<16xf32>
    %sub3A_608 = arith.subf %sub3A_607, %min3A_571 : vector<16xf32>
    %sub3A_609 = arith.constant 1.000000e+00 : f32
    %sub3A_610 = vector.broadcast %sub3A_609 : f32 to vector<16xf32>
    %sub3A_611 = arith.subf %sub3A_610, %min3A_579 : vector<16xf32>
    %mul3A_612 = arith.mulf %sub3A_608, %sub3A_611 : vector<16xf32>
    %swap3A_613 = arith.constant 64 : index
    %swap3A_614 = tpu.vector_load %arg18[%swap3A_613] {strides = array<i32>} : memref<128xf32, #tpu.memory_space<vmem>>, vector<16xf32>,
    tpu.vector_store %arg18[%swap3A_613], %mul3A_612 {strides = array<i32>} : memref<128xf32, #tpu.memory_space<vmem>>, vector<16xf32>,
    %mul3A_615 = arith.mulf %sub3A_608, %min3A_579 : vector<16xf32>
    %swap3A_616 = arith.constant 64 : index
    %swap3A_617 = tpu.vector_load %arg19[%swap3A_616] {strides = array<i32>} : memref<128xf32, #tpu.memory_space<vmem>>, vector<16xf32>,
    tpu.vector_store %arg19[%swap3A_616], %mul3A_615 {strides = array<i32>} : memref<128xf32, #tpu.memory_space<vmem>>, vector<16xf32>,
    %mul3A_618 = arith.mulf %min3A_571, %sub3A_611 : vector<16xf32>
    %swap3A_619 = arith.constant 64 : index
    %swap3A_620 = tpu.vector_load %arg20[%swap3A_619] {strides = array<i32>} : memref<128xf32, #tpu.memory_space<vmem>>, vector<16xf32>,
    tpu.vector_store %arg20[%swap3A_619], %mul3A_618 {strides = array<i32>} : memref<128xf32, #tpu.memory_space<vmem>>, vector<16xf32>,
    %mul3A_621 = arith.mulf %min3A_571, %min3A_579 : vector<16xf32>
    %swap3A_622 = arith.constant 64 : index
    %swap3A_623 = tpu.vector_load %arg21[%swap3A_622] {strides = array<i32>} : memref<128xf32, #tpu.memory_space<vmem>>, vector<16xf32>,
    tpu.vector_store %arg21[%swap3A_622], %mul3A_621 {strides = array<i32>} : memref<128xf32, #tpu.memory_space<vmem>>, vector<16xf32>,
    %add3A_624 = arith.constant 80 : i32
    %add3A_625 = arith.addi %add3A_16, %add3A_624 : i32
    %add3A_626 = vector.broadcast %add3A_625 : i32 to vector<16xi32>
    %add3A_627 = arith.addi %add3A_626, %iota3A : vector<16xi32>
    %jit3A_628 = arith.constant 384 : i32
    %div3A_629 = vector.broadcast %jit3A_628 : i32 to vector<16xi32>
    %div3A_630 = arith.divsi %add3A_627, %div3A_629 : vector<16xi32>
    %sign3A_631 = arith.constant 0 : i32
    %sign3A_632 = vector.broadcast %sign3A_631 : i32 to vector<16xi32>
    %sign3A_633 = arith.cmpi sgt, %add3A_627, %sign3A_632 : vector<16xi32>
    %sign3A_634 = arith.extui %sign3A_633 : vector<16xi1> to vector<16xi32>
    %sign3A_635 = arith.constant 0 : i32
    %sign3A_636 = vector.broadcast %sign3A_635 : i32 to vector<16xi32>
    %sign3A_637 = arith.cmpi slt, %add3A_627, %sign3A_636 : vector<16xi32>
    %sign3A_638 = arith.extui %sign3A_637 : vector<16xi1> to vector<16xi32>
    %sign3A_639 = arith.subi %sign3A_634, %sign3A_638 : vector<16xi32>
    %sign3A_640 = arith.constant 0 : i32
    %sign3A_641 = arith.cmpi sgt, %jit3A_628, %sign3A_640 : i32
    %sign3A_642 = arith.extui %sign3A_641 : i1 to i32
    %sign3A_643 = arith.constant 0 : i32
    %sign3A_644 = arith.cmpi slt, %jit3A_628, %sign3A_643 : i32
    %sign3A_645 = arith.extui %sign3A_644 : i1 to i32
    %sign3A_646 = arith.subi %sign3A_642, %sign3A_645 : i32
    %ne3A_647 = vector.broadcast %sign3A_646 : i32 to vector<16xi32>
    %ne3A_648 = arith.cmpi ne, %sign3A_639, %ne3A_647 : vector<16xi32>
    %rem3A_649 = vector.broadcast %jit3A_628 : i32 to vector<16xi32>
    %rem3A_650 = arith.remsi %add3A_627, %rem3A_649 : vector<16xi32>
    %ne3A_651 = arith.constant 0 : i32
    %ne3A_652 = vector.broadcast %ne3A_651 : i32 to vector<16xi32>
    %ne3A_653 = arith.cmpi ne, %rem3A_650, %ne3A_652 : vector<16xi32>
    %and3A_654 = arith.andi %ne3A_648, %ne3A_653 : vector<16xi1>
    %sub3A_655 = arith.constant 1 : i32
    %sub3A_656 = vector.broadcast %sub3A_655 : i32 to vector<16xi32>
    %sub3A_657 = arith.subi %div3A_630, %sub3A_656 : vector<16xi32>
    %select_n3A_658 = arith.select %and3A_654, %sub3A_657, %div3A_630 : vector<16xi1>, vector<16xi32>
    %mul3A_659 = arith.constant 384 : i32
    %mul3A_660 = vector.broadcast %mul3A_659 : i32 to vector<16xi32>
    %mul3A_661 = arith.muli %select_n3A_658, %mul3A_660 : vector<16xi32>
    %sub3A_662 = arith.subi %add3A_627, %mul3A_661 : vector<16xi32>
    %rem3A_663 = arith.constant 384 : i32
    %rem3A_664 = vector.broadcast %rem3A_663 : i32 to vector<16xi32>
    %rem3A_665 = arith.remsi %select_n3A_658, %rem3A_664 : vector<16xi32>
    %convert_element_type3A_666 = arith.sitofp %rem3A_665 : vector<16xi32> to vector<16xf32>
    %get3A_667 = arith.constant 80 : index
    %get3A_668 = tpu.vector_load %arg6[%get3A_667] {strides = array<i32>} : memref<128xf32, #tpu.memory_space<vmem>>, vector<16xf32>,
    %sub3A_669 = arith.subf %convert_element_type3A_666, %get3A_668 : vector<16xf32>
    %convert_element_type3A_670 = arith.sitofp %sub3A_662 : vector<16xi32> to vector<16xf32>
    %get3A_671 = arith.constant 80 : index
    %get3A_672 = tpu.vector_load %arg8[%get3A_671] {strides = array<i32>} : memref<128xf32, #tpu.memory_space<vmem>>, vector<16xf32>,
    %sub3A_673 = arith.subf %convert_element_type3A_670, %get3A_672 : vector<16xf32>
    %jit3A_674 = arith.constant 0.000000e+00 : f32
    %jit3A_675 = arith.constant 3.820000e+02 : f32
    %max3A_676 = vector.broadcast %jit3A_674 : f32 to vector<16xf32>
    %max3A_677 = arith.maximumf %max3A_676, %sub3A_669 : vector<16xf32>
    %min3A_678 = vector.broadcast %jit3A_675 : f32 to vector<16xf32>
    %min3A_679 = arith.minimumf %min3A_678, %max3A_677 : vector<16xf32>
    %jit3A_680 = arith.constant 0.000000e+00 : f32
    %jit3A_681 = arith.constant 3.820000e+02 : f32
    %max3A_682 = vector.broadcast %jit3A_680 : f32 to vector<16xf32>
    %max3A_683 = arith.maximumf %max3A_682, %sub3A_673 : vector<16xf32>
    %min3A_684 = vector.broadcast %jit3A_681 : f32 to vector<16xf32>
    %min3A_685 = arith.minimumf %min3A_684, %max3A_683 : vector<16xf32>
    %convert_element_type3A_686 = arith.fptosi %min3A_679 : vector<16xf32> to vector<16xi32>
    %convert_element_type3A_687 = arith.fptosi %min3A_685 : vector<16xf32> to vector<16xi32>
    %convert_element_type3A_688 = arith.sitofp %convert_element_type3A_686 : vector<16xi32> to vector<16xf32>
    %sub3A_689 = arith.subf %sub3A_669, %convert_element_type3A_688 : vector<16xf32>
    %jit3A_690 = arith.constant 0.000000e+00 : f32
    %jit3A_691 = arith.constant 1.000000e+00 : f32
    %max3A_692 = vector.broadcast %jit3A_690 : f32 to vector<16xf32>
    %max3A_693 = arith.maximumf %max3A_692, %sub3A_689 : vector<16xf32>
    %min3A_694 = vector.broadcast %jit3A_691 : f32 to vector<16xf32>
    %min3A_695 = arith.minimumf %min3A_694, %max3A_693 : vector<16xf32>
    %convert_element_type3A_696 = arith.sitofp %convert_element_type3A_687 : vector<16xi32> to vector<16xf32>
    %sub3A_697 = arith.subf %sub3A_673, %convert_element_type3A_696 : vector<16xf32>
    %jit3A_698 = arith.constant 0.000000e+00 : f32
    %jit3A_699 = arith.constant 1.000000e+00 : f32
    %max3A_700 = vector.broadcast %jit3A_698 : f32 to vector<16xf32>
    %max3A_701 = arith.maximumf %max3A_700, %sub3A_697 : vector<16xf32>
    %min3A_702 = vector.broadcast %jit3A_699 : f32 to vector<16xf32>
    %min3A_703 = arith.minimumf %min3A_702, %max3A_701 : vector<16xf32>
    %sub3A_704 = arith.subi %select_n3A_658, %rem3A_665 : vector<16xi32>
    %add3A_705 = arith.addi %sub3A_704, %convert_element_type3A_686 : vector<16xi32>
    %mul3A_706 = arith.constant 384 : i32
    %mul3A_707 = vector.broadcast %mul3A_706 : i32 to vector<16xi32>
    %mul3A_708 = arith.muli %add3A_705, %mul3A_707 : vector<16xi32>
    %add3A_709 = arith.addi %mul3A_708, %convert_element_type3A_687 : vector<16xi32>
    %swap3A_710 = arith.constant 80 : index
    %swap3A_711 = tpu.vector_load %arg10[%swap3A_710] {strides = array<i32>} : memref<128xi32, #tpu.memory_space<vmem>>, vector<16xi32>,
    tpu.vector_store %arg10[%swap3A_710], %add3A_709 {strides = array<i32>} : memref<128xi32, #tpu.memory_space<vmem>>, vector<16xi32>,
    %add3A_712 = arith.constant 1 : i32
    %add3A_713 = vector.broadcast %add3A_712 : i32 to vector<16xi32>
    %add3A_714 = arith.addi %add3A_709, %add3A_713 : vector<16xi32>
    %swap3A_715 = arith.constant 80 : index
    %swap3A_716 = tpu.vector_load %arg11[%swap3A_715] {strides = array<i32>} : memref<128xi32, #tpu.memory_space<vmem>>, vector<16xi32>,
    tpu.vector_store %arg11[%swap3A_715], %add3A_714 {strides = array<i32>} : memref<128xi32, #tpu.memory_space<vmem>>, vector<16xi32>,
    %add3A_717 = arith.constant 384 : i32
    %add3A_718 = vector.broadcast %add3A_717 : i32 to vector<16xi32>
    %add3A_719 = arith.addi %add3A_709, %add3A_718 : vector<16xi32>
    %swap3A_720 = arith.constant 80 : index
    %swap3A_721 = tpu.vector_load %arg12[%swap3A_720] {strides = array<i32>} : memref<128xi32, #tpu.memory_space<vmem>>, vector<16xi32>,
    tpu.vector_store %arg12[%swap3A_720], %add3A_719 {strides = array<i32>} : memref<128xi32, #tpu.memory_space<vmem>>, vector<16xi32>,
    %add3A_722 = arith.constant 384 : i32
    %add3A_723 = vector.broadcast %add3A_722 : i32 to vector<16xi32>
    %add3A_724 = arith.addi %add3A_709, %add3A_723 : vector<16xi32>
    %add3A_725 = arith.constant 1 : i32
    %add3A_726 = vector.broadcast %add3A_725 : i32 to vector<16xi32>
    %add3A_727 = arith.addi %add3A_724, %add3A_726 : vector<16xi32>
    %swap3A_728 = arith.constant 80 : index
    %swap3A_729 = tpu.vector_load %arg13[%swap3A_728] {strides = array<i32>} : memref<128xi32, #tpu.memory_space<vmem>>, vector<16xi32>,
    tpu.vector_store %arg13[%swap3A_728], %add3A_727 {strides = array<i32>} : memref<128xi32, #tpu.memory_space<vmem>>, vector<16xi32>,
    %sub3A_730 = arith.constant 1.000000e+00 : f32
    %sub3A_731 = vector.broadcast %sub3A_730 : f32 to vector<16xf32>
    %sub3A_732 = arith.subf %sub3A_731, %min3A_695 : vector<16xf32>
    %sub3A_733 = arith.constant 1.000000e+00 : f32
    %sub3A_734 = vector.broadcast %sub3A_733 : f32 to vector<16xf32>
    %sub3A_735 = arith.subf %sub3A_734, %min3A_703 : vector<16xf32>
    %mul3A_736 = arith.mulf %sub3A_732, %sub3A_735 : vector<16xf32>
    %swap3A_737 = arith.constant 80 : index
    %swap3A_738 = tpu.vector_load %arg18[%swap3A_737] {strides = array<i32>} : memref<128xf32, #tpu.memory_space<vmem>>, vector<16xf32>,
    tpu.vector_store %arg18[%swap3A_737], %mul3A_736 {strides = array<i32>} : memref<128xf32, #tpu.memory_space<vmem>>, vector<16xf32>,
    %mul3A_739 = arith.mulf %sub3A_732, %min3A_703 : vector<16xf32>
    %swap3A_740 = arith.constant 80 : index
    %swap3A_741 = tpu.vector_load %arg19[%swap3A_740] {strides = array<i32>} : memref<128xf32, #tpu.memory_space<vmem>>, vector<16xf32>,
    tpu.vector_store %arg19[%swap3A_740], %mul3A_739 {strides = array<i32>} : memref<128xf32, #tpu.memory_space<vmem>>, vector<16xf32>,
    %mul3A_742 = arith.mulf %min3A_695, %sub3A_735 : vector<16xf32>
    %swap3A_743 = arith.constant 80 : index
    %swap3A_744 = tpu.vector_load %arg20[%swap3A_743] {strides = array<i32>} : memref<128xf32, #tpu.memory_space<vmem>>, vector<16xf32>,
    tpu.vector_store %arg20[%swap3A_743], %mul3A_742 {strides = array<i32>} : memref<128xf32, #tpu.memory_space<vmem>>, vector<16xf32>,
    %mul3A_745 = arith.mulf %min3A_695, %min3A_703 : vector<16xf32>
    %swap3A_746 = arith.constant 80 : index
    %swap3A_747 = tpu.vector_load %arg21[%swap3A_746] {strides = array<i32>} : memref<128xf32, #tpu.memory_space<vmem>>, vector<16xf32>,
    tpu.vector_store %arg21[%swap3A_746], %mul3A_745 {strides = array<i32>} : memref<128xf32, #tpu.memory_space<vmem>>, vector<16xf32>,
    %add3A_748 = arith.constant 96 : i32
    %add3A_749 = arith.addi %add3A_16, %add3A_748 : i32
    %add3A_750 = vector.broadcast %add3A_749 : i32 to vector<16xi32>
    %add3A_751 = arith.addi %add3A_750, %iota3A : vector<16xi32>
    %jit3A_752 = arith.constant 384 : i32
    %div3A_753 = vector.broadcast %jit3A_752 : i32 to vector<16xi32>
    %div3A_754 = arith.divsi %add3A_751, %div3A_753 : vector<16xi32>
    %sign3A_755 = arith.constant 0 : i32
    %sign3A_756 = vector.broadcast %sign3A_755 : i32 to vector<16xi32>
    %sign3A_757 = arith.cmpi sgt, %add3A_751, %sign3A_756 : vector<16xi32>
    %sign3A_758 = arith.extui %sign3A_757 : vector<16xi1> to vector<16xi32>
    %sign3A_759 = arith.constant 0 : i32
    %sign3A_760 = vector.broadcast %sign3A_759 : i32 to vector<16xi32>
    %sign3A_761 = arith.cmpi slt, %add3A_751, %sign3A_760 : vector<16xi32>
    %sign3A_762 = arith.extui %sign3A_761 : vector<16xi1> to vector<16xi32>
    %sign3A_763 = arith.subi %sign3A_758, %sign3A_762 : vector<16xi32>
    %sign3A_764 = arith.constant 0 : i32
    %sign3A_765 = arith.cmpi sgt, %jit3A_752, %sign3A_764 : i32
    %sign3A_766 = arith.extui %sign3A_765 : i1 to i32
    %sign3A_767 = arith.constant 0 : i32
    %sign3A_768 = arith.cmpi slt, %jit3A_752, %sign3A_767 : i32
    %sign3A_769 = arith.extui %sign3A_768 : i1 to i32
    %sign3A_770 = arith.subi %sign3A_766, %sign3A_769 : i32
    %ne3A_771 = vector.broadcast %sign3A_770 : i32 to vector<16xi32>
    %ne3A_772 = arith.cmpi ne, %sign3A_763, %ne3A_771 : vector<16xi32>
    %rem3A_773 = vector.broadcast %jit3A_752 : i32 to vector<16xi32>
    %rem3A_774 = arith.remsi %add3A_751, %rem3A_773 : vector<16xi32>
    %ne3A_775 = arith.constant 0 : i32
    %ne3A_776 = vector.broadcast %ne3A_775 : i32 to vector<16xi32>
    %ne3A_777 = arith.cmpi ne, %rem3A_774, %ne3A_776 : vector<16xi32>
    %and3A_778 = arith.andi %ne3A_772, %ne3A_777 : vector<16xi1>
    %sub3A_779 = arith.constant 1 : i32
    %sub3A_780 = vector.broadcast %sub3A_779 : i32 to vector<16xi32>
    %sub3A_781 = arith.subi %div3A_754, %sub3A_780 : vector<16xi32>
    %select_n3A_782 = arith.select %and3A_778, %sub3A_781, %div3A_754 : vector<16xi1>, vector<16xi32>
    %mul3A_783 = arith.constant 384 : i32
    %mul3A_784 = vector.broadcast %mul3A_783 : i32 to vector<16xi32>
    %mul3A_785 = arith.muli %select_n3A_782, %mul3A_784 : vector<16xi32>
    %sub3A_786 = arith.subi %add3A_751, %mul3A_785 : vector<16xi32>
    %rem3A_787 = arith.constant 384 : i32
    %rem3A_788 = vector.broadcast %rem3A_787 : i32 to vector<16xi32>
    %rem3A_789 = arith.remsi %select_n3A_782, %rem3A_788 : vector<16xi32>
    %convert_element_type3A_790 = arith.sitofp %rem3A_789 : vector<16xi32> to vector<16xf32>
    %get3A_791 = arith.constant 96 : index
    %get3A_792 = tpu.vector_load %arg6[%get3A_791] {strides = array<i32>} : memref<128xf32, #tpu.memory_space<vmem>>, vector<16xf32>,
    %sub3A_793 = arith.subf %convert_element_type3A_790, %get3A_792 : vector<16xf32>
    %convert_element_type3A_794 = arith.sitofp %sub3A_786 : vector<16xi32> to vector<16xf32>
    %get3A_795 = arith.constant 96 : index
    %get3A_796 = tpu.vector_load %arg8[%get3A_795] {strides = array<i32>} : memref<128xf32, #tpu.memory_space<vmem>>, vector<16xf32>,
    %sub3A_797 = arith.subf %convert_element_type3A_794, %get3A_796 : vector<16xf32>
    %jit3A_798 = arith.constant 0.000000e+00 : f32
    %jit3A_799 = arith.constant 3.820000e+02 : f32
    %max3A_800 = vector.broadcast %jit3A_798 : f32 to vector<16xf32>
    %max3A_801 = arith.maximumf %max3A_800, %sub3A_793 : vector<16xf32>
    %min3A_802 = vector.broadcast %jit3A_799 : f32 to vector<16xf32>
    %min3A_803 = arith.minimumf %min3A_802, %max3A_801 : vector<16xf32>
    %jit3A_804 = arith.constant 0.000000e+00 : f32
    %jit3A_805 = arith.constant 3.820000e+02 : f32
    %max3A_806 = vector.broadcast %jit3A_804 : f32 to vector<16xf32>
    %max3A_807 = arith.maximumf %max3A_806, %sub3A_797 : vector<16xf32>
    %min3A_808 = vector.broadcast %jit3A_805 : f32 to vector<16xf32>
    %min3A_809 = arith.minimumf %min3A_808, %max3A_807 : vector<16xf32>
    %convert_element_type3A_810 = arith.fptosi %min3A_803 : vector<16xf32> to vector<16xi32>
    %convert_element_type3A_811 = arith.fptosi %min3A_809 : vector<16xf32> to vector<16xi32>
    %convert_element_type3A_812 = arith.sitofp %convert_element_type3A_810 : vector<16xi32> to vector<16xf32>
    %sub3A_813 = arith.subf %sub3A_793, %convert_element_type3A_812 : vector<16xf32>
    %jit3A_814 = arith.constant 0.000000e+00 : f32
    %jit3A_815 = arith.constant 1.000000e+00 : f32
    %max3A_816 = vector.broadcast %jit3A_814 : f32 to vector<16xf32>
    %max3A_817 = arith.maximumf %max3A_816, %sub3A_813 : vector<16xf32>
    %min3A_818 = vector.broadcast %jit3A_815 : f32 to vector<16xf32>
    %min3A_819 = arith.minimumf %min3A_818, %max3A_817 : vector<16xf32>
    %convert_element_type3A_820 = arith.sitofp %convert_element_type3A_811 : vector<16xi32> to vector<16xf32>
    %sub3A_821 = arith.subf %sub3A_797, %convert_element_type3A_820 : vector<16xf32>
    %jit3A_822 = arith.constant 0.000000e+00 : f32
    %jit3A_823 = arith.constant 1.000000e+00 : f32
    %max3A_824 = vector.broadcast %jit3A_822 : f32 to vector<16xf32>
    %max3A_825 = arith.maximumf %max3A_824, %sub3A_821 : vector<16xf32>
    %min3A_826 = vector.broadcast %jit3A_823 : f32 to vector<16xf32>
    %min3A_827 = arith.minimumf %min3A_826, %max3A_825 : vector<16xf32>
    %sub3A_828 = arith.subi %select_n3A_782, %rem3A_789 : vector<16xi32>
    %add3A_829 = arith.addi %sub3A_828, %convert_element_type3A_810 : vector<16xi32>
    %mul3A_830 = arith.constant 384 : i32
    %mul3A_831 = vector.broadcast %mul3A_830 : i32 to vector<16xi32>
    %mul3A_832 = arith.muli %add3A_829, %mul3A_831 : vector<16xi32>
    %add3A_833 = arith.addi %mul3A_832, %convert_element_type3A_811 : vector<16xi32>
    %swap3A_834 = arith.constant 96 : index
    %swap3A_835 = tpu.vector_load %arg10[%swap3A_834] {strides = array<i32>} : memref<128xi32, #tpu.memory_space<vmem>>, vector<16xi32>,
    tpu.vector_store %arg10[%swap3A_834], %add3A_833 {strides = array<i32>} : memref<128xi32, #tpu.memory_space<vmem>>, vector<16xi32>,
    %add3A_836 = arith.constant 1 : i32
    %add3A_837 = vector.broadcast %add3A_836 : i32 to vector<16xi32>
    %add3A_838 = arith.addi %add3A_833, %add3A_837 : vector<16xi32>
    %swap3A_839 = arith.constant 96 : index
    %swap3A_840 = tpu.vector_load %arg11[%swap3A_839] {strides = array<i32>} : memref<128xi32, #tpu.memory_space<vmem>>, vector<16xi32>,
    tpu.vector_store %arg11[%swap3A_839], %add3A_838 {strides = array<i32>} : memref<128xi32, #tpu.memory_space<vmem>>, vector<16xi32>,
    %add3A_841 = arith.constant 384 : i32
    %add3A_842 = vector.broadcast %add3A_841 : i32 to vector<16xi32>
    %add3A_843 = arith.addi %add3A_833, %add3A_842 : vector<16xi32>
    %swap3A_844 = arith.constant 96 : index
    %swap3A_845 = tpu.vector_load %arg12[%swap3A_844] {strides = array<i32>} : memref<128xi32, #tpu.memory_space<vmem>>, vector<16xi32>,
    tpu.vector_store %arg12[%swap3A_844], %add3A_843 {strides = array<i32>} : memref<128xi32, #tpu.memory_space<vmem>>, vector<16xi32>,
    %add3A_846 = arith.constant 384 : i32
    %add3A_847 = vector.broadcast %add3A_846 : i32 to vector<16xi32>
    %add3A_848 = arith.addi %add3A_833, %add3A_847 : vector<16xi32>
    %add3A_849 = arith.constant 1 : i32
    %add3A_850 = vector.broadcast %add3A_849 : i32 to vector<16xi32>
    %add3A_851 = arith.addi %add3A_848, %add3A_850 : vector<16xi32>
    %swap3A_852 = arith.constant 96 : index
    %swap3A_853 = tpu.vector_load %arg13[%swap3A_852] {strides = array<i32>} : memref<128xi32, #tpu.memory_space<vmem>>, vector<16xi32>,
    tpu.vector_store %arg13[%swap3A_852], %add3A_851 {strides = array<i32>} : memref<128xi32, #tpu.memory_space<vmem>>, vector<16xi32>,
    %sub3A_854 = arith.constant 1.000000e+00 : f32
    %sub3A_855 = vector.broadcast %sub3A_854 : f32 to vector<16xf32>
    %sub3A_856 = arith.subf %sub3A_855, %min3A_819 : vector<16xf32>
    %sub3A_857 = arith.constant 1.000000e+00 : f32
    %sub3A_858 = vector.broadcast %sub3A_857 : f32 to vector<16xf32>
    %sub3A_859 = arith.subf %sub3A_858, %min3A_827 : vector<16xf32>
    %mul3A_860 = arith.mulf %sub3A_856, %sub3A_859 : vector<16xf32>
    %swap3A_861 = arith.constant 96 : index
    %swap3A_862 = tpu.vector_load %arg18[%swap3A_861] {strides = array<i32>} : memref<128xf32, #tpu.memory_space<vmem>>, vector<16xf32>,
    tpu.vector_store %arg18[%swap3A_861], %mul3A_860 {strides = array<i32>} : memref<128xf32, #tpu.memory_space<vmem>>, vector<16xf32>,
    %mul3A_863 = arith.mulf %sub3A_856, %min3A_827 : vector<16xf32>
    %swap3A_864 = arith.constant 96 : index
    %swap3A_865 = tpu.vector_load %arg19[%swap3A_864] {strides = array<i32>} : memref<128xf32, #tpu.memory_space<vmem>>, vector<16xf32>,
    tpu.vector_store %arg19[%swap3A_864], %mul3A_863 {strides = array<i32>} : memref<128xf32, #tpu.memory_space<vmem>>, vector<16xf32>,
    %mul3A_866 = arith.mulf %min3A_819, %sub3A_859 : vector<16xf32>
    %swap3A_867 = arith.constant 96 : index
    %swap3A_868 = tpu.vector_load %arg20[%swap3A_867] {strides = array<i32>} : memref<128xf32, #tpu.memory_space<vmem>>, vector<16xf32>,
    tpu.vector_store %arg20[%swap3A_867], %mul3A_866 {strides = array<i32>} : memref<128xf32, #tpu.memory_space<vmem>>, vector<16xf32>,
    %mul3A_869 = arith.mulf %min3A_819, %min3A_827 : vector<16xf32>
    %swap3A_870 = arith.constant 96 : index
    %swap3A_871 = tpu.vector_load %arg21[%swap3A_870] {strides = array<i32>} : memref<128xf32, #tpu.memory_space<vmem>>, vector<16xf32>,
    tpu.vector_store %arg21[%swap3A_870], %mul3A_869 {strides = array<i32>} : memref<128xf32, #tpu.memory_space<vmem>>, vector<16xf32>,
    %add3A_872 = arith.constant 112 : i32
    %add3A_873 = arith.addi %add3A_16, %add3A_872 : i32
    %add3A_874 = vector.broadcast %add3A_873 : i32 to vector<16xi32>
    %add3A_875 = arith.addi %add3A_874, %iota3A : vector<16xi32>
    %jit3A_876 = arith.constant 384 : i32
    %div3A_877 = vector.broadcast %jit3A_876 : i32 to vector<16xi32>
    %div3A_878 = arith.divsi %add3A_875, %div3A_877 : vector<16xi32>
    %sign3A_879 = arith.constant 0 : i32
    %sign3A_880 = vector.broadcast %sign3A_879 : i32 to vector<16xi32>
    %sign3A_881 = arith.cmpi sgt, %add3A_875, %sign3A_880 : vector<16xi32>
    %sign3A_882 = arith.extui %sign3A_881 : vector<16xi1> to vector<16xi32>
    %sign3A_883 = arith.constant 0 : i32
    %sign3A_884 = vector.broadcast %sign3A_883 : i32 to vector<16xi32>
    %sign3A_885 = arith.cmpi slt, %add3A_875, %sign3A_884 : vector<16xi32>
    %sign3A_886 = arith.extui %sign3A_885 : vector<16xi1> to vector<16xi32>
    %sign3A_887 = arith.subi %sign3A_882, %sign3A_886 : vector<16xi32>
    %sign3A_888 = arith.constant 0 : i32
    %sign3A_889 = arith.cmpi sgt, %jit3A_876, %sign3A_888 : i32
    %sign3A_890 = arith.extui %sign3A_889 : i1 to i32
    %sign3A_891 = arith.constant 0 : i32
    %sign3A_892 = arith.cmpi slt, %jit3A_876, %sign3A_891 : i32
    %sign3A_893 = arith.extui %sign3A_892 : i1 to i32
    %sign3A_894 = arith.subi %sign3A_890, %sign3A_893 : i32
    %ne3A_895 = vector.broadcast %sign3A_894 : i32 to vector<16xi32>
    %ne3A_896 = arith.cmpi ne, %sign3A_887, %ne3A_895 : vector<16xi32>
    %rem3A_897 = vector.broadcast %jit3A_876 : i32 to vector<16xi32>
    %rem3A_898 = arith.remsi %add3A_875, %rem3A_897 : vector<16xi32>
    %ne3A_899 = arith.constant 0 : i32
    %ne3A_900 = vector.broadcast %ne3A_899 : i32 to vector<16xi32>
    %ne3A_901 = arith.cmpi ne, %rem3A_898, %ne3A_900 : vector<16xi32>
    %and3A_902 = arith.andi %ne3A_896, %ne3A_901 : vector<16xi1>
    %sub3A_903 = arith.constant 1 : i32
    %sub3A_904 = vector.broadcast %sub3A_903 : i32 to vector<16xi32>
    %sub3A_905 = arith.subi %div3A_878, %sub3A_904 : vector<16xi32>
    %select_n3A_906 = arith.select %and3A_902, %sub3A_905, %div3A_878 : vector<16xi1>, vector<16xi32>
    %mul3A_907 = arith.constant 384 : i32
    %mul3A_908 = vector.broadcast %mul3A_907 : i32 to vector<16xi32>
    %mul3A_909 = arith.muli %select_n3A_906, %mul3A_908 : vector<16xi32>
    %sub3A_910 = arith.subi %add3A_875, %mul3A_909 : vector<16xi32>
    %rem3A_911 = arith.constant 384 : i32
    %rem3A_912 = vector.broadcast %rem3A_911 : i32 to vector<16xi32>
    %rem3A_913 = arith.remsi %select_n3A_906, %rem3A_912 : vector<16xi32>
    %convert_element_type3A_914 = arith.sitofp %rem3A_913 : vector<16xi32> to vector<16xf32>
    %get3A_915 = arith.constant 112 : index
    %get3A_916 = tpu.vector_load %arg6[%get3A_915] {strides = array<i32>} : memref<128xf32, #tpu.memory_space<vmem>>, vector<16xf32>,
    %sub3A_917 = arith.subf %convert_element_type3A_914, %get3A_916 : vector<16xf32>
    %convert_element_type3A_918 = arith.sitofp %sub3A_910 : vector<16xi32> to vector<16xf32>
    %get3A_919 = arith.constant 112 : index
    %get3A_920 = tpu.vector_load %arg8[%get3A_919] {strides = array<i32>} : memref<128xf32, #tpu.memory_space<vmem>>, vector<16xf32>,
    %sub3A_921 = arith.subf %convert_element_type3A_918, %get3A_920 : vector<16xf32>
    %jit3A_922 = arith.constant 0.000000e+00 : f32
    %jit3A_923 = arith.constant 3.820000e+02 : f32
    %max3A_924 = vector.broadcast %jit3A_922 : f32 to vector<16xf32>
    %max3A_925 = arith.maximumf %max3A_924, %sub3A_917 : vector<16xf32>
    %min3A_926 = vector.broadcast %jit3A_923 : f32 to vector<16xf32>
    %min3A_927 = arith.minimumf %min3A_926, %max3A_925 : vector<16xf32>
    %jit3A_928 = arith.constant 0.000000e+00 : f32
    %jit3A_929 = arith.constant 3.820000e+02 : f32
    %max3A_930 = vector.broadcast %jit3A_928 : f32 to vector<16xf32>
    %max3A_931 = arith.maximumf %max3A_930, %sub3A_921 : vector<16xf32>
    %min3A_932 = vector.broadcast %jit3A_929 : f32 to vector<16xf32>
    %min3A_933 = arith.minimumf %min3A_932, %max3A_931 : vector<16xf32>
    %convert_element_type3A_934 = arith.fptosi %min3A_927 : vector<16xf32> to vector<16xi32>
    %convert_element_type3A_935 = arith.fptosi %min3A_933 : vector<16xf32> to vector<16xi32>
    %convert_element_type3A_936 = arith.sitofp %convert_element_type3A_934 : vector<16xi32> to vector<16xf32>
    %sub3A_937 = arith.subf %sub3A_917, %convert_element_type3A_936 : vector<16xf32>
    %jit3A_938 = arith.constant 0.000000e+00 : f32
    %jit3A_939 = arith.constant 1.000000e+00 : f32
    %max3A_940 = vector.broadcast %jit3A_938 : f32 to vector<16xf32>
    %max3A_941 = arith.maximumf %max3A_940, %sub3A_937 : vector<16xf32>
    %min3A_942 = vector.broadcast %jit3A_939 : f32 to vector<16xf32>
    %min3A_943 = arith.minimumf %min3A_942, %max3A_941 : vector<16xf32>
    %convert_element_type3A_944 = arith.sitofp %convert_element_type3A_935 : vector<16xi32> to vector<16xf32>
    %sub3A_945 = arith.subf %sub3A_921, %convert_element_type3A_944 : vector<16xf32>
    %jit3A_946 = arith.constant 0.000000e+00 : f32
    %jit3A_947 = arith.constant 1.000000e+00 : f32
    %max3A_948 = vector.broadcast %jit3A_946 : f32 to vector<16xf32>
    %max3A_949 = arith.maximumf %max3A_948, %sub3A_945 : vector<16xf32>
    %min3A_950 = vector.broadcast %jit3A_947 : f32 to vector<16xf32>
    %min3A_951 = arith.minimumf %min3A_950, %max3A_949 : vector<16xf32>
    %sub3A_952 = arith.subi %select_n3A_906, %rem3A_913 : vector<16xi32>
    %add3A_953 = arith.addi %sub3A_952, %convert_element_type3A_934 : vector<16xi32>
    %mul3A_954 = arith.constant 384 : i32
    %mul3A_955 = vector.broadcast %mul3A_954 : i32 to vector<16xi32>
    %mul3A_956 = arith.muli %add3A_953, %mul3A_955 : vector<16xi32>
    %add3A_957 = arith.addi %mul3A_956, %convert_element_type3A_935 : vector<16xi32>
    %swap3A_958 = arith.constant 112 : index
    %swap3A_959 = tpu.vector_load %arg10[%swap3A_958] {strides = array<i32>} : memref<128xi32, #tpu.memory_space<vmem>>, vector<16xi32>,
    tpu.vector_store %arg10[%swap3A_958], %add3A_957 {strides = array<i32>} : memref<128xi32, #tpu.memory_space<vmem>>, vector<16xi32>,
    %add3A_960 = arith.constant 1 : i32
    %add3A_961 = vector.broadcast %add3A_960 : i32 to vector<16xi32>
    %add3A_962 = arith.addi %add3A_957, %add3A_961 : vector<16xi32>
    %swap3A_963 = arith.constant 112 : index
    %swap3A_964 = tpu.vector_load %arg11[%swap3A_963] {strides = array<i32>} : memref<128xi32, #tpu.memory_space<vmem>>, vector<16xi32>,
    tpu.vector_store %arg11[%swap3A_963], %add3A_962 {strides = array<i32>} : memref<128xi32, #tpu.memory_space<vmem>>, vector<16xi32>,
    %add3A_965 = arith.constant 384 : i32
    %add3A_966 = vector.broadcast %add3A_965 : i32 to vector<16xi32>
    %add3A_967 = arith.addi %add3A_957, %add3A_966 : vector<16xi32>
    %swap3A_968 = arith.constant 112 : index
    %swap3A_969 = tpu.vector_load %arg12[%swap3A_968] {strides = array<i32>} : memref<128xi32, #tpu.memory_space<vmem>>, vector<16xi32>,
    tpu.vector_store %arg12[%swap3A_968], %add3A_967 {strides = array<i32>} : memref<128xi32, #tpu.memory_space<vmem>>, vector<16xi32>,
    %add3A_970 = arith.constant 384 : i32
    %add3A_971 = vector.broadcast %add3A_970 : i32 to vector<16xi32>
    %add3A_972 = arith.addi %add3A_957, %add3A_971 : vector<16xi32>
    %add3A_973 = arith.constant 1 : i32
    %add3A_974 = vector.broadcast %add3A_973 : i32 to vector<16xi32>
    %add3A_975 = arith.addi %add3A_972, %add3A_974 : vector<16xi32>
    %swap3A_976 = arith.constant 112 : index
    %swap3A_977 = tpu.vector_load %arg13[%swap3A_976] {strides = array<i32>} : memref<128xi32, #tpu.memory_space<vmem>>, vector<16xi32>,
    tpu.vector_store %arg13[%swap3A_976], %add3A_975 {strides = array<i32>} : memref<128xi32, #tpu.memory_space<vmem>>, vector<16xi32>,
    %sub3A_978 = arith.constant 1.000000e+00 : f32
    %sub3A_979 = vector.broadcast %sub3A_978 : f32 to vector<16xf32>
    %sub3A_980 = arith.subf %sub3A_979, %min3A_943 : vector<16xf32>
    %sub3A_981 = arith.constant 1.000000e+00 : f32
    %sub3A_982 = vector.broadcast %sub3A_981 : f32 to vector<16xf32>
    %sub3A_983 = arith.subf %sub3A_982, %min3A_951 : vector<16xf32>
    %mul3A_984 = arith.mulf %sub3A_980, %sub3A_983 : vector<16xf32>
    %swap3A_985 = arith.constant 112 : index
    %swap3A_986 = tpu.vector_load %arg18[%swap3A_985] {strides = array<i32>} : memref<128xf32, #tpu.memory_space<vmem>>, vector<16xf32>,
    tpu.vector_store %arg18[%swap3A_985], %mul3A_984 {strides = array<i32>} : memref<128xf32, #tpu.memory_space<vmem>>, vector<16xf32>,
    %mul3A_987 = arith.mulf %sub3A_980, %min3A_951 : vector<16xf32>
    %swap3A_988 = arith.constant 112 : index
    %swap3A_989 = tpu.vector_load %arg19[%swap3A_988] {strides = array<i32>} : memref<128xf32, #tpu.memory_space<vmem>>, vector<16xf32>,
    tpu.vector_store %arg19[%swap3A_988], %mul3A_987 {strides = array<i32>} : memref<128xf32, #tpu.memory_space<vmem>>, vector<16xf32>,
    %mul3A_990 = arith.mulf %min3A_943, %sub3A_983 : vector<16xf32>
    %swap3A_991 = arith.constant 112 : index
    %swap3A_992 = tpu.vector_load %arg20[%swap3A_991] {strides = array<i32>} : memref<128xf32, #tpu.memory_space<vmem>>, vector<16xf32>,
    tpu.vector_store %arg20[%swap3A_991], %mul3A_990 {strides = array<i32>} : memref<128xf32, #tpu.memory_space<vmem>>, vector<16xf32>,
    %mul3A_993 = arith.mulf %min3A_943, %min3A_951 : vector<16xf32>
    %swap3A_994 = arith.constant 112 : index
    %swap3A_995 = tpu.vector_load %arg21[%swap3A_994] {strides = array<i32>} : memref<128xf32, #tpu.memory_space<vmem>>, vector<16xf32>,
    tpu.vector_store %arg21[%swap3A_994], %mul3A_993 {strides = array<i32>} : memref<128xf32, #tpu.memory_space<vmem>>, vector<16xf32>,
    %dma_start3A_996 = arith.constant 0 : i32
    %dma_start3A_997 = arith.constant 0 : i32
    %dma_start3A_998 = tpu.memref_slice %arg2[%dma_start3A_996, %dma_start3A_997] : memref<589824x96xf32, #tpu.memory_space<hbm>> -> memref<589824x96xf32, #tpu.memory_space<hbm>>
    tpu.enqueue_indirect_dma source(%dma_start3A_998 : memref<589824x96xf32, #tpu.memory_space<hbm>>) target(%arg26 : memref<128x96xf32, #tpu.memory_space<vmem>>) offsets(%arg10 : memref<128xi32, #tpu.memory_space<vmem>>) semaphore(%arg38 : memref<!tpu.dma_semaphore, #tpu.memory_space<semaphore_mem>>)
    %dma_start3A_999 = arith.constant 0 : i32
    %dma_start3A_1000 = arith.constant 0 : i32
    %dma_start3A_1001 = tpu.memref_slice %arg2[%dma_start3A_999, %dma_start3A_1000] : memref<589824x96xf32, #tpu.memory_space<hbm>> -> memref<589824x96xf32, #tpu.memory_space<hbm>>
    tpu.enqueue_indirect_dma source(%dma_start3A_1001 : memref<589824x96xf32, #tpu.memory_space<hbm>>) target(%arg27 : memref<128x96xf32, #tpu.memory_space<vmem>>) offsets(%arg11 : memref<128xi32, #tpu.memory_space<vmem>>) semaphore(%arg38 : memref<!tpu.dma_semaphore, #tpu.memory_space<semaphore_mem>>)
    %dma_start3A_1002 = arith.constant 0 : i32
    %dma_start3A_1003 = arith.constant 0 : i32
    %dma_start3A_1004 = tpu.memref_slice %arg2[%dma_start3A_1002, %dma_start3A_1003] : memref<589824x96xf32, #tpu.memory_space<hbm>> -> memref<589824x96xf32, #tpu.memory_space<hbm>>
    tpu.enqueue_indirect_dma source(%dma_start3A_1004 : memref<589824x96xf32, #tpu.memory_space<hbm>>) target(%arg28 : memref<128x96xf32, #tpu.memory_space<vmem>>) offsets(%arg12 : memref<128xi32, #tpu.memory_space<vmem>>) semaphore(%arg38 : memref<!tpu.dma_semaphore, #tpu.memory_space<semaphore_mem>>)
    %dma_start3A_1005 = arith.constant 0 : i32
    %dma_start3A_1006 = arith.constant 0 : i32
    %dma_start3A_1007 = tpu.memref_slice %arg2[%dma_start3A_1005, %dma_start3A_1006] : memref<589824x96xf32, #tpu.memory_space<hbm>> -> memref<589824x96xf32, #tpu.memory_space<hbm>>
    tpu.enqueue_indirect_dma source(%dma_start3A_1007 : memref<589824x96xf32, #tpu.memory_space<hbm>>) target(%arg29 : memref<128x96xf32, #tpu.memory_space<vmem>>) offsets(%arg13 : memref<128xi32, #tpu.memory_space<vmem>>) semaphore(%arg38 : memref<!tpu.dma_semaphore, #tpu.memory_space<semaphore_mem>>)
    %add3A_1008 = arith.constant 128 : i32
    %add3A_1009 = arith.addi %mul3A_2, %add3A_1008 : i32
    %dma_start3A_1010 = tpu.memref_slice %arg3[%add3A_1009] : memref<589824xf32, #tpu.memory_space<hbm>> -> memref<128xf32, #tpu.memory_space<hbm>>
    %dma_start3A_1011 = tpu.memref_slice %arg3[%add3A_1009] : memref<589824xf32, #tpu.memory_space<hbm>> -> memref<128xf32, #tpu.memory_space<hbm>>
    tpu.enqueue_dma source(%dma_start3A_1011 : memref<128xf32, #tpu.memory_space<hbm>>) target(%arg7 : memref<128xf32, #tpu.memory_space<vmem>>) target_semaphore(%arg37 : memref<!tpu.dma_semaphore, #tpu.memory_space<semaphore_mem>>)
    %dma_start3A_1012 = tpu.memref_slice %arg4[%add3A_1009] : memref<589824xf32, #tpu.memory_space<hbm>> -> memref<128xf32, #tpu.memory_space<hbm>>
    %dma_start3A_1013 = tpu.memref_slice %arg4[%add3A_1009] : memref<589824xf32, #tpu.memory_space<hbm>> -> memref<128xf32, #tpu.memory_space<hbm>>
    tpu.enqueue_dma source(%dma_start3A_1013 : memref<128xf32, #tpu.memory_space<hbm>>) target(%arg9 : memref<128xf32, #tpu.memory_space<vmem>>) target_semaphore(%arg37 : memref<!tpu.dma_semaphore, #tpu.memory_space<semaphore_mem>>)
    %scan3A = arith.constant 0 : i32
    %scan3A_1014 = arith.constant 0 : i32
    %scan3A_1015 = arith.constant 72 : i32
    %scan3A_1016 = arith.addi %scan3A_1014, %scan3A_1015 : i32
    %scan3A_1017 = arith.constant 1 : i32
    scf.for %scan3A_1059 = %scan3A_1014 to %scan3A_1016 step %scan3A_1017  : i32 {
      %mul3A_1060 = arith.constant 2 : i32
      %mul3A_1061 = arith.muli %scan3A_1059, %mul3A_1060 : i32
      %dma_wait3A_1062 = arith.constant 0 : i32
      %dma_wait3A_1063 = tpu.memref_slice %arg3[%dma_wait3A_1062] : memref<589824xf32, #tpu.memory_space<hbm>> -> memref<128xf32, #tpu.memory_space<hbm>>
      %dma_wait3A_1064 = arith.constant 0 : i32
      %dma_wait3A_1065 = tpu.memref_slice %arg3[%dma_wait3A_1064] : memref<589824xf32, #tpu.memory_space<hbm>> -> memref<128xf32, #tpu.memory_space<hbm>>
      tpu.wait_dma2 semaphore(%arg37 : memref<!tpu.dma_semaphore, #tpu.memory_space<semaphore_mem>>) src(%dma_wait3A_1065 : memref<128xf32, #tpu.memory_space<hbm>>) dst(%arg7 : memref<128xf32, #tpu.memory_space<vmem>>)
      %dma_wait3A_1066 = arith.constant 0 : i32
      %dma_wait3A_1067 = tpu.memref_slice %arg4[%dma_wait3A_1066] : memref<589824xf32, #tpu.memory_space<hbm>> -> memref<128xf32, #tpu.memory_space<hbm>>
      %dma_wait3A_1068 = arith.constant 0 : i32
      %dma_wait3A_1069 = tpu.memref_slice %arg4[%dma_wait3A_1068] : memref<589824xf32, #tpu.memory_space<hbm>> -> memref<128xf32, #tpu.memory_space<hbm>>
      tpu.wait_dma2 semaphore(%arg37 : memref<!tpu.dma_semaphore, #tpu.memory_space<semaphore_mem>>) src(%dma_wait3A_1069 : memref<128xf32, #tpu.memory_space<hbm>>) dst(%arg9 : memref<128xf32, #tpu.memory_space<vmem>>)
      %add3A_1070 = arith.constant 1 : i32
      %add3A_1071 = arith.addi %mul3A_1061, %add3A_1070 : i32
      %mul3A_1072 = arith.constant 128 : i32
      %mul3A_1073 = arith.muli %add3A_1071, %mul3A_1072 : i32
      %add3A_1074 = arith.addi %mul3A_2, %mul3A_1073 : i32
      %iota3A_1075 = tpu.iota {dimensions = array<i32: 0>} : vector<16xi32>
      %add3A_1076 = arith.constant 0 : i32
      %add3A_1077 = arith.addi %add3A_1074, %add3A_1076 : i32
      %add3A_1078 = vector.broadcast %add3A_1077 : i32 to vector<16xi32>
      %add3A_1079 = arith.addi %add3A_1078, %iota3A_1075 : vector<16xi32>
      %jit3A_1080 = arith.constant 384 : i32
      %div3A_1081 = vector.broadcast %jit3A_1080 : i32 to vector<16xi32>
      %div3A_1082 = arith.divsi %add3A_1079, %div3A_1081 : vector<16xi32>
      %sign3A_1083 = arith.constant 0 : i32
      %sign3A_1084 = vector.broadcast %sign3A_1083 : i32 to vector<16xi32>
      %sign3A_1085 = arith.cmpi sgt, %add3A_1079, %sign3A_1084 : vector<16xi32>
      %sign3A_1086 = arith.extui %sign3A_1085 : vector<16xi1> to vector<16xi32>
      %sign3A_1087 = arith.constant 0 : i32
      %sign3A_1088 = vector.broadcast %sign3A_1087 : i32 to vector<16xi32>
      %sign3A_1089 = arith.cmpi slt, %add3A_1079, %sign3A_1088 : vector<16xi32>
      %sign3A_1090 = arith.extui %sign3A_1089 : vector<16xi1> to vector<16xi32>
      %sign3A_1091 = arith.subi %sign3A_1086, %sign3A_1090 : vector<16xi32>
      %sign3A_1092 = arith.constant 0 : i32
      %sign3A_1093 = arith.cmpi sgt, %jit3A_1080, %sign3A_1092 : i32
      %sign3A_1094 = arith.extui %sign3A_1093 : i1 to i32
      %sign3A_1095 = arith.constant 0 : i32
      %sign3A_1096 = arith.cmpi slt, %jit3A_1080, %sign3A_1095 : i32
      %sign3A_1097 = arith.extui %sign3A_1096 : i1 to i32
      %sign3A_1098 = arith.subi %sign3A_1094, %sign3A_1097 : i32
      %ne3A_1099 = vector.broadcast %sign3A_1098 : i32 to vector<16xi32>
      %ne3A_1100 = arith.cmpi ne, %sign3A_1091, %ne3A_1099 : vector<16xi32>
      %rem3A_1101 = vector.broadcast %jit3A_1080 : i32 to vector<16xi32>
      %rem3A_1102 = arith.remsi %add3A_1079, %rem3A_1101 : vector<16xi32>
      %ne3A_1103 = arith.constant 0 : i32
      %ne3A_1104 = vector.broadcast %ne3A_1103 : i32 to vector<16xi32>
      %ne3A_1105 = arith.cmpi ne, %rem3A_1102, %ne3A_1104 : vector<16xi32>
      %and3A_1106 = arith.andi %ne3A_1100, %ne3A_1105 : vector<16xi1>
      %sub3A_1107 = arith.constant 1 : i32
      %sub3A_1108 = vector.broadcast %sub3A_1107 : i32 to vector<16xi32>
      %sub3A_1109 = arith.subi %div3A_1082, %sub3A_1108 : vector<16xi32>
      %select_n3A_1110 = arith.select %and3A_1106, %sub3A_1109, %div3A_1082 : vector<16xi1>, vector<16xi32>
      %mul3A_1111 = arith.constant 384 : i32
      %mul3A_1112 = vector.broadcast %mul3A_1111 : i32 to vector<16xi32>
      %mul3A_1113 = arith.muli %select_n3A_1110, %mul3A_1112 : vector<16xi32>
      %sub3A_1114 = arith.subi %add3A_1079, %mul3A_1113 : vector<16xi32>
      %rem3A_1115 = arith.constant 384 : i32
      %rem3A_1116 = vector.broadcast %rem3A_1115 : i32 to vector<16xi32>
      %rem3A_1117 = arith.remsi %select_n3A_1110, %rem3A_1116 : vector<16xi32>
      %convert_element_type3A_1118 = arith.sitofp %rem3A_1117 : vector<16xi32> to vector<16xf32>
      %get3A_1119 = arith.constant 0 : index
      %get3A_1120 = tpu.vector_load %arg7[%get3A_1119] {strides = array<i32>} : memref<128xf32, #tpu.memory_space<vmem>>, vector<16xf32>,
      %sub3A_1121 = arith.subf %convert_element_type3A_1118, %get3A_1120 : vector<16xf32>
      %convert_element_type3A_1122 = arith.sitofp %sub3A_1114 : vector<16xi32> to vector<16xf32>
      %get3A_1123 = arith.constant 0 : index
      %get3A_1124 = tpu.vector_load %arg9[%get3A_1123] {strides = array<i32>} : memref<128xf32, #tpu.memory_space<vmem>>, vector<16xf32>,
      %sub3A_1125 = arith.subf %convert_element_type3A_1122, %get3A_1124 : vector<16xf32>
      %jit3A_1126 = arith.constant 0.000000e+00 : f32
      %jit3A_1127 = arith.constant 3.820000e+02 : f32
      %max3A_1128 = vector.broadcast %jit3A_1126 : f32 to vector<16xf32>
      %max3A_1129 = arith.maximumf %max3A_1128, %sub3A_1121 : vector<16xf32>
      %min3A_1130 = vector.broadcast %jit3A_1127 : f32 to vector<16xf32>
      %min3A_1131 = arith.minimumf %min3A_1130, %max3A_1129 : vector<16xf32>
      %jit3A_1132 = arith.constant 0.000000e+00 : f32
      %jit3A_1133 = arith.constant 3.820000e+02 : f32
      %max3A_1134 = vector.broadcast %jit3A_1132 : f32 to vector<16xf32>
      %max3A_1135 = arith.maximumf %max3A_1134, %sub3A_1125 : vector<16xf32>
      %min3A_1136 = vector.broadcast %jit3A_1133 : f32 to vector<16xf32>
      %min3A_1137 = arith.minimumf %min3A_1136, %max3A_1135 : vector<16xf32>
      %convert_element_type3A_1138 = arith.fptosi %min3A_1131 : vector<16xf32> to vector<16xi32>
      %convert_element_type3A_1139 = arith.fptosi %min3A_1137 : vector<16xf32> to vector<16xi32>
      %convert_element_type3A_1140 = arith.sitofp %convert_element_type3A_1138 : vector<16xi32> to vector<16xf32>
      %sub3A_1141 = arith.subf %sub3A_1121, %convert_element_type3A_1140 : vector<16xf32>
      %jit3A_1142 = arith.constant 0.000000e+00 : f32
      %jit3A_1143 = arith.constant 1.000000e+00 : f32
      %max3A_1144 = vector.broadcast %jit3A_1142 : f32 to vector<16xf32>
      %max3A_1145 = arith.maximumf %max3A_1144, %sub3A_1141 : vector<16xf32>
      %min3A_1146 = vector.broadcast %jit3A_1143 : f32 to vector<16xf32>
      %min3A_1147 = arith.minimumf %min3A_1146, %max3A_1145 : vector<16xf32>
      %convert_element_type3A_1148 = arith.sitofp %convert_element_type3A_1139 : vector<16xi32> to vector<16xf32>
      %sub3A_1149 = arith.subf %sub3A_1125, %convert_element_type3A_1148 : vector<16xf32>
      %jit3A_1150 = arith.constant 0.000000e+00 : f32
      %jit3A_1151 = arith.constant 1.000000e+00 : f32
      %max3A_1152 = vector.broadcast %jit3A_1150 : f32 to vector<16xf32>
      %max3A_1153 = arith.maximumf %max3A_1152, %sub3A_1149 : vector<16xf32>
      %min3A_1154 = vector.broadcast %jit3A_1151 : f32 to vector<16xf32>
      %min3A_1155 = arith.minimumf %min3A_1154, %max3A_1153 : vector<16xf32>
      %sub3A_1156 = arith.subi %select_n3A_1110, %rem3A_1117 : vector<16xi32>
      %add3A_1157 = arith.addi %sub3A_1156, %convert_element_type3A_1138 : vector<16xi32>
      %mul3A_1158 = arith.constant 384 : i32
      %mul3A_1159 = vector.broadcast %mul3A_1158 : i32 to vector<16xi32>
      %mul3A_1160 = arith.muli %add3A_1157, %mul3A_1159 : vector<16xi32>
      %add3A_1161 = arith.addi %mul3A_1160, %convert_element_type3A_1139 : vector<16xi32>
      %swap3A_1162 = arith.constant 0 : index
      %swap3A_1163 = tpu.vector_load %arg14[%swap3A_1162] {strides = array<i32>} : memref<128xi32, #tpu.memory_space<vmem>>, vector<16xi32>,
      tpu.vector_store %arg14[%swap3A_1162], %add3A_1161 {strides = array<i32>} : memref<128xi32, #tpu.memory_space<vmem>>, vector<16xi32>,
      %add3A_1164 = arith.constant 1 : i32
      %add3A_1165 = vector.broadcast %add3A_1164 : i32 to vector<16xi32>
      %add3A_1166 = arith.addi %add3A_1161, %add3A_1165 : vector<16xi32>
      %swap3A_1167 = arith.constant 0 : index
      %swap3A_1168 = tpu.vector_load %arg15[%swap3A_1167] {strides = array<i32>} : memref<128xi32, #tpu.memory_space<vmem>>, vector<16xi32>,
      tpu.vector_store %arg15[%swap3A_1167], %add3A_1166 {strides = array<i32>} : memref<128xi32, #tpu.memory_space<vmem>>, vector<16xi32>,
      %add3A_1169 = arith.constant 384 : i32
      %add3A_1170 = vector.broadcast %add3A_1169 : i32 to vector<16xi32>
      %add3A_1171 = arith.addi %add3A_1161, %add3A_1170 : vector<16xi32>
      %swap3A_1172 = arith.constant 0 : index
      %swap3A_1173 = tpu.vector_load %arg16[%swap3A_1172] {strides = array<i32>} : memref<128xi32, #tpu.memory_space<vmem>>, vector<16xi32>,
      tpu.vector_store %arg16[%swap3A_1172], %add3A_1171 {strides = array<i32>} : memref<128xi32, #tpu.memory_space<vmem>>, vector<16xi32>,
      %add3A_1174 = arith.constant 384 : i32
      %add3A_1175 = vector.broadcast %add3A_1174 : i32 to vector<16xi32>
      %add3A_1176 = arith.addi %add3A_1161, %add3A_1175 : vector<16xi32>
      %add3A_1177 = arith.constant 1 : i32
      %add3A_1178 = vector.broadcast %add3A_1177 : i32 to vector<16xi32>
      %add3A_1179 = arith.addi %add3A_1176, %add3A_1178 : vector<16xi32>
      %swap3A_1180 = arith.constant 0 : index
      %swap3A_1181 = tpu.vector_load %arg17[%swap3A_1180] {strides = array<i32>} : memref<128xi32, #tpu.memory_space<vmem>>, vector<16xi32>,
      tpu.vector_store %arg17[%swap3A_1180], %add3A_1179 {strides = array<i32>} : memref<128xi32, #tpu.memory_space<vmem>>, vector<16xi32>,
      %sub3A_1182 = arith.constant 1.000000e+00 : f32
      %sub3A_1183 = vector.broadcast %sub3A_1182 : f32 to vector<16xf32>
      %sub3A_1184 = arith.subf %sub3A_1183, %min3A_1147 : vector<16xf32>
      %sub3A_1185 = arith.constant 1.000000e+00 : f32
      %sub3A_1186 = vector.broadcast %sub3A_1185 : f32 to vector<16xf32>
      %sub3A_1187 = arith.subf %sub3A_1186, %min3A_1155 : vector<16xf32>
      %mul3A_1188 = arith.mulf %sub3A_1184, %sub3A_1187 : vector<16xf32>
      %swap3A_1189 = arith.constant 0 : index
      %swap3A_1190 = tpu.vector_load %arg22[%swap3A_1189] {strides = array<i32>} : memref<128xf32, #tpu.memory_space<vmem>>, vector<16xf32>,
      tpu.vector_store %arg22[%swap3A_1189], %mul3A_1188 {strides = array<i32>} : memref<128xf32, #tpu.memory_space<vmem>>, vector<16xf32>,
      %mul3A_1191 = arith.mulf %sub3A_1184, %min3A_1155 : vector<16xf32>
      %swap3A_1192 = arith.constant 0 : index
      %swap3A_1193 = tpu.vector_load %arg23[%swap3A_1192] {strides = array<i32>} : memref<128xf32, #tpu.memory_space<vmem>>, vector<16xf32>,
      tpu.vector_store %arg23[%swap3A_1192], %mul3A_1191 {strides = array<i32>} : memref<128xf32, #tpu.memory_space<vmem>>, vector<16xf32>,
      %mul3A_1194 = arith.mulf %min3A_1147, %sub3A_1187 : vector<16xf32>
      %swap3A_1195 = arith.constant 0 : index
      %swap3A_1196 = tpu.vector_load %arg24[%swap3A_1195] {strides = array<i32>} : memref<128xf32, #tpu.memory_space<vmem>>, vector<16xf32>,
      tpu.vector_store %arg24[%swap3A_1195], %mul3A_1194 {strides = array<i32>} : memref<128xf32, #tpu.memory_space<vmem>>, vector<16xf32>,
      %mul3A_1197 = arith.mulf %min3A_1147, %min3A_1155 : vector<16xf32>
      %swap3A_1198 = arith.constant 0 : index
      %swap3A_1199 = tpu.vector_load %arg25[%swap3A_1198] {strides = array<i32>} : memref<128xf32, #tpu.memory_space<vmem>>, vector<16xf32>,
      tpu.vector_store %arg25[%swap3A_1198], %mul3A_1197 {strides = array<i32>} : memref<128xf32, #tpu.memory_space<vmem>>, vector<16xf32>,
      %add3A_1200 = arith.constant 16 : i32
      %add3A_1201 = arith.addi %add3A_1074, %add3A_1200 : i32
      %add3A_1202 = vector.broadcast %add3A_1201 : i32 to vector<16xi32>
      %add3A_1203 = arith.addi %add3A_1202, %iota3A_1075 : vector<16xi32>
      %jit3A_1204 = arith.constant 384 : i32
      %div3A_1205 = vector.broadcast %jit3A_1204 : i32 to vector<16xi32>
      %div3A_1206 = arith.divsi %add3A_1203, %div3A_1205 : vector<16xi32>
      %sign3A_1207 = arith.constant 0 : i32
      %sign3A_1208 = vector.broadcast %sign3A_1207 : i32 to vector<16xi32>
      %sign3A_1209 = arith.cmpi sgt, %add3A_1203, %sign3A_1208 : vector<16xi32>
      %sign3A_1210 = arith.extui %sign3A_1209 : vector<16xi1> to vector<16xi32>
      %sign3A_1211 = arith.constant 0 : i32
      %sign3A_1212 = vector.broadcast %sign3A_1211 : i32 to vector<16xi32>
      %sign3A_1213 = arith.cmpi slt, %add3A_1203, %sign3A_1212 : vector<16xi32>
      %sign3A_1214 = arith.extui %sign3A_1213 : vector<16xi1> to vector<16xi32>
      %sign3A_1215 = arith.subi %sign3A_1210, %sign3A_1214 : vector<16xi32>
      %sign3A_1216 = arith.constant 0 : i32
      %sign3A_1217 = arith.cmpi sgt, %jit3A_1204, %sign3A_1216 : i32
      %sign3A_1218 = arith.extui %sign3A_1217 : i1 to i32
      %sign3A_1219 = arith.constant 0 : i32
      %sign3A_1220 = arith.cmpi slt, %jit3A_1204, %sign3A_1219 : i32
      %sign3A_1221 = arith.extui %sign3A_1220 : i1 to i32
      %sign3A_1222 = arith.subi %sign3A_1218, %sign3A_1221 : i32
      %ne3A_1223 = vector.broadcast %sign3A_1222 : i32 to vector<16xi32>
      %ne3A_1224 = arith.cmpi ne, %sign3A_1215, %ne3A_1223 : vector<16xi32>
      %rem3A_1225 = vector.broadcast %jit3A_1204 : i32 to vector<16xi32>
      %rem3A_1226 = arith.remsi %add3A_1203, %rem3A_1225 : vector<16xi32>
      %ne3A_1227 = arith.constant 0 : i32
      %ne3A_1228 = vector.broadcast %ne3A_1227 : i32 to vector<16xi32>
      %ne3A_1229 = arith.cmpi ne, %rem3A_1226, %ne3A_1228 : vector<16xi32>
      %and3A_1230 = arith.andi %ne3A_1224, %ne3A_1229 : vector<16xi1>
      %sub3A_1231 = arith.constant 1 : i32
      %sub3A_1232 = vector.broadcast %sub3A_1231 : i32 to vector<16xi32>
      %sub3A_1233 = arith.subi %div3A_1206, %sub3A_1232 : vector<16xi32>
      %select_n3A_1234 = arith.select %and3A_1230, %sub3A_1233, %div3A_1206 : vector<16xi1>, vector<16xi32>
      %mul3A_1235 = arith.constant 384 : i32
      %mul3A_1236 = vector.broadcast %mul3A_1235 : i32 to vector<16xi32>
      %mul3A_1237 = arith.muli %select_n3A_1234, %mul3A_1236 : vector<16xi32>
      %sub3A_1238 = arith.subi %add3A_1203, %mul3A_1237 : vector<16xi32>
      %rem3A_1239 = arith.constant 384 : i32
      %rem3A_1240 = vector.broadcast %rem3A_1239 : i32 to vector<16xi32>
      %rem3A_1241 = arith.remsi %select_n3A_1234, %rem3A_1240 : vector<16xi32>
      %convert_element_type3A_1242 = arith.sitofp %rem3A_1241 : vector<16xi32> to vector<16xf32>
      %get3A_1243 = arith.constant 16 : index
      %get3A_1244 = tpu.vector_load %arg7[%get3A_1243] {strides = array<i32>} : memref<128xf32, #tpu.memory_space<vmem>>, vector<16xf32>,
      %sub3A_1245 = arith.subf %convert_element_type3A_1242, %get3A_1244 : vector<16xf32>
      %convert_element_type3A_1246 = arith.sitofp %sub3A_1238 : vector<16xi32> to vector<16xf32>
      %get3A_1247 = arith.constant 16 : index
      %get3A_1248 = tpu.vector_load %arg9[%get3A_1247] {strides = array<i32>} : memref<128xf32, #tpu.memory_space<vmem>>, vector<16xf32>,
      %sub3A_1249 = arith.subf %convert_element_type3A_1246, %get3A_1248 : vector<16xf32>
      %jit3A_1250 = arith.constant 0.000000e+00 : f32
      %jit3A_1251 = arith.constant 3.820000e+02 : f32
      %max3A_1252 = vector.broadcast %jit3A_1250 : f32 to vector<16xf32>
      %max3A_1253 = arith.maximumf %max3A_1252, %sub3A_1245 : vector<16xf32>
      %min3A_1254 = vector.broadcast %jit3A_1251 : f32 to vector<16xf32>
      %min3A_1255 = arith.minimumf %min3A_1254, %max3A_1253 : vector<16xf32>
      %jit3A_1256 = arith.constant 0.000000e+00 : f32
      %jit3A_1257 = arith.constant 3.820000e+02 : f32
      %max3A_1258 = vector.broadcast %jit3A_1256 : f32 to vector<16xf32>
      %max3A_1259 = arith.maximumf %max3A_1258, %sub3A_1249 : vector<16xf32>
      %min3A_1260 = vector.broadcast %jit3A_1257 : f32 to vector<16xf32>
      %min3A_1261 = arith.minimumf %min3A_1260, %max3A_1259 : vector<16xf32>
      %convert_element_type3A_1262 = arith.fptosi %min3A_1255 : vector<16xf32> to vector<16xi32>
      %convert_element_type3A_1263 = arith.fptosi %min3A_1261 : vector<16xf32> to vector<16xi32>
      %convert_element_type3A_1264 = arith.sitofp %convert_element_type3A_1262 : vector<16xi32> to vector<16xf32>
      %sub3A_1265 = arith.subf %sub3A_1245, %convert_element_type3A_1264 : vector<16xf32>
      %jit3A_1266 = arith.constant 0.000000e+00 : f32
      %jit3A_1267 = arith.constant 1.000000e+00 : f32
      %max3A_1268 = vector.broadcast %jit3A_1266 : f32 to vector<16xf32>
      %max3A_1269 = arith.maximumf %max3A_1268, %sub3A_1265 : vector<16xf32>
      %min3A_1270 = vector.broadcast %jit3A_1267 : f32 to vector<16xf32>
      %min3A_1271 = arith.minimumf %min3A_1270, %max3A_1269 : vector<16xf32>
      %convert_element_type3A_1272 = arith.sitofp %convert_element_type3A_1263 : vector<16xi32> to vector<16xf32>
      %sub3A_1273 = arith.subf %sub3A_1249, %convert_element_type3A_1272 : vector<16xf32>
      %jit3A_1274 = arith.constant 0.000000e+00 : f32
      %jit3A_1275 = arith.constant 1.000000e+00 : f32
      %max3A_1276 = vector.broadcast %jit3A_1274 : f32 to vector<16xf32>
      %max3A_1277 = arith.maximumf %max3A_1276, %sub3A_1273 : vector<16xf32>
      %min3A_1278 = vector.broadcast %jit3A_1275 : f32 to vector<16xf32>
      %min3A_1279 = arith.minimumf %min3A_1278, %max3A_1277 : vector<16xf32>
      %sub3A_1280 = arith.subi %select_n3A_1234, %rem3A_1241 : vector<16xi32>
      %add3A_1281 = arith.addi %sub3A_1280, %convert_element_type3A_1262 : vector<16xi32>
      %mul3A_1282 = arith.constant 384 : i32
      %mul3A_1283 = vector.broadcast %mul3A_1282 : i32 to vector<16xi32>
      %mul3A_1284 = arith.muli %add3A_1281, %mul3A_1283 : vector<16xi32>
      %add3A_1285 = arith.addi %mul3A_1284, %convert_element_type3A_1263 : vector<16xi32>
      %swap3A_1286 = arith.constant 16 : index
      %swap3A_1287 = tpu.vector_load %arg14[%swap3A_1286] {strides = array<i32>} : memref<128xi32, #tpu.memory_space<vmem>>, vector<16xi32>,
      tpu.vector_store %arg14[%swap3A_1286], %add3A_1285 {strides = array<i32>} : memref<128xi32, #tpu.memory_space<vmem>>, vector<16xi32>,
      %add3A_1288 = arith.constant 1 : i32
      %add3A_1289 = vector.broadcast %add3A_1288 : i32 to vector<16xi32>
      %add3A_1290 = arith.addi %add3A_1285, %add3A_1289 : vector<16xi32>
      %swap3A_1291 = arith.constant 16 : index
      %swap3A_1292 = tpu.vector_load %arg15[%swap3A_1291] {strides = array<i32>} : memref<128xi32, #tpu.memory_space<vmem>>, vector<16xi32>,
      tpu.vector_store %arg15[%swap3A_1291], %add3A_1290 {strides = array<i32>} : memref<128xi32, #tpu.memory_space<vmem>>, vector<16xi32>,
      %add3A_1293 = arith.constant 384 : i32
      %add3A_1294 = vector.broadcast %add3A_1293 : i32 to vector<16xi32>
      %add3A_1295 = arith.addi %add3A_1285, %add3A_1294 : vector<16xi32>
      %swap3A_1296 = arith.constant 16 : index
      %swap3A_1297 = tpu.vector_load %arg16[%swap3A_1296] {strides = array<i32>} : memref<128xi32, #tpu.memory_space<vmem>>, vector<16xi32>,
      tpu.vector_store %arg16[%swap3A_1296], %add3A_1295 {strides = array<i32>} : memref<128xi32, #tpu.memory_space<vmem>>, vector<16xi32>,
      %add3A_1298 = arith.constant 384 : i32
      %add3A_1299 = vector.broadcast %add3A_1298 : i32 to vector<16xi32>
      %add3A_1300 = arith.addi %add3A_1285, %add3A_1299 : vector<16xi32>
      %add3A_1301 = arith.constant 1 : i32
      %add3A_1302 = vector.broadcast %add3A_1301 : i32 to vector<16xi32>
      %add3A_1303 = arith.addi %add3A_1300, %add3A_1302 : vector<16xi32>
      %swap3A_1304 = arith.constant 16 : index
      %swap3A_1305 = tpu.vector_load %arg17[%swap3A_1304] {strides = array<i32>} : memref<128xi32, #tpu.memory_space<vmem>>, vector<16xi32>,
      tpu.vector_store %arg17[%swap3A_1304], %add3A_1303 {strides = array<i32>} : memref<128xi32, #tpu.memory_space<vmem>>, vector<16xi32>,
      %sub3A_1306 = arith.constant 1.000000e+00 : f32
      %sub3A_1307 = vector.broadcast %sub3A_1306 : f32 to vector<16xf32>
      %sub3A_1308 = arith.subf %sub3A_1307, %min3A_1271 : vector<16xf32>
      %sub3A_1309 = arith.constant 1.000000e+00 : f32
      %sub3A_1310 = vector.broadcast %sub3A_1309 : f32 to vector<16xf32>
      %sub3A_1311 = arith.subf %sub3A_1310, %min3A_1279 : vector<16xf32>
      %mul3A_1312 = arith.mulf %sub3A_1308, %sub3A_1311 : vector<16xf32>
      %swap3A_1313 = arith.constant 16 : index
      %swap3A_1314 = tpu.vector_load %arg22[%swap3A_1313] {strides = array<i32>} : memref<128xf32, #tpu.memory_space<vmem>>, vector<16xf32>,
      tpu.vector_store %arg22[%swap3A_1313], %mul3A_1312 {strides = array<i32>} : memref<128xf32, #tpu.memory_space<vmem>>, vector<16xf32>,
      %mul3A_1315 = arith.mulf %sub3A_1308, %min3A_1279 : vector<16xf32>
      %swap3A_1316 = arith.constant 16 : index
      %swap3A_1317 = tpu.vector_load %arg23[%swap3A_1316] {strides = array<i32>} : memref<128xf32, #tpu.memory_space<vmem>>, vector<16xf32>,
      tpu.vector_store %arg23[%swap3A_1316], %mul3A_1315 {strides = array<i32>} : memref<128xf32, #tpu.memory_space<vmem>>, vector<16xf32>,
      %mul3A_1318 = arith.mulf %min3A_1271, %sub3A_1311 : vector<16xf32>
      %swap3A_1319 = arith.constant 16 : index
      %swap3A_1320 = tpu.vector_load %arg24[%swap3A_1319] {strides = array<i32>} : memref<128xf32, #tpu.memory_space<vmem>>, vector<16xf32>,
      tpu.vector_store %arg24[%swap3A_1319], %mul3A_1318 {strides = array<i32>} : memref<128xf32, #tpu.memory_space<vmem>>, vector<16xf32>,
      %mul3A_1321 = arith.mulf %min3A_1271, %min3A_1279 : vector<16xf32>
      %swap3A_1322 = arith.constant 16 : index
      %swap3A_1323 = tpu.vector_load %arg25[%swap3A_1322] {strides = array<i32>} : memref<128xf32, #tpu.memory_space<vmem>>, vector<16xf32>,
      tpu.vector_store %arg25[%swap3A_1322], %mul3A_1321 {strides = array<i32>} : memref<128xf32, #tpu.memory_space<vmem>>, vector<16xf32>,
      %add3A_1324 = arith.constant 32 : i32
      %add3A_1325 = arith.addi %add3A_1074, %add3A_1324 : i32
      %add3A_1326 = vector.broadcast %add3A_1325 : i32 to vector<16xi32>
      %add3A_1327 = arith.addi %add3A_1326, %iota3A_1075 : vector<16xi32>
      %jit3A_1328 = arith.constant 384 : i32
      %div3A_1329 = vector.broadcast %jit3A_1328 : i32 to vector<16xi32>
      %div3A_1330 = arith.divsi %add3A_1327, %div3A_1329 : vector<16xi32>
      %sign3A_1331 = arith.constant 0 : i32
      %sign3A_1332 = vector.broadcast %sign3A_1331 : i32 to vector<16xi32>
      %sign3A_1333 = arith.cmpi sgt, %add3A_1327, %sign3A_1332 : vector<16xi32>
      %sign3A_1334 = arith.extui %sign3A_1333 : vector<16xi1> to vector<16xi32>
      %sign3A_1335 = arith.constant 0 : i32
      %sign3A_1336 = vector.broadcast %sign3A_1335 : i32 to vector<16xi32>
      %sign3A_1337 = arith.cmpi slt, %add3A_1327, %sign3A_1336 : vector<16xi32>
      %sign3A_1338 = arith.extui %sign3A_1337 : vector<16xi1> to vector<16xi32>
      %sign3A_1339 = arith.subi %sign3A_1334, %sign3A_1338 : vector<16xi32>
      %sign3A_1340 = arith.constant 0 : i32
      %sign3A_1341 = arith.cmpi sgt, %jit3A_1328, %sign3A_1340 : i32
      %sign3A_1342 = arith.extui %sign3A_1341 : i1 to i32
      %sign3A_1343 = arith.constant 0 : i32
      %sign3A_1344 = arith.cmpi slt, %jit3A_1328, %sign3A_1343 : i32
      %sign3A_1345 = arith.extui %sign3A_1344 : i1 to i32
      %sign3A_1346 = arith.subi %sign3A_1342, %sign3A_1345 : i32
      %ne3A_1347 = vector.broadcast %sign3A_1346 : i32 to vector<16xi32>
      %ne3A_1348 = arith.cmpi ne, %sign3A_1339, %ne3A_1347 : vector<16xi32>
      %rem3A_1349 = vector.broadcast %jit3A_1328 : i32 to vector<16xi32>
      %rem3A_1350 = arith.remsi %add3A_1327, %rem3A_1349 : vector<16xi32>
      %ne3A_1351 = arith.constant 0 : i32
      %ne3A_1352 = vector.broadcast %ne3A_1351 : i32 to vector<16xi32>
      %ne3A_1353 = arith.cmpi ne, %rem3A_1350, %ne3A_1352 : vector<16xi32>
      %and3A_1354 = arith.andi %ne3A_1348, %ne3A_1353 : vector<16xi1>
      %sub3A_1355 = arith.constant 1 : i32
      %sub3A_1356 = vector.broadcast %sub3A_1355 : i32 to vector<16xi32>
      %sub3A_1357 = arith.subi %div3A_1330, %sub3A_1356 : vector<16xi32>
      %select_n3A_1358 = arith.select %and3A_1354, %sub3A_1357, %div3A_1330 : vector<16xi1>, vector<16xi32>
      %mul3A_1359 = arith.constant 384 : i32
      %mul3A_1360 = vector.broadcast %mul3A_1359 : i32 to vector<16xi32>
      %mul3A_1361 = arith.muli %select_n3A_1358, %mul3A_1360 : vector<16xi32>
      %sub3A_1362 = arith.subi %add3A_1327, %mul3A_1361 : vector<16xi32>
      %rem3A_1363 = arith.constant 384 : i32
      %rem3A_1364 = vector.broadcast %rem3A_1363 : i32 to vector<16xi32>
      %rem3A_1365 = arith.remsi %select_n3A_1358, %rem3A_1364 : vector<16xi32>
      %convert_element_type3A_1366 = arith.sitofp %rem3A_1365 : vector<16xi32> to vector<16xf32>
      %get3A_1367 = arith.constant 32 : index
      %get3A_1368 = tpu.vector_load %arg7[%get3A_1367] {strides = array<i32>} : memref<128xf32, #tpu.memory_space<vmem>>, vector<16xf32>,
      %sub3A_1369 = arith.subf %convert_element_type3A_1366, %get3A_1368 : vector<16xf32>
      %convert_element_type3A_1370 = arith.sitofp %sub3A_1362 : vector<16xi32> to vector<16xf32>
      %get3A_1371 = arith.constant 32 : index
      %get3A_1372 = tpu.vector_load %arg9[%get3A_1371] {strides = array<i32>} : memref<128xf32, #tpu.memory_space<vmem>>, vector<16xf32>,
      %sub3A_1373 = arith.subf %convert_element_type3A_1370, %get3A_1372 : vector<16xf32>
      %jit3A_1374 = arith.constant 0.000000e+00 : f32
      %jit3A_1375 = arith.constant 3.820000e+02 : f32
      %max3A_1376 = vector.broadcast %jit3A_1374 : f32 to vector<16xf32>
      %max3A_1377 = arith.maximumf %max3A_1376, %sub3A_1369 : vector<16xf32>
      %min3A_1378 = vector.broadcast %jit3A_1375 : f32 to vector<16xf32>
      %min3A_1379 = arith.minimumf %min3A_1378, %max3A_1377 : vector<16xf32>
      %jit3A_1380 = arith.constant 0.000000e+00 : f32
      %jit3A_1381 = arith.constant 3.820000e+02 : f32
      %max3A_1382 = vector.broadcast %jit3A_1380 : f32 to vector<16xf32>
      %max3A_1383 = arith.maximumf %max3A_1382, %sub3A_1373 : vector<16xf32>
      %min3A_1384 = vector.broadcast %jit3A_1381 : f32 to vector<16xf32>
      %min3A_1385 = arith.minimumf %min3A_1384, %max3A_1383 : vector<16xf32>
      %convert_element_type3A_1386 = arith.fptosi %min3A_1379 : vector<16xf32> to vector<16xi32>
      %convert_element_type3A_1387 = arith.fptosi %min3A_1385 : vector<16xf32> to vector<16xi32>
      %convert_element_type3A_1388 = arith.sitofp %convert_element_type3A_1386 : vector<16xi32> to vector<16xf32>
      %sub3A_1389 = arith.subf %sub3A_1369, %convert_element_type3A_1388 : vector<16xf32>
      %jit3A_1390 = arith.constant 0.000000e+00 : f32
      %jit3A_1391 = arith.constant 1.000000e+00 : f32
      %max3A_1392 = vector.broadcast %jit3A_1390 : f32 to vector<16xf32>
      %max3A_1393 = arith.maximumf %max3A_1392, %sub3A_1389 : vector<16xf32>
      %min3A_1394 = vector.broadcast %jit3A_1391 : f32 to vector<16xf32>
      %min3A_1395 = arith.minimumf %min3A_1394, %max3A_1393 : vector<16xf32>
      %convert_element_type3A_1396 = arith.sitofp %convert_element_type3A_1387 : vector<16xi32> to vector<16xf32>
      %sub3A_1397 = arith.subf %sub3A_1373, %convert_element_type3A_1396 : vector<16xf32>
      %jit3A_1398 = arith.constant 0.000000e+00 : f32
      %jit3A_1399 = arith.constant 1.000000e+00 : f32
      %max3A_1400 = vector.broadcast %jit3A_1398 : f32 to vector<16xf32>
      %max3A_1401 = arith.maximumf %max3A_1400, %sub3A_1397 : vector<16xf32>
      %min3A_1402 = vector.broadcast %jit3A_1399 : f32 to vector<16xf32>
      %min3A_1403 = arith.minimumf %min3A_1402, %max3A_1401 : vector<16xf32>
      %sub3A_1404 = arith.subi %select_n3A_1358, %rem3A_1365 : vector<16xi32>
      %add3A_1405 = arith.addi %sub3A_1404, %convert_element_type3A_1386 : vector<16xi32>
      %mul3A_1406 = arith.constant 384 : i32
      %mul3A_1407 = vector.broadcast %mul3A_1406 : i32 to vector<16xi32>
      %mul3A_1408 = arith.muli %add3A_1405, %mul3A_1407 : vector<16xi32>
      %add3A_1409 = arith.addi %mul3A_1408, %convert_element_type3A_1387 : vector<16xi32>
      %swap3A_1410 = arith.constant 32 : index
      %swap3A_1411 = tpu.vector_load %arg14[%swap3A_1410] {strides = array<i32>} : memref<128xi32, #tpu.memory_space<vmem>>, vector<16xi32>,
      tpu.vector_store %arg14[%swap3A_1410], %add3A_1409 {strides = array<i32>} : memref<128xi32, #tpu.memory_space<vmem>>, vector<16xi32>,
      %add3A_1412 = arith.constant 1 : i32
      %add3A_1413 = vector.broadcast %add3A_1412 : i32 to vector<16xi32>
      %add3A_1414 = arith.addi %add3A_1409, %add3A_1413 : vector<16xi32>
      %swap3A_1415 = arith.constant 32 : index
      %swap3A_1416 = tpu.vector_load %arg15[%swap3A_1415] {strides = array<i32>} : memref<128xi32, #tpu.memory_space<vmem>>, vector<16xi32>,
      tpu.vector_store %arg15[%swap3A_1415], %add3A_1414 {strides = array<i32>} : memref<128xi32, #tpu.memory_space<vmem>>, vector<16xi32>,
      %add3A_1417 = arith.constant 384 : i32
      %add3A_1418 = vector.broadcast %add3A_1417 : i32 to vector<16xi32>
      %add3A_1419 = arith.addi %add3A_1409, %add3A_1418 : vector<16xi32>
      %swap3A_1420 = arith.constant 32 : index
      %swap3A_1421 = tpu.vector_load %arg16[%swap3A_1420] {strides = array<i32>} : memref<128xi32, #tpu.memory_space<vmem>>, vector<16xi32>,
      tpu.vector_store %arg16[%swap3A_1420], %add3A_1419 {strides = array<i32>} : memref<128xi32, #tpu.memory_space<vmem>>, vector<16xi32>,
      %add3A_1422 = arith.constant 384 : i32
      %add3A_1423 = vector.broadcast %add3A_1422 : i32 to vector<16xi32>
      %add3A_1424 = arith.addi %add3A_1409, %add3A_1423 : vector<16xi32>
      %add3A_1425 = arith.constant 1 : i32
      %add3A_1426 = vector.broadcast %add3A_1425 : i32 to vector<16xi32>
      %add3A_1427 = arith.addi %add3A_1424, %add3A_1426 : vector<16xi32>
      %swap3A_1428 = arith.constant 32 : index
      %swap3A_1429 = tpu.vector_load %arg17[%swap3A_1428] {strides = array<i32>} : memref<128xi32, #tpu.memory_space<vmem>>, vector<16xi32>,
      tpu.vector_store %arg17[%swap3A_1428], %add3A_1427 {strides = array<i32>} : memref<128xi32, #tpu.memory_space<vmem>>, vector<16xi32>,
      %sub3A_1430 = arith.constant 1.000000e+00 : f32
      %sub3A_1431 = vector.broadcast %sub3A_1430 : f32 to vector<16xf32>
      %sub3A_1432 = arith.subf %sub3A_1431, %min3A_1395 : vector<16xf32>
      %sub3A_1433 = arith.constant 1.000000e+00 : f32
      %sub3A_1434 = vector.broadcast %sub3A_1433 : f32 to vector<16xf32>
      %sub3A_1435 = arith.subf %sub3A_1434, %min3A_1403 : vector<16xf32>
      %mul3A_1436 = arith.mulf %sub3A_1432, %sub3A_1435 : vector<16xf32>
      %swap3A_1437 = arith.constant 32 : index
      %swap3A_1438 = tpu.vector_load %arg22[%swap3A_1437] {strides = array<i32>} : memref<128xf32, #tpu.memory_space<vmem>>, vector<16xf32>,
      tpu.vector_store %arg22[%swap3A_1437], %mul3A_1436 {strides = array<i32>} : memref<128xf32, #tpu.memory_space<vmem>>, vector<16xf32>,
      %mul3A_1439 = arith.mulf %sub3A_1432, %min3A_1403 : vector<16xf32>
      %swap3A_1440 = arith.constant 32 : index
      %swap3A_1441 = tpu.vector_load %arg23[%swap3A_1440] {strides = array<i32>} : memref<128xf32, #tpu.memory_space<vmem>>, vector<16xf32>,
      tpu.vector_store %arg23[%swap3A_1440], %mul3A_1439 {strides = array<i32>} : memref<128xf32, #tpu.memory_space<vmem>>, vector<16xf32>,
      %mul3A_1442 = arith.mulf %min3A_1395, %sub3A_1435 : vector<16xf32>
      %swap3A_1443 = arith.constant 32 : index
      %swap3A_1444 = tpu.vector_load %arg24[%swap3A_1443] {strides = array<i32>} : memref<128xf32, #tpu.memory_space<vmem>>, vector<16xf32>,
      tpu.vector_store %arg24[%swap3A_1443], %mul3A_1442 {strides = array<i32>} : memref<128xf32, #tpu.memory_space<vmem>>, vector<16xf32>,
      %mul3A_1445 = arith.mulf %min3A_1395, %min3A_1403 : vector<16xf32>
      %swap3A_1446 = arith.constant 32 : index
      %swap3A_1447 = tpu.vector_load %arg25[%swap3A_1446] {strides = array<i32>} : memref<128xf32, #tpu.memory_space<vmem>>, vector<16xf32>,
      tpu.vector_store %arg25[%swap3A_1446], %mul3A_1445 {strides = array<i32>} : memref<128xf32, #tpu.memory_space<vmem>>, vector<16xf32>,
      %add3A_1448 = arith.constant 48 : i32
      %add3A_1449 = arith.addi %add3A_1074, %add3A_1448 : i32
      %add3A_1450 = vector.broadcast %add3A_1449 : i32 to vector<16xi32>
      %add3A_1451 = arith.addi %add3A_1450, %iota3A_1075 : vector<16xi32>
      %jit3A_1452 = arith.constant 384 : i32
      %div3A_1453 = vector.broadcast %jit3A_1452 : i32 to vector<16xi32>
      %div3A_1454 = arith.divsi %add3A_1451, %div3A_1453 : vector<16xi32>
      %sign3A_1455 = arith.constant 0 : i32
      %sign3A_1456 = vector.broadcast %sign3A_1455 : i32 to vector<16xi32>
      %sign3A_1457 = arith.cmpi sgt, %add3A_1451, %sign3A_1456 : vector<16xi32>
      %sign3A_1458 = arith.extui %sign3A_1457 : vector<16xi1> to vector<16xi32>
      %sign3A_1459 = arith.constant 0 : i32
      %sign3A_1460 = vector.broadcast %sign3A_1459 : i32 to vector<16xi32>
      %sign3A_1461 = arith.cmpi slt, %add3A_1451, %sign3A_1460 : vector<16xi32>
      %sign3A_1462 = arith.extui %sign3A_1461 : vector<16xi1> to vector<16xi32>
      %sign3A_1463 = arith.subi %sign3A_1458, %sign3A_1462 : vector<16xi32>
      %sign3A_1464 = arith.constant 0 : i32
      %sign3A_1465 = arith.cmpi sgt, %jit3A_1452, %sign3A_1464 : i32
      %sign3A_1466 = arith.extui %sign3A_1465 : i1 to i32
      %sign3A_1467 = arith.constant 0 : i32
      %sign3A_1468 = arith.cmpi slt, %jit3A_1452, %sign3A_1467 : i32
      %sign3A_1469 = arith.extui %sign3A_1468 : i1 to i32
      %sign3A_1470 = arith.subi %sign3A_1466, %sign3A_1469 : i32
      %ne3A_1471 = vector.broadcast %sign3A_1470 : i32 to vector<16xi32>
      %ne3A_1472 = arith.cmpi ne, %sign3A_1463, %ne3A_1471 : vector<16xi32>
      %rem3A_1473 = vector.broadcast %jit3A_1452 : i32 to vector<16xi32>
      %rem3A_1474 = arith.remsi %add3A_1451, %rem3A_1473 : vector<16xi32>
      %ne3A_1475 = arith.constant 0 : i32
      %ne3A_1476 = vector.broadcast %ne3A_1475 : i32 to vector<16xi32>
      %ne3A_1477 = arith.cmpi ne, %rem3A_1474, %ne3A_1476 : vector<16xi32>
      %and3A_1478 = arith.andi %ne3A_1472, %ne3A_1477 : vector<16xi1>
      %sub3A_1479 = arith.constant 1 : i32
      %sub3A_1480 = vector.broadcast %sub3A_1479 : i32 to vector<16xi32>
      %sub3A_1481 = arith.subi %div3A_1454, %sub3A_1480 : vector<16xi32>
      %select_n3A_1482 = arith.select %and3A_1478, %sub3A_1481, %div3A_1454 : vector<16xi1>, vector<16xi32>
      %mul3A_1483 = arith.constant 384 : i32
      %mul3A_1484 = vector.broadcast %mul3A_1483 : i32 to vector<16xi32>
      %mul3A_1485 = arith.muli %select_n3A_1482, %mul3A_1484 : vector<16xi32>
      %sub3A_1486 = arith.subi %add3A_1451, %mul3A_1485 : vector<16xi32>
      %rem3A_1487 = arith.constant 384 : i32
      %rem3A_1488 = vector.broadcast %rem3A_1487 : i32 to vector<16xi32>
      %rem3A_1489 = arith.remsi %select_n3A_1482, %rem3A_1488 : vector<16xi32>
      %convert_element_type3A_1490 = arith.sitofp %rem3A_1489 : vector<16xi32> to vector<16xf32>
      %get3A_1491 = arith.constant 48 : index
      %get3A_1492 = tpu.vector_load %arg7[%get3A_1491] {strides = array<i32>} : memref<128xf32, #tpu.memory_space<vmem>>, vector<16xf32>,
      %sub3A_1493 = arith.subf %convert_element_type3A_1490, %get3A_1492 : vector<16xf32>
      %convert_element_type3A_1494 = arith.sitofp %sub3A_1486 : vector<16xi32> to vector<16xf32>
      %get3A_1495 = arith.constant 48 : index
      %get3A_1496 = tpu.vector_load %arg9[%get3A_1495] {strides = array<i32>} : memref<128xf32, #tpu.memory_space<vmem>>, vector<16xf32>,
      %sub3A_1497 = arith.subf %convert_element_type3A_1494, %get3A_1496 : vector<16xf32>
      %jit3A_1498 = arith.constant 0.000000e+00 : f32
      %jit3A_1499 = arith.constant 3.820000e+02 : f32
      %max3A_1500 = vector.broadcast %jit3A_1498 : f32 to vector<16xf32>
      %max3A_1501 = arith.maximumf %max3A_1500, %sub3A_1493 : vector<16xf32>
      %min3A_1502 = vector.broadcast %jit3A_1499 : f32 to vector<16xf32>
      %min3A_1503 = arith.minimumf %min3A_1502, %max3A_1501 : vector<16xf32>
      %jit3A_1504 = arith.constant 0.000000e+00 : f32
      %jit3A_1505 = arith.constant 3.820000e+02 : f32
      %max3A_1506 = vector.broadcast %jit3A_1504 : f32 to vector<16xf32>
      %max3A_1507 = arith.maximumf %max3A_1506, %sub3A_1497 : vector<16xf32>
      %min3A_1508 = vector.broadcast %jit3A_1505 : f32 to vector<16xf32>
      %min3A_1509 = arith.minimumf %min3A_1508, %max3A_1507 : vector<16xf32>
      %convert_element_type3A_1510 = arith.fptosi %min3A_1503 : vector<16xf32> to vector<16xi32>
      %convert_element_type3A_1511 = arith.fptosi %min3A_1509 : vector<16xf32> to vector<16xi32>
      %convert_element_type3A_1512 = arith.sitofp %convert_element_type3A_1510 : vector<16xi32> to vector<16xf32>
      %sub3A_1513 = arith.subf %sub3A_1493, %convert_element_type3A_1512 : vector<16xf32>
      %jit3A_1514 = arith.constant 0.000000e+00 : f32
      %jit3A_1515 = arith.constant 1.000000e+00 : f32
      %max3A_1516 = vector.broadcast %jit3A_1514 : f32 to vector<16xf32>
      %max3A_1517 = arith.maximumf %max3A_1516, %sub3A_1513 : vector<16xf32>
      %min3A_1518 = vector.broadcast %jit3A_1515 : f32 to vector<16xf32>
      %min3A_1519 = arith.minimumf %min3A_1518, %max3A_1517 : vector<16xf32>
      %convert_element_type3A_1520 = arith.sitofp %convert_element_type3A_1511 : vector<16xi32> to vector<16xf32>
      %sub3A_1521 = arith.subf %sub3A_1497, %convert_element_type3A_1520 : vector<16xf32>
      %jit3A_1522 = arith.constant 0.000000e+00 : f32
      %jit3A_1523 = arith.constant 1.000000e+00 : f32
      %max3A_1524 = vector.broadcast %jit3A_1522 : f32 to vector<16xf32>
      %max3A_1525 = arith.maximumf %max3A_1524, %sub3A_1521 : vector<16xf32>
      %min3A_1526 = vector.broadcast %jit3A_1523 : f32 to vector<16xf32>
      %min3A_1527 = arith.minimumf %min3A_1526, %max3A_1525 : vector<16xf32>
      %sub3A_1528 = arith.subi %select_n3A_1482, %rem3A_1489 : vector<16xi32>
      %add3A_1529 = arith.addi %sub3A_1528, %convert_element_type3A_1510 : vector<16xi32>
      %mul3A_1530 = arith.constant 384 : i32
      %mul3A_1531 = vector.broadcast %mul3A_1530 : i32 to vector<16xi32>
      %mul3A_1532 = arith.muli %add3A_1529, %mul3A_1531 : vector<16xi32>
      %add3A_1533 = arith.addi %mul3A_1532, %convert_element_type3A_1511 : vector<16xi32>
      %swap3A_1534 = arith.constant 48 : index
      %swap3A_1535 = tpu.vector_load %arg14[%swap3A_1534] {strides = array<i32>} : memref<128xi32, #tpu.memory_space<vmem>>, vector<16xi32>,
      tpu.vector_store %arg14[%swap3A_1534], %add3A_1533 {strides = array<i32>} : memref<128xi32, #tpu.memory_space<vmem>>, vector<16xi32>,
      %add3A_1536 = arith.constant 1 : i32
      %add3A_1537 = vector.broadcast %add3A_1536 : i32 to vector<16xi32>
      %add3A_1538 = arith.addi %add3A_1533, %add3A_1537 : vector<16xi32>
      %swap3A_1539 = arith.constant 48 : index
      %swap3A_1540 = tpu.vector_load %arg15[%swap3A_1539] {strides = array<i32>} : memref<128xi32, #tpu.memory_space<vmem>>, vector<16xi32>,
      tpu.vector_store %arg15[%swap3A_1539], %add3A_1538 {strides = array<i32>} : memref<128xi32, #tpu.memory_space<vmem>>, vector<16xi32>,
      %add3A_1541 = arith.constant 384 : i32
      %add3A_1542 = vector.broadcast %add3A_1541 : i32 to vector<16xi32>
      %add3A_1543 = arith.addi %add3A_1533, %add3A_1542 : vector<16xi32>
      %swap3A_1544 = arith.constant 48 : index
      %swap3A_1545 = tpu.vector_load %arg16[%swap3A_1544] {strides = array<i32>} : memref<128xi32, #tpu.memory_space<vmem>>, vector<16xi32>,
      tpu.vector_store %arg16[%swap3A_1544], %add3A_1543 {strides = array<i32>} : memref<128xi32, #tpu.memory_space<vmem>>, vector<16xi32>,
      %add3A_1546 = arith.constant 384 : i32
      %add3A_1547 = vector.broadcast %add3A_1546 : i32 to vector<16xi32>
      %add3A_1548 = arith.addi %add3A_1533, %add3A_1547 : vector<16xi32>
      %add3A_1549 = arith.constant 1 : i32
      %add3A_1550 = vector.broadcast %add3A_1549 : i32 to vector<16xi32>
      %add3A_1551 = arith.addi %add3A_1548, %add3A_1550 : vector<16xi32>
      %swap3A_1552 = arith.constant 48 : index
      %swap3A_1553 = tpu.vector_load %arg17[%swap3A_1552] {strides = array<i32>} : memref<128xi32, #tpu.memory_space<vmem>>, vector<16xi32>,
      tpu.vector_store %arg17[%swap3A_1552], %add3A_1551 {strides = array<i32>} : memref<128xi32, #tpu.memory_space<vmem>>, vector<16xi32>,
      %sub3A_1554 = arith.constant 1.000000e+00 : f32
      %sub3A_1555 = vector.broadcast %sub3A_1554 : f32 to vector<16xf32>
      %sub3A_1556 = arith.subf %sub3A_1555, %min3A_1519 : vector<16xf32>
      %sub3A_1557 = arith.constant 1.000000e+00 : f32
      %sub3A_1558 = vector.broadcast %sub3A_1557 : f32 to vector<16xf32>
      %sub3A_1559 = arith.subf %sub3A_1558, %min3A_1527 : vector<16xf32>
      %mul3A_1560 = arith.mulf %sub3A_1556, %sub3A_1559 : vector<16xf32>
      %swap3A_1561 = arith.constant 48 : index
      %swap3A_1562 = tpu.vector_load %arg22[%swap3A_1561] {strides = array<i32>} : memref<128xf32, #tpu.memory_space<vmem>>, vector<16xf32>,
      tpu.vector_store %arg22[%swap3A_1561], %mul3A_1560 {strides = array<i32>} : memref<128xf32, #tpu.memory_space<vmem>>, vector<16xf32>,
      %mul3A_1563 = arith.mulf %sub3A_1556, %min3A_1527 : vector<16xf32>
      %swap3A_1564 = arith.constant 48 : index
      %swap3A_1565 = tpu.vector_load %arg23[%swap3A_1564] {strides = array<i32>} : memref<128xf32, #tpu.memory_space<vmem>>, vector<16xf32>,
      tpu.vector_store %arg23[%swap3A_1564], %mul3A_1563 {strides = array<i32>} : memref<128xf32, #tpu.memory_space<vmem>>, vector<16xf32>,
      %mul3A_1566 = arith.mulf %min3A_1519, %sub3A_1559 : vector<16xf32>
      %swap3A_1567 = arith.constant 48 : index
      %swap3A_1568 = tpu.vector_load %arg24[%swap3A_1567] {strides = array<i32>} : memref<128xf32, #tpu.memory_space<vmem>>, vector<16xf32>,
      tpu.vector_store %arg24[%swap3A_1567], %mul3A_1566 {strides = array<i32>} : memref<128xf32, #tpu.memory_space<vmem>>, vector<16xf32>,
      %mul3A_1569 = arith.mulf %min3A_1519, %min3A_1527 : vector<16xf32>
      %swap3A_1570 = arith.constant 48 : index
      %swap3A_1571 = tpu.vector_load %arg25[%swap3A_1570] {strides = array<i32>} : memref<128xf32, #tpu.memory_space<vmem>>, vector<16xf32>,
      tpu.vector_store %arg25[%swap3A_1570], %mul3A_1569 {strides = array<i32>} : memref<128xf32, #tpu.memory_space<vmem>>, vector<16xf32>,
      %add3A_1572 = arith.constant 64 : i32
      %add3A_1573 = arith.addi %add3A_1074, %add3A_1572 : i32
      %add3A_1574 = vector.broadcast %add3A_1573 : i32 to vector<16xi32>
      %add3A_1575 = arith.addi %add3A_1574, %iota3A_1075 : vector<16xi32>
      %jit3A_1576 = arith.constant 384 : i32
      %div3A_1577 = vector.broadcast %jit3A_1576 : i32 to vector<16xi32>
      %div3A_1578 = arith.divsi %add3A_1575, %div3A_1577 : vector<16xi32>
      %sign3A_1579 = arith.constant 0 : i32
      %sign3A_1580 = vector.broadcast %sign3A_1579 : i32 to vector<16xi32>
      %sign3A_1581 = arith.cmpi sgt, %add3A_1575, %sign3A_1580 : vector<16xi32>
      %sign3A_1582 = arith.extui %sign3A_1581 : vector<16xi1> to vector<16xi32>
      %sign3A_1583 = arith.constant 0 : i32
      %sign3A_1584 = vector.broadcast %sign3A_1583 : i32 to vector<16xi32>
      %sign3A_1585 = arith.cmpi slt, %add3A_1575, %sign3A_1584 : vector<16xi32>
      %sign3A_1586 = arith.extui %sign3A_1585 : vector<16xi1> to vector<16xi32>
      %sign3A_1587 = arith.subi %sign3A_1582, %sign3A_1586 : vector<16xi32>
      %sign3A_1588 = arith.constant 0 : i32
      %sign3A_1589 = arith.cmpi sgt, %jit3A_1576, %sign3A_1588 : i32
      %sign3A_1590 = arith.extui %sign3A_1589 : i1 to i32
      %sign3A_1591 = arith.constant 0 : i32
      %sign3A_1592 = arith.cmpi slt, %jit3A_1576, %sign3A_1591 : i32
      %sign3A_1593 = arith.extui %sign3A_1592 : i1 to i32
      %sign3A_1594 = arith.subi %sign3A_1590, %sign3A_1593 : i32
      %ne3A_1595 = vector.broadcast %sign3A_1594 : i32 to vector<16xi32>
      %ne3A_1596 = arith.cmpi ne, %sign3A_1587, %ne3A_1595 : vector<16xi32>
      %rem3A_1597 = vector.broadcast %jit3A_1576 : i32 to vector<16xi32>
      %rem3A_1598 = arith.remsi %add3A_1575, %rem3A_1597 : vector<16xi32>
      %ne3A_1599 = arith.constant 0 : i32
      %ne3A_1600 = vector.broadcast %ne3A_1599 : i32 to vector<16xi32>
      %ne3A_1601 = arith.cmpi ne, %rem3A_1598, %ne3A_1600 : vector<16xi32>
      %and3A_1602 = arith.andi %ne3A_1596, %ne3A_1601 : vector<16xi1>
      %sub3A_1603 = arith.constant 1 : i32
      %sub3A_1604 = vector.broadcast %sub3A_1603 : i32 to vector<16xi32>
      %sub3A_1605 = arith.subi %div3A_1578, %sub3A_1604 : vector<16xi32>
      %select_n3A_1606 = arith.select %and3A_1602, %sub3A_1605, %div3A_1578 : vector<16xi1>, vector<16xi32>
      %mul3A_1607 = arith.constant 384 : i32
      %mul3A_1608 = vector.broadcast %mul3A_1607 : i32 to vector<16xi32>
      %mul3A_1609 = arith.muli %select_n3A_1606, %mul3A_1608 : vector<16xi32>
      %sub3A_1610 = arith.subi %add3A_1575, %mul3A_1609 : vector<16xi32>
      %rem3A_1611 = arith.constant 384 : i32
      %rem3A_1612 = vector.broadcast %rem3A_1611 : i32 to vector<16xi32>
      %rem3A_1613 = arith.remsi %select_n3A_1606, %rem3A_1612 : vector<16xi32>
      %convert_element_type3A_1614 = arith.sitofp %rem3A_1613 : vector<16xi32> to vector<16xf32>
      %get3A_1615 = arith.constant 64 : index
      %get3A_1616 = tpu.vector_load %arg7[%get3A_1615] {strides = array<i32>} : memref<128xf32, #tpu.memory_space<vmem>>, vector<16xf32>,
      %sub3A_1617 = arith.subf %convert_element_type3A_1614, %get3A_1616 : vector<16xf32>
      %convert_element_type3A_1618 = arith.sitofp %sub3A_1610 : vector<16xi32> to vector<16xf32>
      %get3A_1619 = arith.constant 64 : index
      %get3A_1620 = tpu.vector_load %arg9[%get3A_1619] {strides = array<i32>} : memref<128xf32, #tpu.memory_space<vmem>>, vector<16xf32>,
      %sub3A_1621 = arith.subf %convert_element_type3A_1618, %get3A_1620 : vector<16xf32>
      %jit3A_1622 = arith.constant 0.000000e+00 : f32
      %jit3A_1623 = arith.constant 3.820000e+02 : f32
      %max3A_1624 = vector.broadcast %jit3A_1622 : f32 to vector<16xf32>
      %max3A_1625 = arith.maximumf %max3A_1624, %sub3A_1617 : vector<16xf32>
      %min3A_1626 = vector.broadcast %jit3A_1623 : f32 to vector<16xf32>
      %min3A_1627 = arith.minimumf %min3A_1626, %max3A_1625 : vector<16xf32>
      %jit3A_1628 = arith.constant 0.000000e+00 : f32
      %jit3A_1629 = arith.constant 3.820000e+02 : f32
      %max3A_1630 = vector.broadcast %jit3A_1628 : f32 to vector<16xf32>
      %max3A_1631 = arith.maximumf %max3A_1630, %sub3A_1621 : vector<16xf32>
      %min3A_1632 = vector.broadcast %jit3A_1629 : f32 to vector<16xf32>
      %min3A_1633 = arith.minimumf %min3A_1632, %max3A_1631 : vector<16xf32>
      %convert_element_type3A_1634 = arith.fptosi %min3A_1627 : vector<16xf32> to vector<16xi32>
      %convert_element_type3A_1635 = arith.fptosi %min3A_1633 : vector<16xf32> to vector<16xi32>
      %convert_element_type3A_1636 = arith.sitofp %convert_element_type3A_1634 : vector<16xi32> to vector<16xf32>
      %sub3A_1637 = arith.subf %sub3A_1617, %convert_element_type3A_1636 : vector<16xf32>
      %jit3A_1638 = arith.constant 0.000000e+00 : f32
      %jit3A_1639 = arith.constant 1.000000e+00 : f32
      %max3A_1640 = vector.broadcast %jit3A_1638 : f32 to vector<16xf32>
      %max3A_1641 = arith.maximumf %max3A_1640, %sub3A_1637 : vector<16xf32>
      %min3A_1642 = vector.broadcast %jit3A_1639 : f32 to vector<16xf32>
      %min3A_1643 = arith.minimumf %min3A_1642, %max3A_1641 : vector<16xf32>
      %convert_element_type3A_1644 = arith.sitofp %convert_element_type3A_1635 : vector<16xi32> to vector<16xf32>
      %sub3A_1645 = arith.subf %sub3A_1621, %convert_element_type3A_1644 : vector<16xf32>
      %jit3A_1646 = arith.constant 0.000000e+00 : f32
      %jit3A_1647 = arith.constant 1.000000e+00 : f32
      %max3A_1648 = vector.broadcast %jit3A_1646 : f32 to vector<16xf32>
      %max3A_1649 = arith.maximumf %max3A_1648, %sub3A_1645 : vector<16xf32>
      %min3A_1650 = vector.broadcast %jit3A_1647 : f32 to vector<16xf32>
      %min3A_1651 = arith.minimumf %min3A_1650, %max3A_1649 : vector<16xf32>
      %sub3A_1652 = arith.subi %select_n3A_1606, %rem3A_1613 : vector<16xi32>
      %add3A_1653 = arith.addi %sub3A_1652, %convert_element_type3A_1634 : vector<16xi32>
      %mul3A_1654 = arith.constant 384 : i32
      %mul3A_1655 = vector.broadcast %mul3A_1654 : i32 to vector<16xi32>
      %mul3A_1656 = arith.muli %add3A_1653, %mul3A_1655 : vector<16xi32>
      %add3A_1657 = arith.addi %mul3A_1656, %convert_element_type3A_1635 : vector<16xi32>
      %swap3A_1658 = arith.constant 64 : index
      %swap3A_1659 = tpu.vector_load %arg14[%swap3A_1658] {strides = array<i32>} : memref<128xi32, #tpu.memory_space<vmem>>, vector<16xi32>,
      tpu.vector_store %arg14[%swap3A_1658], %add3A_1657 {strides = array<i32>} : memref<128xi32, #tpu.memory_space<vmem>>, vector<16xi32>,
      %add3A_1660 = arith.constant 1 : i32
      %add3A_1661 = vector.broadcast %add3A_1660 : i32 to vector<16xi32>
      %add3A_1662 = arith.addi %add3A_1657, %add3A_1661 : vector<16xi32>
      %swap3A_1663 = arith.constant 64 : index
      %swap3A_1664 = tpu.vector_load %arg15[%swap3A_1663] {strides = array<i32>} : memref<128xi32, #tpu.memory_space<vmem>>, vector<16xi32>,
      tpu.vector_store %arg15[%swap3A_1663], %add3A_1662 {strides = array<i32>} : memref<128xi32, #tpu.memory_space<vmem>>, vector<16xi32>,
      %add3A_1665 = arith.constant 384 : i32
      %add3A_1666 = vector.broadcast %add3A_1665 : i32 to vector<16xi32>
      %add3A_1667 = arith.addi %add3A_1657, %add3A_1666 : vector<16xi32>
      %swap3A_1668 = arith.constant 64 : index
      %swap3A_1669 = tpu.vector_load %arg16[%swap3A_1668] {strides = array<i32>} : memref<128xi32, #tpu.memory_space<vmem>>, vector<16xi32>,
      tpu.vector_store %arg16[%swap3A_1668], %add3A_1667 {strides = array<i32>} : memref<128xi32, #tpu.memory_space<vmem>>, vector<16xi32>,
      %add3A_1670 = arith.constant 384 : i32
      %add3A_1671 = vector.broadcast %add3A_1670 : i32 to vector<16xi32>
      %add3A_1672 = arith.addi %add3A_1657, %add3A_1671 : vector<16xi32>
      %add3A_1673 = arith.constant 1 : i32
      %add3A_1674 = vector.broadcast %add3A_1673 : i32 to vector<16xi32>
      %add3A_1675 = arith.addi %add3A_1672, %add3A_1674 : vector<16xi32>
      %swap3A_1676 = arith.constant 64 : index
      %swap3A_1677 = tpu.vector_load %arg17[%swap3A_1676] {strides = array<i32>} : memref<128xi32, #tpu.memory_space<vmem>>, vector<16xi32>,
      tpu.vector_store %arg17[%swap3A_1676], %add3A_1675 {strides = array<i32>} : memref<128xi32, #tpu.memory_space<vmem>>, vector<16xi32>,
      %sub3A_1678 = arith.constant 1.000000e+00 : f32
      %sub3A_1679 = vector.broadcast %sub3A_1678 : f32 to vector<16xf32>
      %sub3A_1680 = arith.subf %sub3A_1679, %min3A_1643 : vector<16xf32>
      %sub3A_1681 = arith.constant 1.000000e+00 : f32
      %sub3A_1682 = vector.broadcast %sub3A_1681 : f32 to vector<16xf32>
      %sub3A_1683 = arith.subf %sub3A_1682, %min3A_1651 : vector<16xf32>
      %mul3A_1684 = arith.mulf %sub3A_1680, %sub3A_1683 : vector<16xf32>
      %swap3A_1685 = arith.constant 64 : index
      %swap3A_1686 = tpu.vector_load %arg22[%swap3A_1685] {strides = array<i32>} : memref<128xf32, #tpu.memory_space<vmem>>, vector<16xf32>,
      tpu.vector_store %arg22[%swap3A_1685], %mul3A_1684 {strides = array<i32>} : memref<128xf32, #tpu.memory_space<vmem>>, vector<16xf32>,
      %mul3A_1687 = arith.mulf %sub3A_1680, %min3A_1651 : vector<16xf32>
      %swap3A_1688 = arith.constant 64 : index
      %swap3A_1689 = tpu.vector_load %arg23[%swap3A_1688] {strides = array<i32>} : memref<128xf32, #tpu.memory_space<vmem>>, vector<16xf32>,
      tpu.vector_store %arg23[%swap3A_1688], %mul3A_1687 {strides = array<i32>} : memref<128xf32, #tpu.memory_space<vmem>>, vector<16xf32>,
      %mul3A_1690 = arith.mulf %min3A_1643, %sub3A_1683 : vector<16xf32>
      %swap3A_1691 = arith.constant 64 : index
      %swap3A_1692 = tpu.vector_load %arg24[%swap3A_1691] {strides = array<i32>} : memref<128xf32, #tpu.memory_space<vmem>>, vector<16xf32>,
      tpu.vector_store %arg24[%swap3A_1691], %mul3A_1690 {strides = array<i32>} : memref<128xf32, #tpu.memory_space<vmem>>, vector<16xf32>,
      %mul3A_1693 = arith.mulf %min3A_1643, %min3A_1651 : vector<16xf32>
      %swap3A_1694 = arith.constant 64 : index
      %swap3A_1695 = tpu.vector_load %arg25[%swap3A_1694] {strides = array<i32>} : memref<128xf32, #tpu.memory_space<vmem>>, vector<16xf32>,
      tpu.vector_store %arg25[%swap3A_1694], %mul3A_1693 {strides = array<i32>} : memref<128xf32, #tpu.memory_space<vmem>>, vector<16xf32>,
      %add3A_1696 = arith.constant 80 : i32
      %add3A_1697 = arith.addi %add3A_1074, %add3A_1696 : i32
      %add3A_1698 = vector.broadcast %add3A_1697 : i32 to vector<16xi32>
      %add3A_1699 = arith.addi %add3A_1698, %iota3A_1075 : vector<16xi32>
      %jit3A_1700 = arith.constant 384 : i32
      %div3A_1701 = vector.broadcast %jit3A_1700 : i32 to vector<16xi32>
      %div3A_1702 = arith.divsi %add3A_1699, %div3A_1701 : vector<16xi32>
      %sign3A_1703 = arith.constant 0 : i32
      %sign3A_1704 = vector.broadcast %sign3A_1703 : i32 to vector<16xi32>
      %sign3A_1705 = arith.cmpi sgt, %add3A_1699, %sign3A_1704 : vector<16xi32>
      %sign3A_1706 = arith.extui %sign3A_1705 : vector<16xi1> to vector<16xi32>
      %sign3A_1707 = arith.constant 0 : i32
      %sign3A_1708 = vector.broadcast %sign3A_1707 : i32 to vector<16xi32>
      %sign3A_1709 = arith.cmpi slt, %add3A_1699, %sign3A_1708 : vector<16xi32>
      %sign3A_1710 = arith.extui %sign3A_1709 : vector<16xi1> to vector<16xi32>
      %sign3A_1711 = arith.subi %sign3A_1706, %sign3A_1710 : vector<16xi32>
      %sign3A_1712 = arith.constant 0 : i32
      %sign3A_1713 = arith.cmpi sgt, %jit3A_1700, %sign3A_1712 : i32
      %sign3A_1714 = arith.extui %sign3A_1713 : i1 to i32
      %sign3A_1715 = arith.constant 0 : i32
      %sign3A_1716 = arith.cmpi slt, %jit3A_1700, %sign3A_1715 : i32
      %sign3A_1717 = arith.extui %sign3A_1716 : i1 to i32
      %sign3A_1718 = arith.subi %sign3A_1714, %sign3A_1717 : i32
      %ne3A_1719 = vector.broadcast %sign3A_1718 : i32 to vector<16xi32>
      %ne3A_1720 = arith.cmpi ne, %sign3A_1711, %ne3A_1719 : vector<16xi32>
      %rem3A_1721 = vector.broadcast %jit3A_1700 : i32 to vector<16xi32>
      %rem3A_1722 = arith.remsi %add3A_1699, %rem3A_1721 : vector<16xi32>
      %ne3A_1723 = arith.constant 0 : i32
      %ne3A_1724 = vector.broadcast %ne3A_1723 : i32 to vector<16xi32>
      %ne3A_1725 = arith.cmpi ne, %rem3A_1722, %ne3A_1724 : vector<16xi32>
      %and3A_1726 = arith.andi %ne3A_1720, %ne3A_1725 : vector<16xi1>
      %sub3A_1727 = arith.constant 1 : i32
      %sub3A_1728 = vector.broadcast %sub3A_1727 : i32 to vector<16xi32>
      %sub3A_1729 = arith.subi %div3A_1702, %sub3A_1728 : vector<16xi32>
      %select_n3A_1730 = arith.select %and3A_1726, %sub3A_1729, %div3A_1702 : vector<16xi1>, vector<16xi32>
      %mul3A_1731 = arith.constant 384 : i32
      %mul3A_1732 = vector.broadcast %mul3A_1731 : i32 to vector<16xi32>
      %mul3A_1733 = arith.muli %select_n3A_1730, %mul3A_1732 : vector<16xi32>
      %sub3A_1734 = arith.subi %add3A_1699, %mul3A_1733 : vector<16xi32>
      %rem3A_1735 = arith.constant 384 : i32
      %rem3A_1736 = vector.broadcast %rem3A_1735 : i32 to vector<16xi32>
      %rem3A_1737 = arith.remsi %select_n3A_1730, %rem3A_1736 : vector<16xi32>
      %convert_element_type3A_1738 = arith.sitofp %rem3A_1737 : vector<16xi32> to vector<16xf32>
      %get3A_1739 = arith.constant 80 : index
      %get3A_1740 = tpu.vector_load %arg7[%get3A_1739] {strides = array<i32>} : memref<128xf32, #tpu.memory_space<vmem>>, vector<16xf32>,
      %sub3A_1741 = arith.subf %convert_element_type3A_1738, %get3A_1740 : vector<16xf32>
      %convert_element_type3A_1742 = arith.sitofp %sub3A_1734 : vector<16xi32> to vector<16xf32>
      %get3A_1743 = arith.constant 80 : index
      %get3A_1744 = tpu.vector_load %arg9[%get3A_1743] {strides = array<i32>} : memref<128xf32, #tpu.memory_space<vmem>>, vector<16xf32>,
      %sub3A_1745 = arith.subf %convert_element_type3A_1742, %get3A_1744 : vector<16xf32>
      %jit3A_1746 = arith.constant 0.000000e+00 : f32
      %jit3A_1747 = arith.constant 3.820000e+02 : f32
      %max3A_1748 = vector.broadcast %jit3A_1746 : f32 to vector<16xf32>
      %max3A_1749 = arith.maximumf %max3A_1748, %sub3A_1741 : vector<16xf32>
      %min3A_1750 = vector.broadcast %jit3A_1747 : f32 to vector<16xf32>
      %min3A_1751 = arith.minimumf %min3A_1750, %max3A_1749 : vector<16xf32>
      %jit3A_1752 = arith.constant 0.000000e+00 : f32
      %jit3A_1753 = arith.constant 3.820000e+02 : f32
      %max3A_1754 = vector.broadcast %jit3A_1752 : f32 to vector<16xf32>
      %max3A_1755 = arith.maximumf %max3A_1754, %sub3A_1745 : vector<16xf32>
      %min3A_1756 = vector.broadcast %jit3A_1753 : f32 to vector<16xf32>
      %min3A_1757 = arith.minimumf %min3A_1756, %max3A_1755 : vector<16xf32>
      %convert_element_type3A_1758 = arith.fptosi %min3A_1751 : vector<16xf32> to vector<16xi32>
      %convert_element_type3A_1759 = arith.fptosi %min3A_1757 : vector<16xf32> to vector<16xi32>
      %convert_element_type3A_1760 = arith.sitofp %convert_element_type3A_1758 : vector<16xi32> to vector<16xf32>
      %sub3A_1761 = arith.subf %sub3A_1741, %convert_element_type3A_1760 : vector<16xf32>
      %jit3A_1762 = arith.constant 0.000000e+00 : f32
      %jit3A_1763 = arith.constant 1.000000e+00 : f32
      %max3A_1764 = vector.broadcast %jit3A_1762 : f32 to vector<16xf32>
      %max3A_1765 = arith.maximumf %max3A_1764, %sub3A_1761 : vector<16xf32>
      %min3A_1766 = vector.broadcast %jit3A_1763 : f32 to vector<16xf32>
      %min3A_1767 = arith.minimumf %min3A_1766, %max3A_1765 : vector<16xf32>
      %convert_element_type3A_1768 = arith.sitofp %convert_element_type3A_1759 : vector<16xi32> to vector<16xf32>
      %sub3A_1769 = arith.subf %sub3A_1745, %convert_element_type3A_1768 : vector<16xf32>
      %jit3A_1770 = arith.constant 0.000000e+00 : f32
      %jit3A_1771 = arith.constant 1.000000e+00 : f32
      %max3A_1772 = vector.broadcast %jit3A_1770 : f32 to vector<16xf32>
      %max3A_1773 = arith.maximumf %max3A_1772, %sub3A_1769 : vector<16xf32>
      %min3A_1774 = vector.broadcast %jit3A_1771 : f32 to vector<16xf32>
      %min3A_1775 = arith.minimumf %min3A_1774, %max3A_1773 : vector<16xf32>
      %sub3A_1776 = arith.subi %select_n3A_1730, %rem3A_1737 : vector<16xi32>
      %add3A_1777 = arith.addi %sub3A_1776, %convert_element_type3A_1758 : vector<16xi32>
      %mul3A_1778 = arith.constant 384 : i32
      %mul3A_1779 = vector.broadcast %mul3A_1778 : i32 to vector<16xi32>
      %mul3A_1780 = arith.muli %add3A_1777, %mul3A_1779 : vector<16xi32>
      %add3A_1781 = arith.addi %mul3A_1780, %convert_element_type3A_1759 : vector<16xi32>
      %swap3A_1782 = arith.constant 80 : index
      %swap3A_1783 = tpu.vector_load %arg14[%swap3A_1782] {strides = array<i32>} : memref<128xi32, #tpu.memory_space<vmem>>, vector<16xi32>,
      tpu.vector_store %arg14[%swap3A_1782], %add3A_1781 {strides = array<i32>} : memref<128xi32, #tpu.memory_space<vmem>>, vector<16xi32>,
      %add3A_1784 = arith.constant 1 : i32
      %add3A_1785 = vector.broadcast %add3A_1784 : i32 to vector<16xi32>
      %add3A_1786 = arith.addi %add3A_1781, %add3A_1785 : vector<16xi32>
      %swap3A_1787 = arith.constant 80 : index
      %swap3A_1788 = tpu.vector_load %arg15[%swap3A_1787] {strides = array<i32>} : memref<128xi32, #tpu.memory_space<vmem>>, vector<16xi32>,
      tpu.vector_store %arg15[%swap3A_1787], %add3A_1786 {strides = array<i32>} : memref<128xi32, #tpu.memory_space<vmem>>, vector<16xi32>,
      %add3A_1789 = arith.constant 384 : i32
      %add3A_1790 = vector.broadcast %add3A_1789 : i32 to vector<16xi32>
      %add3A_1791 = arith.addi %add3A_1781, %add3A_1790 : vector<16xi32>
      %swap3A_1792 = arith.constant 80 : index
      %swap3A_1793 = tpu.vector_load %arg16[%swap3A_1792] {strides = array<i32>} : memref<128xi32, #tpu.memory_space<vmem>>, vector<16xi32>,
      tpu.vector_store %arg16[%swap3A_1792], %add3A_1791 {strides = array<i32>} : memref<128xi32, #tpu.memory_space<vmem>>, vector<16xi32>,
      %add3A_1794 = arith.constant 384 : i32
      %add3A_1795 = vector.broadcast %add3A_1794 : i32 to vector<16xi32>
      %add3A_1796 = arith.addi %add3A_1781, %add3A_1795 : vector<16xi32>
      %add3A_1797 = arith.constant 1 : i32
      %add3A_1798 = vector.broadcast %add3A_1797 : i32 to vector<16xi32>
      %add3A_1799 = arith.addi %add3A_1796, %add3A_1798 : vector<16xi32>
      %swap3A_1800 = arith.constant 80 : index
      %swap3A_1801 = tpu.vector_load %arg17[%swap3A_1800] {strides = array<i32>} : memref<128xi32, #tpu.memory_space<vmem>>, vector<16xi32>,
      tpu.vector_store %arg17[%swap3A_1800], %add3A_1799 {strides = array<i32>} : memref<128xi32, #tpu.memory_space<vmem>>, vector<16xi32>,
      %sub3A_1802 = arith.constant 1.000000e+00 : f32
      %sub3A_1803 = vector.broadcast %sub3A_1802 : f32 to vector<16xf32>
      %sub3A_1804 = arith.subf %sub3A_1803, %min3A_1767 : vector<16xf32>
      %sub3A_1805 = arith.constant 1.000000e+00 : f32
      %sub3A_1806 = vector.broadcast %sub3A_1805 : f32 to vector<16xf32>
      %sub3A_1807 = arith.subf %sub3A_1806, %min3A_1775 : vector<16xf32>
      %mul3A_1808 = arith.mulf %sub3A_1804, %sub3A_1807 : vector<16xf32>
      %swap3A_1809 = arith.constant 80 : index
      %swap3A_1810 = tpu.vector_load %arg22[%swap3A_1809] {strides = array<i32>} : memref<128xf32, #tpu.memory_space<vmem>>, vector<16xf32>,
      tpu.vector_store %arg22[%swap3A_1809], %mul3A_1808 {strides = array<i32>} : memref<128xf32, #tpu.memory_space<vmem>>, vector<16xf32>,
      %mul3A_1811 = arith.mulf %sub3A_1804, %min3A_1775 : vector<16xf32>
      %swap3A_1812 = arith.constant 80 : index
      %swap3A_1813 = tpu.vector_load %arg23[%swap3A_1812] {strides = array<i32>} : memref<128xf32, #tpu.memory_space<vmem>>, vector<16xf32>,
      tpu.vector_store %arg23[%swap3A_1812], %mul3A_1811 {strides = array<i32>} : memref<128xf32, #tpu.memory_space<vmem>>, vector<16xf32>,
      %mul3A_1814 = arith.mulf %min3A_1767, %sub3A_1807 : vector<16xf32>
      %swap3A_1815 = arith.constant 80 : index
      %swap3A_1816 = tpu.vector_load %arg24[%swap3A_1815] {strides = array<i32>} : memref<128xf32, #tpu.memory_space<vmem>>, vector<16xf32>,
      tpu.vector_store %arg24[%swap3A_1815], %mul3A_1814 {strides = array<i32>} : memref<128xf32, #tpu.memory_space<vmem>>, vector<16xf32>,
      %mul3A_1817 = arith.mulf %min3A_1767, %min3A_1775 : vector<16xf32>
      %swap3A_1818 = arith.constant 80 : index
      %swap3A_1819 = tpu.vector_load %arg25[%swap3A_1818] {strides = array<i32>} : memref<128xf32, #tpu.memory_space<vmem>>, vector<16xf32>,
      tpu.vector_store %arg25[%swap3A_1818], %mul3A_1817 {strides = array<i32>} : memref<128xf32, #tpu.memory_space<vmem>>, vector<16xf32>,
      %add3A_1820 = arith.constant 96 : i32
      %add3A_1821 = arith.addi %add3A_1074, %add3A_1820 : i32
      %add3A_1822 = vector.broadcast %add3A_1821 : i32 to vector<16xi32>
      %add3A_1823 = arith.addi %add3A_1822, %iota3A_1075 : vector<16xi32>
      %jit3A_1824 = arith.constant 384 : i32
      %div3A_1825 = vector.broadcast %jit3A_1824 : i32 to vector<16xi32>
      %div3A_1826 = arith.divsi %add3A_1823, %div3A_1825 : vector<16xi32>
      %sign3A_1827 = arith.constant 0 : i32
      %sign3A_1828 = vector.broadcast %sign3A_1827 : i32 to vector<16xi32>
      %sign3A_1829 = arith.cmpi sgt, %add3A_1823, %sign3A_1828 : vector<16xi32>
      %sign3A_1830 = arith.extui %sign3A_1829 : vector<16xi1> to vector<16xi32>
      %sign3A_1831 = arith.constant 0 : i32
      %sign3A_1832 = vector.broadcast %sign3A_1831 : i32 to vector<16xi32>
      %sign3A_1833 = arith.cmpi slt, %add3A_1823, %sign3A_1832 : vector<16xi32>
      %sign3A_1834 = arith.extui %sign3A_1833 : vector<16xi1> to vector<16xi32>
      %sign3A_1835 = arith.subi %sign3A_1830, %sign3A_1834 : vector<16xi32>
      %sign3A_1836 = arith.constant 0 : i32
      %sign3A_1837 = arith.cmpi sgt, %jit3A_1824, %sign3A_1836 : i32
      %sign3A_1838 = arith.extui %sign3A_1837 : i1 to i32
      %sign3A_1839 = arith.constant 0 : i32
      %sign3A_1840 = arith.cmpi slt, %jit3A_1824, %sign3A_1839 : i32
      %sign3A_1841 = arith.extui %sign3A_1840 : i1 to i32
      %sign3A_1842 = arith.subi %sign3A_1838, %sign3A_1841 : i32
      %ne3A_1843 = vector.broadcast %sign3A_1842 : i32 to vector<16xi32>
      %ne3A_1844 = arith.cmpi ne, %sign3A_1835, %ne3A_1843 : vector<16xi32>
      %rem3A_1845 = vector.broadcast %jit3A_1824 : i32 to vector<16xi32>
      %rem3A_1846 = arith.remsi %add3A_1823, %rem3A_1845 : vector<16xi32>
      %ne3A_1847 = arith.constant 0 : i32
      %ne3A_1848 = vector.broadcast %ne3A_1847 : i32 to vector<16xi32>
      %ne3A_1849 = arith.cmpi ne, %rem3A_1846, %ne3A_1848 : vector<16xi32>
      %and3A_1850 = arith.andi %ne3A_1844, %ne3A_1849 : vector<16xi1>
      %sub3A_1851 = arith.constant 1 : i32
      %sub3A_1852 = vector.broadcast %sub3A_1851 : i32 to vector<16xi32>
      %sub3A_1853 = arith.subi %div3A_1826, %sub3A_1852 : vector<16xi32>
      %select_n3A_1854 = arith.select %and3A_1850, %sub3A_1853, %div3A_1826 : vector<16xi1>, vector<16xi32>
      %mul3A_1855 = arith.constant 384 : i32
      %mul3A_1856 = vector.broadcast %mul3A_1855 : i32 to vector<16xi32>
      %mul3A_1857 = arith.muli %select_n3A_1854, %mul3A_1856 : vector<16xi32>
      %sub3A_1858 = arith.subi %add3A_1823, %mul3A_1857 : vector<16xi32>
      %rem3A_1859 = arith.constant 384 : i32
      %rem3A_1860 = vector.broadcast %rem3A_1859 : i32 to vector<16xi32>
      %rem3A_1861 = arith.remsi %select_n3A_1854, %rem3A_1860 : vector<16xi32>
      %convert_element_type3A_1862 = arith.sitofp %rem3A_1861 : vector<16xi32> to vector<16xf32>
      %get3A_1863 = arith.constant 96 : index
      %get3A_1864 = tpu.vector_load %arg7[%get3A_1863] {strides = array<i32>} : memref<128xf32, #tpu.memory_space<vmem>>, vector<16xf32>,
      %sub3A_1865 = arith.subf %convert_element_type3A_1862, %get3A_1864 : vector<16xf32>
      %convert_element_type3A_1866 = arith.sitofp %sub3A_1858 : vector<16xi32> to vector<16xf32>
      %get3A_1867 = arith.constant 96 : index
      %get3A_1868 = tpu.vector_load %arg9[%get3A_1867] {strides = array<i32>} : memref<128xf32, #tpu.memory_space<vmem>>, vector<16xf32>,
      %sub3A_1869 = arith.subf %convert_element_type3A_1866, %get3A_1868 : vector<16xf32>
      %jit3A_1870 = arith.constant 0.000000e+00 : f32
      %jit3A_1871 = arith.constant 3.820000e+02 : f32
      %max3A_1872 = vector.broadcast %jit3A_1870 : f32 to vector<16xf32>
      %max3A_1873 = arith.maximumf %max3A_1872, %sub3A_1865 : vector<16xf32>
      %min3A_1874 = vector.broadcast %jit3A_1871 : f32 to vector<16xf32>
      %min3A_1875 = arith.minimumf %min3A_1874, %max3A_1873 : vector<16xf32>
      %jit3A_1876 = arith.constant 0.000000e+00 : f32
      %jit3A_1877 = arith.constant 3.820000e+02 : f32
      %max3A_1878 = vector.broadcast %jit3A_1876 : f32 to vector<16xf32>
      %max3A_1879 = arith.maximumf %max3A_1878, %sub3A_1869 : vector<16xf32>
      %min3A_1880 = vector.broadcast %jit3A_1877 : f32 to vector<16xf32>
      %min3A_1881 = arith.minimumf %min3A_1880, %max3A_1879 : vector<16xf32>
      %convert_element_type3A_1882 = arith.fptosi %min3A_1875 : vector<16xf32> to vector<16xi32>
      %convert_element_type3A_1883 = arith.fptosi %min3A_1881 : vector<16xf32> to vector<16xi32>
      %convert_element_type3A_1884 = arith.sitofp %convert_element_type3A_1882 : vector<16xi32> to vector<16xf32>
      %sub3A_1885 = arith.subf %sub3A_1865, %convert_element_type3A_1884 : vector<16xf32>
      %jit3A_1886 = arith.constant 0.000000e+00 : f32
      %jit3A_1887 = arith.constant 1.000000e+00 : f32
      %max3A_1888 = vector.broadcast %jit3A_1886 : f32 to vector<16xf32>
      %max3A_1889 = arith.maximumf %max3A_1888, %sub3A_1885 : vector<16xf32>
      %min3A_1890 = vector.broadcast %jit3A_1887 : f32 to vector<16xf32>
      %min3A_1891 = arith.minimumf %min3A_1890, %max3A_1889 : vector<16xf32>
      %convert_element_type3A_1892 = arith.sitofp %convert_element_type3A_1883 : vector<16xi32> to vector<16xf32>
      %sub3A_1893 = arith.subf %sub3A_1869, %convert_element_type3A_1892 : vector<16xf32>
      %jit3A_1894 = arith.constant 0.000000e+00 : f32
      %jit3A_1895 = arith.constant 1.000000e+00 : f32
      %max3A_1896 = vector.broadcast %jit3A_1894 : f32 to vector<16xf32>
      %max3A_1897 = arith.maximumf %max3A_1896, %sub3A_1893 : vector<16xf32>
      %min3A_1898 = vector.broadcast %jit3A_1895 : f32 to vector<16xf32>
      %min3A_1899 = arith.minimumf %min3A_1898, %max3A_1897 : vector<16xf32>
      %sub3A_1900 = arith.subi %select_n3A_1854, %rem3A_1861 : vector<16xi32>
      %add3A_1901 = arith.addi %sub3A_1900, %convert_element_type3A_1882 : vector<16xi32>
      %mul3A_1902 = arith.constant 384 : i32
      %mul3A_1903 = vector.broadcast %mul3A_1902 : i32 to vector<16xi32>
      %mul3A_1904 = arith.muli %add3A_1901, %mul3A_1903 : vector<16xi32>
      %add3A_1905 = arith.addi %mul3A_1904, %convert_element_type3A_1883 : vector<16xi32>
      %swap3A_1906 = arith.constant 96 : index
      %swap3A_1907 = tpu.vector_load %arg14[%swap3A_1906] {strides = array<i32>} : memref<128xi32, #tpu.memory_space<vmem>>, vector<16xi32>,
      tpu.vector_store %arg14[%swap3A_1906], %add3A_1905 {strides = array<i32>} : memref<128xi32, #tpu.memory_space<vmem>>, vector<16xi32>,
      %add3A_1908 = arith.constant 1 : i32
      %add3A_1909 = vector.broadcast %add3A_1908 : i32 to vector<16xi32>
      %add3A_1910 = arith.addi %add3A_1905, %add3A_1909 : vector<16xi32>
      %swap3A_1911 = arith.constant 96 : index
      %swap3A_1912 = tpu.vector_load %arg15[%swap3A_1911] {strides = array<i32>} : memref<128xi32, #tpu.memory_space<vmem>>, vector<16xi32>,
      tpu.vector_store %arg15[%swap3A_1911], %add3A_1910 {strides = array<i32>} : memref<128xi32, #tpu.memory_space<vmem>>, vector<16xi32>,
      %add3A_1913 = arith.constant 384 : i32
      %add3A_1914 = vector.broadcast %add3A_1913 : i32 to vector<16xi32>
      %add3A_1915 = arith.addi %add3A_1905, %add3A_1914 : vector<16xi32>
      %swap3A_1916 = arith.constant 96 : index
      %swap3A_1917 = tpu.vector_load %arg16[%swap3A_1916] {strides = array<i32>} : memref<128xi32, #tpu.memory_space<vmem>>, vector<16xi32>,
      tpu.vector_store %arg16[%swap3A_1916], %add3A_1915 {strides = array<i32>} : memref<128xi32, #tpu.memory_space<vmem>>, vector<16xi32>,
      %add3A_1918 = arith.constant 384 : i32
      %add3A_1919 = vector.broadcast %add3A_1918 : i32 to vector<16xi32>
      %add3A_1920 = arith.addi %add3A_1905, %add3A_1919 : vector<16xi32>
      %add3A_1921 = arith.constant 1 : i32
      %add3A_1922 = vector.broadcast %add3A_1921 : i32 to vector<16xi32>
      %add3A_1923 = arith.addi %add3A_1920, %add3A_1922 : vector<16xi32>
      %swap3A_1924 = arith.constant 96 : index
      %swap3A_1925 = tpu.vector_load %arg17[%swap3A_1924] {strides = array<i32>} : memref<128xi32, #tpu.memory_space<vmem>>, vector<16xi32>,
      tpu.vector_store %arg17[%swap3A_1924], %add3A_1923 {strides = array<i32>} : memref<128xi32, #tpu.memory_space<vmem>>, vector<16xi32>,
      %sub3A_1926 = arith.constant 1.000000e+00 : f32
      %sub3A_1927 = vector.broadcast %sub3A_1926 : f32 to vector<16xf32>
      %sub3A_1928 = arith.subf %sub3A_1927, %min3A_1891 : vector<16xf32>
      %sub3A_1929 = arith.constant 1.000000e+00 : f32
      %sub3A_1930 = vector.broadcast %sub3A_1929 : f32 to vector<16xf32>
      %sub3A_1931 = arith.subf %sub3A_1930, %min3A_1899 : vector<16xf32>
      %mul3A_1932 = arith.mulf %sub3A_1928, %sub3A_1931 : vector<16xf32>
      %swap3A_1933 = arith.constant 96 : index
      %swap3A_1934 = tpu.vector_load %arg22[%swap3A_1933] {strides = array<i32>} : memref<128xf32, #tpu.memory_space<vmem>>, vector<16xf32>,
      tpu.vector_store %arg22[%swap3A_1933], %mul3A_1932 {strides = array<i32>} : memref<128xf32, #tpu.memory_space<vmem>>, vector<16xf32>,
      %mul3A_1935 = arith.mulf %sub3A_1928, %min3A_1899 : vector<16xf32>
      %swap3A_1936 = arith.constant 96 : index
      %swap3A_1937 = tpu.vector_load %arg23[%swap3A_1936] {strides = array<i32>} : memref<128xf32, #tpu.memory_space<vmem>>, vector<16xf32>,
      tpu.vector_store %arg23[%swap3A_1936], %mul3A_1935 {strides = array<i32>} : memref<128xf32, #tpu.memory_space<vmem>>, vector<16xf32>,
      %mul3A_1938 = arith.mulf %min3A_1891, %sub3A_1931 : vector<16xf32>
      %swap3A_1939 = arith.constant 96 : index
      %swap3A_1940 = tpu.vector_load %arg24[%swap3A_1939] {strides = array<i32>} : memref<128xf32, #tpu.memory_space<vmem>>, vector<16xf32>,
      tpu.vector_store %arg24[%swap3A_1939], %mul3A_1938 {strides = array<i32>} : memref<128xf32, #tpu.memory_space<vmem>>, vector<16xf32>,
      %mul3A_1941 = arith.mulf %min3A_1891, %min3A_1899 : vector<16xf32>
      %swap3A_1942 = arith.constant 96 : index
      %swap3A_1943 = tpu.vector_load %arg25[%swap3A_1942] {strides = array<i32>} : memref<128xf32, #tpu.memory_space<vmem>>, vector<16xf32>,
      tpu.vector_store %arg25[%swap3A_1942], %mul3A_1941 {strides = array<i32>} : memref<128xf32, #tpu.memory_space<vmem>>, vector<16xf32>,
      %add3A_1944 = arith.constant 112 : i32
      %add3A_1945 = arith.addi %add3A_1074, %add3A_1944 : i32
      %add3A_1946 = vector.broadcast %add3A_1945 : i32 to vector<16xi32>
      %add3A_1947 = arith.addi %add3A_1946, %iota3A_1075 : vector<16xi32>
      %jit3A_1948 = arith.constant 384 : i32
      %div3A_1949 = vector.broadcast %jit3A_1948 : i32 to vector<16xi32>
      %div3A_1950 = arith.divsi %add3A_1947, %div3A_1949 : vector<16xi32>
      %sign3A_1951 = arith.constant 0 : i32
      %sign3A_1952 = vector.broadcast %sign3A_1951 : i32 to vector<16xi32>
      %sign3A_1953 = arith.cmpi sgt, %add3A_1947, %sign3A_1952 : vector<16xi32>
      %sign3A_1954 = arith.extui %sign3A_1953 : vector<16xi1> to vector<16xi32>
      %sign3A_1955 = arith.constant 0 : i32
      %sign3A_1956 = vector.broadcast %sign3A_1955 : i32 to vector<16xi32>
      %sign3A_1957 = arith.cmpi slt, %add3A_1947, %sign3A_1956 : vector<16xi32>
      %sign3A_1958 = arith.extui %sign3A_1957 : vector<16xi1> to vector<16xi32>
      %sign3A_1959 = arith.subi %sign3A_1954, %sign3A_1958 : vector<16xi32>
      %sign3A_1960 = arith.constant 0 : i32
      %sign3A_1961 = arith.cmpi sgt, %jit3A_1948, %sign3A_1960 : i32
      %sign3A_1962 = arith.extui %sign3A_1961 : i1 to i32
      %sign3A_1963 = arith.constant 0 : i32
      %sign3A_1964 = arith.cmpi slt, %jit3A_1948, %sign3A_1963 : i32
      %sign3A_1965 = arith.extui %sign3A_1964 : i1 to i32
      %sign3A_1966 = arith.subi %sign3A_1962, %sign3A_1965 : i32
      %ne3A_1967 = vector.broadcast %sign3A_1966 : i32 to vector<16xi32>
      %ne3A_1968 = arith.cmpi ne, %sign3A_1959, %ne3A_1967 : vector<16xi32>
      %rem3A_1969 = vector.broadcast %jit3A_1948 : i32 to vector<16xi32>
      %rem3A_1970 = arith.remsi %add3A_1947, %rem3A_1969 : vector<16xi32>
      %ne3A_1971 = arith.constant 0 : i32
      %ne3A_1972 = vector.broadcast %ne3A_1971 : i32 to vector<16xi32>
      %ne3A_1973 = arith.cmpi ne, %rem3A_1970, %ne3A_1972 : vector<16xi32>
      %and3A_1974 = arith.andi %ne3A_1968, %ne3A_1973 : vector<16xi1>
      %sub3A_1975 = arith.constant 1 : i32
      %sub3A_1976 = vector.broadcast %sub3A_1975 : i32 to vector<16xi32>
      %sub3A_1977 = arith.subi %div3A_1950, %sub3A_1976 : vector<16xi32>
      %select_n3A_1978 = arith.select %and3A_1974, %sub3A_1977, %div3A_1950 : vector<16xi1>, vector<16xi32>
      %mul3A_1979 = arith.constant 384 : i32
      %mul3A_1980 = vector.broadcast %mul3A_1979 : i32 to vector<16xi32>
      %mul3A_1981 = arith.muli %select_n3A_1978, %mul3A_1980 : vector<16xi32>
      %sub3A_1982 = arith.subi %add3A_1947, %mul3A_1981 : vector<16xi32>
      %rem3A_1983 = arith.constant 384 : i32
      %rem3A_1984 = vector.broadcast %rem3A_1983 : i32 to vector<16xi32>
      %rem3A_1985 = arith.remsi %select_n3A_1978, %rem3A_1984 : vector<16xi32>
      %convert_element_type3A_1986 = arith.sitofp %rem3A_1985 : vector<16xi32> to vector<16xf32>
      %get3A_1987 = arith.constant 112 : index
      %get3A_1988 = tpu.vector_load %arg7[%get3A_1987] {strides = array<i32>} : memref<128xf32, #tpu.memory_space<vmem>>, vector<16xf32>,
      %sub3A_1989 = arith.subf %convert_element_type3A_1986, %get3A_1988 : vector<16xf32>
      %convert_element_type3A_1990 = arith.sitofp %sub3A_1982 : vector<16xi32> to vector<16xf32>
      %get3A_1991 = arith.constant 112 : index
      %get3A_1992 = tpu.vector_load %arg9[%get3A_1991] {strides = array<i32>} : memref<128xf32, #tpu.memory_space<vmem>>, vector<16xf32>,
      %sub3A_1993 = arith.subf %convert_element_type3A_1990, %get3A_1992 : vector<16xf32>
      %jit3A_1994 = arith.constant 0.000000e+00 : f32
      %jit3A_1995 = arith.constant 3.820000e+02 : f32
      %max3A_1996 = vector.broadcast %jit3A_1994 : f32 to vector<16xf32>
      %max3A_1997 = arith.maximumf %max3A_1996, %sub3A_1989 : vector<16xf32>
      %min3A_1998 = vector.broadcast %jit3A_1995 : f32 to vector<16xf32>
      %min3A_1999 = arith.minimumf %min3A_1998, %max3A_1997 : vector<16xf32>
      %jit3A_2000 = arith.constant 0.000000e+00 : f32
      %jit3A_2001 = arith.constant 3.820000e+02 : f32
      %max3A_2002 = vector.broadcast %jit3A_2000 : f32 to vector<16xf32>
      %max3A_2003 = arith.maximumf %max3A_2002, %sub3A_1993 : vector<16xf32>
      %min3A_2004 = vector.broadcast %jit3A_2001 : f32 to vector<16xf32>
      %min3A_2005 = arith.minimumf %min3A_2004, %max3A_2003 : vector<16xf32>
      %convert_element_type3A_2006 = arith.fptosi %min3A_1999 : vector<16xf32> to vector<16xi32>
      %convert_element_type3A_2007 = arith.fptosi %min3A_2005 : vector<16xf32> to vector<16xi32>
      %convert_element_type3A_2008 = arith.sitofp %convert_element_type3A_2006 : vector<16xi32> to vector<16xf32>
      %sub3A_2009 = arith.subf %sub3A_1989, %convert_element_type3A_2008 : vector<16xf32>
      %jit3A_2010 = arith.constant 0.000000e+00 : f32
      %jit3A_2011 = arith.constant 1.000000e+00 : f32
      %max3A_2012 = vector.broadcast %jit3A_2010 : f32 to vector<16xf32>
      %max3A_2013 = arith.maximumf %max3A_2012, %sub3A_2009 : vector<16xf32>
      %min3A_2014 = vector.broadcast %jit3A_2011 : f32 to vector<16xf32>
      %min3A_2015 = arith.minimumf %min3A_2014, %max3A_2013 : vector<16xf32>
      %convert_element_type3A_2016 = arith.sitofp %convert_element_type3A_2007 : vector<16xi32> to vector<16xf32>
      %sub3A_2017 = arith.subf %sub3A_1993, %convert_element_type3A_2016 : vector<16xf32>
      %jit3A_2018 = arith.constant 0.000000e+00 : f32
      %jit3A_2019 = arith.constant 1.000000e+00 : f32
      %max3A_2020 = vector.broadcast %jit3A_2018 : f32 to vector<16xf32>
      %max3A_2021 = arith.maximumf %max3A_2020, %sub3A_2017 : vector<16xf32>
      %min3A_2022 = vector.broadcast %jit3A_2019 : f32 to vector<16xf32>
      %min3A_2023 = arith.minimumf %min3A_2022, %max3A_2021 : vector<16xf32>
      %sub3A_2024 = arith.subi %select_n3A_1978, %rem3A_1985 : vector<16xi32>
      %add3A_2025 = arith.addi %sub3A_2024, %convert_element_type3A_2006 : vector<16xi32>
      %mul3A_2026 = arith.constant 384 : i32
      %mul3A_2027 = vector.broadcast %mul3A_2026 : i32 to vector<16xi32>
      %mul3A_2028 = arith.muli %add3A_2025, %mul3A_2027 : vector<16xi32>
      %add3A_2029 = arith.addi %mul3A_2028, %convert_element_type3A_2007 : vector<16xi32>
      %swap3A_2030 = arith.constant 112 : index
      %swap3A_2031 = tpu.vector_load %arg14[%swap3A_2030] {strides = array<i32>} : memref<128xi32, #tpu.memory_space<vmem>>, vector<16xi32>,
      tpu.vector_store %arg14[%swap3A_2030], %add3A_2029 {strides = array<i32>} : memref<128xi32, #tpu.memory_space<vmem>>, vector<16xi32>,
      %add3A_2032 = arith.constant 1 : i32
      %add3A_2033 = vector.broadcast %add3A_2032 : i32 to vector<16xi32>
      %add3A_2034 = arith.addi %add3A_2029, %add3A_2033 : vector<16xi32>
      %swap3A_2035 = arith.constant 112 : index
      %swap3A_2036 = tpu.vector_load %arg15[%swap3A_2035] {strides = array<i32>} : memref<128xi32, #tpu.memory_space<vmem>>, vector<16xi32>,
      tpu.vector_store %arg15[%swap3A_2035], %add3A_2034 {strides = array<i32>} : memref<128xi32, #tpu.memory_space<vmem>>, vector<16xi32>,
      %add3A_2037 = arith.constant 384 : i32
      %add3A_2038 = vector.broadcast %add3A_2037 : i32 to vector<16xi32>
      %add3A_2039 = arith.addi %add3A_2029, %add3A_2038 : vector<16xi32>
      %swap3A_2040 = arith.constant 112 : index
      %swap3A_2041 = tpu.vector_load %arg16[%swap3A_2040] {strides = array<i32>} : memref<128xi32, #tpu.memory_space<vmem>>, vector<16xi32>,
      tpu.vector_store %arg16[%swap3A_2040], %add3A_2039 {strides = array<i32>} : memref<128xi32, #tpu.memory_space<vmem>>, vector<16xi32>,
      %add3A_2042 = arith.constant 384 : i32
      %add3A_2043 = vector.broadcast %add3A_2042 : i32 to vector<16xi32>
      %add3A_2044 = arith.addi %add3A_2029, %add3A_2043 : vector<16xi32>
      %add3A_2045 = arith.constant 1 : i32
      %add3A_2046 = vector.broadcast %add3A_2045 : i32 to vector<16xi32>
      %add3A_2047 = arith.addi %add3A_2044, %add3A_2046 : vector<16xi32>
      %swap3A_2048 = arith.constant 112 : index
      %swap3A_2049 = tpu.vector_load %arg17[%swap3A_2048] {strides = array<i32>} : memref<128xi32, #tpu.memory_space<vmem>>, vector<16xi32>,
      tpu.vector_store %arg17[%swap3A_2048], %add3A_2047 {strides = array<i32>} : memref<128xi32, #tpu.memory_space<vmem>>, vector<16xi32>,
      %sub3A_2050 = arith.constant 1.000000e+00 : f32
      %sub3A_2051 = vector.broadcast %sub3A_2050 : f32 to vector<16xf32>
      %sub3A_2052 = arith.subf %sub3A_2051, %min3A_2015 : vector<16xf32>
      %sub3A_2053 = arith.constant 1.000000e+00 : f32
      %sub3A_2054 = vector.broadcast %sub3A_2053 : f32 to vector<16xf32>
      %sub3A_2055 = arith.subf %sub3A_2054, %min3A_2023 : vector<16xf32>
      %mul3A_2056 = arith.mulf %sub3A_2052, %sub3A_2055 : vector<16xf32>
      %swap3A_2057 = arith.constant 112 : index
      %swap3A_2058 = tpu.vector_load %arg22[%swap3A_2057] {strides = array<i32>} : memref<128xf32, #tpu.memory_space<vmem>>, vector<16xf32>,
      tpu.vector_store %arg22[%swap3A_2057], %mul3A_2056 {strides = array<i32>} : memref<128xf32, #tpu.memory_space<vmem>>, vector<16xf32>,
      %mul3A_2059 = arith.mulf %sub3A_2052, %min3A_2023 : vector<16xf32>
      %swap3A_2060 = arith.constant 112 : index
      %swap3A_2061 = tpu.vector_load %arg23[%swap3A_2060] {strides = array<i32>} : memref<128xf32, #tpu.memory_space<vmem>>, vector<16xf32>,
      tpu.vector_store %arg23[%swap3A_2060], %mul3A_2059 {strides = array<i32>} : memref<128xf32, #tpu.memory_space<vmem>>, vector<16xf32>,
      %mul3A_2062 = arith.mulf %min3A_2015, %sub3A_2055 : vector<16xf32>
      %swap3A_2063 = arith.constant 112 : index
      %swap3A_2064 = tpu.vector_load %arg24[%swap3A_2063] {strides = array<i32>} : memref<128xf32, #tpu.memory_space<vmem>>, vector<16xf32>,
      tpu.vector_store %arg24[%swap3A_2063], %mul3A_2062 {strides = array<i32>} : memref<128xf32, #tpu.memory_space<vmem>>, vector<16xf32>,
      %mul3A_2065 = arith.mulf %min3A_2015, %min3A_2023 : vector<16xf32>
      %swap3A_2066 = arith.constant 112 : index
      %swap3A_2067 = tpu.vector_load %arg25[%swap3A_2066] {strides = array<i32>} : memref<128xf32, #tpu.memory_space<vmem>>, vector<16xf32>,
      tpu.vector_store %arg25[%swap3A_2066], %mul3A_2065 {strides = array<i32>} : memref<128xf32, #tpu.memory_space<vmem>>, vector<16xf32>,
      %dma_start3A_2068 = arith.constant 0 : i32
      %dma_start3A_2069 = arith.constant 0 : i32
      %dma_start3A_2070 = tpu.memref_slice %arg2[%dma_start3A_2068, %dma_start3A_2069] : memref<589824x96xf32, #tpu.memory_space<hbm>> -> memref<589824x96xf32, #tpu.memory_space<hbm>>
      tpu.enqueue_indirect_dma source(%dma_start3A_2070 : memref<589824x96xf32, #tpu.memory_space<hbm>>) target(%arg30 : memref<128x96xf32, #tpu.memory_space<vmem>>) offsets(%arg14 : memref<128xi32, #tpu.memory_space<vmem>>) semaphore(%arg39 : memref<!tpu.dma_semaphore, #tpu.memory_space<semaphore_mem>>)
      %dma_start3A_2071 = arith.constant 0 : i32
      %dma_start3A_2072 = arith.constant 0 : i32
      %dma_start3A_2073 = tpu.memref_slice %arg2[%dma_start3A_2071, %dma_start3A_2072] : memref<589824x96xf32, #tpu.memory_space<hbm>> -> memref<589824x96xf32, #tpu.memory_space<hbm>>
      tpu.enqueue_indirect_dma source(%dma_start3A_2073 : memref<589824x96xf32, #tpu.memory_space<hbm>>) target(%arg31 : memref<128x96xf32, #tpu.memory_space<vmem>>) offsets(%arg15 : memref<128xi32, #tpu.memory_space<vmem>>) semaphore(%arg39 : memref<!tpu.dma_semaphore, #tpu.memory_space<semaphore_mem>>)
      %dma_start3A_2074 = arith.constant 0 : i32
      %dma_start3A_2075 = arith.constant 0 : i32
      %dma_start3A_2076 = tpu.memref_slice %arg2[%dma_start3A_2074, %dma_start3A_2075] : memref<589824x96xf32, #tpu.memory_space<hbm>> -> memref<589824x96xf32, #tpu.memory_space<hbm>>
      tpu.enqueue_indirect_dma source(%dma_start3A_2076 : memref<589824x96xf32, #tpu.memory_space<hbm>>) target(%arg32 : memref<128x96xf32, #tpu.memory_space<vmem>>) offsets(%arg16 : memref<128xi32, #tpu.memory_space<vmem>>) semaphore(%arg39 : memref<!tpu.dma_semaphore, #tpu.memory_space<semaphore_mem>>)
      %dma_start3A_2077 = arith.constant 0 : i32
      %dma_start3A_2078 = arith.constant 0 : i32
      %dma_start3A_2079 = tpu.memref_slice %arg2[%dma_start3A_2077, %dma_start3A_2078] : memref<589824x96xf32, #tpu.memory_space<hbm>> -> memref<589824x96xf32, #tpu.memory_space<hbm>>
      tpu.enqueue_indirect_dma source(%dma_start3A_2079 : memref<589824x96xf32, #tpu.memory_space<hbm>>) target(%arg33 : memref<128x96xf32, #tpu.memory_space<vmem>>) offsets(%arg17 : memref<128xi32, #tpu.memory_space<vmem>>) semaphore(%arg39 : memref<!tpu.dma_semaphore, #tpu.memory_space<semaphore_mem>>)
      %add3A_2080 = arith.constant 1 : i32
      %add3A_2081 = arith.addi %scan3A_1059, %add3A_2080 : i32
      %lt3A = arith.constant 72 : i32
      %lt3A_2082 = arith.cmpi slt, %add3A_2081, %lt3A : i32
      %convert_element_type3A_2083 = arith.extui %lt3A_2082 : i1 to i32
      %cond3A = arith.constant 0 : i32
      %cond3A_2084 = arith.cmpi ne, %convert_element_type3A_2083, %cond3A : i32
      scf.if %cond3A_2084 {
        %add3A_2392 = arith.constant 2 : i32
        %add3A_2393 = arith.addi %mul3A_1061, %add3A_2392 : i32
        %mul3A_2394 = arith.constant 128 : i32
        %mul3A_2395 = arith.muli %add3A_2393, %mul3A_2394 : i32
        %add3A_2396 = arith.addi %mul3A_2, %mul3A_2395 : i32
        %dma_start3A_2397 = tpu.memref_slice %arg3[%add3A_2396] : memref<589824xf32, #tpu.memory_space<hbm>> -> memref<128xf32, #tpu.memory_space<hbm>>
        %dma_start3A_2398 = tpu.memref_slice %arg3[%add3A_2396] : memref<589824xf32, #tpu.memory_space<hbm>> -> memref<128xf32, #tpu.memory_space<hbm>>
        tpu.enqueue_dma source(%dma_start3A_2398 : memref<128xf32, #tpu.memory_space<hbm>>) target(%arg6 : memref<128xf32, #tpu.memory_space<vmem>>) target_semaphore(%arg36 : memref<!tpu.dma_semaphore, #tpu.memory_space<semaphore_mem>>)
        %dma_start3A_2399 = tpu.memref_slice %arg4[%add3A_2396] : memref<589824xf32, #tpu.memory_space<hbm>> -> memref<128xf32, #tpu.memory_space<hbm>>
        %dma_start3A_2400 = tpu.memref_slice %arg4[%add3A_2396] : memref<589824xf32, #tpu.memory_space<hbm>> -> memref<128xf32, #tpu.memory_space<hbm>>
        tpu.enqueue_dma source(%dma_start3A_2400 : memref<128xf32, #tpu.memory_space<hbm>>) target(%arg8 : memref<128xf32, #tpu.memory_space<vmem>>) target_semaphore(%arg36 : memref<!tpu.dma_semaphore, #tpu.memory_space<semaphore_mem>>)
      } else {
      }
      %dma_wait3A_2085 = arith.constant 0 : i32
      %dma_wait3A_2086 = arith.constant 0 : i32
      %dma_wait3A_2087 = tpu.memref_slice %arg2[%dma_wait3A_2085, %dma_wait3A_2086] : memref<589824x96xf32, #tpu.memory_space<hbm>> -> memref<589824x96xf32, #tpu.memory_space<hbm>>
      tpu.wait_indirect_dma semaphore(%arg38 : memref<!tpu.dma_semaphore, #tpu.memory_space<semaphore_mem>>) src(%dma_wait3A_2087 : memref<589824x96xf32, #tpu.memory_space<hbm>>) dst(%arg26 : memref<128x96xf32, #tpu.memory_space<vmem>>)
      %dma_wait3A_2088 = arith.constant 0 : i32
      %dma_wait3A_2089 = arith.constant 0 : i32
      %dma_wait3A_2090 = tpu.memref_slice %arg2[%dma_wait3A_2088, %dma_wait3A_2089] : memref<589824x96xf32, #tpu.memory_space<hbm>> -> memref<589824x96xf32, #tpu.memory_space<hbm>>
      tpu.wait_indirect_dma semaphore(%arg38 : memref<!tpu.dma_semaphore, #tpu.memory_space<semaphore_mem>>) src(%dma_wait3A_2090 : memref<589824x96xf32, #tpu.memory_space<hbm>>) dst(%arg27 : memref<128x96xf32, #tpu.memory_space<vmem>>)
      %dma_wait3A_2091 = arith.constant 0 : i32
      %dma_wait3A_2092 = arith.constant 0 : i32
      %dma_wait3A_2093 = tpu.memref_slice %arg2[%dma_wait3A_2091, %dma_wait3A_2092] : memref<589824x96xf32, #tpu.memory_space<hbm>> -> memref<589824x96xf32, #tpu.memory_space<hbm>>
      tpu.wait_indirect_dma semaphore(%arg38 : memref<!tpu.dma_semaphore, #tpu.memory_space<semaphore_mem>>) src(%dma_wait3A_2093 : memref<589824x96xf32, #tpu.memory_space<hbm>>) dst(%arg28 : memref<128x96xf32, #tpu.memory_space<vmem>>)
      %dma_wait3A_2094 = arith.constant 0 : i32
      %dma_wait3A_2095 = arith.constant 0 : i32
      %dma_wait3A_2096 = tpu.memref_slice %arg2[%dma_wait3A_2094, %dma_wait3A_2095] : memref<589824x96xf32, #tpu.memory_space<hbm>> -> memref<589824x96xf32, #tpu.memory_space<hbm>>
      tpu.wait_indirect_dma semaphore(%arg38 : memref<!tpu.dma_semaphore, #tpu.memory_space<semaphore_mem>>) src(%dma_wait3A_2096 : memref<589824x96xf32, #tpu.memory_space<hbm>>) dst(%arg29 : memref<128x96xf32, #tpu.memory_space<vmem>>)
      %ge3A = arith.constant 1 : i32
      %ge3A_2097 = arith.cmpi sge, %scan3A_1059, %ge3A : i32
      %convert_element_type3A_2098 = arith.extui %ge3A_2097 : i1 to i32
      %cond3A_2099 = arith.constant 0 : i32
      %cond3A_2100 = arith.cmpi ne, %convert_element_type3A_2098, %cond3A_2099 : i32
      scf.if %cond3A_2100 {
        %dma_wait3A_2392 = arith.constant 0 : i32
        %dma_wait3A_2393 = arith.constant 0 : i32
        %dma_wait3A_2394 = arith.constant 0 : i32
        %dma_wait3A_2395 = arith.constant 0 : i32
        %dma_wait3A_2396 = arith.constant 0 : i32
        %dma_wait3A_2397 = tpu.memref_slice %arg34[%dma_wait3A_2394, %dma_wait3A_2395, %dma_wait3A_2396] : memref<12x8x129xf32, #tpu.memory_space<vmem>> -> memref<12x8x128xf32, #tpu.memory_space<vmem>>
        %dma_wait3A_2398 = arith.constant 0 : i32
        %dma_wait3A_2399 = arith.constant 0 : i32
        %dma_wait3A_2400 = arith.constant 0 : i32
        %dma_wait3A_2401 = tpu.memref_slice %arg5[%dma_wait3A_2392, %dma_wait3A_2398, %dma_wait3A_2393, %dma_wait3A_2399, %dma_wait3A_2400] : memref<1536x12x3x8x128xf32, #tpu.memory_space<hbm>> -> memref<1x12x1x8x128xf32, #tpu.memory_space<hbm>>
        %dma_wait3A_2402 = tpu.memref_squeeze %dma_wait3A_2401 : memref<1x12x1x8x128xf32, #tpu.memory_space<hbm>> -> memref<12x8x128xf32, #tpu.memory_space<hbm>>
        %dma_wait3A_2403 = arith.constant 0 : i32
        %dma_wait3A_2404 = arith.constant 0 : i32
        %dma_wait3A_2405 = arith.constant 0 : i32
        %dma_wait3A_2406 = tpu.memref_slice %arg5[%dma_wait3A_2392, %dma_wait3A_2403, %dma_wait3A_2393, %dma_wait3A_2404, %dma_wait3A_2405] : memref<1536x12x3x8x128xf32, #tpu.memory_space<hbm>> -> memref<1x12x1x8x128xf32, #tpu.memory_space<hbm>>
        %dma_wait3A_2407 = tpu.memref_squeeze %dma_wait3A_2406 : memref<1x12x1x8x128xf32, #tpu.memory_space<hbm>> -> memref<12x8x128xf32, #tpu.memory_space<hbm>>
        %dma_wait3A_2408 = arith.constant 0 : i32
        %dma_wait3A_2409 = arith.constant 0 : i32
        %dma_wait3A_2410 = arith.constant 0 : i32
        %dma_wait3A_2411 = tpu.memref_slice %arg34[%dma_wait3A_2408, %dma_wait3A_2409, %dma_wait3A_2410] : memref<12x8x129xf32, #tpu.memory_space<vmem>> -> memref<12x8x128xf32, #tpu.memory_space<vmem>>
        tpu.wait_dma2 semaphore(%arg40 : memref<!tpu.dma_semaphore, #tpu.memory_space<semaphore_mem>>) src(%dma_wait3A_2411 : memref<12x8x128xf32, #tpu.memory_space<vmem>>) dst(%dma_wait3A_2407 : memref<12x8x128xf32, #tpu.memory_space<hbm>>)
      } else {
      }
      %iota3A_2101 = tpu.iota {dimensions = array<i32: 0>} : vector<16xi32>
      %add3A_2102 = arith.constant 0 : i32
      %add3A_2103 = vector.broadcast %add3A_2102 : i32 to vector<16xi32>
      %add3A_2104 = arith.addi %add3A_2103, %iota3A_2101 : vector<16xi32>
      %shift_right_logical3A = arith.constant 3 : i32
      %shift_right_logical3A_2105 = vector.broadcast %shift_right_logical3A : i32 to vector<16xi32>
      %shift_right_logical3A_2106 = arith.shrui %add3A_2104, %shift_right_logical3A_2105 : vector<16xi32>
      %and3A_2107 = arith.constant 7 : i32
      %and3A_2108 = vector.broadcast %and3A_2107 : i32 to vector<16xi32>
      %and3A_2109 = arith.andi %add3A_2104, %and3A_2108 : vector<16xi32>
      %add3A_2110 = arith.constant 16 : i32
      %add3A_2111 = vector.broadcast %add3A_2110 : i32 to vector<16xi32>
      %add3A_2112 = arith.addi %add3A_2111, %iota3A_2101 : vector<16xi32>
      %shift_right_logical3A_2113 = arith.constant 3 : i32
      %shift_right_logical3A_2114 = vector.broadcast %shift_right_logical3A_2113 : i32 to vector<16xi32>
      %shift_right_logical3A_2115 = arith.shrui %add3A_2112, %shift_right_logical3A_2114 : vector<16xi32>
      %and3A_2116 = arith.constant 7 : i32
      %and3A_2117 = vector.broadcast %and3A_2116 : i32 to vector<16xi32>
      %and3A_2118 = arith.andi %add3A_2112, %and3A_2117 : vector<16xi32>
      %add3A_2119 = arith.constant 32 : i32
      %add3A_2120 = vector.broadcast %add3A_2119 : i32 to vector<16xi32>
      %add3A_2121 = arith.addi %add3A_2120, %iota3A_2101 : vector<16xi32>
      %shift_right_logical3A_2122 = arith.constant 3 : i32
      %shift_right_logical3A_2123 = vector.broadcast %shift_right_logical3A_2122 : i32 to vector<16xi32>
      %shift_right_logical3A_2124 = arith.shrui %add3A_2121, %shift_right_logical3A_2123 : vector<16xi32>
      %and3A_2125 = arith.constant 7 : i32
      %and3A_2126 = vector.broadcast %and3A_2125 : i32 to vector<16xi32>
      %and3A_2127 = arith.andi %add3A_2121, %and3A_2126 : vector<16xi32>
      %add3A_2128 = arith.constant 48 : i32
      %add3A_2129 = vector.broadcast %add3A_2128 : i32 to vector<16xi32>
      %add3A_2130 = arith.addi %add3A_2129, %iota3A_2101 : vector<16xi32>
      %shift_right_logical3A_2131 = arith.constant 3 : i32
      %shift_right_logical3A_2132 = vector.broadcast %shift_right_logical3A_2131 : i32 to vector<16xi32>
      %shift_right_logical3A_2133 = arith.shrui %add3A_2130, %shift_right_logical3A_2132 : vector<16xi32>
      %and3A_2134 = arith.constant 7 : i32
      %and3A_2135 = vector.broadcast %and3A_2134 : i32 to vector<16xi32>
      %and3A_2136 = arith.andi %add3A_2130, %and3A_2135 : vector<16xi32>
      %add3A_2137 = arith.constant 64 : i32
      %add3A_2138 = vector.broadcast %add3A_2137 : i32 to vector<16xi32>
      %add3A_2139 = arith.addi %add3A_2138, %iota3A_2101 : vector<16xi32>
      %shift_right_logical3A_2140 = arith.constant 3 : i32
      %shift_right_logical3A_2141 = vector.broadcast %shift_right_logical3A_2140 : i32 to vector<16xi32>
      %shift_right_logical3A_2142 = arith.shrui %add3A_2139, %shift_right_logical3A_2141 : vector<16xi32>
      %and3A_2143 = arith.constant 7 : i32
      %and3A_2144 = vector.broadcast %and3A_2143 : i32 to vector<16xi32>
      %and3A_2145 = arith.andi %add3A_2139, %and3A_2144 : vector<16xi32>
      %add3A_2146 = arith.constant 80 : i32
      %add3A_2147 = vector.broadcast %add3A_2146 : i32 to vector<16xi32>
      %add3A_2148 = arith.addi %add3A_2147, %iota3A_2101 : vector<16xi32>
      %shift_right_logical3A_2149 = arith.constant 3 : i32
      %shift_right_logical3A_2150 = vector.broadcast %shift_right_logical3A_2149 : i32 to vector<16xi32>
      %shift_right_logical3A_2151 = arith.shrui %add3A_2148, %shift_right_logical3A_2150 : vector<16xi32>
      %and3A_2152 = arith.constant 7 : i32
      %and3A_2153 = vector.broadcast %and3A_2152 : i32 to vector<16xi32>
      %and3A_2154 = arith.andi %add3A_2148, %and3A_2153 : vector<16xi32>
      %scan3A_2155 = arith.constant 0 : i32
      %scan3A_2156 = arith.constant 0 : i32
      %scan3A_2157 = arith.constant 128 : i32
      %scan3A_2158 = arith.addi %scan3A_2156, %scan3A_2157 : i32
      %scan3A_2159 = arith.constant 4 : i32
      scf.for %scan3A_2392 = %scan3A_2156 to %scan3A_2158 step %scan3A_2159  : i32 {
        %broadcast_in_dim3A = vector.broadcast %scan3A_2392 : i32 to vector<16xi32>
        %gather3A = tpu.vector_load_idx %arg18[%broadcast_in_dim3A] : memref<128xf32, #tpu.memory_space<vmem>>[vector<16xi32>], vector<16xf32>,
        %gather3A_2393 = tpu.vector_load_idx %arg19[%broadcast_in_dim3A] : memref<128xf32, #tpu.memory_space<vmem>>[vector<16xi32>], vector<16xf32>,
        %gather3A_2394 = tpu.vector_load_idx %arg20[%broadcast_in_dim3A] : memref<128xf32, #tpu.memory_space<vmem>>[vector<16xi32>], vector<16xf32>,
        %gather3A_2395 = tpu.vector_load_idx %arg21[%broadcast_in_dim3A] : memref<128xf32, #tpu.memory_space<vmem>>[vector<16xi32>], vector<16xf32>,
        %get3A_2396 = arith.index_cast %scan3A_2392 : i32 to index
        %get3A_2397 = arith.constant 0 : index
        %get3A_2398 = tpu.vector_load %arg26[%get3A_2396, %get3A_2397] {strides = array<i32>} : memref<128x96xf32, #tpu.memory_space<vmem>>, vector<16xf32>,
        %get3A_2399 = arith.index_cast %scan3A_2392 : i32 to index
        %get3A_2400 = arith.constant 16 : index
        %get3A_2401 = tpu.vector_load %arg26[%get3A_2399, %get3A_2400] {strides = array<i32>} : memref<128x96xf32, #tpu.memory_space<vmem>>, vector<16xf32>,
        %get3A_2402 = arith.index_cast %scan3A_2392 : i32 to index
        %get3A_2403 = arith.constant 32 : index
        %get3A_2404 = tpu.vector_load %arg26[%get3A_2402, %get3A_2403] {strides = array<i32>} : memref<128x96xf32, #tpu.memory_space<vmem>>, vector<16xf32>,
        %get3A_2405 = arith.index_cast %scan3A_2392 : i32 to index
        %get3A_2406 = arith.constant 48 : index
        %get3A_2407 = tpu.vector_load %arg26[%get3A_2405, %get3A_2406] {strides = array<i32>} : memref<128x96xf32, #tpu.memory_space<vmem>>, vector<16xf32>,
        %get3A_2408 = arith.index_cast %scan3A_2392 : i32 to index
        %get3A_2409 = arith.constant 64 : index
        %get3A_2410 = tpu.vector_load %arg26[%get3A_2408, %get3A_2409] {strides = array<i32>} : memref<128x96xf32, #tpu.memory_space<vmem>>, vector<16xf32>,
        %get3A_2411 = arith.index_cast %scan3A_2392 : i32 to index
        %get3A_2412 = arith.constant 80 : index
        %get3A_2413 = tpu.vector_load %arg26[%get3A_2411, %get3A_2412] {strides = array<i32>} : memref<128x96xf32, #tpu.memory_space<vmem>>, vector<16xf32>,
        %get3A_2414 = arith.index_cast %scan3A_2392 : i32 to index
        %get3A_2415 = arith.constant 0 : index
        %get3A_2416 = tpu.vector_load %arg27[%get3A_2414, %get3A_2415] {strides = array<i32>} : memref<128x96xf32, #tpu.memory_space<vmem>>, vector<16xf32>,
        %get3A_2417 = arith.index_cast %scan3A_2392 : i32 to index
        %get3A_2418 = arith.constant 16 : index
        %get3A_2419 = tpu.vector_load %arg27[%get3A_2417, %get3A_2418] {strides = array<i32>} : memref<128x96xf32, #tpu.memory_space<vmem>>, vector<16xf32>,
        %get3A_2420 = arith.index_cast %scan3A_2392 : i32 to index
        %get3A_2421 = arith.constant 32 : index
        %get3A_2422 = tpu.vector_load %arg27[%get3A_2420, %get3A_2421] {strides = array<i32>} : memref<128x96xf32, #tpu.memory_space<vmem>>, vector<16xf32>,
        %get3A_2423 = arith.index_cast %scan3A_2392 : i32 to index
        %get3A_2424 = arith.constant 48 : index
        %get3A_2425 = tpu.vector_load %arg27[%get3A_2423, %get3A_2424] {strides = array<i32>} : memref<128x96xf32, #tpu.memory_space<vmem>>, vector<16xf32>,
        %get3A_2426 = arith.index_cast %scan3A_2392 : i32 to index
        %get3A_2427 = arith.constant 64 : index
        %get3A_2428 = tpu.vector_load %arg27[%get3A_2426, %get3A_2427] {strides = array<i32>} : memref<128x96xf32, #tpu.memory_space<vmem>>, vector<16xf32>,
        %get3A_2429 = arith.index_cast %scan3A_2392 : i32 to index
        %get3A_2430 = arith.constant 80 : index
        %get3A_2431 = tpu.vector_load %arg27[%get3A_2429, %get3A_2430] {strides = array<i32>} : memref<128x96xf32, #tpu.memory_space<vmem>>, vector<16xf32>,
        %get3A_2432 = arith.index_cast %scan3A_2392 : i32 to index
        %get3A_2433 = arith.constant 0 : index
        %get3A_2434 = tpu.vector_load %arg28[%get3A_2432, %get3A_2433] {strides = array<i32>} : memref<128x96xf32, #tpu.memory_space<vmem>>, vector<16xf32>,
        %get3A_2435 = arith.index_cast %scan3A_2392 : i32 to index
        %get3A_2436 = arith.constant 16 : index
        %get3A_2437 = tpu.vector_load %arg28[%get3A_2435, %get3A_2436] {strides = array<i32>} : memref<128x96xf32, #tpu.memory_space<vmem>>, vector<16xf32>,
        %get3A_2438 = arith.index_cast %scan3A_2392 : i32 to index
        %get3A_2439 = arith.constant 32 : index
        %get3A_2440 = tpu.vector_load %arg28[%get3A_2438, %get3A_2439] {strides = array<i32>} : memref<128x96xf32, #tpu.memory_space<vmem>>, vector<16xf32>,
        %get3A_2441 = arith.index_cast %scan3A_2392 : i32 to index
        %get3A_2442 = arith.constant 48 : index
        %get3A_2443 = tpu.vector_load %arg28[%get3A_2441, %get3A_2442] {strides = array<i32>} : memref<128x96xf32, #tpu.memory_space<vmem>>, vector<16xf32>,
        %get3A_2444 = arith.index_cast %scan3A_2392 : i32 to index
        %get3A_2445 = arith.constant 64 : index
        %get3A_2446 = tpu.vector_load %arg28[%get3A_2444, %get3A_2445] {strides = array<i32>} : memref<128x96xf32, #tpu.memory_space<vmem>>, vector<16xf32>,
        %get3A_2447 = arith.index_cast %scan3A_2392 : i32 to index
        %get3A_2448 = arith.constant 80 : index
        %get3A_2449 = tpu.vector_load %arg28[%get3A_2447, %get3A_2448] {strides = array<i32>} : memref<128x96xf32, #tpu.memory_space<vmem>>, vector<16xf32>,
        %get3A_2450 = arith.index_cast %scan3A_2392 : i32 to index
        %get3A_2451 = arith.constant 0 : index
        %get3A_2452 = tpu.vector_load %arg29[%get3A_2450, %get3A_2451] {strides = array<i32>} : memref<128x96xf32, #tpu.memory_space<vmem>>, vector<16xf32>,
        %get3A_2453 = arith.index_cast %scan3A_2392 : i32 to index
        %get3A_2454 = arith.constant 16 : index
        %get3A_2455 = tpu.vector_load %arg29[%get3A_2453, %get3A_2454] {strides = array<i32>} : memref<128x96xf32, #tpu.memory_space<vmem>>, vector<16xf32>,
        %get3A_2456 = arith.index_cast %scan3A_2392 : i32 to index
        %get3A_2457 = arith.constant 32 : index
        %get3A_2458 = tpu.vector_load %arg29[%get3A_2456, %get3A_2457] {strides = array<i32>} : memref<128x96xf32, #tpu.memory_space<vmem>>, vector<16xf32>,
        %get3A_2459 = arith.index_cast %scan3A_2392 : i32 to index
        %get3A_2460 = arith.constant 48 : index
        %get3A_2461 = tpu.vector_load %arg29[%get3A_2459, %get3A_2460] {strides = array<i32>} : memref<128x96xf32, #tpu.memory_space<vmem>>, vector<16xf32>,
        %get3A_2462 = arith.index_cast %scan3A_2392 : i32 to index
        %get3A_2463 = arith.constant 64 : index
        %get3A_2464 = tpu.vector_load %arg29[%get3A_2462, %get3A_2463] {strides = array<i32>} : memref<128x96xf32, #tpu.memory_space<vmem>>, vector<16xf32>,
        %get3A_2465 = arith.index_cast %scan3A_2392 : i32 to index
        %get3A_2466 = arith.constant 80 : index
        %get3A_2467 = tpu.vector_load %arg29[%get3A_2465, %get3A_2466] {strides = array<i32>} : memref<128x96xf32, #tpu.memory_space<vmem>>, vector<16xf32>,
        %mul3A_2468 = arith.mulf %gather3A, %get3A_2398 : vector<16xf32>
        %mul3A_2469 = arith.mulf %gather3A_2393, %get3A_2416 : vector<16xf32>
        %add3A_2470 = arith.addf %mul3A_2468, %mul3A_2469 : vector<16xf32>
        %mul3A_2471 = arith.mulf %gather3A_2394, %get3A_2434 : vector<16xf32>
        %mul3A_2472 = arith.mulf %gather3A_2395, %get3A_2452 : vector<16xf32>
        %add3A_2473 = arith.addf %mul3A_2471, %mul3A_2472 : vector<16xf32>
        %add3A_2474 = arith.addf %add3A_2470, %add3A_2473 : vector<16xf32>
        %mul3A_2475 = arith.mulf %gather3A, %get3A_2401 : vector<16xf32>
        %mul3A_2476 = arith.mulf %gather3A_2393, %get3A_2419 : vector<16xf32>
        %add3A_2477 = arith.addf %mul3A_2475, %mul3A_2476 : vector<16xf32>
        %mul3A_2478 = arith.mulf %gather3A_2394, %get3A_2437 : vector<16xf32>
        %mul3A_2479 = arith.mulf %gather3A_2395, %get3A_2455 : vector<16xf32>
        %add3A_2480 = arith.addf %mul3A_2478, %mul3A_2479 : vector<16xf32>
        %add3A_2481 = arith.addf %add3A_2477, %add3A_2480 : vector<16xf32>
        %mul3A_2482 = arith.mulf %gather3A, %get3A_2404 : vector<16xf32>
        %mul3A_2483 = arith.mulf %gather3A_2393, %get3A_2422 : vector<16xf32>
        %add3A_2484 = arith.addf %mul3A_2482, %mul3A_2483 : vector<16xf32>
        %mul3A_2485 = arith.mulf %gather3A_2394, %get3A_2440 : vector<16xf32>
        %mul3A_2486 = arith.mulf %gather3A_2395, %get3A_2458 : vector<16xf32>
        %add3A_2487 = arith.addf %mul3A_2485, %mul3A_2486 : vector<16xf32>
        %add3A_2488 = arith.addf %add3A_2484, %add3A_2487 : vector<16xf32>
        %mul3A_2489 = arith.mulf %gather3A, %get3A_2407 : vector<16xf32>
        %mul3A_2490 = arith.mulf %gather3A_2393, %get3A_2425 : vector<16xf32>
        %add3A_2491 = arith.addf %mul3A_2489, %mul3A_2490 : vector<16xf32>
        %mul3A_2492 = arith.mulf %gather3A_2394, %get3A_2443 : vector<16xf32>
        %mul3A_2493 = arith.mulf %gather3A_2395, %get3A_2461 : vector<16xf32>
        %add3A_2494 = arith.addf %mul3A_2492, %mul3A_2493 : vector<16xf32>
        %add3A_2495 = arith.addf %add3A_2491, %add3A_2494 : vector<16xf32>
        %mul3A_2496 = arith.mulf %gather3A, %get3A_2410 : vector<16xf32>
        %mul3A_2497 = arith.mulf %gather3A_2393, %get3A_2428 : vector<16xf32>
        %add3A_2498 = arith.addf %mul3A_2496, %mul3A_2497 : vector<16xf32>
        %mul3A_2499 = arith.mulf %gather3A_2394, %get3A_2446 : vector<16xf32>
        %mul3A_2500 = arith.mulf %gather3A_2395, %get3A_2464 : vector<16xf32>
        %add3A_2501 = arith.addf %mul3A_2499, %mul3A_2500 : vector<16xf32>
        %add3A_2502 = arith.addf %add3A_2498, %add3A_2501 : vector<16xf32>
        %mul3A_2503 = arith.mulf %gather3A, %get3A_2413 : vector<16xf32>
        %mul3A_2504 = arith.mulf %gather3A_2393, %get3A_2431 : vector<16xf32>
        %add3A_2505 = arith.addf %mul3A_2503, %mul3A_2504 : vector<16xf32>
        %mul3A_2506 = arith.mulf %gather3A_2394, %get3A_2449 : vector<16xf32>
        %mul3A_2507 = arith.mulf %gather3A_2395, %get3A_2467 : vector<16xf32>
        %add3A_2508 = arith.addf %mul3A_2506, %mul3A_2507 : vector<16xf32>
        %add3A_2509 = arith.addf %add3A_2505, %add3A_2508 : vector<16xf32>
        tpu.vector_store_idx %arg34[%shift_right_logical3A_2106, %and3A_2109, %broadcast_in_dim3A], %add3A_2474 : memref<12x8x129xf32, #tpu.memory_space<vmem>>[vector<16xi32>, vector<16xi32>, vector<16xi32>], vector<16xf32>,
        tpu.vector_store_idx %arg34[%shift_right_logical3A_2115, %and3A_2118, %broadcast_in_dim3A], %add3A_2481 : memref<12x8x129xf32, #tpu.memory_space<vmem>>[vector<16xi32>, vector<16xi32>, vector<16xi32>], vector<16xf32>,
        tpu.vector_store_idx %arg34[%shift_right_logical3A_2124, %and3A_2127, %broadcast_in_dim3A], %add3A_2488 : memref<12x8x129xf32, #tpu.memory_space<vmem>>[vector<16xi32>, vector<16xi32>, vector<16xi32>], vector<16xf32>,
        tpu.vector_store_idx %arg34[%shift_right_logical3A_2133, %and3A_2136, %broadcast_in_dim3A], %add3A_2495 : memref<12x8x129xf32, #tpu.memory_space<vmem>>[vector<16xi32>, vector<16xi32>, vector<16xi32>], vector<16xf32>,
        tpu.vector_store_idx %arg34[%shift_right_logical3A_2142, %and3A_2145, %broadcast_in_dim3A], %add3A_2502 : memref<12x8x129xf32, #tpu.memory_space<vmem>>[vector<16xi32>, vector<16xi32>, vector<16xi32>], vector<16xf32>,
        tpu.vector_store_idx %arg34[%shift_right_logical3A_2151, %and3A_2154, %broadcast_in_dim3A], %add3A_2509 : memref<12x8x129xf32, #tpu.memory_space<vmem>>[vector<16xi32>, vector<16xi32>, vector<16xi32>], vector<16xf32>,
        %scan3A_2510 = arith.constant 1 : i32
        %scan3A_2511 = arith.addi %scan3A_2392, %scan3A_2510 : i32
        %broadcast_in_dim3A_2512 = vector.broadcast %scan3A_2511 : i32 to vector<16xi32>
        %gather3A_2513 = tpu.vector_load_idx %arg18[%broadcast_in_dim3A_2512] : memref<128xf32, #tpu.memory_space<vmem>>[vector<16xi32>], vector<16xf32>,
        %gather3A_2514 = tpu.vector_load_idx %arg19[%broadcast_in_dim3A_2512] : memref<128xf32, #tpu.memory_space<vmem>>[vector<16xi32>], vector<16xf32>,
        %gather3A_2515 = tpu.vector_load_idx %arg20[%broadcast_in_dim3A_2512] : memref<128xf32, #tpu.memory_space<vmem>>[vector<16xi32>], vector<16xf32>,
        %gather3A_2516 = tpu.vector_load_idx %arg21[%broadcast_in_dim3A_2512] : memref<128xf32, #tpu.memory_space<vmem>>[vector<16xi32>], vector<16xf32>,
        %get3A_2517 = arith.index_cast %scan3A_2511 : i32 to index
        %get3A_2518 = arith.constant 0 : index
        %get3A_2519 = tpu.vector_load %arg26[%get3A_2517, %get3A_2518] {strides = array<i32>} : memref<128x96xf32, #tpu.memory_space<vmem>>, vector<16xf32>,
        %get3A_2520 = arith.index_cast %scan3A_2511 : i32 to index
        %get3A_2521 = arith.constant 16 : index
        %get3A_2522 = tpu.vector_load %arg26[%get3A_2520, %get3A_2521] {strides = array<i32>} : memref<128x96xf32, #tpu.memory_space<vmem>>, vector<16xf32>,
        %get3A_2523 = arith.index_cast %scan3A_2511 : i32 to index
        %get3A_2524 = arith.constant 32 : index
        %get3A_2525 = tpu.vector_load %arg26[%get3A_2523, %get3A_2524] {strides = array<i32>} : memref<128x96xf32, #tpu.memory_space<vmem>>, vector<16xf32>,
        %get3A_2526 = arith.index_cast %scan3A_2511 : i32 to index
        %get3A_2527 = arith.constant 48 : index
        %get3A_2528 = tpu.vector_load %arg26[%get3A_2526, %get3A_2527] {strides = array<i32>} : memref<128x96xf32, #tpu.memory_space<vmem>>, vector<16xf32>,
        %get3A_2529 = arith.index_cast %scan3A_2511 : i32 to index
        %get3A_2530 = arith.constant 64 : index
        %get3A_2531 = tpu.vector_load %arg26[%get3A_2529, %get3A_2530] {strides = array<i32>} : memref<128x96xf32, #tpu.memory_space<vmem>>, vector<16xf32>,
        %get3A_2532 = arith.index_cast %scan3A_2511 : i32 to index
        %get3A_2533 = arith.constant 80 : index
        %get3A_2534 = tpu.vector_load %arg26[%get3A_2532, %get3A_2533] {strides = array<i32>} : memref<128x96xf32, #tpu.memory_space<vmem>>, vector<16xf32>,
        %get3A_2535 = arith.index_cast %scan3A_2511 : i32 to index
        %get3A_2536 = arith.constant 0 : index
        %get3A_2537 = tpu.vector_load %arg27[%get3A_2535, %get3A_2536] {strides = array<i32>} : memref<128x96xf32, #tpu.memory_space<vmem>>, vector<16xf32>,
        %get3A_2538 = arith.index_cast %scan3A_2511 : i32 to index
        %get3A_2539 = arith.constant 16 : index
        %get3A_2540 = tpu.vector_load %arg27[%get3A_2538, %get3A_2539] {strides = array<i32>} : memref<128x96xf32, #tpu.memory_space<vmem>>, vector<16xf32>,
        %get3A_2541 = arith.index_cast %scan3A_2511 : i32 to index
        %get3A_2542 = arith.constant 32 : index
        %get3A_2543 = tpu.vector_load %arg27[%get3A_2541, %get3A_2542] {strides = array<i32>} : memref<128x96xf32, #tpu.memory_space<vmem>>, vector<16xf32>,
        %get3A_2544 = arith.index_cast %scan3A_2511 : i32 to index
        %get3A_2545 = arith.constant 48 : index
        %get3A_2546 = tpu.vector_load %arg27[%get3A_2544, %get3A_2545] {strides = array<i32>} : memref<128x96xf32, #tpu.memory_space<vmem>>, vector<16xf32>,
        %get3A_2547 = arith.index_cast %scan3A_2511 : i32 to index
        %get3A_2548 = arith.constant 64 : index
        %get3A_2549 = tpu.vector_load %arg27[%get3A_2547, %get3A_2548] {strides = array<i32>} : memref<128x96xf32, #tpu.memory_space<vmem>>, vector<16xf32>,
        %get3A_2550 = arith.index_cast %scan3A_2511 : i32 to index
        %get3A_2551 = arith.constant 80 : index
        %get3A_2552 = tpu.vector_load %arg27[%get3A_2550, %get3A_2551] {strides = array<i32>} : memref<128x96xf32, #tpu.memory_space<vmem>>, vector<16xf32>,
        %get3A_2553 = arith.index_cast %scan3A_2511 : i32 to index
        %get3A_2554 = arith.constant 0 : index
        %get3A_2555 = tpu.vector_load %arg28[%get3A_2553, %get3A_2554] {strides = array<i32>} : memref<128x96xf32, #tpu.memory_space<vmem>>, vector<16xf32>,
        %get3A_2556 = arith.index_cast %scan3A_2511 : i32 to index
        %get3A_2557 = arith.constant 16 : index
        %get3A_2558 = tpu.vector_load %arg28[%get3A_2556, %get3A_2557] {strides = array<i32>} : memref<128x96xf32, #tpu.memory_space<vmem>>, vector<16xf32>,
        %get3A_2559 = arith.index_cast %scan3A_2511 : i32 to index
        %get3A_2560 = arith.constant 32 : index
        %get3A_2561 = tpu.vector_load %arg28[%get3A_2559, %get3A_2560] {strides = array<i32>} : memref<128x96xf32, #tpu.memory_space<vmem>>, vector<16xf32>,
        %get3A_2562 = arith.index_cast %scan3A_2511 : i32 to index
        %get3A_2563 = arith.constant 48 : index
        %get3A_2564 = tpu.vector_load %arg28[%get3A_2562, %get3A_2563] {strides = array<i32>} : memref<128x96xf32, #tpu.memory_space<vmem>>, vector<16xf32>,
        %get3A_2565 = arith.index_cast %scan3A_2511 : i32 to index
        %get3A_2566 = arith.constant 64 : index
        %get3A_2567 = tpu.vector_load %arg28[%get3A_2565, %get3A_2566] {strides = array<i32>} : memref<128x96xf32, #tpu.memory_space<vmem>>, vector<16xf32>,
        %get3A_2568 = arith.index_cast %scan3A_2511 : i32 to index
        %get3A_2569 = arith.constant 80 : index
        %get3A_2570 = tpu.vector_load %arg28[%get3A_2568, %get3A_2569] {strides = array<i32>} : memref<128x96xf32, #tpu.memory_space<vmem>>, vector<16xf32>,
        %get3A_2571 = arith.index_cast %scan3A_2511 : i32 to index
        %get3A_2572 = arith.constant 0 : index
        %get3A_2573 = tpu.vector_load %arg29[%get3A_2571, %get3A_2572] {strides = array<i32>} : memref<128x96xf32, #tpu.memory_space<vmem>>, vector<16xf32>,
        %get3A_2574 = arith.index_cast %scan3A_2511 : i32 to index
        %get3A_2575 = arith.constant 16 : index
        %get3A_2576 = tpu.vector_load %arg29[%get3A_2574, %get3A_2575] {strides = array<i32>} : memref<128x96xf32, #tpu.memory_space<vmem>>, vector<16xf32>,
        %get3A_2577 = arith.index_cast %scan3A_2511 : i32 to index
        %get3A_2578 = arith.constant 32 : index
        %get3A_2579 = tpu.vector_load %arg29[%get3A_2577, %get3A_2578] {strides = array<i32>} : memref<128x96xf32, #tpu.memory_space<vmem>>, vector<16xf32>,
        %get3A_2580 = arith.index_cast %scan3A_2511 : i32 to index
        %get3A_2581 = arith.constant 48 : index
        %get3A_2582 = tpu.vector_load %arg29[%get3A_2580, %get3A_2581] {strides = array<i32>} : memref<128x96xf32, #tpu.memory_space<vmem>>, vector<16xf32>,
        %get3A_2583 = arith.index_cast %scan3A_2511 : i32 to index
        %get3A_2584 = arith.constant 64 : index
        %get3A_2585 = tpu.vector_load %arg29[%get3A_2583, %get3A_2584] {strides = array<i32>} : memref<128x96xf32, #tpu.memory_space<vmem>>, vector<16xf32>,
        %get3A_2586 = arith.index_cast %scan3A_2511 : i32 to index
        %get3A_2587 = arith.constant 80 : index
        %get3A_2588 = tpu.vector_load %arg29[%get3A_2586, %get3A_2587] {strides = array<i32>} : memref<128x96xf32, #tpu.memory_space<vmem>>, vector<16xf32>,
        %mul3A_2589 = arith.mulf %gather3A_2513, %get3A_2519 : vector<16xf32>
        %mul3A_2590 = arith.mulf %gather3A_2514, %get3A_2537 : vector<16xf32>
        %add3A_2591 = arith.addf %mul3A_2589, %mul3A_2590 : vector<16xf32>
        %mul3A_2592 = arith.mulf %gather3A_2515, %get3A_2555 : vector<16xf32>
        %mul3A_2593 = arith.mulf %gather3A_2516, %get3A_2573 : vector<16xf32>
        %add3A_2594 = arith.addf %mul3A_2592, %mul3A_2593 : vector<16xf32>
        %add3A_2595 = arith.addf %add3A_2591, %add3A_2594 : vector<16xf32>
        %mul3A_2596 = arith.mulf %gather3A_2513, %get3A_2522 : vector<16xf32>
        %mul3A_2597 = arith.mulf %gather3A_2514, %get3A_2540 : vector<16xf32>
        %add3A_2598 = arith.addf %mul3A_2596, %mul3A_2597 : vector<16xf32>
        %mul3A_2599 = arith.mulf %gather3A_2515, %get3A_2558 : vector<16xf32>
        %mul3A_2600 = arith.mulf %gather3A_2516, %get3A_2576 : vector<16xf32>
        %add3A_2601 = arith.addf %mul3A_2599, %mul3A_2600 : vector<16xf32>
        %add3A_2602 = arith.addf %add3A_2598, %add3A_2601 : vector<16xf32>
        %mul3A_2603 = arith.mulf %gather3A_2513, %get3A_2525 : vector<16xf32>
        %mul3A_2604 = arith.mulf %gather3A_2514, %get3A_2543 : vector<16xf32>
        %add3A_2605 = arith.addf %mul3A_2603, %mul3A_2604 : vector<16xf32>
        %mul3A_2606 = arith.mulf %gather3A_2515, %get3A_2561 : vector<16xf32>
        %mul3A_2607 = arith.mulf %gather3A_2516, %get3A_2579 : vector<16xf32>
        %add3A_2608 = arith.addf %mul3A_2606, %mul3A_2607 : vector<16xf32>
        %add3A_2609 = arith.addf %add3A_2605, %add3A_2608 : vector<16xf32>
        %mul3A_2610 = arith.mulf %gather3A_2513, %get3A_2528 : vector<16xf32>
        %mul3A_2611 = arith.mulf %gather3A_2514, %get3A_2546 : vector<16xf32>
        %add3A_2612 = arith.addf %mul3A_2610, %mul3A_2611 : vector<16xf32>
        %mul3A_2613 = arith.mulf %gather3A_2515, %get3A_2564 : vector<16xf32>
        %mul3A_2614 = arith.mulf %gather3A_2516, %get3A_2582 : vector<16xf32>
        %add3A_2615 = arith.addf %mul3A_2613, %mul3A_2614 : vector<16xf32>
        %add3A_2616 = arith.addf %add3A_2612, %add3A_2615 : vector<16xf32>
        %mul3A_2617 = arith.mulf %gather3A_2513, %get3A_2531 : vector<16xf32>
        %mul3A_2618 = arith.mulf %gather3A_2514, %get3A_2549 : vector<16xf32>
        %add3A_2619 = arith.addf %mul3A_2617, %mul3A_2618 : vector<16xf32>
        %mul3A_2620 = arith.mulf %gather3A_2515, %get3A_2567 : vector<16xf32>
        %mul3A_2621 = arith.mulf %gather3A_2516, %get3A_2585 : vector<16xf32>
        %add3A_2622 = arith.addf %mul3A_2620, %mul3A_2621 : vector<16xf32>
        %add3A_2623 = arith.addf %add3A_2619, %add3A_2622 : vector<16xf32>
        %mul3A_2624 = arith.mulf %gather3A_2513, %get3A_2534 : vector<16xf32>
        %mul3A_2625 = arith.mulf %gather3A_2514, %get3A_2552 : vector<16xf32>
        %add3A_2626 = arith.addf %mul3A_2624, %mul3A_2625 : vector<16xf32>
        %mul3A_2627 = arith.mulf %gather3A_2515, %get3A_2570 : vector<16xf32>
        %mul3A_2628 = arith.mulf %gather3A_2516, %get3A_2588 : vector<16xf32>
        %add3A_2629 = arith.addf %mul3A_2627, %mul3A_2628 : vector<16xf32>
        %add3A_2630 = arith.addf %add3A_2626, %add3A_2629 : vector<16xf32>
        tpu.vector_store_idx %arg34[%shift_right_logical3A_2106, %and3A_2109, %broadcast_in_dim3A_2512], %add3A_2595 : memref<12x8x129xf32, #tpu.memory_space<vmem>>[vector<16xi32>, vector<16xi32>, vector<16xi32>], vector<16xf32>,
        tpu.vector_store_idx %arg34[%shift_right_logical3A_2115, %and3A_2118, %broadcast_in_dim3A_2512], %add3A_2602 : memref<12x8x129xf32, #tpu.memory_space<vmem>>[vector<16xi32>, vector<16xi32>, vector<16xi32>], vector<16xf32>,
        tpu.vector_store_idx %arg34[%shift_right_logical3A_2124, %and3A_2127, %broadcast_in_dim3A_2512], %add3A_2609 : memref<12x8x129xf32, #tpu.memory_space<vmem>>[vector<16xi32>, vector<16xi32>, vector<16xi32>], vector<16xf32>,
        tpu.vector_store_idx %arg34[%shift_right_logical3A_2133, %and3A_2136, %broadcast_in_dim3A_2512], %add3A_2616 : memref<12x8x129xf32, #tpu.memory_space<vmem>>[vector<16xi32>, vector<16xi32>, vector<16xi32>], vector<16xf32>,
        tpu.vector_store_idx %arg34[%shift_right_logical3A_2142, %and3A_2145, %broadcast_in_dim3A_2512], %add3A_2623 : memref<12x8x129xf32, #tpu.memory_space<vmem>>[vector<16xi32>, vector<16xi32>, vector<16xi32>], vector<16xf32>,
        tpu.vector_store_idx %arg34[%shift_right_logical3A_2151, %and3A_2154, %broadcast_in_dim3A_2512], %add3A_2630 : memref<12x8x129xf32, #tpu.memory_space<vmem>>[vector<16xi32>, vector<16xi32>, vector<16xi32>], vector<16xf32>,
        %scan3A_2631 = arith.constant 2 : i32
        %scan3A_2632 = arith.addi %scan3A_2392, %scan3A_2631 : i32
        %broadcast_in_dim3A_2633 = vector.broadcast %scan3A_2632 : i32 to vector<16xi32>
        %gather3A_2634 = tpu.vector_load_idx %arg18[%broadcast_in_dim3A_2633] : memref<128xf32, #tpu.memory_space<vmem>>[vector<16xi32>], vector<16xf32>,
        %gather3A_2635 = tpu.vector_load_idx %arg19[%broadcast_in_dim3A_2633] : memref<128xf32, #tpu.memory_space<vmem>>[vector<16xi32>], vector<16xf32>,
        %gather3A_2636 = tpu.vector_load_idx %arg20[%broadcast_in_dim3A_2633] : memref<128xf32, #tpu.memory_space<vmem>>[vector<16xi32>], vector<16xf32>,
        %gather3A_2637 = tpu.vector_load_idx %arg21[%broadcast_in_dim3A_2633] : memref<128xf32, #tpu.memory_space<vmem>>[vector<16xi32>], vector<16xf32>,
        %get3A_2638 = arith.index_cast %scan3A_2632 : i32 to index
        %get3A_2639 = arith.constant 0 : index
        %get3A_2640 = tpu.vector_load %arg26[%get3A_2638, %get3A_2639] {strides = array<i32>} : memref<128x96xf32, #tpu.memory_space<vmem>>, vector<16xf32>,
        %get3A_2641 = arith.index_cast %scan3A_2632 : i32 to index
        %get3A_2642 = arith.constant 16 : index
        %get3A_2643 = tpu.vector_load %arg26[%get3A_2641, %get3A_2642] {strides = array<i32>} : memref<128x96xf32, #tpu.memory_space<vmem>>, vector<16xf32>,
        %get3A_2644 = arith.index_cast %scan3A_2632 : i32 to index
        %get3A_2645 = arith.constant 32 : index
        %get3A_2646 = tpu.vector_load %arg26[%get3A_2644, %get3A_2645] {strides = array<i32>} : memref<128x96xf32, #tpu.memory_space<vmem>>, vector<16xf32>,
        %get3A_2647 = arith.index_cast %scan3A_2632 : i32 to index
        %get3A_2648 = arith.constant 48 : index
        %get3A_2649 = tpu.vector_load %arg26[%get3A_2647, %get3A_2648] {strides = array<i32>} : memref<128x96xf32, #tpu.memory_space<vmem>>, vector<16xf32>,
        %get3A_2650 = arith.index_cast %scan3A_2632 : i32 to index
        %get3A_2651 = arith.constant 64 : index
        %get3A_2652 = tpu.vector_load %arg26[%get3A_2650, %get3A_2651] {strides = array<i32>} : memref<128x96xf32, #tpu.memory_space<vmem>>, vector<16xf32>,
        %get3A_2653 = arith.index_cast %scan3A_2632 : i32 to index
        %get3A_2654 = arith.constant 80 : index
        %get3A_2655 = tpu.vector_load %arg26[%get3A_2653, %get3A_2654] {strides = array<i32>} : memref<128x96xf32, #tpu.memory_space<vmem>>, vector<16xf32>,
        %get3A_2656 = arith.index_cast %scan3A_2632 : i32 to index
        %get3A_2657 = arith.constant 0 : index
        %get3A_2658 = tpu.vector_load %arg27[%get3A_2656, %get3A_2657] {strides = array<i32>} : memref<128x96xf32, #tpu.memory_space<vmem>>, vector<16xf32>,
        %get3A_2659 = arith.index_cast %scan3A_2632 : i32 to index
        %get3A_2660 = arith.constant 16 : index
        %get3A_2661 = tpu.vector_load %arg27[%get3A_2659, %get3A_2660] {strides = array<i32>} : memref<128x96xf32, #tpu.memory_space<vmem>>, vector<16xf32>,
        %get3A_2662 = arith.index_cast %scan3A_2632 : i32 to index
        %get3A_2663 = arith.constant 32 : index
        %get3A_2664 = tpu.vector_load %arg27[%get3A_2662, %get3A_2663] {strides = array<i32>} : memref<128x96xf32, #tpu.memory_space<vmem>>, vector<16xf32>,
        %get3A_2665 = arith.index_cast %scan3A_2632 : i32 to index
        %get3A_2666 = arith.constant 48 : index
        %get3A_2667 = tpu.vector_load %arg27[%get3A_2665, %get3A_2666] {strides = array<i32>} : memref<128x96xf32, #tpu.memory_space<vmem>>, vector<16xf32>,
        %get3A_2668 = arith.index_cast %scan3A_2632 : i32 to index
        %get3A_2669 = arith.constant 64 : index
        %get3A_2670 = tpu.vector_load %arg27[%get3A_2668, %get3A_2669] {strides = array<i32>} : memref<128x96xf32, #tpu.memory_space<vmem>>, vector<16xf32>,
        %get3A_2671 = arith.index_cast %scan3A_2632 : i32 to index
        %get3A_2672 = arith.constant 80 : index
        %get3A_2673 = tpu.vector_load %arg27[%get3A_2671, %get3A_2672] {strides = array<i32>} : memref<128x96xf32, #tpu.memory_space<vmem>>, vector<16xf32>,
        %get3A_2674 = arith.index_cast %scan3A_2632 : i32 to index
        %get3A_2675 = arith.constant 0 : index
        %get3A_2676 = tpu.vector_load %arg28[%get3A_2674, %get3A_2675] {strides = array<i32>} : memref<128x96xf32, #tpu.memory_space<vmem>>, vector<16xf32>,
        %get3A_2677 = arith.index_cast %scan3A_2632 : i32 to index
        %get3A_2678 = arith.constant 16 : index
        %get3A_2679 = tpu.vector_load %arg28[%get3A_2677, %get3A_2678] {strides = array<i32>} : memref<128x96xf32, #tpu.memory_space<vmem>>, vector<16xf32>,
        %get3A_2680 = arith.index_cast %scan3A_2632 : i32 to index
        %get3A_2681 = arith.constant 32 : index
        %get3A_2682 = tpu.vector_load %arg28[%get3A_2680, %get3A_2681] {strides = array<i32>} : memref<128x96xf32, #tpu.memory_space<vmem>>, vector<16xf32>,
        %get3A_2683 = arith.index_cast %scan3A_2632 : i32 to index
        %get3A_2684 = arith.constant 48 : index
        %get3A_2685 = tpu.vector_load %arg28[%get3A_2683, %get3A_2684] {strides = array<i32>} : memref<128x96xf32, #tpu.memory_space<vmem>>, vector<16xf32>,
        %get3A_2686 = arith.index_cast %scan3A_2632 : i32 to index
        %get3A_2687 = arith.constant 64 : index
        %get3A_2688 = tpu.vector_load %arg28[%get3A_2686, %get3A_2687] {strides = array<i32>} : memref<128x96xf32, #tpu.memory_space<vmem>>, vector<16xf32>,
        %get3A_2689 = arith.index_cast %scan3A_2632 : i32 to index
        %get3A_2690 = arith.constant 80 : index
        %get3A_2691 = tpu.vector_load %arg28[%get3A_2689, %get3A_2690] {strides = array<i32>} : memref<128x96xf32, #tpu.memory_space<vmem>>, vector<16xf32>,
        %get3A_2692 = arith.index_cast %scan3A_2632 : i32 to index
        %get3A_2693 = arith.constant 0 : index
        %get3A_2694 = tpu.vector_load %arg29[%get3A_2692, %get3A_2693] {strides = array<i32>} : memref<128x96xf32, #tpu.memory_space<vmem>>, vector<16xf32>,
        %get3A_2695 = arith.index_cast %scan3A_2632 : i32 to index
        %get3A_2696 = arith.constant 16 : index
        %get3A_2697 = tpu.vector_load %arg29[%get3A_2695, %get3A_2696] {strides = array<i32>} : memref<128x96xf32, #tpu.memory_space<vmem>>, vector<16xf32>,
        %get3A_2698 = arith.index_cast %scan3A_2632 : i32 to index
        %get3A_2699 = arith.constant 32 : index
        %get3A_2700 = tpu.vector_load %arg29[%get3A_2698, %get3A_2699] {strides = array<i32>} : memref<128x96xf32, #tpu.memory_space<vmem>>, vector<16xf32>,
        %get3A_2701 = arith.index_cast %scan3A_2632 : i32 to index
        %get3A_2702 = arith.constant 48 : index
        %get3A_2703 = tpu.vector_load %arg29[%get3A_2701, %get3A_2702] {strides = array<i32>} : memref<128x96xf32, #tpu.memory_space<vmem>>, vector<16xf32>,
        %get3A_2704 = arith.index_cast %scan3A_2632 : i32 to index
        %get3A_2705 = arith.constant 64 : index
        %get3A_2706 = tpu.vector_load %arg29[%get3A_2704, %get3A_2705] {strides = array<i32>} : memref<128x96xf32, #tpu.memory_space<vmem>>, vector<16xf32>,
        %get3A_2707 = arith.index_cast %scan3A_2632 : i32 to index
        %get3A_2708 = arith.constant 80 : index
        %get3A_2709 = tpu.vector_load %arg29[%get3A_2707, %get3A_2708] {strides = array<i32>} : memref<128x96xf32, #tpu.memory_space<vmem>>, vector<16xf32>,
        %mul3A_2710 = arith.mulf %gather3A_2634, %get3A_2640 : vector<16xf32>
        %mul3A_2711 = arith.mulf %gather3A_2635, %get3A_2658 : vector<16xf32>
        %add3A_2712 = arith.addf %mul3A_2710, %mul3A_2711 : vector<16xf32>
        %mul3A_2713 = arith.mulf %gather3A_2636, %get3A_2676 : vector<16xf32>
        %mul3A_2714 = arith.mulf %gather3A_2637, %get3A_2694 : vector<16xf32>
        %add3A_2715 = arith.addf %mul3A_2713, %mul3A_2714 : vector<16xf32>
        %add3A_2716 = arith.addf %add3A_2712, %add3A_2715 : vector<16xf32>
        %mul3A_2717 = arith.mulf %gather3A_2634, %get3A_2643 : vector<16xf32>
        %mul3A_2718 = arith.mulf %gather3A_2635, %get3A_2661 : vector<16xf32>
        %add3A_2719 = arith.addf %mul3A_2717, %mul3A_2718 : vector<16xf32>
        %mul3A_2720 = arith.mulf %gather3A_2636, %get3A_2679 : vector<16xf32>
        %mul3A_2721 = arith.mulf %gather3A_2637, %get3A_2697 : vector<16xf32>
        %add3A_2722 = arith.addf %mul3A_2720, %mul3A_2721 : vector<16xf32>
        %add3A_2723 = arith.addf %add3A_2719, %add3A_2722 : vector<16xf32>
        %mul3A_2724 = arith.mulf %gather3A_2634, %get3A_2646 : vector<16xf32>
        %mul3A_2725 = arith.mulf %gather3A_2635, %get3A_2664 : vector<16xf32>
        %add3A_2726 = arith.addf %mul3A_2724, %mul3A_2725 : vector<16xf32>
        %mul3A_2727 = arith.mulf %gather3A_2636, %get3A_2682 : vector<16xf32>
        %mul3A_2728 = arith.mulf %gather3A_2637, %get3A_2700 : vector<16xf32>
        %add3A_2729 = arith.addf %mul3A_2727, %mul3A_2728 : vector<16xf32>
        %add3A_2730 = arith.addf %add3A_2726, %add3A_2729 : vector<16xf32>
        %mul3A_2731 = arith.mulf %gather3A_2634, %get3A_2649 : vector<16xf32>
        %mul3A_2732 = arith.mulf %gather3A_2635, %get3A_2667 : vector<16xf32>
        %add3A_2733 = arith.addf %mul3A_2731, %mul3A_2732 : vector<16xf32>
        %mul3A_2734 = arith.mulf %gather3A_2636, %get3A_2685 : vector<16xf32>
        %mul3A_2735 = arith.mulf %gather3A_2637, %get3A_2703 : vector<16xf32>
        %add3A_2736 = arith.addf %mul3A_2734, %mul3A_2735 : vector<16xf32>
        %add3A_2737 = arith.addf %add3A_2733, %add3A_2736 : vector<16xf32>
        %mul3A_2738 = arith.mulf %gather3A_2634, %get3A_2652 : vector<16xf32>
        %mul3A_2739 = arith.mulf %gather3A_2635, %get3A_2670 : vector<16xf32>
        %add3A_2740 = arith.addf %mul3A_2738, %mul3A_2739 : vector<16xf32>
        %mul3A_2741 = arith.mulf %gather3A_2636, %get3A_2688 : vector<16xf32>
        %mul3A_2742 = arith.mulf %gather3A_2637, %get3A_2706 : vector<16xf32>
        %add3A_2743 = arith.addf %mul3A_2741, %mul3A_2742 : vector<16xf32>
        %add3A_2744 = arith.addf %add3A_2740, %add3A_2743 : vector<16xf32>
        %mul3A_2745 = arith.mulf %gather3A_2634, %get3A_2655 : vector<16xf32>
        %mul3A_2746 = arith.mulf %gather3A_2635, %get3A_2673 : vector<16xf32>
        %add3A_2747 = arith.addf %mul3A_2745, %mul3A_2746 : vector<16xf32>
        %mul3A_2748 = arith.mulf %gather3A_2636, %get3A_2691 : vector<16xf32>
        %mul3A_2749 = arith.mulf %gather3A_2637, %get3A_2709 : vector<16xf32>
        %add3A_2750 = arith.addf %mul3A_2748, %mul3A_2749 : vector<16xf32>
        %add3A_2751 = arith.addf %add3A_2747, %add3A_2750 : vector<16xf32>
        tpu.vector_store_idx %arg34[%shift_right_logical3A_2106, %and3A_2109, %broadcast_in_dim3A_2633], %add3A_2716 : memref<12x8x129xf32, #tpu.memory_space<vmem>>[vector<16xi32>, vector<16xi32>, vector<16xi32>], vector<16xf32>,
        tpu.vector_store_idx %arg34[%shift_right_logical3A_2115, %and3A_2118, %broadcast_in_dim3A_2633], %add3A_2723 : memref<12x8x129xf32, #tpu.memory_space<vmem>>[vector<16xi32>, vector<16xi32>, vector<16xi32>], vector<16xf32>,
        tpu.vector_store_idx %arg34[%shift_right_logical3A_2124, %and3A_2127, %broadcast_in_dim3A_2633], %add3A_2730 : memref<12x8x129xf32, #tpu.memory_space<vmem>>[vector<16xi32>, vector<16xi32>, vector<16xi32>], vector<16xf32>,
        tpu.vector_store_idx %arg34[%shift_right_logical3A_2133, %and3A_2136, %broadcast_in_dim3A_2633], %add3A_2737 : memref<12x8x129xf32, #tpu.memory_space<vmem>>[vector<16xi32>, vector<16xi32>, vector<16xi32>], vector<16xf32>,
        tpu.vector_store_idx %arg34[%shift_right_logical3A_2142, %and3A_2145, %broadcast_in_dim3A_2633], %add3A_2744 : memref<12x8x129xf32, #tpu.memory_space<vmem>>[vector<16xi32>, vector<16xi32>, vector<16xi32>], vector<16xf32>,
        tpu.vector_store_idx %arg34[%shift_right_logical3A_2151, %and3A_2154, %broadcast_in_dim3A_2633], %add3A_2751 : memref<12x8x129xf32, #tpu.memory_space<vmem>>[vector<16xi32>, vector<16xi32>, vector<16xi32>], vector<16xf32>,
        %scan3A_2752 = arith.constant 3 : i32
        %scan3A_2753 = arith.addi %scan3A_2392, %scan3A_2752 : i32
        %broadcast_in_dim3A_2754 = vector.broadcast %scan3A_2753 : i32 to vector<16xi32>
        %gather3A_2755 = tpu.vector_load_idx %arg18[%broadcast_in_dim3A_2754] : memref<128xf32, #tpu.memory_space<vmem>>[vector<16xi32>], vector<16xf32>,
        %gather3A_2756 = tpu.vector_load_idx %arg19[%broadcast_in_dim3A_2754] : memref<128xf32, #tpu.memory_space<vmem>>[vector<16xi32>], vector<16xf32>,
        %gather3A_2757 = tpu.vector_load_idx %arg20[%broadcast_in_dim3A_2754] : memref<128xf32, #tpu.memory_space<vmem>>[vector<16xi32>], vector<16xf32>,
        %gather3A_2758 = tpu.vector_load_idx %arg21[%broadcast_in_dim3A_2754] : memref<128xf32, #tpu.memory_space<vmem>>[vector<16xi32>], vector<16xf32>,
        %get3A_2759 = arith.index_cast %scan3A_2753 : i32 to index
        %get3A_2760 = arith.constant 0 : index
        %get3A_2761 = tpu.vector_load %arg26[%get3A_2759, %get3A_2760] {strides = array<i32>} : memref<128x96xf32, #tpu.memory_space<vmem>>, vector<16xf32>,
        %get3A_2762 = arith.index_cast %scan3A_2753 : i32 to index
        %get3A_2763 = arith.constant 16 : index
        %get3A_2764 = tpu.vector_load %arg26[%get3A_2762, %get3A_2763] {strides = array<i32>} : memref<128x96xf32, #tpu.memory_space<vmem>>, vector<16xf32>,
        %get3A_2765 = arith.index_cast %scan3A_2753 : i32 to index
        %get3A_2766 = arith.constant 32 : index
        %get3A_2767 = tpu.vector_load %arg26[%get3A_2765, %get3A_2766] {strides = array<i32>} : memref<128x96xf32, #tpu.memory_space<vmem>>, vector<16xf32>,
        %get3A_2768 = arith.index_cast %scan3A_2753 : i32 to index
        %get3A_2769 = arith.constant 48 : index
        %get3A_2770 = tpu.vector_load %arg26[%get3A_2768, %get3A_2769] {strides = array<i32>} : memref<128x96xf32, #tpu.memory_space<vmem>>, vector<16xf32>,
        %get3A_2771 = arith.index_cast %scan3A_2753 : i32 to index
        %get3A_2772 = arith.constant 64 : index
        %get3A_2773 = tpu.vector_load %arg26[%get3A_2771, %get3A_2772] {strides = array<i32>} : memref<128x96xf32, #tpu.memory_space<vmem>>, vector<16xf32>,
        %get3A_2774 = arith.index_cast %scan3A_2753 : i32 to index
        %get3A_2775 = arith.constant 80 : index
        %get3A_2776 = tpu.vector_load %arg26[%get3A_2774, %get3A_2775] {strides = array<i32>} : memref<128x96xf32, #tpu.memory_space<vmem>>, vector<16xf32>,
        %get3A_2777 = arith.index_cast %scan3A_2753 : i32 to index
        %get3A_2778 = arith.constant 0 : index
        %get3A_2779 = tpu.vector_load %arg27[%get3A_2777, %get3A_2778] {strides = array<i32>} : memref<128x96xf32, #tpu.memory_space<vmem>>, vector<16xf32>,
        %get3A_2780 = arith.index_cast %scan3A_2753 : i32 to index
        %get3A_2781 = arith.constant 16 : index
        %get3A_2782 = tpu.vector_load %arg27[%get3A_2780, %get3A_2781] {strides = array<i32>} : memref<128x96xf32, #tpu.memory_space<vmem>>, vector<16xf32>,
        %get3A_2783 = arith.index_cast %scan3A_2753 : i32 to index
        %get3A_2784 = arith.constant 32 : index
        %get3A_2785 = tpu.vector_load %arg27[%get3A_2783, %get3A_2784] {strides = array<i32>} : memref<128x96xf32, #tpu.memory_space<vmem>>, vector<16xf32>,
        %get3A_2786 = arith.index_cast %scan3A_2753 : i32 to index
        %get3A_2787 = arith.constant 48 : index
        %get3A_2788 = tpu.vector_load %arg27[%get3A_2786, %get3A_2787] {strides = array<i32>} : memref<128x96xf32, #tpu.memory_space<vmem>>, vector<16xf32>,
        %get3A_2789 = arith.index_cast %scan3A_2753 : i32 to index
        %get3A_2790 = arith.constant 64 : index
        %get3A_2791 = tpu.vector_load %arg27[%get3A_2789, %get3A_2790] {strides = array<i32>} : memref<128x96xf32, #tpu.memory_space<vmem>>, vector<16xf32>,
        %get3A_2792 = arith.index_cast %scan3A_2753 : i32 to index
        %get3A_2793 = arith.constant 80 : index
        %get3A_2794 = tpu.vector_load %arg27[%get3A_2792, %get3A_2793] {strides = array<i32>} : memref<128x96xf32, #tpu.memory_space<vmem>>, vector<16xf32>,
        %get3A_2795 = arith.index_cast %scan3A_2753 : i32 to index
        %get3A_2796 = arith.constant 0 : index
        %get3A_2797 = tpu.vector_load %arg28[%get3A_2795, %get3A_2796] {strides = array<i32>} : memref<128x96xf32, #tpu.memory_space<vmem>>, vector<16xf32>,
        %get3A_2798 = arith.index_cast %scan3A_2753 : i32 to index
        %get3A_2799 = arith.constant 16 : index
        %get3A_2800 = tpu.vector_load %arg28[%get3A_2798, %get3A_2799] {strides = array<i32>} : memref<128x96xf32, #tpu.memory_space<vmem>>, vector<16xf32>,
        %get3A_2801 = arith.index_cast %scan3A_2753 : i32 to index
        %get3A_2802 = arith.constant 32 : index
        %get3A_2803 = tpu.vector_load %arg28[%get3A_2801, %get3A_2802] {strides = array<i32>} : memref<128x96xf32, #tpu.memory_space<vmem>>, vector<16xf32>,
        %get3A_2804 = arith.index_cast %scan3A_2753 : i32 to index
        %get3A_2805 = arith.constant 48 : index
        %get3A_2806 = tpu.vector_load %arg28[%get3A_2804, %get3A_2805] {strides = array<i32>} : memref<128x96xf32, #tpu.memory_space<vmem>>, vector<16xf32>,
        %get3A_2807 = arith.index_cast %scan3A_2753 : i32 to index
        %get3A_2808 = arith.constant 64 : index
        %get3A_2809 = tpu.vector_load %arg28[%get3A_2807, %get3A_2808] {strides = array<i32>} : memref<128x96xf32, #tpu.memory_space<vmem>>, vector<16xf32>,
        %get3A_2810 = arith.index_cast %scan3A_2753 : i32 to index
        %get3A_2811 = arith.constant 80 : index
        %get3A_2812 = tpu.vector_load %arg28[%get3A_2810, %get3A_2811] {strides = array<i32>} : memref<128x96xf32, #tpu.memory_space<vmem>>, vector<16xf32>,
        %get3A_2813 = arith.index_cast %scan3A_2753 : i32 to index
        %get3A_2814 = arith.constant 0 : index
        %get3A_2815 = tpu.vector_load %arg29[%get3A_2813, %get3A_2814] {strides = array<i32>} : memref<128x96xf32, #tpu.memory_space<vmem>>, vector<16xf32>,
        %get3A_2816 = arith.index_cast %scan3A_2753 : i32 to index
        %get3A_2817 = arith.constant 16 : index
        %get3A_2818 = tpu.vector_load %arg29[%get3A_2816, %get3A_2817] {strides = array<i32>} : memref<128x96xf32, #tpu.memory_space<vmem>>, vector<16xf32>,
        %get3A_2819 = arith.index_cast %scan3A_2753 : i32 to index
        %get3A_2820 = arith.constant 32 : index
        %get3A_2821 = tpu.vector_load %arg29[%get3A_2819, %get3A_2820] {strides = array<i32>} : memref<128x96xf32, #tpu.memory_space<vmem>>, vector<16xf32>,
        %get3A_2822 = arith.index_cast %scan3A_2753 : i32 to index
        %get3A_2823 = arith.constant 48 : index
        %get3A_2824 = tpu.vector_load %arg29[%get3A_2822, %get3A_2823] {strides = array<i32>} : memref<128x96xf32, #tpu.memory_space<vmem>>, vector<16xf32>,
        %get3A_2825 = arith.index_cast %scan3A_2753 : i32 to index
        %get3A_2826 = arith.constant 64 : index
        %get3A_2827 = tpu.vector_load %arg29[%get3A_2825, %get3A_2826] {strides = array<i32>} : memref<128x96xf32, #tpu.memory_space<vmem>>, vector<16xf32>,
        %get3A_2828 = arith.index_cast %scan3A_2753 : i32 to index
        %get3A_2829 = arith.constant 80 : index
        %get3A_2830 = tpu.vector_load %arg29[%get3A_2828, %get3A_2829] {strides = array<i32>} : memref<128x96xf32, #tpu.memory_space<vmem>>, vector<16xf32>,
        %mul3A_2831 = arith.mulf %gather3A_2755, %get3A_2761 : vector<16xf32>
        %mul3A_2832 = arith.mulf %gather3A_2756, %get3A_2779 : vector<16xf32>
        %add3A_2833 = arith.addf %mul3A_2831, %mul3A_2832 : vector<16xf32>
        %mul3A_2834 = arith.mulf %gather3A_2757, %get3A_2797 : vector<16xf32>
        %mul3A_2835 = arith.mulf %gather3A_2758, %get3A_2815 : vector<16xf32>
        %add3A_2836 = arith.addf %mul3A_2834, %mul3A_2835 : vector<16xf32>
        %add3A_2837 = arith.addf %add3A_2833, %add3A_2836 : vector<16xf32>
        %mul3A_2838 = arith.mulf %gather3A_2755, %get3A_2764 : vector<16xf32>
        %mul3A_2839 = arith.mulf %gather3A_2756, %get3A_2782 : vector<16xf32>
        %add3A_2840 = arith.addf %mul3A_2838, %mul3A_2839 : vector<16xf32>
        %mul3A_2841 = arith.mulf %gather3A_2757, %get3A_2800 : vector<16xf32>
        %mul3A_2842 = arith.mulf %gather3A_2758, %get3A_2818 : vector<16xf32>
        %add3A_2843 = arith.addf %mul3A_2841, %mul3A_2842 : vector<16xf32>
        %add3A_2844 = arith.addf %add3A_2840, %add3A_2843 : vector<16xf32>
        %mul3A_2845 = arith.mulf %gather3A_2755, %get3A_2767 : vector<16xf32>
        %mul3A_2846 = arith.mulf %gather3A_2756, %get3A_2785 : vector<16xf32>
        %add3A_2847 = arith.addf %mul3A_2845, %mul3A_2846 : vector<16xf32>
        %mul3A_2848 = arith.mulf %gather3A_2757, %get3A_2803 : vector<16xf32>
        %mul3A_2849 = arith.mulf %gather3A_2758, %get3A_2821 : vector<16xf32>
        %add3A_2850 = arith.addf %mul3A_2848, %mul3A_2849 : vector<16xf32>
        %add3A_2851 = arith.addf %add3A_2847, %add3A_2850 : vector<16xf32>
        %mul3A_2852 = arith.mulf %gather3A_2755, %get3A_2770 : vector<16xf32>
        %mul3A_2853 = arith.mulf %gather3A_2756, %get3A_2788 : vector<16xf32>
        %add3A_2854 = arith.addf %mul3A_2852, %mul3A_2853 : vector<16xf32>
        %mul3A_2855 = arith.mulf %gather3A_2757, %get3A_2806 : vector<16xf32>
        %mul3A_2856 = arith.mulf %gather3A_2758, %get3A_2824 : vector<16xf32>
        %add3A_2857 = arith.addf %mul3A_2855, %mul3A_2856 : vector<16xf32>
        %add3A_2858 = arith.addf %add3A_2854, %add3A_2857 : vector<16xf32>
        %mul3A_2859 = arith.mulf %gather3A_2755, %get3A_2773 : vector<16xf32>
        %mul3A_2860 = arith.mulf %gather3A_2756, %get3A_2791 : vector<16xf32>
        %add3A_2861 = arith.addf %mul3A_2859, %mul3A_2860 : vector<16xf32>
        %mul3A_2862 = arith.mulf %gather3A_2757, %get3A_2809 : vector<16xf32>
        %mul3A_2863 = arith.mulf %gather3A_2758, %get3A_2827 : vector<16xf32>
        %add3A_2864 = arith.addf %mul3A_2862, %mul3A_2863 : vector<16xf32>
        %add3A_2865 = arith.addf %add3A_2861, %add3A_2864 : vector<16xf32>
        %mul3A_2866 = arith.mulf %gather3A_2755, %get3A_2776 : vector<16xf32>
        %mul3A_2867 = arith.mulf %gather3A_2756, %get3A_2794 : vector<16xf32>
        %add3A_2868 = arith.addf %mul3A_2866, %mul3A_2867 : vector<16xf32>
        %mul3A_2869 = arith.mulf %gather3A_2757, %get3A_2812 : vector<16xf32>
        %mul3A_2870 = arith.mulf %gather3A_2758, %get3A_2830 : vector<16xf32>
        %add3A_2871 = arith.addf %mul3A_2869, %mul3A_2870 : vector<16xf32>
        %add3A_2872 = arith.addf %add3A_2868, %add3A_2871 : vector<16xf32>
        tpu.vector_store_idx %arg34[%shift_right_logical3A_2106, %and3A_2109, %broadcast_in_dim3A_2754], %add3A_2837 : memref<12x8x129xf32, #tpu.memory_space<vmem>>[vector<16xi32>, vector<16xi32>, vector<16xi32>], vector<16xf32>,
        tpu.vector_store_idx %arg34[%shift_right_logical3A_2115, %and3A_2118, %broadcast_in_dim3A_2754], %add3A_2844 : memref<12x8x129xf32, #tpu.memory_space<vmem>>[vector<16xi32>, vector<16xi32>, vector<16xi32>], vector<16xf32>,
        tpu.vector_store_idx %arg34[%shift_right_logical3A_2124, %and3A_2127, %broadcast_in_dim3A_2754], %add3A_2851 : memref<12x8x129xf32, #tpu.memory_space<vmem>>[vector<16xi32>, vector<16xi32>, vector<16xi32>], vector<16xf32>,
        tpu.vector_store_idx %arg34[%shift_right_logical3A_2133, %and3A_2136, %broadcast_in_dim3A_2754], %add3A_2858 : memref<12x8x129xf32, #tpu.memory_space<vmem>>[vector<16xi32>, vector<16xi32>, vector<16xi32>], vector<16xf32>,
        tpu.vector_store_idx %arg34[%shift_right_logical3A_2142, %and3A_2145, %broadcast_in_dim3A_2754], %add3A_2865 : memref<12x8x129xf32, #tpu.memory_space<vmem>>[vector<16xi32>, vector<16xi32>, vector<16xi32>], vector<16xf32>,
        tpu.vector_store_idx %arg34[%shift_right_logical3A_2151, %and3A_2154, %broadcast_in_dim3A_2754], %add3A_2872 : memref<12x8x129xf32, #tpu.memory_space<vmem>>[vector<16xi32>, vector<16xi32>, vector<16xi32>], vector<16xf32>,
      }
      %scan3A_2160 = arith.constant 128 : i32
      %mul3A_2161 = arith.constant 128 : i32
      %mul3A_2162 = arith.muli %mul3A_1061, %mul3A_2161 : i32
      %add3A_2163 = arith.addi %mul3A_2, %mul3A_2162 : i32
      %jit3A_2164 = arith.constant 384 : i32
      %div3A_2165 = arith.divsi %add3A_2163, %jit3A_2164 : i32
      %sign3A_2166 = arith.constant 0 : i32
      %sign3A_2167 = arith.cmpi sgt, %add3A_2163, %sign3A_2166 : i32
      %sign3A_2168 = arith.extui %sign3A_2167 : i1 to i32
      %sign3A_2169 = arith.constant 0 : i32
      %sign3A_2170 = arith.cmpi slt, %add3A_2163, %sign3A_2169 : i32
      %sign3A_2171 = arith.extui %sign3A_2170 : i1 to i32
      %sign3A_2172 = arith.subi %sign3A_2168, %sign3A_2171 : i32
      %sign3A_2173 = arith.constant 0 : i32
      %sign3A_2174 = arith.cmpi sgt, %jit3A_2164, %sign3A_2173 : i32
      %sign3A_2175 = arith.extui %sign3A_2174 : i1 to i32
      %sign3A_2176 = arith.constant 0 : i32
      %sign3A_2177 = arith.cmpi slt, %jit3A_2164, %sign3A_2176 : i32
      %sign3A_2178 = arith.extui %sign3A_2177 : i1 to i32
      %sign3A_2179 = arith.subi %sign3A_2175, %sign3A_2178 : i32
      %ne3A_2180 = arith.cmpi ne, %sign3A_2172, %sign3A_2179 : i32
      %rem3A_2181 = arith.remsi %add3A_2163, %jit3A_2164 : i32
      %ne3A_2182 = arith.constant 0 : i32
      %ne3A_2183 = arith.cmpi ne, %rem3A_2181, %ne3A_2182 : i32
      %and3A_2184 = arith.andi %ne3A_2180, %ne3A_2183 : i1
      %sub3A_2185 = arith.constant 1 : i32
      %sub3A_2186 = arith.subi %div3A_2165, %sub3A_2185 : i32
      %select_n3A_2187 = arith.select %and3A_2184, %sub3A_2186, %div3A_2165 : i32
      %mul3A_2188 = arith.constant 384 : i32
      %mul3A_2189 = arith.muli %select_n3A_2187, %mul3A_2188 : i32
      %sub3A_2190 = arith.subi %add3A_2163, %mul3A_2189 : i32
      %jit3A_2191 = arith.constant 128 : i32
      %div3A_2192 = arith.divsi %sub3A_2190, %jit3A_2191 : i32
      %sign3A_2193 = arith.constant 0 : i32
      %sign3A_2194 = arith.cmpi sgt, %sub3A_2190, %sign3A_2193 : i32
      %sign3A_2195 = arith.extui %sign3A_2194 : i1 to i32
      %sign3A_2196 = arith.constant 0 : i32
      %sign3A_2197 = arith.cmpi slt, %sub3A_2190, %sign3A_2196 : i32
      %sign3A_2198 = arith.extui %sign3A_2197 : i1 to i32
      %sign3A_2199 = arith.subi %sign3A_2195, %sign3A_2198 : i32
      %sign3A_2200 = arith.constant 0 : i32
      %sign3A_2201 = arith.cmpi sgt, %jit3A_2191, %sign3A_2200 : i32
      %sign3A_2202 = arith.extui %sign3A_2201 : i1 to i32
      %sign3A_2203 = arith.constant 0 : i32
      %sign3A_2204 = arith.cmpi slt, %jit3A_2191, %sign3A_2203 : i32
      %sign3A_2205 = arith.extui %sign3A_2204 : i1 to i32
      %sign3A_2206 = arith.subi %sign3A_2202, %sign3A_2205 : i32
      %ne3A_2207 = arith.cmpi ne, %sign3A_2199, %sign3A_2206 : i32
      %rem3A_2208 = arith.remsi %sub3A_2190, %jit3A_2191 : i32
      %ne3A_2209 = arith.constant 0 : i32
      %ne3A_2210 = arith.cmpi ne, %rem3A_2208, %ne3A_2209 : i32
      %and3A_2211 = arith.andi %ne3A_2207, %ne3A_2210 : i1
      %sub3A_2212 = arith.constant 1 : i32
      %sub3A_2213 = arith.subi %div3A_2192, %sub3A_2212 : i32
      %select_n3A_2214 = arith.select %and3A_2211, %sub3A_2213, %div3A_2192 : i32
      %dma_start3A_2215 = arith.constant 0 : i32
      %dma_start3A_2216 = arith.constant 0 : i32
      %dma_start3A_2217 = arith.constant 0 : i32
      %dma_start3A_2218 = tpu.memref_slice %arg34[%dma_start3A_2215, %dma_start3A_2216, %dma_start3A_2217] : memref<12x8x129xf32, #tpu.memory_space<vmem>> -> memref<12x8x128xf32, #tpu.memory_space<vmem>>
      %dma_start3A_2219 = arith.constant 0 : i32
      %dma_start3A_2220 = arith.constant 0 : i32
      %dma_start3A_2221 = arith.constant 0 : i32
      %dma_start3A_2222 = tpu.memref_slice %arg5[%select_n3A_2187, %dma_start3A_2219, %select_n3A_2214, %dma_start3A_2220, %dma_start3A_2221] : memref<1536x12x3x8x128xf32, #tpu.memory_space<hbm>> -> memref<1x12x1x8x128xf32, #tpu.memory_space<hbm>>
      %dma_start3A_2223 = tpu.memref_squeeze %dma_start3A_2222 : memref<1x12x1x8x128xf32, #tpu.memory_space<hbm>> -> memref<12x8x128xf32, #tpu.memory_space<hbm>>
      %dma_start3A_2224 = arith.constant 0 : i32
      %dma_start3A_2225 = arith.constant 0 : i32
      %dma_start3A_2226 = arith.constant 0 : i32
      %dma_start3A_2227 = tpu.memref_slice %arg5[%select_n3A_2187, %dma_start3A_2224, %select_n3A_2214, %dma_start3A_2225, %dma_start3A_2226] : memref<1536x12x3x8x128xf32, #tpu.memory_space<hbm>> -> memref<1x12x1x8x128xf32, #tpu.memory_space<hbm>>
      %dma_start3A_2228 = tpu.memref_squeeze %dma_start3A_2227 : memref<1x12x1x8x128xf32, #tpu.memory_space<hbm>> -> memref<12x8x128xf32, #tpu.memory_space<hbm>>
      %dma_start3A_2229 = arith.constant 0 : i32
      %dma_start3A_2230 = arith.constant 0 : i32
      %dma_start3A_2231 = arith.constant 0 : i32
      %dma_start3A_2232 = tpu.memref_slice %arg34[%dma_start3A_2229, %dma_start3A_2230, %dma_start3A_2231] : memref<12x8x129xf32, #tpu.memory_space<vmem>> -> memref<12x8x128xf32, #tpu.memory_space<vmem>>
      tpu.enqueue_dma source(%dma_start3A_2232 : memref<12x8x128xf32, #tpu.memory_space<vmem>>) target(%dma_start3A_2228 : memref<12x8x128xf32, #tpu.memory_space<hbm>>) target_semaphore(%arg40 : memref<!tpu.dma_semaphore, #tpu.memory_space<semaphore_mem>>)
      %add3A_2233 = arith.constant 1 : i32
      %add3A_2234 = arith.addi %scan3A_1059, %add3A_2233 : i32
      %lt3A_2235 = arith.constant 72 : i32
      %lt3A_2236 = arith.cmpi slt, %add3A_2234, %lt3A_2235 : i32
      %convert_element_type3A_2237 = arith.extui %lt3A_2236 : i1 to i32
      %cond3A_2238 = arith.constant 0 : i32
      %cond3A_2239 = arith.cmpi ne, %convert_element_type3A_2237, %cond3A_2238 : i32
      scf.if %cond3A_2239 {
        %dma_wait3A_2392 = arith.constant 0 : i32
        %dma_wait3A_2393 = tpu.memref_slice %arg3[%dma_wait3A_2392] : memref<589824xf32, #tpu.memory_space<hbm>> -> memref<128xf32, #tpu.memory_space<hbm>>
        %dma_wait3A_2394 = arith.constant 0 : i32
        %dma_wait3A_2395 = tpu.memref_slice %arg3[%dma_wait3A_2394] : memref<589824xf32, #tpu.memory_space<hbm>> -> memref<128xf32, #tpu.memory_space<hbm>>
        tpu.wait_dma2 semaphore(%arg36 : memref<!tpu.dma_semaphore, #tpu.memory_space<semaphore_mem>>) src(%dma_wait3A_2395 : memref<128xf32, #tpu.memory_space<hbm>>) dst(%arg6 : memref<128xf32, #tpu.memory_space<vmem>>)
        %dma_wait3A_2396 = arith.constant 0 : i32
        %dma_wait3A_2397 = tpu.memref_slice %arg4[%dma_wait3A_2396] : memref<589824xf32, #tpu.memory_space<hbm>> -> memref<128xf32, #tpu.memory_space<hbm>>
        %dma_wait3A_2398 = arith.constant 0 : i32
        %dma_wait3A_2399 = tpu.memref_slice %arg4[%dma_wait3A_2398] : memref<589824xf32, #tpu.memory_space<hbm>> -> memref<128xf32, #tpu.memory_space<hbm>>
        tpu.wait_dma2 semaphore(%arg36 : memref<!tpu.dma_semaphore, #tpu.memory_space<semaphore_mem>>) src(%dma_wait3A_2399 : memref<128xf32, #tpu.memory_space<hbm>>) dst(%arg8 : memref<128xf32, #tpu.memory_space<vmem>>)
        %add3A_2400 = arith.constant 2 : i32
        %add3A_2401 = arith.addi %mul3A_1061, %add3A_2400 : i32
        %mul3A_2402 = arith.constant 128 : i32
        %mul3A_2403 = arith.muli %add3A_2401, %mul3A_2402 : i32
        %add3A_2404 = arith.addi %mul3A_2, %mul3A_2403 : i32
        %iota3A_2405 = tpu.iota {dimensions = array<i32: 0>} : vector<16xi32>
        %add3A_2406 = arith.constant 0 : i32
        %add3A_2407 = arith.addi %add3A_2404, %add3A_2406 : i32
        %add3A_2408 = vector.broadcast %add3A_2407 : i32 to vector<16xi32>
        %add3A_2409 = arith.addi %add3A_2408, %iota3A_2405 : vector<16xi32>
        %jit3A_2410 = arith.constant 384 : i32
        %div3A_2411 = vector.broadcast %jit3A_2410 : i32 to vector<16xi32>
        %div3A_2412 = arith.divsi %add3A_2409, %div3A_2411 : vector<16xi32>
        %sign3A_2413 = arith.constant 0 : i32
        %sign3A_2414 = vector.broadcast %sign3A_2413 : i32 to vector<16xi32>
        %sign3A_2415 = arith.cmpi sgt, %add3A_2409, %sign3A_2414 : vector<16xi32>
        %sign3A_2416 = arith.extui %sign3A_2415 : vector<16xi1> to vector<16xi32>
        %sign3A_2417 = arith.constant 0 : i32
        %sign3A_2418 = vector.broadcast %sign3A_2417 : i32 to vector<16xi32>
        %sign3A_2419 = arith.cmpi slt, %add3A_2409, %sign3A_2418 : vector<16xi32>
        %sign3A_2420 = arith.extui %sign3A_2419 : vector<16xi1> to vector<16xi32>
        %sign3A_2421 = arith.subi %sign3A_2416, %sign3A_2420 : vector<16xi32>
        %sign3A_2422 = arith.constant 0 : i32
        %sign3A_2423 = arith.cmpi sgt, %jit3A_2410, %sign3A_2422 : i32
        %sign3A_2424 = arith.extui %sign3A_2423 : i1 to i32
        %sign3A_2425 = arith.constant 0 : i32
        %sign3A_2426 = arith.cmpi slt, %jit3A_2410, %sign3A_2425 : i32
        %sign3A_2427 = arith.extui %sign3A_2426 : i1 to i32
        %sign3A_2428 = arith.subi %sign3A_2424, %sign3A_2427 : i32
        %ne3A_2429 = vector.broadcast %sign3A_2428 : i32 to vector<16xi32>
        %ne3A_2430 = arith.cmpi ne, %sign3A_2421, %ne3A_2429 : vector<16xi32>
        %rem3A_2431 = vector.broadcast %jit3A_2410 : i32 to vector<16xi32>
        %rem3A_2432 = arith.remsi %add3A_2409, %rem3A_2431 : vector<16xi32>
        %ne3A_2433 = arith.constant 0 : i32
        %ne3A_2434 = vector.broadcast %ne3A_2433 : i32 to vector<16xi32>
        %ne3A_2435 = arith.cmpi ne, %rem3A_2432, %ne3A_2434 : vector<16xi32>
        %and3A_2436 = arith.andi %ne3A_2430, %ne3A_2435 : vector<16xi1>
        %sub3A_2437 = arith.constant 1 : i32
        %sub3A_2438 = vector.broadcast %sub3A_2437 : i32 to vector<16xi32>
        %sub3A_2439 = arith.subi %div3A_2412, %sub3A_2438 : vector<16xi32>
        %select_n3A_2440 = arith.select %and3A_2436, %sub3A_2439, %div3A_2412 : vector<16xi1>, vector<16xi32>
        %mul3A_2441 = arith.constant 384 : i32
        %mul3A_2442 = vector.broadcast %mul3A_2441 : i32 to vector<16xi32>
        %mul3A_2443 = arith.muli %select_n3A_2440, %mul3A_2442 : vector<16xi32>
        %sub3A_2444 = arith.subi %add3A_2409, %mul3A_2443 : vector<16xi32>
        %rem3A_2445 = arith.constant 384 : i32
        %rem3A_2446 = vector.broadcast %rem3A_2445 : i32 to vector<16xi32>
        %rem3A_2447 = arith.remsi %select_n3A_2440, %rem3A_2446 : vector<16xi32>
        %convert_element_type3A_2448 = arith.sitofp %rem3A_2447 : vector<16xi32> to vector<16xf32>
        %get3A_2449 = arith.constant 0 : index
        %get3A_2450 = tpu.vector_load %arg6[%get3A_2449] {strides = array<i32>} : memref<128xf32, #tpu.memory_space<vmem>>, vector<16xf32>,
        %sub3A_2451 = arith.subf %convert_element_type3A_2448, %get3A_2450 : vector<16xf32>
        %convert_element_type3A_2452 = arith.sitofp %sub3A_2444 : vector<16xi32> to vector<16xf32>
        %get3A_2453 = arith.constant 0 : index
        %get3A_2454 = tpu.vector_load %arg8[%get3A_2453] {strides = array<i32>} : memref<128xf32, #tpu.memory_space<vmem>>, vector<16xf32>,
        %sub3A_2455 = arith.subf %convert_element_type3A_2452, %get3A_2454 : vector<16xf32>
        %jit3A_2456 = arith.constant 0.000000e+00 : f32
        %jit3A_2457 = arith.constant 3.820000e+02 : f32
        %max3A_2458 = vector.broadcast %jit3A_2456 : f32 to vector<16xf32>
        %max3A_2459 = arith.maximumf %max3A_2458, %sub3A_2451 : vector<16xf32>
        %min3A_2460 = vector.broadcast %jit3A_2457 : f32 to vector<16xf32>
        %min3A_2461 = arith.minimumf %min3A_2460, %max3A_2459 : vector<16xf32>
        %jit3A_2462 = arith.constant 0.000000e+00 : f32
        %jit3A_2463 = arith.constant 3.820000e+02 : f32
        %max3A_2464 = vector.broadcast %jit3A_2462 : f32 to vector<16xf32>
        %max3A_2465 = arith.maximumf %max3A_2464, %sub3A_2455 : vector<16xf32>
        %min3A_2466 = vector.broadcast %jit3A_2463 : f32 to vector<16xf32>
        %min3A_2467 = arith.minimumf %min3A_2466, %max3A_2465 : vector<16xf32>
        %convert_element_type3A_2468 = arith.fptosi %min3A_2461 : vector<16xf32> to vector<16xi32>
        %convert_element_type3A_2469 = arith.fptosi %min3A_2467 : vector<16xf32> to vector<16xi32>
        %convert_element_type3A_2470 = arith.sitofp %convert_element_type3A_2468 : vector<16xi32> to vector<16xf32>
        %sub3A_2471 = arith.subf %sub3A_2451, %convert_element_type3A_2470 : vector<16xf32>
        %jit3A_2472 = arith.constant 0.000000e+00 : f32
        %jit3A_2473 = arith.constant 1.000000e+00 : f32
        %max3A_2474 = vector.broadcast %jit3A_2472 : f32 to vector<16xf32>
        %max3A_2475 = arith.maximumf %max3A_2474, %sub3A_2471 : vector<16xf32>
        %min3A_2476 = vector.broadcast %jit3A_2473 : f32 to vector<16xf32>
        %min3A_2477 = arith.minimumf %min3A_2476, %max3A_2475 : vector<16xf32>
        %convert_element_type3A_2478 = arith.sitofp %convert_element_type3A_2469 : vector<16xi32> to vector<16xf32>
        %sub3A_2479 = arith.subf %sub3A_2455, %convert_element_type3A_2478 : vector<16xf32>
        %jit3A_2480 = arith.constant 0.000000e+00 : f32
        %jit3A_2481 = arith.constant 1.000000e+00 : f32
        %max3A_2482 = vector.broadcast %jit3A_2480 : f32 to vector<16xf32>
        %max3A_2483 = arith.maximumf %max3A_2482, %sub3A_2479 : vector<16xf32>
        %min3A_2484 = vector.broadcast %jit3A_2481 : f32 to vector<16xf32>
        %min3A_2485 = arith.minimumf %min3A_2484, %max3A_2483 : vector<16xf32>
        %sub3A_2486 = arith.subi %select_n3A_2440, %rem3A_2447 : vector<16xi32>
        %add3A_2487 = arith.addi %sub3A_2486, %convert_element_type3A_2468 : vector<16xi32>
        %mul3A_2488 = arith.constant 384 : i32
        %mul3A_2489 = vector.broadcast %mul3A_2488 : i32 to vector<16xi32>
        %mul3A_2490 = arith.muli %add3A_2487, %mul3A_2489 : vector<16xi32>
        %add3A_2491 = arith.addi %mul3A_2490, %convert_element_type3A_2469 : vector<16xi32>
        %swap3A_2492 = arith.constant 0 : index
        %swap3A_2493 = tpu.vector_load %arg10[%swap3A_2492] {strides = array<i32>} : memref<128xi32, #tpu.memory_space<vmem>>, vector<16xi32>,
        tpu.vector_store %arg10[%swap3A_2492], %add3A_2491 {strides = array<i32>} : memref<128xi32, #tpu.memory_space<vmem>>, vector<16xi32>,
        %add3A_2494 = arith.constant 1 : i32
        %add3A_2495 = vector.broadcast %add3A_2494 : i32 to vector<16xi32>
        %add3A_2496 = arith.addi %add3A_2491, %add3A_2495 : vector<16xi32>
        %swap3A_2497 = arith.constant 0 : index
        %swap3A_2498 = tpu.vector_load %arg11[%swap3A_2497] {strides = array<i32>} : memref<128xi32, #tpu.memory_space<vmem>>, vector<16xi32>,
        tpu.vector_store %arg11[%swap3A_2497], %add3A_2496 {strides = array<i32>} : memref<128xi32, #tpu.memory_space<vmem>>, vector<16xi32>,
        %add3A_2499 = arith.constant 384 : i32
        %add3A_2500 = vector.broadcast %add3A_2499 : i32 to vector<16xi32>
        %add3A_2501 = arith.addi %add3A_2491, %add3A_2500 : vector<16xi32>
        %swap3A_2502 = arith.constant 0 : index
        %swap3A_2503 = tpu.vector_load %arg12[%swap3A_2502] {strides = array<i32>} : memref<128xi32, #tpu.memory_space<vmem>>, vector<16xi32>,
        tpu.vector_store %arg12[%swap3A_2502], %add3A_2501 {strides = array<i32>} : memref<128xi32, #tpu.memory_space<vmem>>, vector<16xi32>,
        %add3A_2504 = arith.constant 384 : i32
        %add3A_2505 = vector.broadcast %add3A_2504 : i32 to vector<16xi32>
        %add3A_2506 = arith.addi %add3A_2491, %add3A_2505 : vector<16xi32>
        %add3A_2507 = arith.constant 1 : i32
        %add3A_2508 = vector.broadcast %add3A_2507 : i32 to vector<16xi32>
        %add3A_2509 = arith.addi %add3A_2506, %add3A_2508 : vector<16xi32>
        %swap3A_2510 = arith.constant 0 : index
        %swap3A_2511 = tpu.vector_load %arg13[%swap3A_2510] {strides = array<i32>} : memref<128xi32, #tpu.memory_space<vmem>>, vector<16xi32>,
        tpu.vector_store %arg13[%swap3A_2510], %add3A_2509 {strides = array<i32>} : memref<128xi32, #tpu.memory_space<vmem>>, vector<16xi32>,
        %sub3A_2512 = arith.constant 1.000000e+00 : f32
        %sub3A_2513 = vector.broadcast %sub3A_2512 : f32 to vector<16xf32>
        %sub3A_2514 = arith.subf %sub3A_2513, %min3A_2477 : vector<16xf32>
        %sub3A_2515 = arith.constant 1.000000e+00 : f32
        %sub3A_2516 = vector.broadcast %sub3A_2515 : f32 to vector<16xf32>
        %sub3A_2517 = arith.subf %sub3A_2516, %min3A_2485 : vector<16xf32>
        %mul3A_2518 = arith.mulf %sub3A_2514, %sub3A_2517 : vector<16xf32>
        %swap3A_2519 = arith.constant 0 : index
        %swap3A_2520 = tpu.vector_load %arg18[%swap3A_2519] {strides = array<i32>} : memref<128xf32, #tpu.memory_space<vmem>>, vector<16xf32>,
        tpu.vector_store %arg18[%swap3A_2519], %mul3A_2518 {strides = array<i32>} : memref<128xf32, #tpu.memory_space<vmem>>, vector<16xf32>,
        %mul3A_2521 = arith.mulf %sub3A_2514, %min3A_2485 : vector<16xf32>
        %swap3A_2522 = arith.constant 0 : index
        %swap3A_2523 = tpu.vector_load %arg19[%swap3A_2522] {strides = array<i32>} : memref<128xf32, #tpu.memory_space<vmem>>, vector<16xf32>,
        tpu.vector_store %arg19[%swap3A_2522], %mul3A_2521 {strides = array<i32>} : memref<128xf32, #tpu.memory_space<vmem>>, vector<16xf32>,
        %mul3A_2524 = arith.mulf %min3A_2477, %sub3A_2517 : vector<16xf32>
        %swap3A_2525 = arith.constant 0 : index
        %swap3A_2526 = tpu.vector_load %arg20[%swap3A_2525] {strides = array<i32>} : memref<128xf32, #tpu.memory_space<vmem>>, vector<16xf32>,
        tpu.vector_store %arg20[%swap3A_2525], %mul3A_2524 {strides = array<i32>} : memref<128xf32, #tpu.memory_space<vmem>>, vector<16xf32>,
        %mul3A_2527 = arith.mulf %min3A_2477, %min3A_2485 : vector<16xf32>
        %swap3A_2528 = arith.constant 0 : index
        %swap3A_2529 = tpu.vector_load %arg21[%swap3A_2528] {strides = array<i32>} : memref<128xf32, #tpu.memory_space<vmem>>, vector<16xf32>,
        tpu.vector_store %arg21[%swap3A_2528], %mul3A_2527 {strides = array<i32>} : memref<128xf32, #tpu.memory_space<vmem>>, vector<16xf32>,
        %add3A_2530 = arith.constant 16 : i32
        %add3A_2531 = arith.addi %add3A_2404, %add3A_2530 : i32
        %add3A_2532 = vector.broadcast %add3A_2531 : i32 to vector<16xi32>
        %add3A_2533 = arith.addi %add3A_2532, %iota3A_2405 : vector<16xi32>
        %jit3A_2534 = arith.constant 384 : i32
        %div3A_2535 = vector.broadcast %jit3A_2534 : i32 to vector<16xi32>
        %div3A_2536 = arith.divsi %add3A_2533, %div3A_2535 : vector<16xi32>
        %sign3A_2537 = arith.constant 0 : i32
        %sign3A_2538 = vector.broadcast %sign3A_2537 : i32 to vector<16xi32>
        %sign3A_2539 = arith.cmpi sgt, %add3A_2533, %sign3A_2538 : vector<16xi32>
        %sign3A_2540 = arith.extui %sign3A_2539 : vector<16xi1> to vector<16xi32>
        %sign3A_2541 = arith.constant 0 : i32
        %sign3A_2542 = vector.broadcast %sign3A_2541 : i32 to vector<16xi32>
        %sign3A_2543 = arith.cmpi slt, %add3A_2533, %sign3A_2542 : vector<16xi32>
        %sign3A_2544 = arith.extui %sign3A_2543 : vector<16xi1> to vector<16xi32>
        %sign3A_2545 = arith.subi %sign3A_2540, %sign3A_2544 : vector<16xi32>
        %sign3A_2546 = arith.constant 0 : i32
        %sign3A_2547 = arith.cmpi sgt, %jit3A_2534, %sign3A_2546 : i32
        %sign3A_2548 = arith.extui %sign3A_2547 : i1 to i32
        %sign3A_2549 = arith.constant 0 : i32
        %sign3A_2550 = arith.cmpi slt, %jit3A_2534, %sign3A_2549 : i32
        %sign3A_2551 = arith.extui %sign3A_2550 : i1 to i32
        %sign3A_2552 = arith.subi %sign3A_2548, %sign3A_2551 : i32
        %ne3A_2553 = vector.broadcast %sign3A_2552 : i32 to vector<16xi32>
        %ne3A_2554 = arith.cmpi ne, %sign3A_2545, %ne3A_2553 : vector<16xi32>
        %rem3A_2555 = vector.broadcast %jit3A_2534 : i32 to vector<16xi32>
        %rem3A_2556 = arith.remsi %add3A_2533, %rem3A_2555 : vector<16xi32>
        %ne3A_2557 = arith.constant 0 : i32
        %ne3A_2558 = vector.broadcast %ne3A_2557 : i32 to vector<16xi32>
        %ne3A_2559 = arith.cmpi ne, %rem3A_2556, %ne3A_2558 : vector<16xi32>
        %and3A_2560 = arith.andi %ne3A_2554, %ne3A_2559 : vector<16xi1>
        %sub3A_2561 = arith.constant 1 : i32
        %sub3A_2562 = vector.broadcast %sub3A_2561 : i32 to vector<16xi32>
        %sub3A_2563 = arith.subi %div3A_2536, %sub3A_2562 : vector<16xi32>
        %select_n3A_2564 = arith.select %and3A_2560, %sub3A_2563, %div3A_2536 : vector<16xi1>, vector<16xi32>
        %mul3A_2565 = arith.constant 384 : i32
        %mul3A_2566 = vector.broadcast %mul3A_2565 : i32 to vector<16xi32>
        %mul3A_2567 = arith.muli %select_n3A_2564, %mul3A_2566 : vector<16xi32>
        %sub3A_2568 = arith.subi %add3A_2533, %mul3A_2567 : vector<16xi32>
        %rem3A_2569 = arith.constant 384 : i32
        %rem3A_2570 = vector.broadcast %rem3A_2569 : i32 to vector<16xi32>
        %rem3A_2571 = arith.remsi %select_n3A_2564, %rem3A_2570 : vector<16xi32>
        %convert_element_type3A_2572 = arith.sitofp %rem3A_2571 : vector<16xi32> to vector<16xf32>
        %get3A_2573 = arith.constant 16 : index
        %get3A_2574 = tpu.vector_load %arg6[%get3A_2573] {strides = array<i32>} : memref<128xf32, #tpu.memory_space<vmem>>, vector<16xf32>,
        %sub3A_2575 = arith.subf %convert_element_type3A_2572, %get3A_2574 : vector<16xf32>
        %convert_element_type3A_2576 = arith.sitofp %sub3A_2568 : vector<16xi32> to vector<16xf32>
        %get3A_2577 = arith.constant 16 : index
        %get3A_2578 = tpu.vector_load %arg8[%get3A_2577] {strides = array<i32>} : memref<128xf32, #tpu.memory_space<vmem>>, vector<16xf32>,
        %sub3A_2579 = arith.subf %convert_element_type3A_2576, %get3A_2578 : vector<16xf32>
        %jit3A_2580 = arith.constant 0.000000e+00 : f32
        %jit3A_2581 = arith.constant 3.820000e+02 : f32
        %max3A_2582 = vector.broadcast %jit3A_2580 : f32 to vector<16xf32>
        %max3A_2583 = arith.maximumf %max3A_2582, %sub3A_2575 : vector<16xf32>
        %min3A_2584 = vector.broadcast %jit3A_2581 : f32 to vector<16xf32>
        %min3A_2585 = arith.minimumf %min3A_2584, %max3A_2583 : vector<16xf32>
        %jit3A_2586 = arith.constant 0.000000e+00 : f32
        %jit3A_2587 = arith.constant 3.820000e+02 : f32
        %max3A_2588 = vector.broadcast %jit3A_2586 : f32 to vector<16xf32>
        %max3A_2589 = arith.maximumf %max3A_2588, %sub3A_2579 : vector<16xf32>
        %min3A_2590 = vector.broadcast %jit3A_2587 : f32 to vector<16xf32>
        %min3A_2591 = arith.minimumf %min3A_2590, %max3A_2589 : vector<16xf32>
        %convert_element_type3A_2592 = arith.fptosi %min3A_2585 : vector<16xf32> to vector<16xi32>
        %convert_element_type3A_2593 = arith.fptosi %min3A_2591 : vector<16xf32> to vector<16xi32>
        %convert_element_type3A_2594 = arith.sitofp %convert_element_type3A_2592 : vector<16xi32> to vector<16xf32>
        %sub3A_2595 = arith.subf %sub3A_2575, %convert_element_type3A_2594 : vector<16xf32>
        %jit3A_2596 = arith.constant 0.000000e+00 : f32
        %jit3A_2597 = arith.constant 1.000000e+00 : f32
        %max3A_2598 = vector.broadcast %jit3A_2596 : f32 to vector<16xf32>
        %max3A_2599 = arith.maximumf %max3A_2598, %sub3A_2595 : vector<16xf32>
        %min3A_2600 = vector.broadcast %jit3A_2597 : f32 to vector<16xf32>
        %min3A_2601 = arith.minimumf %min3A_2600, %max3A_2599 : vector<16xf32>
        %convert_element_type3A_2602 = arith.sitofp %convert_element_type3A_2593 : vector<16xi32> to vector<16xf32>
        %sub3A_2603 = arith.subf %sub3A_2579, %convert_element_type3A_2602 : vector<16xf32>
        %jit3A_2604 = arith.constant 0.000000e+00 : f32
        %jit3A_2605 = arith.constant 1.000000e+00 : f32
        %max3A_2606 = vector.broadcast %jit3A_2604 : f32 to vector<16xf32>
        %max3A_2607 = arith.maximumf %max3A_2606, %sub3A_2603 : vector<16xf32>
        %min3A_2608 = vector.broadcast %jit3A_2605 : f32 to vector<16xf32>
        %min3A_2609 = arith.minimumf %min3A_2608, %max3A_2607 : vector<16xf32>
        %sub3A_2610 = arith.subi %select_n3A_2564, %rem3A_2571 : vector<16xi32>
        %add3A_2611 = arith.addi %sub3A_2610, %convert_element_type3A_2592 : vector<16xi32>
        %mul3A_2612 = arith.constant 384 : i32
        %mul3A_2613 = vector.broadcast %mul3A_2612 : i32 to vector<16xi32>
        %mul3A_2614 = arith.muli %add3A_2611, %mul3A_2613 : vector<16xi32>
        %add3A_2615 = arith.addi %mul3A_2614, %convert_element_type3A_2593 : vector<16xi32>
        %swap3A_2616 = arith.constant 16 : index
        %swap3A_2617 = tpu.vector_load %arg10[%swap3A_2616] {strides = array<i32>} : memref<128xi32, #tpu.memory_space<vmem>>, vector<16xi32>,
        tpu.vector_store %arg10[%swap3A_2616], %add3A_2615 {strides = array<i32>} : memref<128xi32, #tpu.memory_space<vmem>>, vector<16xi32>,
        %add3A_2618 = arith.constant 1 : i32
        %add3A_2619 = vector.broadcast %add3A_2618 : i32 to vector<16xi32>
        %add3A_2620 = arith.addi %add3A_2615, %add3A_2619 : vector<16xi32>
        %swap3A_2621 = arith.constant 16 : index
        %swap3A_2622 = tpu.vector_load %arg11[%swap3A_2621] {strides = array<i32>} : memref<128xi32, #tpu.memory_space<vmem>>, vector<16xi32>,
        tpu.vector_store %arg11[%swap3A_2621], %add3A_2620 {strides = array<i32>} : memref<128xi32, #tpu.memory_space<vmem>>, vector<16xi32>,
        %add3A_2623 = arith.constant 384 : i32
        %add3A_2624 = vector.broadcast %add3A_2623 : i32 to vector<16xi32>
        %add3A_2625 = arith.addi %add3A_2615, %add3A_2624 : vector<16xi32>
        %swap3A_2626 = arith.constant 16 : index
        %swap3A_2627 = tpu.vector_load %arg12[%swap3A_2626] {strides = array<i32>} : memref<128xi32, #tpu.memory_space<vmem>>, vector<16xi32>,
        tpu.vector_store %arg12[%swap3A_2626], %add3A_2625 {strides = array<i32>} : memref<128xi32, #tpu.memory_space<vmem>>, vector<16xi32>,
        %add3A_2628 = arith.constant 384 : i32
        %add3A_2629 = vector.broadcast %add3A_2628 : i32 to vector<16xi32>
        %add3A_2630 = arith.addi %add3A_2615, %add3A_2629 : vector<16xi32>
        %add3A_2631 = arith.constant 1 : i32
        %add3A_2632 = vector.broadcast %add3A_2631 : i32 to vector<16xi32>
        %add3A_2633 = arith.addi %add3A_2630, %add3A_2632 : vector<16xi32>
        %swap3A_2634 = arith.constant 16 : index
        %swap3A_2635 = tpu.vector_load %arg13[%swap3A_2634] {strides = array<i32>} : memref<128xi32, #tpu.memory_space<vmem>>, vector<16xi32>,
        tpu.vector_store %arg13[%swap3A_2634], %add3A_2633 {strides = array<i32>} : memref<128xi32, #tpu.memory_space<vmem>>, vector<16xi32>,
        %sub3A_2636 = arith.constant 1.000000e+00 : f32
        %sub3A_2637 = vector.broadcast %sub3A_2636 : f32 to vector<16xf32>
        %sub3A_2638 = arith.subf %sub3A_2637, %min3A_2601 : vector<16xf32>
        %sub3A_2639 = arith.constant 1.000000e+00 : f32
        %sub3A_2640 = vector.broadcast %sub3A_2639 : f32 to vector<16xf32>
        %sub3A_2641 = arith.subf %sub3A_2640, %min3A_2609 : vector<16xf32>
        %mul3A_2642 = arith.mulf %sub3A_2638, %sub3A_2641 : vector<16xf32>
        %swap3A_2643 = arith.constant 16 : index
        %swap3A_2644 = tpu.vector_load %arg18[%swap3A_2643] {strides = array<i32>} : memref<128xf32, #tpu.memory_space<vmem>>, vector<16xf32>,
        tpu.vector_store %arg18[%swap3A_2643], %mul3A_2642 {strides = array<i32>} : memref<128xf32, #tpu.memory_space<vmem>>, vector<16xf32>,
        %mul3A_2645 = arith.mulf %sub3A_2638, %min3A_2609 : vector<16xf32>
        %swap3A_2646 = arith.constant 16 : index
        %swap3A_2647 = tpu.vector_load %arg19[%swap3A_2646] {strides = array<i32>} : memref<128xf32, #tpu.memory_space<vmem>>, vector<16xf32>,
        tpu.vector_store %arg19[%swap3A_2646], %mul3A_2645 {strides = array<i32>} : memref<128xf32, #tpu.memory_space<vmem>>, vector<16xf32>,
        %mul3A_2648 = arith.mulf %min3A_2601, %sub3A_2641 : vector<16xf32>
        %swap3A_2649 = arith.constant 16 : index
        %swap3A_2650 = tpu.vector_load %arg20[%swap3A_2649] {strides = array<i32>} : memref<128xf32, #tpu.memory_space<vmem>>, vector<16xf32>,
        tpu.vector_store %arg20[%swap3A_2649], %mul3A_2648 {strides = array<i32>} : memref<128xf32, #tpu.memory_space<vmem>>, vector<16xf32>,
        %mul3A_2651 = arith.mulf %min3A_2601, %min3A_2609 : vector<16xf32>
        %swap3A_2652 = arith.constant 16 : index
        %swap3A_2653 = tpu.vector_load %arg21[%swap3A_2652] {strides = array<i32>} : memref<128xf32, #tpu.memory_space<vmem>>, vector<16xf32>,
        tpu.vector_store %arg21[%swap3A_2652], %mul3A_2651 {strides = array<i32>} : memref<128xf32, #tpu.memory_space<vmem>>, vector<16xf32>,
        %add3A_2654 = arith.constant 32 : i32
        %add3A_2655 = arith.addi %add3A_2404, %add3A_2654 : i32
        %add3A_2656 = vector.broadcast %add3A_2655 : i32 to vector<16xi32>
        %add3A_2657 = arith.addi %add3A_2656, %iota3A_2405 : vector<16xi32>
        %jit3A_2658 = arith.constant 384 : i32
        %div3A_2659 = vector.broadcast %jit3A_2658 : i32 to vector<16xi32>
        %div3A_2660 = arith.divsi %add3A_2657, %div3A_2659 : vector<16xi32>
        %sign3A_2661 = arith.constant 0 : i32
        %sign3A_2662 = vector.broadcast %sign3A_2661 : i32 to vector<16xi32>
        %sign3A_2663 = arith.cmpi sgt, %add3A_2657, %sign3A_2662 : vector<16xi32>
        %sign3A_2664 = arith.extui %sign3A_2663 : vector<16xi1> to vector<16xi32>
        %sign3A_2665 = arith.constant 0 : i32
        %sign3A_2666 = vector.broadcast %sign3A_2665 : i32 to vector<16xi32>
        %sign3A_2667 = arith.cmpi slt, %add3A_2657, %sign3A_2666 : vector<16xi32>
        %sign3A_2668 = arith.extui %sign3A_2667 : vector<16xi1> to vector<16xi32>
        %sign3A_2669 = arith.subi %sign3A_2664, %sign3A_2668 : vector<16xi32>
        %sign3A_2670 = arith.constant 0 : i32
        %sign3A_2671 = arith.cmpi sgt, %jit3A_2658, %sign3A_2670 : i32
        %sign3A_2672 = arith.extui %sign3A_2671 : i1 to i32
        %sign3A_2673 = arith.constant 0 : i32
        %sign3A_2674 = arith.cmpi slt, %jit3A_2658, %sign3A_2673 : i32
        %sign3A_2675 = arith.extui %sign3A_2674 : i1 to i32
        %sign3A_2676 = arith.subi %sign3A_2672, %sign3A_2675 : i32
        %ne3A_2677 = vector.broadcast %sign3A_2676 : i32 to vector<16xi32>
        %ne3A_2678 = arith.cmpi ne, %sign3A_2669, %ne3A_2677 : vector<16xi32>
        %rem3A_2679 = vector.broadcast %jit3A_2658 : i32 to vector<16xi32>
        %rem3A_2680 = arith.remsi %add3A_2657, %rem3A_2679 : vector<16xi32>
        %ne3A_2681 = arith.constant 0 : i32
        %ne3A_2682 = vector.broadcast %ne3A_2681 : i32 to vector<16xi32>
        %ne3A_2683 = arith.cmpi ne, %rem3A_2680, %ne3A_2682 : vector<16xi32>
        %and3A_2684 = arith.andi %ne3A_2678, %ne3A_2683 : vector<16xi1>
        %sub3A_2685 = arith.constant 1 : i32
        %sub3A_2686 = vector.broadcast %sub3A_2685 : i32 to vector<16xi32>
        %sub3A_2687 = arith.subi %div3A_2660, %sub3A_2686 : vector<16xi32>
        %select_n3A_2688 = arith.select %and3A_2684, %sub3A_2687, %div3A_2660 : vector<16xi1>, vector<16xi32>
        %mul3A_2689 = arith.constant 384 : i32
        %mul3A_2690 = vector.broadcast %mul3A_2689 : i32 to vector<16xi32>
        %mul3A_2691 = arith.muli %select_n3A_2688, %mul3A_2690 : vector<16xi32>
        %sub3A_2692 = arith.subi %add3A_2657, %mul3A_2691 : vector<16xi32>
        %rem3A_2693 = arith.constant 384 : i32
        %rem3A_2694 = vector.broadcast %rem3A_2693 : i32 to vector<16xi32>
        %rem3A_2695 = arith.remsi %select_n3A_2688, %rem3A_2694 : vector<16xi32>
        %convert_element_type3A_2696 = arith.sitofp %rem3A_2695 : vector<16xi32> to vector<16xf32>
        %get3A_2697 = arith.constant 32 : index
        %get3A_2698 = tpu.vector_load %arg6[%get3A_2697] {strides = array<i32>} : memref<128xf32, #tpu.memory_space<vmem>>, vector<16xf32>,
        %sub3A_2699 = arith.subf %convert_element_type3A_2696, %get3A_2698 : vector<16xf32>
        %convert_element_type3A_2700 = arith.sitofp %sub3A_2692 : vector<16xi32> to vector<16xf32>
        %get3A_2701 = arith.constant 32 : index
        %get3A_2702 = tpu.vector_load %arg8[%get3A_2701] {strides = array<i32>} : memref<128xf32, #tpu.memory_space<vmem>>, vector<16xf32>,
        %sub3A_2703 = arith.subf %convert_element_type3A_2700, %get3A_2702 : vector<16xf32>
        %jit3A_2704 = arith.constant 0.000000e+00 : f32
        %jit3A_2705 = arith.constant 3.820000e+02 : f32
        %max3A_2706 = vector.broadcast %jit3A_2704 : f32 to vector<16xf32>
        %max3A_2707 = arith.maximumf %max3A_2706, %sub3A_2699 : vector<16xf32>
        %min3A_2708 = vector.broadcast %jit3A_2705 : f32 to vector<16xf32>
        %min3A_2709 = arith.minimumf %min3A_2708, %max3A_2707 : vector<16xf32>
        %jit3A_2710 = arith.constant 0.000000e+00 : f32
        %jit3A_2711 = arith.constant 3.820000e+02 : f32
        %max3A_2712 = vector.broadcast %jit3A_2710 : f32 to vector<16xf32>
        %max3A_2713 = arith.maximumf %max3A_2712, %sub3A_2703 : vector<16xf32>
        %min3A_2714 = vector.broadcast %jit3A_2711 : f32 to vector<16xf32>
        %min3A_2715 = arith.minimumf %min3A_2714, %max3A_2713 : vector<16xf32>
        %convert_element_type3A_2716 = arith.fptosi %min3A_2709 : vector<16xf32> to vector<16xi32>
        %convert_element_type3A_2717 = arith.fptosi %min3A_2715 : vector<16xf32> to vector<16xi32>
        %convert_element_type3A_2718 = arith.sitofp %convert_element_type3A_2716 : vector<16xi32> to vector<16xf32>
        %sub3A_2719 = arith.subf %sub3A_2699, %convert_element_type3A_2718 : vector<16xf32>
        %jit3A_2720 = arith.constant 0.000000e+00 : f32
        %jit3A_2721 = arith.constant 1.000000e+00 : f32
        %max3A_2722 = vector.broadcast %jit3A_2720 : f32 to vector<16xf32>
        %max3A_2723 = arith.maximumf %max3A_2722, %sub3A_2719 : vector<16xf32>
        %min3A_2724 = vector.broadcast %jit3A_2721 : f32 to vector<16xf32>
        %min3A_2725 = arith.minimumf %min3A_2724, %max3A_2723 : vector<16xf32>
        %convert_element_type3A_2726 = arith.sitofp %convert_element_type3A_2717 : vector<16xi32> to vector<16xf32>
        %sub3A_2727 = arith.subf %sub3A_2703, %convert_element_type3A_2726 : vector<16xf32>
        %jit3A_2728 = arith.constant 0.000000e+00 : f32
        %jit3A_2729 = arith.constant 1.000000e+00 : f32
        %max3A_2730 = vector.broadcast %jit3A_2728 : f32 to vector<16xf32>
        %max3A_2731 = arith.maximumf %max3A_2730, %sub3A_2727 : vector<16xf32>
        %min3A_2732 = vector.broadcast %jit3A_2729 : f32 to vector<16xf32>
        %min3A_2733 = arith.minimumf %min3A_2732, %max3A_2731 : vector<16xf32>
        %sub3A_2734 = arith.subi %select_n3A_2688, %rem3A_2695 : vector<16xi32>
        %add3A_2735 = arith.addi %sub3A_2734, %convert_element_type3A_2716 : vector<16xi32>
        %mul3A_2736 = arith.constant 384 : i32
        %mul3A_2737 = vector.broadcast %mul3A_2736 : i32 to vector<16xi32>
        %mul3A_2738 = arith.muli %add3A_2735, %mul3A_2737 : vector<16xi32>
        %add3A_2739 = arith.addi %mul3A_2738, %convert_element_type3A_2717 : vector<16xi32>
        %swap3A_2740 = arith.constant 32 : index
        %swap3A_2741 = tpu.vector_load %arg10[%swap3A_2740] {strides = array<i32>} : memref<128xi32, #tpu.memory_space<vmem>>, vector<16xi32>,
        tpu.vector_store %arg10[%swap3A_2740], %add3A_2739 {strides = array<i32>} : memref<128xi32, #tpu.memory_space<vmem>>, vector<16xi32>,
        %add3A_2742 = arith.constant 1 : i32
        %add3A_2743 = vector.broadcast %add3A_2742 : i32 to vector<16xi32>
        %add3A_2744 = arith.addi %add3A_2739, %add3A_2743 : vector<16xi32>
        %swap3A_2745 = arith.constant 32 : index
        %swap3A_2746 = tpu.vector_load %arg11[%swap3A_2745] {strides = array<i32>} : memref<128xi32, #tpu.memory_space<vmem>>, vector<16xi32>,
        tpu.vector_store %arg11[%swap3A_2745], %add3A_2744 {strides = array<i32>} : memref<128xi32, #tpu.memory_space<vmem>>, vector<16xi32>,
        %add3A_2747 = arith.constant 384 : i32
        %add3A_2748 = vector.broadcast %add3A_2747 : i32 to vector<16xi32>
        %add3A_2749 = arith.addi %add3A_2739, %add3A_2748 : vector<16xi32>
        %swap3A_2750 = arith.constant 32 : index
        %swap3A_2751 = tpu.vector_load %arg12[%swap3A_2750] {strides = array<i32>} : memref<128xi32, #tpu.memory_space<vmem>>, vector<16xi32>,
        tpu.vector_store %arg12[%swap3A_2750], %add3A_2749 {strides = array<i32>} : memref<128xi32, #tpu.memory_space<vmem>>, vector<16xi32>,
        %add3A_2752 = arith.constant 384 : i32
        %add3A_2753 = vector.broadcast %add3A_2752 : i32 to vector<16xi32>
        %add3A_2754 = arith.addi %add3A_2739, %add3A_2753 : vector<16xi32>
        %add3A_2755 = arith.constant 1 : i32
        %add3A_2756 = vector.broadcast %add3A_2755 : i32 to vector<16xi32>
        %add3A_2757 = arith.addi %add3A_2754, %add3A_2756 : vector<16xi32>
        %swap3A_2758 = arith.constant 32 : index
        %swap3A_2759 = tpu.vector_load %arg13[%swap3A_2758] {strides = array<i32>} : memref<128xi32, #tpu.memory_space<vmem>>, vector<16xi32>,
        tpu.vector_store %arg13[%swap3A_2758], %add3A_2757 {strides = array<i32>} : memref<128xi32, #tpu.memory_space<vmem>>, vector<16xi32>,
        %sub3A_2760 = arith.constant 1.000000e+00 : f32
        %sub3A_2761 = vector.broadcast %sub3A_2760 : f32 to vector<16xf32>
        %sub3A_2762 = arith.subf %sub3A_2761, %min3A_2725 : vector<16xf32>
        %sub3A_2763 = arith.constant 1.000000e+00 : f32
        %sub3A_2764 = vector.broadcast %sub3A_2763 : f32 to vector<16xf32>
        %sub3A_2765 = arith.subf %sub3A_2764, %min3A_2733 : vector<16xf32>
        %mul3A_2766 = arith.mulf %sub3A_2762, %sub3A_2765 : vector<16xf32>
        %swap3A_2767 = arith.constant 32 : index
        %swap3A_2768 = tpu.vector_load %arg18[%swap3A_2767] {strides = array<i32>} : memref<128xf32, #tpu.memory_space<vmem>>, vector<16xf32>,
        tpu.vector_store %arg18[%swap3A_2767], %mul3A_2766 {strides = array<i32>} : memref<128xf32, #tpu.memory_space<vmem>>, vector<16xf32>,
        %mul3A_2769 = arith.mulf %sub3A_2762, %min3A_2733 : vector<16xf32>
        %swap3A_2770 = arith.constant 32 : index
        %swap3A_2771 = tpu.vector_load %arg19[%swap3A_2770] {strides = array<i32>} : memref<128xf32, #tpu.memory_space<vmem>>, vector<16xf32>,
        tpu.vector_store %arg19[%swap3A_2770], %mul3A_2769 {strides = array<i32>} : memref<128xf32, #tpu.memory_space<vmem>>, vector<16xf32>,
        %mul3A_2772 = arith.mulf %min3A_2725, %sub3A_2765 : vector<16xf32>
        %swap3A_2773 = arith.constant 32 : index
        %swap3A_2774 = tpu.vector_load %arg20[%swap3A_2773] {strides = array<i32>} : memref<128xf32, #tpu.memory_space<vmem>>, vector<16xf32>,
        tpu.vector_store %arg20[%swap3A_2773], %mul3A_2772 {strides = array<i32>} : memref<128xf32, #tpu.memory_space<vmem>>, vector<16xf32>,
        %mul3A_2775 = arith.mulf %min3A_2725, %min3A_2733 : vector<16xf32>
        %swap3A_2776 = arith.constant 32 : index
        %swap3A_2777 = tpu.vector_load %arg21[%swap3A_2776] {strides = array<i32>} : memref<128xf32, #tpu.memory_space<vmem>>, vector<16xf32>,
        tpu.vector_store %arg21[%swap3A_2776], %mul3A_2775 {strides = array<i32>} : memref<128xf32, #tpu.memory_space<vmem>>, vector<16xf32>,
        %add3A_2778 = arith.constant 48 : i32
        %add3A_2779 = arith.addi %add3A_2404, %add3A_2778 : i32
        %add3A_2780 = vector.broadcast %add3A_2779 : i32 to vector<16xi32>
        %add3A_2781 = arith.addi %add3A_2780, %iota3A_2405 : vector<16xi32>
        %jit3A_2782 = arith.constant 384 : i32
        %div3A_2783 = vector.broadcast %jit3A_2782 : i32 to vector<16xi32>
        %div3A_2784 = arith.divsi %add3A_2781, %div3A_2783 : vector<16xi32>
        %sign3A_2785 = arith.constant 0 : i32
        %sign3A_2786 = vector.broadcast %sign3A_2785 : i32 to vector<16xi32>
        %sign3A_2787 = arith.cmpi sgt, %add3A_2781, %sign3A_2786 : vector<16xi32>
        %sign3A_2788 = arith.extui %sign3A_2787 : vector<16xi1> to vector<16xi32>
        %sign3A_2789 = arith.constant 0 : i32
        %sign3A_2790 = vector.broadcast %sign3A_2789 : i32 to vector<16xi32>
        %sign3A_2791 = arith.cmpi slt, %add3A_2781, %sign3A_2790 : vector<16xi32>
        %sign3A_2792 = arith.extui %sign3A_2791 : vector<16xi1> to vector<16xi32>
        %sign3A_2793 = arith.subi %sign3A_2788, %sign3A_2792 : vector<16xi32>
        %sign3A_2794 = arith.constant 0 : i32
        %sign3A_2795 = arith.cmpi sgt, %jit3A_2782, %sign3A_2794 : i32
        %sign3A_2796 = arith.extui %sign3A_2795 : i1 to i32
        %sign3A_2797 = arith.constant 0 : i32
        %sign3A_2798 = arith.cmpi slt, %jit3A_2782, %sign3A_2797 : i32
        %sign3A_2799 = arith.extui %sign3A_2798 : i1 to i32
        %sign3A_2800 = arith.subi %sign3A_2796, %sign3A_2799 : i32
        %ne3A_2801 = vector.broadcast %sign3A_2800 : i32 to vector<16xi32>
        %ne3A_2802 = arith.cmpi ne, %sign3A_2793, %ne3A_2801 : vector<16xi32>
        %rem3A_2803 = vector.broadcast %jit3A_2782 : i32 to vector<16xi32>
        %rem3A_2804 = arith.remsi %add3A_2781, %rem3A_2803 : vector<16xi32>
        %ne3A_2805 = arith.constant 0 : i32
        %ne3A_2806 = vector.broadcast %ne3A_2805 : i32 to vector<16xi32>
        %ne3A_2807 = arith.cmpi ne, %rem3A_2804, %ne3A_2806 : vector<16xi32>
        %and3A_2808 = arith.andi %ne3A_2802, %ne3A_2807 : vector<16xi1>
        %sub3A_2809 = arith.constant 1 : i32
        %sub3A_2810 = vector.broadcast %sub3A_2809 : i32 to vector<16xi32>
        %sub3A_2811 = arith.subi %div3A_2784, %sub3A_2810 : vector<16xi32>
        %select_n3A_2812 = arith.select %and3A_2808, %sub3A_2811, %div3A_2784 : vector<16xi1>, vector<16xi32>
        %mul3A_2813 = arith.constant 384 : i32
        %mul3A_2814 = vector.broadcast %mul3A_2813 : i32 to vector<16xi32>
        %mul3A_2815 = arith.muli %select_n3A_2812, %mul3A_2814 : vector<16xi32>
        %sub3A_2816 = arith.subi %add3A_2781, %mul3A_2815 : vector<16xi32>
        %rem3A_2817 = arith.constant 384 : i32
        %rem3A_2818 = vector.broadcast %rem3A_2817 : i32 to vector<16xi32>
        %rem3A_2819 = arith.remsi %select_n3A_2812, %rem3A_2818 : vector<16xi32>
        %convert_element_type3A_2820 = arith.sitofp %rem3A_2819 : vector<16xi32> to vector<16xf32>
        %get3A_2821 = arith.constant 48 : index
        %get3A_2822 = tpu.vector_load %arg6[%get3A_2821] {strides = array<i32>} : memref<128xf32, #tpu.memory_space<vmem>>, vector<16xf32>,
        %sub3A_2823 = arith.subf %convert_element_type3A_2820, %get3A_2822 : vector<16xf32>
        %convert_element_type3A_2824 = arith.sitofp %sub3A_2816 : vector<16xi32> to vector<16xf32>
        %get3A_2825 = arith.constant 48 : index
        %get3A_2826 = tpu.vector_load %arg8[%get3A_2825] {strides = array<i32>} : memref<128xf32, #tpu.memory_space<vmem>>, vector<16xf32>,
        %sub3A_2827 = arith.subf %convert_element_type3A_2824, %get3A_2826 : vector<16xf32>
        %jit3A_2828 = arith.constant 0.000000e+00 : f32
        %jit3A_2829 = arith.constant 3.820000e+02 : f32
        %max3A_2830 = vector.broadcast %jit3A_2828 : f32 to vector<16xf32>
        %max3A_2831 = arith.maximumf %max3A_2830, %sub3A_2823 : vector<16xf32>
        %min3A_2832 = vector.broadcast %jit3A_2829 : f32 to vector<16xf32>
        %min3A_2833 = arith.minimumf %min3A_2832, %max3A_2831 : vector<16xf32>
        %jit3A_2834 = arith.constant 0.000000e+00 : f32
        %jit3A_2835 = arith.constant 3.820000e+02 : f32
        %max3A_2836 = vector.broadcast %jit3A_2834 : f32 to vector<16xf32>
        %max3A_2837 = arith.maximumf %max3A_2836, %sub3A_2827 : vector<16xf32>
        %min3A_2838 = vector.broadcast %jit3A_2835 : f32 to vector<16xf32>
        %min3A_2839 = arith.minimumf %min3A_2838, %max3A_2837 : vector<16xf32>
        %convert_element_type3A_2840 = arith.fptosi %min3A_2833 : vector<16xf32> to vector<16xi32>
        %convert_element_type3A_2841 = arith.fptosi %min3A_2839 : vector<16xf32> to vector<16xi32>
        %convert_element_type3A_2842 = arith.sitofp %convert_element_type3A_2840 : vector<16xi32> to vector<16xf32>
        %sub3A_2843 = arith.subf %sub3A_2823, %convert_element_type3A_2842 : vector<16xf32>
        %jit3A_2844 = arith.constant 0.000000e+00 : f32
        %jit3A_2845 = arith.constant 1.000000e+00 : f32
        %max3A_2846 = vector.broadcast %jit3A_2844 : f32 to vector<16xf32>
        %max3A_2847 = arith.maximumf %max3A_2846, %sub3A_2843 : vector<16xf32>
        %min3A_2848 = vector.broadcast %jit3A_2845 : f32 to vector<16xf32>
        %min3A_2849 = arith.minimumf %min3A_2848, %max3A_2847 : vector<16xf32>
        %convert_element_type3A_2850 = arith.sitofp %convert_element_type3A_2841 : vector<16xi32> to vector<16xf32>
        %sub3A_2851 = arith.subf %sub3A_2827, %convert_element_type3A_2850 : vector<16xf32>
        %jit3A_2852 = arith.constant 0.000000e+00 : f32
        %jit3A_2853 = arith.constant 1.000000e+00 : f32
        %max3A_2854 = vector.broadcast %jit3A_2852 : f32 to vector<16xf32>
        %max3A_2855 = arith.maximumf %max3A_2854, %sub3A_2851 : vector<16xf32>
        %min3A_2856 = vector.broadcast %jit3A_2853 : f32 to vector<16xf32>
        %min3A_2857 = arith.minimumf %min3A_2856, %max3A_2855 : vector<16xf32>
        %sub3A_2858 = arith.subi %select_n3A_2812, %rem3A_2819 : vector<16xi32>
        %add3A_2859 = arith.addi %sub3A_2858, %convert_element_type3A_2840 : vector<16xi32>
        %mul3A_2860 = arith.constant 384 : i32
        %mul3A_2861 = vector.broadcast %mul3A_2860 : i32 to vector<16xi32>
        %mul3A_2862 = arith.muli %add3A_2859, %mul3A_2861 : vector<16xi32>
        %add3A_2863 = arith.addi %mul3A_2862, %convert_element_type3A_2841 : vector<16xi32>
        %swap3A_2864 = arith.constant 48 : index
        %swap3A_2865 = tpu.vector_load %arg10[%swap3A_2864] {strides = array<i32>} : memref<128xi32, #tpu.memory_space<vmem>>, vector<16xi32>,
        tpu.vector_store %arg10[%swap3A_2864], %add3A_2863 {strides = array<i32>} : memref<128xi32, #tpu.memory_space<vmem>>, vector<16xi32>,
        %add3A_2866 = arith.constant 1 : i32
        %add3A_2867 = vector.broadcast %add3A_2866 : i32 to vector<16xi32>
        %add3A_2868 = arith.addi %add3A_2863, %add3A_2867 : vector<16xi32>
        %swap3A_2869 = arith.constant 48 : index
        %swap3A_2870 = tpu.vector_load %arg11[%swap3A_2869] {strides = array<i32>} : memref<128xi32, #tpu.memory_space<vmem>>, vector<16xi32>,
        tpu.vector_store %arg11[%swap3A_2869], %add3A_2868 {strides = array<i32>} : memref<128xi32, #tpu.memory_space<vmem>>, vector<16xi32>,
        %add3A_2871 = arith.constant 384 : i32
        %add3A_2872 = vector.broadcast %add3A_2871 : i32 to vector<16xi32>
        %add3A_2873 = arith.addi %add3A_2863, %add3A_2872 : vector<16xi32>
        %swap3A_2874 = arith.constant 48 : index
        %swap3A_2875 = tpu.vector_load %arg12[%swap3A_2874] {strides = array<i32>} : memref<128xi32, #tpu.memory_space<vmem>>, vector<16xi32>,
        tpu.vector_store %arg12[%swap3A_2874], %add3A_2873 {strides = array<i32>} : memref<128xi32, #tpu.memory_space<vmem>>, vector<16xi32>,
        %add3A_2876 = arith.constant 384 : i32
        %add3A_2877 = vector.broadcast %add3A_2876 : i32 to vector<16xi32>
        %add3A_2878 = arith.addi %add3A_2863, %add3A_2877 : vector<16xi32>
        %add3A_2879 = arith.constant 1 : i32
        %add3A_2880 = vector.broadcast %add3A_2879 : i32 to vector<16xi32>
        %add3A_2881 = arith.addi %add3A_2878, %add3A_2880 : vector<16xi32>
        %swap3A_2882 = arith.constant 48 : index
        %swap3A_2883 = tpu.vector_load %arg13[%swap3A_2882] {strides = array<i32>} : memref<128xi32, #tpu.memory_space<vmem>>, vector<16xi32>,
        tpu.vector_store %arg13[%swap3A_2882], %add3A_2881 {strides = array<i32>} : memref<128xi32, #tpu.memory_space<vmem>>, vector<16xi32>,
        %sub3A_2884 = arith.constant 1.000000e+00 : f32
        %sub3A_2885 = vector.broadcast %sub3A_2884 : f32 to vector<16xf32>
        %sub3A_2886 = arith.subf %sub3A_2885, %min3A_2849 : vector<16xf32>
        %sub3A_2887 = arith.constant 1.000000e+00 : f32
        %sub3A_2888 = vector.broadcast %sub3A_2887 : f32 to vector<16xf32>
        %sub3A_2889 = arith.subf %sub3A_2888, %min3A_2857 : vector<16xf32>
        %mul3A_2890 = arith.mulf %sub3A_2886, %sub3A_2889 : vector<16xf32>
        %swap3A_2891 = arith.constant 48 : index
        %swap3A_2892 = tpu.vector_load %arg18[%swap3A_2891] {strides = array<i32>} : memref<128xf32, #tpu.memory_space<vmem>>, vector<16xf32>,
        tpu.vector_store %arg18[%swap3A_2891], %mul3A_2890 {strides = array<i32>} : memref<128xf32, #tpu.memory_space<vmem>>, vector<16xf32>,
        %mul3A_2893 = arith.mulf %sub3A_2886, %min3A_2857 : vector<16xf32>
        %swap3A_2894 = arith.constant 48 : index
        %swap3A_2895 = tpu.vector_load %arg19[%swap3A_2894] {strides = array<i32>} : memref<128xf32, #tpu.memory_space<vmem>>, vector<16xf32>,
        tpu.vector_store %arg19[%swap3A_2894], %mul3A_2893 {strides = array<i32>} : memref<128xf32, #tpu.memory_space<vmem>>, vector<16xf32>,
        %mul3A_2896 = arith.mulf %min3A_2849, %sub3A_2889 : vector<16xf32>
        %swap3A_2897 = arith.constant 48 : index
        %swap3A_2898 = tpu.vector_load %arg20[%swap3A_2897] {strides = array<i32>} : memref<128xf32, #tpu.memory_space<vmem>>, vector<16xf32>,
        tpu.vector_store %arg20[%swap3A_2897], %mul3A_2896 {strides = array<i32>} : memref<128xf32, #tpu.memory_space<vmem>>, vector<16xf32>,
        %mul3A_2899 = arith.mulf %min3A_2849, %min3A_2857 : vector<16xf32>
        %swap3A_2900 = arith.constant 48 : index
        %swap3A_2901 = tpu.vector_load %arg21[%swap3A_2900] {strides = array<i32>} : memref<128xf32, #tpu.memory_space<vmem>>, vector<16xf32>,
        tpu.vector_store %arg21[%swap3A_2900], %mul3A_2899 {strides = array<i32>} : memref<128xf32, #tpu.memory_space<vmem>>, vector<16xf32>,
        %add3A_2902 = arith.constant 64 : i32
        %add3A_2903 = arith.addi %add3A_2404, %add3A_2902 : i32
        %add3A_2904 = vector.broadcast %add3A_2903 : i32 to vector<16xi32>
        %add3A_2905 = arith.addi %add3A_2904, %iota3A_2405 : vector<16xi32>
        %jit3A_2906 = arith.constant 384 : i32
        %div3A_2907 = vector.broadcast %jit3A_2906 : i32 to vector<16xi32>
        %div3A_2908 = arith.divsi %add3A_2905, %div3A_2907 : vector<16xi32>
        %sign3A_2909 = arith.constant 0 : i32
        %sign3A_2910 = vector.broadcast %sign3A_2909 : i32 to vector<16xi32>
        %sign3A_2911 = arith.cmpi sgt, %add3A_2905, %sign3A_2910 : vector<16xi32>
        %sign3A_2912 = arith.extui %sign3A_2911 : vector<16xi1> to vector<16xi32>
        %sign3A_2913 = arith.constant 0 : i32
        %sign3A_2914 = vector.broadcast %sign3A_2913 : i32 to vector<16xi32>
        %sign3A_2915 = arith.cmpi slt, %add3A_2905, %sign3A_2914 : vector<16xi32>
        %sign3A_2916 = arith.extui %sign3A_2915 : vector<16xi1> to vector<16xi32>
        %sign3A_2917 = arith.subi %sign3A_2912, %sign3A_2916 : vector<16xi32>
        %sign3A_2918 = arith.constant 0 : i32
        %sign3A_2919 = arith.cmpi sgt, %jit3A_2906, %sign3A_2918 : i32
        %sign3A_2920 = arith.extui %sign3A_2919 : i1 to i32
        %sign3A_2921 = arith.constant 0 : i32
        %sign3A_2922 = arith.cmpi slt, %jit3A_2906, %sign3A_2921 : i32
        %sign3A_2923 = arith.extui %sign3A_2922 : i1 to i32
        %sign3A_2924 = arith.subi %sign3A_2920, %sign3A_2923 : i32
        %ne3A_2925 = vector.broadcast %sign3A_2924 : i32 to vector<16xi32>
        %ne3A_2926 = arith.cmpi ne, %sign3A_2917, %ne3A_2925 : vector<16xi32>
        %rem3A_2927 = vector.broadcast %jit3A_2906 : i32 to vector<16xi32>
        %rem3A_2928 = arith.remsi %add3A_2905, %rem3A_2927 : vector<16xi32>
        %ne3A_2929 = arith.constant 0 : i32
        %ne3A_2930 = vector.broadcast %ne3A_2929 : i32 to vector<16xi32>
        %ne3A_2931 = arith.cmpi ne, %rem3A_2928, %ne3A_2930 : vector<16xi32>
        %and3A_2932 = arith.andi %ne3A_2926, %ne3A_2931 : vector<16xi1>
        %sub3A_2933 = arith.constant 1 : i32
        %sub3A_2934 = vector.broadcast %sub3A_2933 : i32 to vector<16xi32>
        %sub3A_2935 = arith.subi %div3A_2908, %sub3A_2934 : vector<16xi32>
        %select_n3A_2936 = arith.select %and3A_2932, %sub3A_2935, %div3A_2908 : vector<16xi1>, vector<16xi32>
        %mul3A_2937 = arith.constant 384 : i32
        %mul3A_2938 = vector.broadcast %mul3A_2937 : i32 to vector<16xi32>
        %mul3A_2939 = arith.muli %select_n3A_2936, %mul3A_2938 : vector<16xi32>
        %sub3A_2940 = arith.subi %add3A_2905, %mul3A_2939 : vector<16xi32>
        %rem3A_2941 = arith.constant 384 : i32
        %rem3A_2942 = vector.broadcast %rem3A_2941 : i32 to vector<16xi32>
        %rem3A_2943 = arith.remsi %select_n3A_2936, %rem3A_2942 : vector<16xi32>
        %convert_element_type3A_2944 = arith.sitofp %rem3A_2943 : vector<16xi32> to vector<16xf32>
        %get3A_2945 = arith.constant 64 : index
        %get3A_2946 = tpu.vector_load %arg6[%get3A_2945] {strides = array<i32>} : memref<128xf32, #tpu.memory_space<vmem>>, vector<16xf32>,
        %sub3A_2947 = arith.subf %convert_element_type3A_2944, %get3A_2946 : vector<16xf32>
        %convert_element_type3A_2948 = arith.sitofp %sub3A_2940 : vector<16xi32> to vector<16xf32>
        %get3A_2949 = arith.constant 64 : index
        %get3A_2950 = tpu.vector_load %arg8[%get3A_2949] {strides = array<i32>} : memref<128xf32, #tpu.memory_space<vmem>>, vector<16xf32>,
        %sub3A_2951 = arith.subf %convert_element_type3A_2948, %get3A_2950 : vector<16xf32>
        %jit3A_2952 = arith.constant 0.000000e+00 : f32
        %jit3A_2953 = arith.constant 3.820000e+02 : f32
        %max3A_2954 = vector.broadcast %jit3A_2952 : f32 to vector<16xf32>
        %max3A_2955 = arith.maximumf %max3A_2954, %sub3A_2947 : vector<16xf32>
        %min3A_2956 = vector.broadcast %jit3A_2953 : f32 to vector<16xf32>
        %min3A_2957 = arith.minimumf %min3A_2956, %max3A_2955 : vector<16xf32>
        %jit3A_2958 = arith.constant 0.000000e+00 : f32
        %jit3A_2959 = arith.constant 3.820000e+02 : f32
        %max3A_2960 = vector.broadcast %jit3A_2958 : f32 to vector<16xf32>
        %max3A_2961 = arith.maximumf %max3A_2960, %sub3A_2951 : vector<16xf32>
        %min3A_2962 = vector.broadcast %jit3A_2959 : f32 to vector<16xf32>
        %min3A_2963 = arith.minimumf %min3A_2962, %max3A_2961 : vector<16xf32>
        %convert_element_type3A_2964 = arith.fptosi %min3A_2957 : vector<16xf32> to vector<16xi32>
        %convert_element_type3A_2965 = arith.fptosi %min3A_2963 : vector<16xf32> to vector<16xi32>
        %convert_element_type3A_2966 = arith.sitofp %convert_element_type3A_2964 : vector<16xi32> to vector<16xf32>
        %sub3A_2967 = arith.subf %sub3A_2947, %convert_element_type3A_2966 : vector<16xf32>
        %jit3A_2968 = arith.constant 0.000000e+00 : f32
        %jit3A_2969 = arith.constant 1.000000e+00 : f32
        %max3A_2970 = vector.broadcast %jit3A_2968 : f32 to vector<16xf32>
        %max3A_2971 = arith.maximumf %max3A_2970, %sub3A_2967 : vector<16xf32>
        %min3A_2972 = vector.broadcast %jit3A_2969 : f32 to vector<16xf32>
        %min3A_2973 = arith.minimumf %min3A_2972, %max3A_2971 : vector<16xf32>
        %convert_element_type3A_2974 = arith.sitofp %convert_element_type3A_2965 : vector<16xi32> to vector<16xf32>
        %sub3A_2975 = arith.subf %sub3A_2951, %convert_element_type3A_2974 : vector<16xf32>
        %jit3A_2976 = arith.constant 0.000000e+00 : f32
        %jit3A_2977 = arith.constant 1.000000e+00 : f32
        %max3A_2978 = vector.broadcast %jit3A_2976 : f32 to vector<16xf32>
        %max3A_2979 = arith.maximumf %max3A_2978, %sub3A_2975 : vector<16xf32>
        %min3A_2980 = vector.broadcast %jit3A_2977 : f32 to vector<16xf32>
        %min3A_2981 = arith.minimumf %min3A_2980, %max3A_2979 : vector<16xf32>
        %sub3A_2982 = arith.subi %select_n3A_2936, %rem3A_2943 : vector<16xi32>
        %add3A_2983 = arith.addi %sub3A_2982, %convert_element_type3A_2964 : vector<16xi32>
        %mul3A_2984 = arith.constant 384 : i32
        %mul3A_2985 = vector.broadcast %mul3A_2984 : i32 to vector<16xi32>
        %mul3A_2986 = arith.muli %add3A_2983, %mul3A_2985 : vector<16xi32>
        %add3A_2987 = arith.addi %mul3A_2986, %convert_element_type3A_2965 : vector<16xi32>
        %swap3A_2988 = arith.constant 64 : index
        %swap3A_2989 = tpu.vector_load %arg10[%swap3A_2988] {strides = array<i32>} : memref<128xi32, #tpu.memory_space<vmem>>, vector<16xi32>,
        tpu.vector_store %arg10[%swap3A_2988], %add3A_2987 {strides = array<i32>} : memref<128xi32, #tpu.memory_space<vmem>>, vector<16xi32>,
        %add3A_2990 = arith.constant 1 : i32
        %add3A_2991 = vector.broadcast %add3A_2990 : i32 to vector<16xi32>
        %add3A_2992 = arith.addi %add3A_2987, %add3A_2991 : vector<16xi32>
        %swap3A_2993 = arith.constant 64 : index
        %swap3A_2994 = tpu.vector_load %arg11[%swap3A_2993] {strides = array<i32>} : memref<128xi32, #tpu.memory_space<vmem>>, vector<16xi32>,
        tpu.vector_store %arg11[%swap3A_2993], %add3A_2992 {strides = array<i32>} : memref<128xi32, #tpu.memory_space<vmem>>, vector<16xi32>,
        %add3A_2995 = arith.constant 384 : i32
        %add3A_2996 = vector.broadcast %add3A_2995 : i32 to vector<16xi32>
        %add3A_2997 = arith.addi %add3A_2987, %add3A_2996 : vector<16xi32>
        %swap3A_2998 = arith.constant 64 : index
        %swap3A_2999 = tpu.vector_load %arg12[%swap3A_2998] {strides = array<i32>} : memref<128xi32, #tpu.memory_space<vmem>>, vector<16xi32>,
        tpu.vector_store %arg12[%swap3A_2998], %add3A_2997 {strides = array<i32>} : memref<128xi32, #tpu.memory_space<vmem>>, vector<16xi32>,
        %add3A_3000 = arith.constant 384 : i32
        %add3A_3001 = vector.broadcast %add3A_3000 : i32 to vector<16xi32>
        %add3A_3002 = arith.addi %add3A_2987, %add3A_3001 : vector<16xi32>
        %add3A_3003 = arith.constant 1 : i32
        %add3A_3004 = vector.broadcast %add3A_3003 : i32 to vector<16xi32>
        %add3A_3005 = arith.addi %add3A_3002, %add3A_3004 : vector<16xi32>
        %swap3A_3006 = arith.constant 64 : index
        %swap3A_3007 = tpu.vector_load %arg13[%swap3A_3006] {strides = array<i32>} : memref<128xi32, #tpu.memory_space<vmem>>, vector<16xi32>,
        tpu.vector_store %arg13[%swap3A_3006], %add3A_3005 {strides = array<i32>} : memref<128xi32, #tpu.memory_space<vmem>>, vector<16xi32>,
        %sub3A_3008 = arith.constant 1.000000e+00 : f32
        %sub3A_3009 = vector.broadcast %sub3A_3008 : f32 to vector<16xf32>
        %sub3A_3010 = arith.subf %sub3A_3009, %min3A_2973 : vector<16xf32>
        %sub3A_3011 = arith.constant 1.000000e+00 : f32
        %sub3A_3012 = vector.broadcast %sub3A_3011 : f32 to vector<16xf32>
        %sub3A_3013 = arith.subf %sub3A_3012, %min3A_2981 : vector<16xf32>
        %mul3A_3014 = arith.mulf %sub3A_3010, %sub3A_3013 : vector<16xf32>
        %swap3A_3015 = arith.constant 64 : index
        %swap3A_3016 = tpu.vector_load %arg18[%swap3A_3015] {strides = array<i32>} : memref<128xf32, #tpu.memory_space<vmem>>, vector<16xf32>,
        tpu.vector_store %arg18[%swap3A_3015], %mul3A_3014 {strides = array<i32>} : memref<128xf32, #tpu.memory_space<vmem>>, vector<16xf32>,
        %mul3A_3017 = arith.mulf %sub3A_3010, %min3A_2981 : vector<16xf32>
        %swap3A_3018 = arith.constant 64 : index
        %swap3A_3019 = tpu.vector_load %arg19[%swap3A_3018] {strides = array<i32>} : memref<128xf32, #tpu.memory_space<vmem>>, vector<16xf32>,
        tpu.vector_store %arg19[%swap3A_3018], %mul3A_3017 {strides = array<i32>} : memref<128xf32, #tpu.memory_space<vmem>>, vector<16xf32>,
        %mul3A_3020 = arith.mulf %min3A_2973, %sub3A_3013 : vector<16xf32>
        %swap3A_3021 = arith.constant 64 : index
        %swap3A_3022 = tpu.vector_load %arg20[%swap3A_3021] {strides = array<i32>} : memref<128xf32, #tpu.memory_space<vmem>>, vector<16xf32>,
        tpu.vector_store %arg20[%swap3A_3021], %mul3A_3020 {strides = array<i32>} : memref<128xf32, #tpu.memory_space<vmem>>, vector<16xf32>,
        %mul3A_3023 = arith.mulf %min3A_2973, %min3A_2981 : vector<16xf32>
        %swap3A_3024 = arith.constant 64 : index
        %swap3A_3025 = tpu.vector_load %arg21[%swap3A_3024] {strides = array<i32>} : memref<128xf32, #tpu.memory_space<vmem>>, vector<16xf32>,
        tpu.vector_store %arg21[%swap3A_3024], %mul3A_3023 {strides = array<i32>} : memref<128xf32, #tpu.memory_space<vmem>>, vector<16xf32>,
        %add3A_3026 = arith.constant 80 : i32
        %add3A_3027 = arith.addi %add3A_2404, %add3A_3026 : i32
        %add3A_3028 = vector.broadcast %add3A_3027 : i32 to vector<16xi32>
        %add3A_3029 = arith.addi %add3A_3028, %iota3A_2405 : vector<16xi32>
        %jit3A_3030 = arith.constant 384 : i32
        %div3A_3031 = vector.broadcast %jit3A_3030 : i32 to vector<16xi32>
        %div3A_3032 = arith.divsi %add3A_3029, %div3A_3031 : vector<16xi32>
        %sign3A_3033 = arith.constant 0 : i32
        %sign3A_3034 = vector.broadcast %sign3A_3033 : i32 to vector<16xi32>
        %sign3A_3035 = arith.cmpi sgt, %add3A_3029, %sign3A_3034 : vector<16xi32>
        %sign3A_3036 = arith.extui %sign3A_3035 : vector<16xi1> to vector<16xi32>
        %sign3A_3037 = arith.constant 0 : i32
        %sign3A_3038 = vector.broadcast %sign3A_3037 : i32 to vector<16xi32>
        %sign3A_3039 = arith.cmpi slt, %add3A_3029, %sign3A_3038 : vector<16xi32>
        %sign3A_3040 = arith.extui %sign3A_3039 : vector<16xi1> to vector<16xi32>
        %sign3A_3041 = arith.subi %sign3A_3036, %sign3A_3040 : vector<16xi32>
        %sign3A_3042 = arith.constant 0 : i32
        %sign3A_3043 = arith.cmpi sgt, %jit3A_3030, %sign3A_3042 : i32
        %sign3A_3044 = arith.extui %sign3A_3043 : i1 to i32
        %sign3A_3045 = arith.constant 0 : i32
        %sign3A_3046 = arith.cmpi slt, %jit3A_3030, %sign3A_3045 : i32
        %sign3A_3047 = arith.extui %sign3A_3046 : i1 to i32
        %sign3A_3048 = arith.subi %sign3A_3044, %sign3A_3047 : i32
        %ne3A_3049 = vector.broadcast %sign3A_3048 : i32 to vector<16xi32>
        %ne3A_3050 = arith.cmpi ne, %sign3A_3041, %ne3A_3049 : vector<16xi32>
        %rem3A_3051 = vector.broadcast %jit3A_3030 : i32 to vector<16xi32>
        %rem3A_3052 = arith.remsi %add3A_3029, %rem3A_3051 : vector<16xi32>
        %ne3A_3053 = arith.constant 0 : i32
        %ne3A_3054 = vector.broadcast %ne3A_3053 : i32 to vector<16xi32>
        %ne3A_3055 = arith.cmpi ne, %rem3A_3052, %ne3A_3054 : vector<16xi32>
        %and3A_3056 = arith.andi %ne3A_3050, %ne3A_3055 : vector<16xi1>
        %sub3A_3057 = arith.constant 1 : i32
        %sub3A_3058 = vector.broadcast %sub3A_3057 : i32 to vector<16xi32>
        %sub3A_3059 = arith.subi %div3A_3032, %sub3A_3058 : vector<16xi32>
        %select_n3A_3060 = arith.select %and3A_3056, %sub3A_3059, %div3A_3032 : vector<16xi1>, vector<16xi32>
        %mul3A_3061 = arith.constant 384 : i32
        %mul3A_3062 = vector.broadcast %mul3A_3061 : i32 to vector<16xi32>
        %mul3A_3063 = arith.muli %select_n3A_3060, %mul3A_3062 : vector<16xi32>
        %sub3A_3064 = arith.subi %add3A_3029, %mul3A_3063 : vector<16xi32>
        %rem3A_3065 = arith.constant 384 : i32
        %rem3A_3066 = vector.broadcast %rem3A_3065 : i32 to vector<16xi32>
        %rem3A_3067 = arith.remsi %select_n3A_3060, %rem3A_3066 : vector<16xi32>
        %convert_element_type3A_3068 = arith.sitofp %rem3A_3067 : vector<16xi32> to vector<16xf32>
        %get3A_3069 = arith.constant 80 : index
        %get3A_3070 = tpu.vector_load %arg6[%get3A_3069] {strides = array<i32>} : memref<128xf32, #tpu.memory_space<vmem>>, vector<16xf32>,
        %sub3A_3071 = arith.subf %convert_element_type3A_3068, %get3A_3070 : vector<16xf32>
        %convert_element_type3A_3072 = arith.sitofp %sub3A_3064 : vector<16xi32> to vector<16xf32>
        %get3A_3073 = arith.constant 80 : index
        %get3A_3074 = tpu.vector_load %arg8[%get3A_3073] {strides = array<i32>} : memref<128xf32, #tpu.memory_space<vmem>>, vector<16xf32>,
        %sub3A_3075 = arith.subf %convert_element_type3A_3072, %get3A_3074 : vector<16xf32>
        %jit3A_3076 = arith.constant 0.000000e+00 : f32
        %jit3A_3077 = arith.constant 3.820000e+02 : f32
        %max3A_3078 = vector.broadcast %jit3A_3076 : f32 to vector<16xf32>
        %max3A_3079 = arith.maximumf %max3A_3078, %sub3A_3071 : vector<16xf32>
        %min3A_3080 = vector.broadcast %jit3A_3077 : f32 to vector<16xf32>
        %min3A_3081 = arith.minimumf %min3A_3080, %max3A_3079 : vector<16xf32>
        %jit3A_3082 = arith.constant 0.000000e+00 : f32
        %jit3A_3083 = arith.constant 3.820000e+02 : f32
        %max3A_3084 = vector.broadcast %jit3A_3082 : f32 to vector<16xf32>
        %max3A_3085 = arith.maximumf %max3A_3084, %sub3A_3075 : vector<16xf32>
        %min3A_3086 = vector.broadcast %jit3A_3083 : f32 to vector<16xf32>
        %min3A_3087 = arith.minimumf %min3A_3086, %max3A_3085 : vector<16xf32>
        %convert_element_type3A_3088 = arith.fptosi %min3A_3081 : vector<16xf32> to vector<16xi32>
        %convert_element_type3A_3089 = arith.fptosi %min3A_3087 : vector<16xf32> to vector<16xi32>
        %convert_element_type3A_3090 = arith.sitofp %convert_element_type3A_3088 : vector<16xi32> to vector<16xf32>
        %sub3A_3091 = arith.subf %sub3A_3071, %convert_element_type3A_3090 : vector<16xf32>
        %jit3A_3092 = arith.constant 0.000000e+00 : f32
        %jit3A_3093 = arith.constant 1.000000e+00 : f32
        %max3A_3094 = vector.broadcast %jit3A_3092 : f32 to vector<16xf32>
        %max3A_3095 = arith.maximumf %max3A_3094, %sub3A_3091 : vector<16xf32>
        %min3A_3096 = vector.broadcast %jit3A_3093 : f32 to vector<16xf32>
        %min3A_3097 = arith.minimumf %min3A_3096, %max3A_3095 : vector<16xf32>
        %convert_element_type3A_3098 = arith.sitofp %convert_element_type3A_3089 : vector<16xi32> to vector<16xf32>
        %sub3A_3099 = arith.subf %sub3A_3075, %convert_element_type3A_3098 : vector<16xf32>
        %jit3A_3100 = arith.constant 0.000000e+00 : f32
        %jit3A_3101 = arith.constant 1.000000e+00 : f32
        %max3A_3102 = vector.broadcast %jit3A_3100 : f32 to vector<16xf32>
        %max3A_3103 = arith.maximumf %max3A_3102, %sub3A_3099 : vector<16xf32>
        %min3A_3104 = vector.broadcast %jit3A_3101 : f32 to vector<16xf32>
        %min3A_3105 = arith.minimumf %min3A_3104, %max3A_3103 : vector<16xf32>
        %sub3A_3106 = arith.subi %select_n3A_3060, %rem3A_3067 : vector<16xi32>
        %add3A_3107 = arith.addi %sub3A_3106, %convert_element_type3A_3088 : vector<16xi32>
        %mul3A_3108 = arith.constant 384 : i32
        %mul3A_3109 = vector.broadcast %mul3A_3108 : i32 to vector<16xi32>
        %mul3A_3110 = arith.muli %add3A_3107, %mul3A_3109 : vector<16xi32>
        %add3A_3111 = arith.addi %mul3A_3110, %convert_element_type3A_3089 : vector<16xi32>
        %swap3A_3112 = arith.constant 80 : index
        %swap3A_3113 = tpu.vector_load %arg10[%swap3A_3112] {strides = array<i32>} : memref<128xi32, #tpu.memory_space<vmem>>, vector<16xi32>,
        tpu.vector_store %arg10[%swap3A_3112], %add3A_3111 {strides = array<i32>} : memref<128xi32, #tpu.memory_space<vmem>>, vector<16xi32>,
        %add3A_3114 = arith.constant 1 : i32
        %add3A_3115 = vector.broadcast %add3A_3114 : i32 to vector<16xi32>
        %add3A_3116 = arith.addi %add3A_3111, %add3A_3115 : vector<16xi32>
        %swap3A_3117 = arith.constant 80 : index
        %swap3A_3118 = tpu.vector_load %arg11[%swap3A_3117] {strides = array<i32>} : memref<128xi32, #tpu.memory_space<vmem>>, vector<16xi32>,
        tpu.vector_store %arg11[%swap3A_3117], %add3A_3116 {strides = array<i32>} : memref<128xi32, #tpu.memory_space<vmem>>, vector<16xi32>,
        %add3A_3119 = arith.constant 384 : i32
        %add3A_3120 = vector.broadcast %add3A_3119 : i32 to vector<16xi32>
        %add3A_3121 = arith.addi %add3A_3111, %add3A_3120 : vector<16xi32>
        %swap3A_3122 = arith.constant 80 : index
        %swap3A_3123 = tpu.vector_load %arg12[%swap3A_3122] {strides = array<i32>} : memref<128xi32, #tpu.memory_space<vmem>>, vector<16xi32>,
        tpu.vector_store %arg12[%swap3A_3122], %add3A_3121 {strides = array<i32>} : memref<128xi32, #tpu.memory_space<vmem>>, vector<16xi32>,
        %add3A_3124 = arith.constant 384 : i32
        %add3A_3125 = vector.broadcast %add3A_3124 : i32 to vector<16xi32>
        %add3A_3126 = arith.addi %add3A_3111, %add3A_3125 : vector<16xi32>
        %add3A_3127 = arith.constant 1 : i32
        %add3A_3128 = vector.broadcast %add3A_3127 : i32 to vector<16xi32>
        %add3A_3129 = arith.addi %add3A_3126, %add3A_3128 : vector<16xi32>
        %swap3A_3130 = arith.constant 80 : index
        %swap3A_3131 = tpu.vector_load %arg13[%swap3A_3130] {strides = array<i32>} : memref<128xi32, #tpu.memory_space<vmem>>, vector<16xi32>,
        tpu.vector_store %arg13[%swap3A_3130], %add3A_3129 {strides = array<i32>} : memref<128xi32, #tpu.memory_space<vmem>>, vector<16xi32>,
        %sub3A_3132 = arith.constant 1.000000e+00 : f32
        %sub3A_3133 = vector.broadcast %sub3A_3132 : f32 to vector<16xf32>
        %sub3A_3134 = arith.subf %sub3A_3133, %min3A_3097 : vector<16xf32>
        %sub3A_3135 = arith.constant 1.000000e+00 : f32
        %sub3A_3136 = vector.broadcast %sub3A_3135 : f32 to vector<16xf32>
        %sub3A_3137 = arith.subf %sub3A_3136, %min3A_3105 : vector<16xf32>
        %mul3A_3138 = arith.mulf %sub3A_3134, %sub3A_3137 : vector<16xf32>
        %swap3A_3139 = arith.constant 80 : index
        %swap3A_3140 = tpu.vector_load %arg18[%swap3A_3139] {strides = array<i32>} : memref<128xf32, #tpu.memory_space<vmem>>, vector<16xf32>,
        tpu.vector_store %arg18[%swap3A_3139], %mul3A_3138 {strides = array<i32>} : memref<128xf32, #tpu.memory_space<vmem>>, vector<16xf32>,
        %mul3A_3141 = arith.mulf %sub3A_3134, %min3A_3105 : vector<16xf32>
        %swap3A_3142 = arith.constant 80 : index
        %swap3A_3143 = tpu.vector_load %arg19[%swap3A_3142] {strides = array<i32>} : memref<128xf32, #tpu.memory_space<vmem>>, vector<16xf32>,
        tpu.vector_store %arg19[%swap3A_3142], %mul3A_3141 {strides = array<i32>} : memref<128xf32, #tpu.memory_space<vmem>>, vector<16xf32>,
        %mul3A_3144 = arith.mulf %min3A_3097, %sub3A_3137 : vector<16xf32>
        %swap3A_3145 = arith.constant 80 : index
        %swap3A_3146 = tpu.vector_load %arg20[%swap3A_3145] {strides = array<i32>} : memref<128xf32, #tpu.memory_space<vmem>>, vector<16xf32>,
        tpu.vector_store %arg20[%swap3A_3145], %mul3A_3144 {strides = array<i32>} : memref<128xf32, #tpu.memory_space<vmem>>, vector<16xf32>,
        %mul3A_3147 = arith.mulf %min3A_3097, %min3A_3105 : vector<16xf32>
        %swap3A_3148 = arith.constant 80 : index
        %swap3A_3149 = tpu.vector_load %arg21[%swap3A_3148] {strides = array<i32>} : memref<128xf32, #tpu.memory_space<vmem>>, vector<16xf32>,
        tpu.vector_store %arg21[%swap3A_3148], %mul3A_3147 {strides = array<i32>} : memref<128xf32, #tpu.memory_space<vmem>>, vector<16xf32>,
        %add3A_3150 = arith.constant 96 : i32
        %add3A_3151 = arith.addi %add3A_2404, %add3A_3150 : i32
        %add3A_3152 = vector.broadcast %add3A_3151 : i32 to vector<16xi32>
        %add3A_3153 = arith.addi %add3A_3152, %iota3A_2405 : vector<16xi32>
        %jit3A_3154 = arith.constant 384 : i32
        %div3A_3155 = vector.broadcast %jit3A_3154 : i32 to vector<16xi32>
        %div3A_3156 = arith.divsi %add3A_3153, %div3A_3155 : vector<16xi32>
        %sign3A_3157 = arith.constant 0 : i32
        %sign3A_3158 = vector.broadcast %sign3A_3157 : i32 to vector<16xi32>
        %sign3A_3159 = arith.cmpi sgt, %add3A_3153, %sign3A_3158 : vector<16xi32>
        %sign3A_3160 = arith.extui %sign3A_3159 : vector<16xi1> to vector<16xi32>
        %sign3A_3161 = arith.constant 0 : i32
        %sign3A_3162 = vector.broadcast %sign3A_3161 : i32 to vector<16xi32>
        %sign3A_3163 = arith.cmpi slt, %add3A_3153, %sign3A_3162 : vector<16xi32>
        %sign3A_3164 = arith.extui %sign3A_3163 : vector<16xi1> to vector<16xi32>
        %sign3A_3165 = arith.subi %sign3A_3160, %sign3A_3164 : vector<16xi32>
        %sign3A_3166 = arith.constant 0 : i32
        %sign3A_3167 = arith.cmpi sgt, %jit3A_3154, %sign3A_3166 : i32
        %sign3A_3168 = arith.extui %sign3A_3167 : i1 to i32
        %sign3A_3169 = arith.constant 0 : i32
        %sign3A_3170 = arith.cmpi slt, %jit3A_3154, %sign3A_3169 : i32
        %sign3A_3171 = arith.extui %sign3A_3170 : i1 to i32
        %sign3A_3172 = arith.subi %sign3A_3168, %sign3A_3171 : i32
        %ne3A_3173 = vector.broadcast %sign3A_3172 : i32 to vector<16xi32>
        %ne3A_3174 = arith.cmpi ne, %sign3A_3165, %ne3A_3173 : vector<16xi32>
        %rem3A_3175 = vector.broadcast %jit3A_3154 : i32 to vector<16xi32>
        %rem3A_3176 = arith.remsi %add3A_3153, %rem3A_3175 : vector<16xi32>
        %ne3A_3177 = arith.constant 0 : i32
        %ne3A_3178 = vector.broadcast %ne3A_3177 : i32 to vector<16xi32>
        %ne3A_3179 = arith.cmpi ne, %rem3A_3176, %ne3A_3178 : vector<16xi32>
        %and3A_3180 = arith.andi %ne3A_3174, %ne3A_3179 : vector<16xi1>
        %sub3A_3181 = arith.constant 1 : i32
        %sub3A_3182 = vector.broadcast %sub3A_3181 : i32 to vector<16xi32>
        %sub3A_3183 = arith.subi %div3A_3156, %sub3A_3182 : vector<16xi32>
        %select_n3A_3184 = arith.select %and3A_3180, %sub3A_3183, %div3A_3156 : vector<16xi1>, vector<16xi32>
        %mul3A_3185 = arith.constant 384 : i32
        %mul3A_3186 = vector.broadcast %mul3A_3185 : i32 to vector<16xi32>
        %mul3A_3187 = arith.muli %select_n3A_3184, %mul3A_3186 : vector<16xi32>
        %sub3A_3188 = arith.subi %add3A_3153, %mul3A_3187 : vector<16xi32>
        %rem3A_3189 = arith.constant 384 : i32
        %rem3A_3190 = vector.broadcast %rem3A_3189 : i32 to vector<16xi32>
        %rem3A_3191 = arith.remsi %select_n3A_3184, %rem3A_3190 : vector<16xi32>
        %convert_element_type3A_3192 = arith.sitofp %rem3A_3191 : vector<16xi32> to vector<16xf32>
        %get3A_3193 = arith.constant 96 : index
        %get3A_3194 = tpu.vector_load %arg6[%get3A_3193] {strides = array<i32>} : memref<128xf32, #tpu.memory_space<vmem>>, vector<16xf32>,
        %sub3A_3195 = arith.subf %convert_element_type3A_3192, %get3A_3194 : vector<16xf32>
        %convert_element_type3A_3196 = arith.sitofp %sub3A_3188 : vector<16xi32> to vector<16xf32>
        %get3A_3197 = arith.constant 96 : index
        %get3A_3198 = tpu.vector_load %arg8[%get3A_3197] {strides = array<i32>} : memref<128xf32, #tpu.memory_space<vmem>>, vector<16xf32>,
        %sub3A_3199 = arith.subf %convert_element_type3A_3196, %get3A_3198 : vector<16xf32>
        %jit3A_3200 = arith.constant 0.000000e+00 : f32
        %jit3A_3201 = arith.constant 3.820000e+02 : f32
        %max3A_3202 = vector.broadcast %jit3A_3200 : f32 to vector<16xf32>
        %max3A_3203 = arith.maximumf %max3A_3202, %sub3A_3195 : vector<16xf32>
        %min3A_3204 = vector.broadcast %jit3A_3201 : f32 to vector<16xf32>
        %min3A_3205 = arith.minimumf %min3A_3204, %max3A_3203 : vector<16xf32>
        %jit3A_3206 = arith.constant 0.000000e+00 : f32
        %jit3A_3207 = arith.constant 3.820000e+02 : f32
        %max3A_3208 = vector.broadcast %jit3A_3206 : f32 to vector<16xf32>
        %max3A_3209 = arith.maximumf %max3A_3208, %sub3A_3199 : vector<16xf32>
        %min3A_3210 = vector.broadcast %jit3A_3207 : f32 to vector<16xf32>
        %min3A_3211 = arith.minimumf %min3A_3210, %max3A_3209 : vector<16xf32>
        %convert_element_type3A_3212 = arith.fptosi %min3A_3205 : vector<16xf32> to vector<16xi32>
        %convert_element_type3A_3213 = arith.fptosi %min3A_3211 : vector<16xf32> to vector<16xi32>
        %convert_element_type3A_3214 = arith.sitofp %convert_element_type3A_3212 : vector<16xi32> to vector<16xf32>
        %sub3A_3215 = arith.subf %sub3A_3195, %convert_element_type3A_3214 : vector<16xf32>
        %jit3A_3216 = arith.constant 0.000000e+00 : f32
        %jit3A_3217 = arith.constant 1.000000e+00 : f32
        %max3A_3218 = vector.broadcast %jit3A_3216 : f32 to vector<16xf32>
        %max3A_3219 = arith.maximumf %max3A_3218, %sub3A_3215 : vector<16xf32>
        %min3A_3220 = vector.broadcast %jit3A_3217 : f32 to vector<16xf32>
        %min3A_3221 = arith.minimumf %min3A_3220, %max3A_3219 : vector<16xf32>
        %convert_element_type3A_3222 = arith.sitofp %convert_element_type3A_3213 : vector<16xi32> to vector<16xf32>
        %sub3A_3223 = arith.subf %sub3A_3199, %convert_element_type3A_3222 : vector<16xf32>
        %jit3A_3224 = arith.constant 0.000000e+00 : f32
        %jit3A_3225 = arith.constant 1.000000e+00 : f32
        %max3A_3226 = vector.broadcast %jit3A_3224 : f32 to vector<16xf32>
        %max3A_3227 = arith.maximumf %max3A_3226, %sub3A_3223 : vector<16xf32>
        %min3A_3228 = vector.broadcast %jit3A_3225 : f32 to vector<16xf32>
        %min3A_3229 = arith.minimumf %min3A_3228, %max3A_3227 : vector<16xf32>
        %sub3A_3230 = arith.subi %select_n3A_3184, %rem3A_3191 : vector<16xi32>
        %add3A_3231 = arith.addi %sub3A_3230, %convert_element_type3A_3212 : vector<16xi32>
        %mul3A_3232 = arith.constant 384 : i32
        %mul3A_3233 = vector.broadcast %mul3A_3232 : i32 to vector<16xi32>
        %mul3A_3234 = arith.muli %add3A_3231, %mul3A_3233 : vector<16xi32>
        %add3A_3235 = arith.addi %mul3A_3234, %convert_element_type3A_3213 : vector<16xi32>
        %swap3A_3236 = arith.constant 96 : index
        %swap3A_3237 = tpu.vector_load %arg10[%swap3A_3236] {strides = array<i32>} : memref<128xi32, #tpu.memory_space<vmem>>, vector<16xi32>,
        tpu.vector_store %arg10[%swap3A_3236], %add3A_3235 {strides = array<i32>} : memref<128xi32, #tpu.memory_space<vmem>>, vector<16xi32>,
        %add3A_3238 = arith.constant 1 : i32
        %add3A_3239 = vector.broadcast %add3A_3238 : i32 to vector<16xi32>
        %add3A_3240 = arith.addi %add3A_3235, %add3A_3239 : vector<16xi32>
        %swap3A_3241 = arith.constant 96 : index
        %swap3A_3242 = tpu.vector_load %arg11[%swap3A_3241] {strides = array<i32>} : memref<128xi32, #tpu.memory_space<vmem>>, vector<16xi32>,
        tpu.vector_store %arg11[%swap3A_3241], %add3A_3240 {strides = array<i32>} : memref<128xi32, #tpu.memory_space<vmem>>, vector<16xi32>,
        %add3A_3243 = arith.constant 384 : i32
        %add3A_3244 = vector.broadcast %add3A_3243 : i32 to vector<16xi32>
        %add3A_3245 = arith.addi %add3A_3235, %add3A_3244 : vector<16xi32>
        %swap3A_3246 = arith.constant 96 : index
        %swap3A_3247 = tpu.vector_load %arg12[%swap3A_3246] {strides = array<i32>} : memref<128xi32, #tpu.memory_space<vmem>>, vector<16xi32>,
        tpu.vector_store %arg12[%swap3A_3246], %add3A_3245 {strides = array<i32>} : memref<128xi32, #tpu.memory_space<vmem>>, vector<16xi32>,
        %add3A_3248 = arith.constant 384 : i32
        %add3A_3249 = vector.broadcast %add3A_3248 : i32 to vector<16xi32>
        %add3A_3250 = arith.addi %add3A_3235, %add3A_3249 : vector<16xi32>
        %add3A_3251 = arith.constant 1 : i32
        %add3A_3252 = vector.broadcast %add3A_3251 : i32 to vector<16xi32>
        %add3A_3253 = arith.addi %add3A_3250, %add3A_3252 : vector<16xi32>
        %swap3A_3254 = arith.constant 96 : index
        %swap3A_3255 = tpu.vector_load %arg13[%swap3A_3254] {strides = array<i32>} : memref<128xi32, #tpu.memory_space<vmem>>, vector<16xi32>,
        tpu.vector_store %arg13[%swap3A_3254], %add3A_3253 {strides = array<i32>} : memref<128xi32, #tpu.memory_space<vmem>>, vector<16xi32>,
        %sub3A_3256 = arith.constant 1.000000e+00 : f32
        %sub3A_3257 = vector.broadcast %sub3A_3256 : f32 to vector<16xf32>
        %sub3A_3258 = arith.subf %sub3A_3257, %min3A_3221 : vector<16xf32>
        %sub3A_3259 = arith.constant 1.000000e+00 : f32
        %sub3A_3260 = vector.broadcast %sub3A_3259 : f32 to vector<16xf32>
        %sub3A_3261 = arith.subf %sub3A_3260, %min3A_3229 : vector<16xf32>
        %mul3A_3262 = arith.mulf %sub3A_3258, %sub3A_3261 : vector<16xf32>
        %swap3A_3263 = arith.constant 96 : index
        %swap3A_3264 = tpu.vector_load %arg18[%swap3A_3263] {strides = array<i32>} : memref<128xf32, #tpu.memory_space<vmem>>, vector<16xf32>,
        tpu.vector_store %arg18[%swap3A_3263], %mul3A_3262 {strides = array<i32>} : memref<128xf32, #tpu.memory_space<vmem>>, vector<16xf32>,
        %mul3A_3265 = arith.mulf %sub3A_3258, %min3A_3229 : vector<16xf32>
        %swap3A_3266 = arith.constant 96 : index
        %swap3A_3267 = tpu.vector_load %arg19[%swap3A_3266] {strides = array<i32>} : memref<128xf32, #tpu.memory_space<vmem>>, vector<16xf32>,
        tpu.vector_store %arg19[%swap3A_3266], %mul3A_3265 {strides = array<i32>} : memref<128xf32, #tpu.memory_space<vmem>>, vector<16xf32>,
        %mul3A_3268 = arith.mulf %min3A_3221, %sub3A_3261 : vector<16xf32>
        %swap3A_3269 = arith.constant 96 : index
        %swap3A_3270 = tpu.vector_load %arg20[%swap3A_3269] {strides = array<i32>} : memref<128xf32, #tpu.memory_space<vmem>>, vector<16xf32>,
        tpu.vector_store %arg20[%swap3A_3269], %mul3A_3268 {strides = array<i32>} : memref<128xf32, #tpu.memory_space<vmem>>, vector<16xf32>,
        %mul3A_3271 = arith.mulf %min3A_3221, %min3A_3229 : vector<16xf32>
        %swap3A_3272 = arith.constant 96 : index
        %swap3A_3273 = tpu.vector_load %arg21[%swap3A_3272] {strides = array<i32>} : memref<128xf32, #tpu.memory_space<vmem>>, vector<16xf32>,
        tpu.vector_store %arg21[%swap3A_3272], %mul3A_3271 {strides = array<i32>} : memref<128xf32, #tpu.memory_space<vmem>>, vector<16xf32>,
        %add3A_3274 = arith.constant 112 : i32
        %add3A_3275 = arith.addi %add3A_2404, %add3A_3274 : i32
        %add3A_3276 = vector.broadcast %add3A_3275 : i32 to vector<16xi32>
        %add3A_3277 = arith.addi %add3A_3276, %iota3A_2405 : vector<16xi32>
        %jit3A_3278 = arith.constant 384 : i32
        %div3A_3279 = vector.broadcast %jit3A_3278 : i32 to vector<16xi32>
        %div3A_3280 = arith.divsi %add3A_3277, %div3A_3279 : vector<16xi32>
        %sign3A_3281 = arith.constant 0 : i32
        %sign3A_3282 = vector.broadcast %sign3A_3281 : i32 to vector<16xi32>
        %sign3A_3283 = arith.cmpi sgt, %add3A_3277, %sign3A_3282 : vector<16xi32>
        %sign3A_3284 = arith.extui %sign3A_3283 : vector<16xi1> to vector<16xi32>
        %sign3A_3285 = arith.constant 0 : i32
        %sign3A_3286 = vector.broadcast %sign3A_3285 : i32 to vector<16xi32>
        %sign3A_3287 = arith.cmpi slt, %add3A_3277, %sign3A_3286 : vector<16xi32>
        %sign3A_3288 = arith.extui %sign3A_3287 : vector<16xi1> to vector<16xi32>
        %sign3A_3289 = arith.subi %sign3A_3284, %sign3A_3288 : vector<16xi32>
        %sign3A_3290 = arith.constant 0 : i32
        %sign3A_3291 = arith.cmpi sgt, %jit3A_3278, %sign3A_3290 : i32
        %sign3A_3292 = arith.extui %sign3A_3291 : i1 to i32
        %sign3A_3293 = arith.constant 0 : i32
        %sign3A_3294 = arith.cmpi slt, %jit3A_3278, %sign3A_3293 : i32
        %sign3A_3295 = arith.extui %sign3A_3294 : i1 to i32
        %sign3A_3296 = arith.subi %sign3A_3292, %sign3A_3295 : i32
        %ne3A_3297 = vector.broadcast %sign3A_3296 : i32 to vector<16xi32>
        %ne3A_3298 = arith.cmpi ne, %sign3A_3289, %ne3A_3297 : vector<16xi32>
        %rem3A_3299 = vector.broadcast %jit3A_3278 : i32 to vector<16xi32>
        %rem3A_3300 = arith.remsi %add3A_3277, %rem3A_3299 : vector<16xi32>
        %ne3A_3301 = arith.constant 0 : i32
        %ne3A_3302 = vector.broadcast %ne3A_3301 : i32 to vector<16xi32>
        %ne3A_3303 = arith.cmpi ne, %rem3A_3300, %ne3A_3302 : vector<16xi32>
        %and3A_3304 = arith.andi %ne3A_3298, %ne3A_3303 : vector<16xi1>
        %sub3A_3305 = arith.constant 1 : i32
        %sub3A_3306 = vector.broadcast %sub3A_3305 : i32 to vector<16xi32>
        %sub3A_3307 = arith.subi %div3A_3280, %sub3A_3306 : vector<16xi32>
        %select_n3A_3308 = arith.select %and3A_3304, %sub3A_3307, %div3A_3280 : vector<16xi1>, vector<16xi32>
        %mul3A_3309 = arith.constant 384 : i32
        %mul3A_3310 = vector.broadcast %mul3A_3309 : i32 to vector<16xi32>
        %mul3A_3311 = arith.muli %select_n3A_3308, %mul3A_3310 : vector<16xi32>
        %sub3A_3312 = arith.subi %add3A_3277, %mul3A_3311 : vector<16xi32>
        %rem3A_3313 = arith.constant 384 : i32
        %rem3A_3314 = vector.broadcast %rem3A_3313 : i32 to vector<16xi32>
        %rem3A_3315 = arith.remsi %select_n3A_3308, %rem3A_3314 : vector<16xi32>
        %convert_element_type3A_3316 = arith.sitofp %rem3A_3315 : vector<16xi32> to vector<16xf32>
        %get3A_3317 = arith.constant 112 : index
        %get3A_3318 = tpu.vector_load %arg6[%get3A_3317] {strides = array<i32>} : memref<128xf32, #tpu.memory_space<vmem>>, vector<16xf32>,
        %sub3A_3319 = arith.subf %convert_element_type3A_3316, %get3A_3318 : vector<16xf32>
        %convert_element_type3A_3320 = arith.sitofp %sub3A_3312 : vector<16xi32> to vector<16xf32>
        %get3A_3321 = arith.constant 112 : index
        %get3A_3322 = tpu.vector_load %arg8[%get3A_3321] {strides = array<i32>} : memref<128xf32, #tpu.memory_space<vmem>>, vector<16xf32>,
        %sub3A_3323 = arith.subf %convert_element_type3A_3320, %get3A_3322 : vector<16xf32>
        %jit3A_3324 = arith.constant 0.000000e+00 : f32
        %jit3A_3325 = arith.constant 3.820000e+02 : f32
        %max3A_3326 = vector.broadcast %jit3A_3324 : f32 to vector<16xf32>
        %max3A_3327 = arith.maximumf %max3A_3326, %sub3A_3319 : vector<16xf32>
        %min3A_3328 = vector.broadcast %jit3A_3325 : f32 to vector<16xf32>
        %min3A_3329 = arith.minimumf %min3A_3328, %max3A_3327 : vector<16xf32>
        %jit3A_3330 = arith.constant 0.000000e+00 : f32
        %jit3A_3331 = arith.constant 3.820000e+02 : f32
        %max3A_3332 = vector.broadcast %jit3A_3330 : f32 to vector<16xf32>
        %max3A_3333 = arith.maximumf %max3A_3332, %sub3A_3323 : vector<16xf32>
        %min3A_3334 = vector.broadcast %jit3A_3331 : f32 to vector<16xf32>
        %min3A_3335 = arith.minimumf %min3A_3334, %max3A_3333 : vector<16xf32>
        %convert_element_type3A_3336 = arith.fptosi %min3A_3329 : vector<16xf32> to vector<16xi32>
        %convert_element_type3A_3337 = arith.fptosi %min3A_3335 : vector<16xf32> to vector<16xi32>
        %convert_element_type3A_3338 = arith.sitofp %convert_element_type3A_3336 : vector<16xi32> to vector<16xf32>
        %sub3A_3339 = arith.subf %sub3A_3319, %convert_element_type3A_3338 : vector<16xf32>
        %jit3A_3340 = arith.constant 0.000000e+00 : f32
        %jit3A_3341 = arith.constant 1.000000e+00 : f32
        %max3A_3342 = vector.broadcast %jit3A_3340 : f32 to vector<16xf32>
        %max3A_3343 = arith.maximumf %max3A_3342, %sub3A_3339 : vector<16xf32>
        %min3A_3344 = vector.broadcast %jit3A_3341 : f32 to vector<16xf32>
        %min3A_3345 = arith.minimumf %min3A_3344, %max3A_3343 : vector<16xf32>
        %convert_element_type3A_3346 = arith.sitofp %convert_element_type3A_3337 : vector<16xi32> to vector<16xf32>
        %sub3A_3347 = arith.subf %sub3A_3323, %convert_element_type3A_3346 : vector<16xf32>
        %jit3A_3348 = arith.constant 0.000000e+00 : f32
        %jit3A_3349 = arith.constant 1.000000e+00 : f32
        %max3A_3350 = vector.broadcast %jit3A_3348 : f32 to vector<16xf32>
        %max3A_3351 = arith.maximumf %max3A_3350, %sub3A_3347 : vector<16xf32>
        %min3A_3352 = vector.broadcast %jit3A_3349 : f32 to vector<16xf32>
        %min3A_3353 = arith.minimumf %min3A_3352, %max3A_3351 : vector<16xf32>
        %sub3A_3354 = arith.subi %select_n3A_3308, %rem3A_3315 : vector<16xi32>
        %add3A_3355 = arith.addi %sub3A_3354, %convert_element_type3A_3336 : vector<16xi32>
        %mul3A_3356 = arith.constant 384 : i32
        %mul3A_3357 = vector.broadcast %mul3A_3356 : i32 to vector<16xi32>
        %mul3A_3358 = arith.muli %add3A_3355, %mul3A_3357 : vector<16xi32>
        %add3A_3359 = arith.addi %mul3A_3358, %convert_element_type3A_3337 : vector<16xi32>
        %swap3A_3360 = arith.constant 112 : index
        %swap3A_3361 = tpu.vector_load %arg10[%swap3A_3360] {strides = array<i32>} : memref<128xi32, #tpu.memory_space<vmem>>, vector<16xi32>,
        tpu.vector_store %arg10[%swap3A_3360], %add3A_3359 {strides = array<i32>} : memref<128xi32, #tpu.memory_space<vmem>>, vector<16xi32>,
        %add3A_3362 = arith.constant 1 : i32
        %add3A_3363 = vector.broadcast %add3A_3362 : i32 to vector<16xi32>
        %add3A_3364 = arith.addi %add3A_3359, %add3A_3363 : vector<16xi32>
        %swap3A_3365 = arith.constant 112 : index
        %swap3A_3366 = tpu.vector_load %arg11[%swap3A_3365] {strides = array<i32>} : memref<128xi32, #tpu.memory_space<vmem>>, vector<16xi32>,
        tpu.vector_store %arg11[%swap3A_3365], %add3A_3364 {strides = array<i32>} : memref<128xi32, #tpu.memory_space<vmem>>, vector<16xi32>,
        %add3A_3367 = arith.constant 384 : i32
        %add3A_3368 = vector.broadcast %add3A_3367 : i32 to vector<16xi32>
        %add3A_3369 = arith.addi %add3A_3359, %add3A_3368 : vector<16xi32>
        %swap3A_3370 = arith.constant 112 : index
        %swap3A_3371 = tpu.vector_load %arg12[%swap3A_3370] {strides = array<i32>} : memref<128xi32, #tpu.memory_space<vmem>>, vector<16xi32>,
        tpu.vector_store %arg12[%swap3A_3370], %add3A_3369 {strides = array<i32>} : memref<128xi32, #tpu.memory_space<vmem>>, vector<16xi32>,
        %add3A_3372 = arith.constant 384 : i32
        %add3A_3373 = vector.broadcast %add3A_3372 : i32 to vector<16xi32>
        %add3A_3374 = arith.addi %add3A_3359, %add3A_3373 : vector<16xi32>
        %add3A_3375 = arith.constant 1 : i32
        %add3A_3376 = vector.broadcast %add3A_3375 : i32 to vector<16xi32>
        %add3A_3377 = arith.addi %add3A_3374, %add3A_3376 : vector<16xi32>
        %swap3A_3378 = arith.constant 112 : index
        %swap3A_3379 = tpu.vector_load %arg13[%swap3A_3378] {strides = array<i32>} : memref<128xi32, #tpu.memory_space<vmem>>, vector<16xi32>,
        tpu.vector_store %arg13[%swap3A_3378], %add3A_3377 {strides = array<i32>} : memref<128xi32, #tpu.memory_space<vmem>>, vector<16xi32>,
        %sub3A_3380 = arith.constant 1.000000e+00 : f32
        %sub3A_3381 = vector.broadcast %sub3A_3380 : f32 to vector<16xf32>
        %sub3A_3382 = arith.subf %sub3A_3381, %min3A_3345 : vector<16xf32>
        %sub3A_3383 = arith.constant 1.000000e+00 : f32
        %sub3A_3384 = vector.broadcast %sub3A_3383 : f32 to vector<16xf32>
        %sub3A_3385 = arith.subf %sub3A_3384, %min3A_3353 : vector<16xf32>
        %mul3A_3386 = arith.mulf %sub3A_3382, %sub3A_3385 : vector<16xf32>
        %swap3A_3387 = arith.constant 112 : index
        %swap3A_3388 = tpu.vector_load %arg18[%swap3A_3387] {strides = array<i32>} : memref<128xf32, #tpu.memory_space<vmem>>, vector<16xf32>,
        tpu.vector_store %arg18[%swap3A_3387], %mul3A_3386 {strides = array<i32>} : memref<128xf32, #tpu.memory_space<vmem>>, vector<16xf32>,
        %mul3A_3389 = arith.mulf %sub3A_3382, %min3A_3353 : vector<16xf32>
        %swap3A_3390 = arith.constant 112 : index
        %swap3A_3391 = tpu.vector_load %arg19[%swap3A_3390] {strides = array<i32>} : memref<128xf32, #tpu.memory_space<vmem>>, vector<16xf32>,
        tpu.vector_store %arg19[%swap3A_3390], %mul3A_3389 {strides = array<i32>} : memref<128xf32, #tpu.memory_space<vmem>>, vector<16xf32>,
        %mul3A_3392 = arith.mulf %min3A_3345, %sub3A_3385 : vector<16xf32>
        %swap3A_3393 = arith.constant 112 : index
        %swap3A_3394 = tpu.vector_load %arg20[%swap3A_3393] {strides = array<i32>} : memref<128xf32, #tpu.memory_space<vmem>>, vector<16xf32>,
        tpu.vector_store %arg20[%swap3A_3393], %mul3A_3392 {strides = array<i32>} : memref<128xf32, #tpu.memory_space<vmem>>, vector<16xf32>,
        %mul3A_3395 = arith.mulf %min3A_3345, %min3A_3353 : vector<16xf32>
        %swap3A_3396 = arith.constant 112 : index
        %swap3A_3397 = tpu.vector_load %arg21[%swap3A_3396] {strides = array<i32>} : memref<128xf32, #tpu.memory_space<vmem>>, vector<16xf32>,
        tpu.vector_store %arg21[%swap3A_3396], %mul3A_3395 {strides = array<i32>} : memref<128xf32, #tpu.memory_space<vmem>>, vector<16xf32>,
        %dma_start3A_3398 = arith.constant 0 : i32
        %dma_start3A_3399 = arith.constant 0 : i32
        %dma_start3A_3400 = tpu.memref_slice %arg2[%dma_start3A_3398, %dma_start3A_3399] : memref<589824x96xf32, #tpu.memory_space<hbm>> -> memref<589824x96xf32, #tpu.memory_space<hbm>>
        tpu.enqueue_indirect_dma source(%dma_start3A_3400 : memref<589824x96xf32, #tpu.memory_space<hbm>>) target(%arg26 : memref<128x96xf32, #tpu.memory_space<vmem>>) offsets(%arg10 : memref<128xi32, #tpu.memory_space<vmem>>) semaphore(%arg38 : memref<!tpu.dma_semaphore, #tpu.memory_space<semaphore_mem>>)
        %dma_start3A_3401 = arith.constant 0 : i32
        %dma_start3A_3402 = arith.constant 0 : i32
        %dma_start3A_3403 = tpu.memref_slice %arg2[%dma_start3A_3401, %dma_start3A_3402] : memref<589824x96xf32, #tpu.memory_space<hbm>> -> memref<589824x96xf32, #tpu.memory_space<hbm>>
        tpu.enqueue_indirect_dma source(%dma_start3A_3403 : memref<589824x96xf32, #tpu.memory_space<hbm>>) target(%arg27 : memref<128x96xf32, #tpu.memory_space<vmem>>) offsets(%arg11 : memref<128xi32, #tpu.memory_space<vmem>>) semaphore(%arg38 : memref<!tpu.dma_semaphore, #tpu.memory_space<semaphore_mem>>)
        %dma_start3A_3404 = arith.constant 0 : i32
        %dma_start3A_3405 = arith.constant 0 : i32
        %dma_start3A_3406 = tpu.memref_slice %arg2[%dma_start3A_3404, %dma_start3A_3405] : memref<589824x96xf32, #tpu.memory_space<hbm>> -> memref<589824x96xf32, #tpu.memory_space<hbm>>
        tpu.enqueue_indirect_dma source(%dma_start3A_3406 : memref<589824x96xf32, #tpu.memory_space<hbm>>) target(%arg28 : memref<128x96xf32, #tpu.memory_space<vmem>>) offsets(%arg12 : memref<128xi32, #tpu.memory_space<vmem>>) semaphore(%arg38 : memref<!tpu.dma_semaphore, #tpu.memory_space<semaphore_mem>>)
        %dma_start3A_3407 = arith.constant 0 : i32
        %dma_start3A_3408 = arith.constant 0 : i32
        %dma_start3A_3409 = tpu.memref_slice %arg2[%dma_start3A_3407, %dma_start3A_3408] : memref<589824x96xf32, #tpu.memory_space<hbm>> -> memref<589824x96xf32, #tpu.memory_space<hbm>>
        tpu.enqueue_indirect_dma source(%dma_start3A_3409 : memref<589824x96xf32, #tpu.memory_space<hbm>>) target(%arg29 : memref<128x96xf32, #tpu.memory_space<vmem>>) offsets(%arg13 : memref<128xi32, #tpu.memory_space<vmem>>) semaphore(%arg38 : memref<!tpu.dma_semaphore, #tpu.memory_space<semaphore_mem>>)
        %add3A_3410 = arith.constant 3 : i32
        %add3A_3411 = arith.addi %mul3A_1061, %add3A_3410 : i32
        %mul3A_3412 = arith.constant 128 : i32
        %mul3A_3413 = arith.muli %add3A_3411, %mul3A_3412 : i32
        %add3A_3414 = arith.addi %mul3A_2, %mul3A_3413 : i32
        %dma_start3A_3415 = tpu.memref_slice %arg3[%add3A_3414] : memref<589824xf32, #tpu.memory_space<hbm>> -> memref<128xf32, #tpu.memory_space<hbm>>
        %dma_start3A_3416 = tpu.memref_slice %arg3[%add3A_3414] : memref<589824xf32, #tpu.memory_space<hbm>> -> memref<128xf32, #tpu.memory_space<hbm>>
        tpu.enqueue_dma source(%dma_start3A_3416 : memref<128xf32, #tpu.memory_space<hbm>>) target(%arg7 : memref<128xf32, #tpu.memory_space<vmem>>) target_semaphore(%arg37 : memref<!tpu.dma_semaphore, #tpu.memory_space<semaphore_mem>>)
        %dma_start3A_3417 = tpu.memref_slice %arg4[%add3A_3414] : memref<589824xf32, #tpu.memory_space<hbm>> -> memref<128xf32, #tpu.memory_space<hbm>>
        %dma_start3A_3418 = tpu.memref_slice %arg4[%add3A_3414] : memref<589824xf32, #tpu.memory_space<hbm>> -> memref<128xf32, #tpu.memory_space<hbm>>
        tpu.enqueue_dma source(%dma_start3A_3418 : memref<128xf32, #tpu.memory_space<hbm>>) target(%arg9 : memref<128xf32, #tpu.memory_space<vmem>>) target_semaphore(%arg37 : memref<!tpu.dma_semaphore, #tpu.memory_space<semaphore_mem>>)
      } else {
      }
      %dma_wait3A_2240 = arith.constant 0 : i32
      %dma_wait3A_2241 = arith.constant 0 : i32
      %dma_wait3A_2242 = tpu.memref_slice %arg2[%dma_wait3A_2240, %dma_wait3A_2241] : memref<589824x96xf32, #tpu.memory_space<hbm>> -> memref<589824x96xf32, #tpu.memory_space<hbm>>
      tpu.wait_indirect_dma semaphore(%arg39 : memref<!tpu.dma_semaphore, #tpu.memory_space<semaphore_mem>>) src(%dma_wait3A_2242 : memref<589824x96xf32, #tpu.memory_space<hbm>>) dst(%arg30 : memref<128x96xf32, #tpu.memory_space<vmem>>)
      %dma_wait3A_2243 = arith.constant 0 : i32
      %dma_wait3A_2244 = arith.constant 0 : i32
      %dma_wait3A_2245 = tpu.memref_slice %arg2[%dma_wait3A_2243, %dma_wait3A_2244] : memref<589824x96xf32, #tpu.memory_space<hbm>> -> memref<589824x96xf32, #tpu.memory_space<hbm>>
      tpu.wait_indirect_dma semaphore(%arg39 : memref<!tpu.dma_semaphore, #tpu.memory_space<semaphore_mem>>) src(%dma_wait3A_2245 : memref<589824x96xf32, #tpu.memory_space<hbm>>) dst(%arg31 : memref<128x96xf32, #tpu.memory_space<vmem>>)
      %dma_wait3A_2246 = arith.constant 0 : i32
      %dma_wait3A_2247 = arith.constant 0 : i32
      %dma_wait3A_2248 = tpu.memref_slice %arg2[%dma_wait3A_2246, %dma_wait3A_2247] : memref<589824x96xf32, #tpu.memory_space<hbm>> -> memref<589824x96xf32, #tpu.memory_space<hbm>>
      tpu.wait_indirect_dma semaphore(%arg39 : memref<!tpu.dma_semaphore, #tpu.memory_space<semaphore_mem>>) src(%dma_wait3A_2248 : memref<589824x96xf32, #tpu.memory_space<hbm>>) dst(%arg32 : memref<128x96xf32, #tpu.memory_space<vmem>>)
      %dma_wait3A_2249 = arith.constant 0 : i32
      %dma_wait3A_2250 = arith.constant 0 : i32
      %dma_wait3A_2251 = tpu.memref_slice %arg2[%dma_wait3A_2249, %dma_wait3A_2250] : memref<589824x96xf32, #tpu.memory_space<hbm>> -> memref<589824x96xf32, #tpu.memory_space<hbm>>
      tpu.wait_indirect_dma semaphore(%arg39 : memref<!tpu.dma_semaphore, #tpu.memory_space<semaphore_mem>>) src(%dma_wait3A_2251 : memref<589824x96xf32, #tpu.memory_space<hbm>>) dst(%arg33 : memref<128x96xf32, #tpu.memory_space<vmem>>)
      %ge3A_2252 = arith.constant 1 : i32
      %ge3A_2253 = arith.cmpi sge, %scan3A_1059, %ge3A_2252 : i32
      %convert_element_type3A_2254 = arith.extui %ge3A_2253 : i1 to i32
      %cond3A_2255 = arith.constant 0 : i32
      %cond3A_2256 = arith.cmpi ne, %convert_element_type3A_2254, %cond3A_2255 : i32
      scf.if %cond3A_2256 {
        %dma_wait3A_2392 = arith.constant 0 : i32
        %dma_wait3A_2393 = arith.constant 0 : i32
        %dma_wait3A_2394 = arith.constant 0 : i32
        %dma_wait3A_2395 = arith.constant 0 : i32
        %dma_wait3A_2396 = arith.constant 0 : i32
        %dma_wait3A_2397 = tpu.memref_slice %arg35[%dma_wait3A_2394, %dma_wait3A_2395, %dma_wait3A_2396] : memref<12x8x129xf32, #tpu.memory_space<vmem>> -> memref<12x8x128xf32, #tpu.memory_space<vmem>>
        %dma_wait3A_2398 = arith.constant 0 : i32
        %dma_wait3A_2399 = arith.constant 0 : i32
        %dma_wait3A_2400 = arith.constant 0 : i32
        %dma_wait3A_2401 = tpu.memref_slice %arg5[%dma_wait3A_2392, %dma_wait3A_2398, %dma_wait3A_2393, %dma_wait3A_2399, %dma_wait3A_2400] : memref<1536x12x3x8x128xf32, #tpu.memory_space<hbm>> -> memref<1x12x1x8x128xf32, #tpu.memory_space<hbm>>
        %dma_wait3A_2402 = tpu.memref_squeeze %dma_wait3A_2401 : memref<1x12x1x8x128xf32, #tpu.memory_space<hbm>> -> memref<12x8x128xf32, #tpu.memory_space<hbm>>
        %dma_wait3A_2403 = arith.constant 0 : i32
        %dma_wait3A_2404 = arith.constant 0 : i32
        %dma_wait3A_2405 = arith.constant 0 : i32
        %dma_wait3A_2406 = tpu.memref_slice %arg5[%dma_wait3A_2392, %dma_wait3A_2403, %dma_wait3A_2393, %dma_wait3A_2404, %dma_wait3A_2405] : memref<1536x12x3x8x128xf32, #tpu.memory_space<hbm>> -> memref<1x12x1x8x128xf32, #tpu.memory_space<hbm>>
        %dma_wait3A_2407 = tpu.memref_squeeze %dma_wait3A_2406 : memref<1x12x1x8x128xf32, #tpu.memory_space<hbm>> -> memref<12x8x128xf32, #tpu.memory_space<hbm>>
        %dma_wait3A_2408 = arith.constant 0 : i32
        %dma_wait3A_2409 = arith.constant 0 : i32
        %dma_wait3A_2410 = arith.constant 0 : i32
        %dma_wait3A_2411 = tpu.memref_slice %arg35[%dma_wait3A_2408, %dma_wait3A_2409, %dma_wait3A_2410] : memref<12x8x129xf32, #tpu.memory_space<vmem>> -> memref<12x8x128xf32, #tpu.memory_space<vmem>>
        tpu.wait_dma2 semaphore(%arg41 : memref<!tpu.dma_semaphore, #tpu.memory_space<semaphore_mem>>) src(%dma_wait3A_2411 : memref<12x8x128xf32, #tpu.memory_space<vmem>>) dst(%dma_wait3A_2407 : memref<12x8x128xf32, #tpu.memory_space<hbm>>)
      } else {
      }
      %iota3A_2257 = tpu.iota {dimensions = array<i32: 0>} : vector<16xi32>
      %add3A_2258 = arith.constant 0 : i32
      %add3A_2259 = vector.broadcast %add3A_2258 : i32 to vector<16xi32>
      %add3A_2260 = arith.addi %add3A_2259, %iota3A_2257 : vector<16xi32>
      %shift_right_logical3A_2261 = arith.constant 3 : i32
      %shift_right_logical3A_2262 = vector.broadcast %shift_right_logical3A_2261 : i32 to vector<16xi32>
      %shift_right_logical3A_2263 = arith.shrui %add3A_2260, %shift_right_logical3A_2262 : vector<16xi32>
      %and3A_2264 = arith.constant 7 : i32
      %and3A_2265 = vector.broadcast %and3A_2264 : i32 to vector<16xi32>
      %and3A_2266 = arith.andi %add3A_2260, %and3A_2265 : vector<16xi32>
      %add3A_2267 = arith.constant 16 : i32
      %add3A_2268 = vector.broadcast %add3A_2267 : i32 to vector<16xi32>
      %add3A_2269 = arith.addi %add3A_2268, %iota3A_2257 : vector<16xi32>
      %shift_right_logical3A_2270 = arith.constant 3 : i32
      %shift_right_logical3A_2271 = vector.broadcast %shift_right_logical3A_2270 : i32 to vector<16xi32>
      %shift_right_logical3A_2272 = arith.shrui %add3A_2269, %shift_right_logical3A_2271 : vector<16xi32>
      %and3A_2273 = arith.constant 7 : i32
      %and3A_2274 = vector.broadcast %and3A_2273 : i32 to vector<16xi32>
      %and3A_2275 = arith.andi %add3A_2269, %and3A_2274 : vector<16xi32>
      %add3A_2276 = arith.constant 32 : i32
      %add3A_2277 = vector.broadcast %add3A_2276 : i32 to vector<16xi32>
      %add3A_2278 = arith.addi %add3A_2277, %iota3A_2257 : vector<16xi32>
      %shift_right_logical3A_2279 = arith.constant 3 : i32
      %shift_right_logical3A_2280 = vector.broadcast %shift_right_logical3A_2279 : i32 to vector<16xi32>
      %shift_right_logical3A_2281 = arith.shrui %add3A_2278, %shift_right_logical3A_2280 : vector<16xi32>
      %and3A_2282 = arith.constant 7 : i32
      %and3A_2283 = vector.broadcast %and3A_2282 : i32 to vector<16xi32>
      %and3A_2284 = arith.andi %add3A_2278, %and3A_2283 : vector<16xi32>
      %add3A_2285 = arith.constant 48 : i32
      %add3A_2286 = vector.broadcast %add3A_2285 : i32 to vector<16xi32>
      %add3A_2287 = arith.addi %add3A_2286, %iota3A_2257 : vector<16xi32>
      %shift_right_logical3A_2288 = arith.constant 3 : i32
      %shift_right_logical3A_2289 = vector.broadcast %shift_right_logical3A_2288 : i32 to vector<16xi32>
      %shift_right_logical3A_2290 = arith.shrui %add3A_2287, %shift_right_logical3A_2289 : vector<16xi32>
      %and3A_2291 = arith.constant 7 : i32
      %and3A_2292 = vector.broadcast %and3A_2291 : i32 to vector<16xi32>
      %and3A_2293 = arith.andi %add3A_2287, %and3A_2292 : vector<16xi32>
      %add3A_2294 = arith.constant 64 : i32
      %add3A_2295 = vector.broadcast %add3A_2294 : i32 to vector<16xi32>
      %add3A_2296 = arith.addi %add3A_2295, %iota3A_2257 : vector<16xi32>
      %shift_right_logical3A_2297 = arith.constant 3 : i32
      %shift_right_logical3A_2298 = vector.broadcast %shift_right_logical3A_2297 : i32 to vector<16xi32>
      %shift_right_logical3A_2299 = arith.shrui %add3A_2296, %shift_right_logical3A_2298 : vector<16xi32>
      %and3A_2300 = arith.constant 7 : i32
      %and3A_2301 = vector.broadcast %and3A_2300 : i32 to vector<16xi32>
      %and3A_2302 = arith.andi %add3A_2296, %and3A_2301 : vector<16xi32>
      %add3A_2303 = arith.constant 80 : i32
      %add3A_2304 = vector.broadcast %add3A_2303 : i32 to vector<16xi32>
      %add3A_2305 = arith.addi %add3A_2304, %iota3A_2257 : vector<16xi32>
      %shift_right_logical3A_2306 = arith.constant 3 : i32
      %shift_right_logical3A_2307 = vector.broadcast %shift_right_logical3A_2306 : i32 to vector<16xi32>
      %shift_right_logical3A_2308 = arith.shrui %add3A_2305, %shift_right_logical3A_2307 : vector<16xi32>
      %and3A_2309 = arith.constant 7 : i32
      %and3A_2310 = vector.broadcast %and3A_2309 : i32 to vector<16xi32>
      %and3A_2311 = arith.andi %add3A_2305, %and3A_2310 : vector<16xi32>
      %scan3A_2312 = arith.constant 0 : i32
      %scan3A_2313 = arith.constant 0 : i32
      %scan3A_2314 = arith.constant 128 : i32
      %scan3A_2315 = arith.addi %scan3A_2313, %scan3A_2314 : i32
      %scan3A_2316 = arith.constant 4 : i32
      scf.for %scan3A_2392 = %scan3A_2313 to %scan3A_2315 step %scan3A_2316  : i32 {
        %broadcast_in_dim3A = vector.broadcast %scan3A_2392 : i32 to vector<16xi32>
        %gather3A = tpu.vector_load_idx %arg22[%broadcast_in_dim3A] : memref<128xf32, #tpu.memory_space<vmem>>[vector<16xi32>], vector<16xf32>,
        %gather3A_2393 = tpu.vector_load_idx %arg23[%broadcast_in_dim3A] : memref<128xf32, #tpu.memory_space<vmem>>[vector<16xi32>], vector<16xf32>,
        %gather3A_2394 = tpu.vector_load_idx %arg24[%broadcast_in_dim3A] : memref<128xf32, #tpu.memory_space<vmem>>[vector<16xi32>], vector<16xf32>,
        %gather3A_2395 = tpu.vector_load_idx %arg25[%broadcast_in_dim3A] : memref<128xf32, #tpu.memory_space<vmem>>[vector<16xi32>], vector<16xf32>,
        %get3A_2396 = arith.index_cast %scan3A_2392 : i32 to index
        %get3A_2397 = arith.constant 0 : index
        %get3A_2398 = tpu.vector_load %arg30[%get3A_2396, %get3A_2397] {strides = array<i32>} : memref<128x96xf32, #tpu.memory_space<vmem>>, vector<16xf32>,
        %get3A_2399 = arith.index_cast %scan3A_2392 : i32 to index
        %get3A_2400 = arith.constant 16 : index
        %get3A_2401 = tpu.vector_load %arg30[%get3A_2399, %get3A_2400] {strides = array<i32>} : memref<128x96xf32, #tpu.memory_space<vmem>>, vector<16xf32>,
        %get3A_2402 = arith.index_cast %scan3A_2392 : i32 to index
        %get3A_2403 = arith.constant 32 : index
        %get3A_2404 = tpu.vector_load %arg30[%get3A_2402, %get3A_2403] {strides = array<i32>} : memref<128x96xf32, #tpu.memory_space<vmem>>, vector<16xf32>,
        %get3A_2405 = arith.index_cast %scan3A_2392 : i32 to index
        %get3A_2406 = arith.constant 48 : index
        %get3A_2407 = tpu.vector_load %arg30[%get3A_2405, %get3A_2406] {strides = array<i32>} : memref<128x96xf32, #tpu.memory_space<vmem>>, vector<16xf32>,
        %get3A_2408 = arith.index_cast %scan3A_2392 : i32 to index
        %get3A_2409 = arith.constant 64 : index
        %get3A_2410 = tpu.vector_load %arg30[%get3A_2408, %get3A_2409] {strides = array<i32>} : memref<128x96xf32, #tpu.memory_space<vmem>>, vector<16xf32>,
        %get3A_2411 = arith.index_cast %scan3A_2392 : i32 to index
        %get3A_2412 = arith.constant 80 : index
        %get3A_2413 = tpu.vector_load %arg30[%get3A_2411, %get3A_2412] {strides = array<i32>} : memref<128x96xf32, #tpu.memory_space<vmem>>, vector<16xf32>,
        %get3A_2414 = arith.index_cast %scan3A_2392 : i32 to index
        %get3A_2415 = arith.constant 0 : index
        %get3A_2416 = tpu.vector_load %arg31[%get3A_2414, %get3A_2415] {strides = array<i32>} : memref<128x96xf32, #tpu.memory_space<vmem>>, vector<16xf32>,
        %get3A_2417 = arith.index_cast %scan3A_2392 : i32 to index
        %get3A_2418 = arith.constant 16 : index
        %get3A_2419 = tpu.vector_load %arg31[%get3A_2417, %get3A_2418] {strides = array<i32>} : memref<128x96xf32, #tpu.memory_space<vmem>>, vector<16xf32>,
        %get3A_2420 = arith.index_cast %scan3A_2392 : i32 to index
        %get3A_2421 = arith.constant 32 : index
        %get3A_2422 = tpu.vector_load %arg31[%get3A_2420, %get3A_2421] {strides = array<i32>} : memref<128x96xf32, #tpu.memory_space<vmem>>, vector<16xf32>,
        %get3A_2423 = arith.index_cast %scan3A_2392 : i32 to index
        %get3A_2424 = arith.constant 48 : index
        %get3A_2425 = tpu.vector_load %arg31[%get3A_2423, %get3A_2424] {strides = array<i32>} : memref<128x96xf32, #tpu.memory_space<vmem>>, vector<16xf32>,
        %get3A_2426 = arith.index_cast %scan3A_2392 : i32 to index
        %get3A_2427 = arith.constant 64 : index
        %get3A_2428 = tpu.vector_load %arg31[%get3A_2426, %get3A_2427] {strides = array<i32>} : memref<128x96xf32, #tpu.memory_space<vmem>>, vector<16xf32>,
        %get3A_2429 = arith.index_cast %scan3A_2392 : i32 to index
        %get3A_2430 = arith.constant 80 : index
        %get3A_2431 = tpu.vector_load %arg31[%get3A_2429, %get3A_2430] {strides = array<i32>} : memref<128x96xf32, #tpu.memory_space<vmem>>, vector<16xf32>,
        %get3A_2432 = arith.index_cast %scan3A_2392 : i32 to index
        %get3A_2433 = arith.constant 0 : index
        %get3A_2434 = tpu.vector_load %arg32[%get3A_2432, %get3A_2433] {strides = array<i32>} : memref<128x96xf32, #tpu.memory_space<vmem>>, vector<16xf32>,
        %get3A_2435 = arith.index_cast %scan3A_2392 : i32 to index
        %get3A_2436 = arith.constant 16 : index
        %get3A_2437 = tpu.vector_load %arg32[%get3A_2435, %get3A_2436] {strides = array<i32>} : memref<128x96xf32, #tpu.memory_space<vmem>>, vector<16xf32>,
        %get3A_2438 = arith.index_cast %scan3A_2392 : i32 to index
        %get3A_2439 = arith.constant 32 : index
        %get3A_2440 = tpu.vector_load %arg32[%get3A_2438, %get3A_2439] {strides = array<i32>} : memref<128x96xf32, #tpu.memory_space<vmem>>, vector<16xf32>,
        %get3A_2441 = arith.index_cast %scan3A_2392 : i32 to index
        %get3A_2442 = arith.constant 48 : index
        %get3A_2443 = tpu.vector_load %arg32[%get3A_2441, %get3A_2442] {strides = array<i32>} : memref<128x96xf32, #tpu.memory_space<vmem>>, vector<16xf32>,
        %get3A_2444 = arith.index_cast %scan3A_2392 : i32 to index
        %get3A_2445 = arith.constant 64 : index
        %get3A_2446 = tpu.vector_load %arg32[%get3A_2444, %get3A_2445] {strides = array<i32>} : memref<128x96xf32, #tpu.memory_space<vmem>>, vector<16xf32>,
        %get3A_2447 = arith.index_cast %scan3A_2392 : i32 to index
        %get3A_2448 = arith.constant 80 : index
        %get3A_2449 = tpu.vector_load %arg32[%get3A_2447, %get3A_2448] {strides = array<i32>} : memref<128x96xf32, #tpu.memory_space<vmem>>, vector<16xf32>,
        %get3A_2450 = arith.index_cast %scan3A_2392 : i32 to index
        %get3A_2451 = arith.constant 0 : index
        %get3A_2452 = tpu.vector_load %arg33[%get3A_2450, %get3A_2451] {strides = array<i32>} : memref<128x96xf32, #tpu.memory_space<vmem>>, vector<16xf32>,
        %get3A_2453 = arith.index_cast %scan3A_2392 : i32 to index
        %get3A_2454 = arith.constant 16 : index
        %get3A_2455 = tpu.vector_load %arg33[%get3A_2453, %get3A_2454] {strides = array<i32>} : memref<128x96xf32, #tpu.memory_space<vmem>>, vector<16xf32>,
        %get3A_2456 = arith.index_cast %scan3A_2392 : i32 to index
        %get3A_2457 = arith.constant 32 : index
        %get3A_2458 = tpu.vector_load %arg33[%get3A_2456, %get3A_2457] {strides = array<i32>} : memref<128x96xf32, #tpu.memory_space<vmem>>, vector<16xf32>,
        %get3A_2459 = arith.index_cast %scan3A_2392 : i32 to index
        %get3A_2460 = arith.constant 48 : index
        %get3A_2461 = tpu.vector_load %arg33[%get3A_2459, %get3A_2460] {strides = array<i32>} : memref<128x96xf32, #tpu.memory_space<vmem>>, vector<16xf32>,
        %get3A_2462 = arith.index_cast %scan3A_2392 : i32 to index
        %get3A_2463 = arith.constant 64 : index
        %get3A_2464 = tpu.vector_load %arg33[%get3A_2462, %get3A_2463] {strides = array<i32>} : memref<128x96xf32, #tpu.memory_space<vmem>>, vector<16xf32>,
        %get3A_2465 = arith.index_cast %scan3A_2392 : i32 to index
        %get3A_2466 = arith.constant 80 : index
        %get3A_2467 = tpu.vector_load %arg33[%get3A_2465, %get3A_2466] {strides = array<i32>} : memref<128x96xf32, #tpu.memory_space<vmem>>, vector<16xf32>,
        %mul3A_2468 = arith.mulf %gather3A, %get3A_2398 : vector<16xf32>
        %mul3A_2469 = arith.mulf %gather3A_2393, %get3A_2416 : vector<16xf32>
        %add3A_2470 = arith.addf %mul3A_2468, %mul3A_2469 : vector<16xf32>
        %mul3A_2471 = arith.mulf %gather3A_2394, %get3A_2434 : vector<16xf32>
        %mul3A_2472 = arith.mulf %gather3A_2395, %get3A_2452 : vector<16xf32>
        %add3A_2473 = arith.addf %mul3A_2471, %mul3A_2472 : vector<16xf32>
        %add3A_2474 = arith.addf %add3A_2470, %add3A_2473 : vector<16xf32>
        %mul3A_2475 = arith.mulf %gather3A, %get3A_2401 : vector<16xf32>
        %mul3A_2476 = arith.mulf %gather3A_2393, %get3A_2419 : vector<16xf32>
        %add3A_2477 = arith.addf %mul3A_2475, %mul3A_2476 : vector<16xf32>
        %mul3A_2478 = arith.mulf %gather3A_2394, %get3A_2437 : vector<16xf32>
        %mul3A_2479 = arith.mulf %gather3A_2395, %get3A_2455 : vector<16xf32>
        %add3A_2480 = arith.addf %mul3A_2478, %mul3A_2479 : vector<16xf32>
        %add3A_2481 = arith.addf %add3A_2477, %add3A_2480 : vector<16xf32>
        %mul3A_2482 = arith.mulf %gather3A, %get3A_2404 : vector<16xf32>
        %mul3A_2483 = arith.mulf %gather3A_2393, %get3A_2422 : vector<16xf32>
        %add3A_2484 = arith.addf %mul3A_2482, %mul3A_2483 : vector<16xf32>
        %mul3A_2485 = arith.mulf %gather3A_2394, %get3A_2440 : vector<16xf32>
        %mul3A_2486 = arith.mulf %gather3A_2395, %get3A_2458 : vector<16xf32>
        %add3A_2487 = arith.addf %mul3A_2485, %mul3A_2486 : vector<16xf32>
        %add3A_2488 = arith.addf %add3A_2484, %add3A_2487 : vector<16xf32>
        %mul3A_2489 = arith.mulf %gather3A, %get3A_2407 : vector<16xf32>
        %mul3A_2490 = arith.mulf %gather3A_2393, %get3A_2425 : vector<16xf32>
        %add3A_2491 = arith.addf %mul3A_2489, %mul3A_2490 : vector<16xf32>
        %mul3A_2492 = arith.mulf %gather3A_2394, %get3A_2443 : vector<16xf32>
        %mul3A_2493 = arith.mulf %gather3A_2395, %get3A_2461 : vector<16xf32>
        %add3A_2494 = arith.addf %mul3A_2492, %mul3A_2493 : vector<16xf32>
        %add3A_2495 = arith.addf %add3A_2491, %add3A_2494 : vector<16xf32>
        %mul3A_2496 = arith.mulf %gather3A, %get3A_2410 : vector<16xf32>
        %mul3A_2497 = arith.mulf %gather3A_2393, %get3A_2428 : vector<16xf32>
        %add3A_2498 = arith.addf %mul3A_2496, %mul3A_2497 : vector<16xf32>
        %mul3A_2499 = arith.mulf %gather3A_2394, %get3A_2446 : vector<16xf32>
        %mul3A_2500 = arith.mulf %gather3A_2395, %get3A_2464 : vector<16xf32>
        %add3A_2501 = arith.addf %mul3A_2499, %mul3A_2500 : vector<16xf32>
        %add3A_2502 = arith.addf %add3A_2498, %add3A_2501 : vector<16xf32>
        %mul3A_2503 = arith.mulf %gather3A, %get3A_2413 : vector<16xf32>
        %mul3A_2504 = arith.mulf %gather3A_2393, %get3A_2431 : vector<16xf32>
        %add3A_2505 = arith.addf %mul3A_2503, %mul3A_2504 : vector<16xf32>
        %mul3A_2506 = arith.mulf %gather3A_2394, %get3A_2449 : vector<16xf32>
        %mul3A_2507 = arith.mulf %gather3A_2395, %get3A_2467 : vector<16xf32>
        %add3A_2508 = arith.addf %mul3A_2506, %mul3A_2507 : vector<16xf32>
        %add3A_2509 = arith.addf %add3A_2505, %add3A_2508 : vector<16xf32>
        tpu.vector_store_idx %arg35[%shift_right_logical3A_2263, %and3A_2266, %broadcast_in_dim3A], %add3A_2474 : memref<12x8x129xf32, #tpu.memory_space<vmem>>[vector<16xi32>, vector<16xi32>, vector<16xi32>], vector<16xf32>,
        tpu.vector_store_idx %arg35[%shift_right_logical3A_2272, %and3A_2275, %broadcast_in_dim3A], %add3A_2481 : memref<12x8x129xf32, #tpu.memory_space<vmem>>[vector<16xi32>, vector<16xi32>, vector<16xi32>], vector<16xf32>,
        tpu.vector_store_idx %arg35[%shift_right_logical3A_2281, %and3A_2284, %broadcast_in_dim3A], %add3A_2488 : memref<12x8x129xf32, #tpu.memory_space<vmem>>[vector<16xi32>, vector<16xi32>, vector<16xi32>], vector<16xf32>,
        tpu.vector_store_idx %arg35[%shift_right_logical3A_2290, %and3A_2293, %broadcast_in_dim3A], %add3A_2495 : memref<12x8x129xf32, #tpu.memory_space<vmem>>[vector<16xi32>, vector<16xi32>, vector<16xi32>], vector<16xf32>,
        tpu.vector_store_idx %arg35[%shift_right_logical3A_2299, %and3A_2302, %broadcast_in_dim3A], %add3A_2502 : memref<12x8x129xf32, #tpu.memory_space<vmem>>[vector<16xi32>, vector<16xi32>, vector<16xi32>], vector<16xf32>,
        tpu.vector_store_idx %arg35[%shift_right_logical3A_2308, %and3A_2311, %broadcast_in_dim3A], %add3A_2509 : memref<12x8x129xf32, #tpu.memory_space<vmem>>[vector<16xi32>, vector<16xi32>, vector<16xi32>], vector<16xf32>,
        %scan3A_2510 = arith.constant 1 : i32
        %scan3A_2511 = arith.addi %scan3A_2392, %scan3A_2510 : i32
        %broadcast_in_dim3A_2512 = vector.broadcast %scan3A_2511 : i32 to vector<16xi32>
        %gather3A_2513 = tpu.vector_load_idx %arg22[%broadcast_in_dim3A_2512] : memref<128xf32, #tpu.memory_space<vmem>>[vector<16xi32>], vector<16xf32>,
        %gather3A_2514 = tpu.vector_load_idx %arg23[%broadcast_in_dim3A_2512] : memref<128xf32, #tpu.memory_space<vmem>>[vector<16xi32>], vector<16xf32>,
        %gather3A_2515 = tpu.vector_load_idx %arg24[%broadcast_in_dim3A_2512] : memref<128xf32, #tpu.memory_space<vmem>>[vector<16xi32>], vector<16xf32>,
        %gather3A_2516 = tpu.vector_load_idx %arg25[%broadcast_in_dim3A_2512] : memref<128xf32, #tpu.memory_space<vmem>>[vector<16xi32>], vector<16xf32>,
        %get3A_2517 = arith.index_cast %scan3A_2511 : i32 to index
        %get3A_2518 = arith.constant 0 : index
        %get3A_2519 = tpu.vector_load %arg30[%get3A_2517, %get3A_2518] {strides = array<i32>} : memref<128x96xf32, #tpu.memory_space<vmem>>, vector<16xf32>,
        %get3A_2520 = arith.index_cast %scan3A_2511 : i32 to index
        %get3A_2521 = arith.constant 16 : index
        %get3A_2522 = tpu.vector_load %arg30[%get3A_2520, %get3A_2521] {strides = array<i32>} : memref<128x96xf32, #tpu.memory_space<vmem>>, vector<16xf32>,
        %get3A_2523 = arith.index_cast %scan3A_2511 : i32 to index
        %get3A_2524 = arith.constant 32 : index
        %get3A_2525 = tpu.vector_load %arg30[%get3A_2523, %get3A_2524] {strides = array<i32>} : memref<128x96xf32, #tpu.memory_space<vmem>>, vector<16xf32>,
        %get3A_2526 = arith.index_cast %scan3A_2511 : i32 to index
        %get3A_2527 = arith.constant 48 : index
        %get3A_2528 = tpu.vector_load %arg30[%get3A_2526, %get3A_2527] {strides = array<i32>} : memref<128x96xf32, #tpu.memory_space<vmem>>, vector<16xf32>,
        %get3A_2529 = arith.index_cast %scan3A_2511 : i32 to index
        %get3A_2530 = arith.constant 64 : index
        %get3A_2531 = tpu.vector_load %arg30[%get3A_2529, %get3A_2530] {strides = array<i32>} : memref<128x96xf32, #tpu.memory_space<vmem>>, vector<16xf32>,
        %get3A_2532 = arith.index_cast %scan3A_2511 : i32 to index
        %get3A_2533 = arith.constant 80 : index
        %get3A_2534 = tpu.vector_load %arg30[%get3A_2532, %get3A_2533] {strides = array<i32>} : memref<128x96xf32, #tpu.memory_space<vmem>>, vector<16xf32>,
        %get3A_2535 = arith.index_cast %scan3A_2511 : i32 to index
        %get3A_2536 = arith.constant 0 : index
        %get3A_2537 = tpu.vector_load %arg31[%get3A_2535, %get3A_2536] {strides = array<i32>} : memref<128x96xf32, #tpu.memory_space<vmem>>, vector<16xf32>,
        %get3A_2538 = arith.index_cast %scan3A_2511 : i32 to index
        %get3A_2539 = arith.constant 16 : index
        %get3A_2540 = tpu.vector_load %arg31[%get3A_2538, %get3A_2539] {strides = array<i32>} : memref<128x96xf32, #tpu.memory_space<vmem>>, vector<16xf32>,
        %get3A_2541 = arith.index_cast %scan3A_2511 : i32 to index
        %get3A_2542 = arith.constant 32 : index
        %get3A_2543 = tpu.vector_load %arg31[%get3A_2541, %get3A_2542] {strides = array<i32>} : memref<128x96xf32, #tpu.memory_space<vmem>>, vector<16xf32>,
        %get3A_2544 = arith.index_cast %scan3A_2511 : i32 to index
        %get3A_2545 = arith.constant 48 : index
        %get3A_2546 = tpu.vector_load %arg31[%get3A_2544, %get3A_2545] {strides = array<i32>} : memref<128x96xf32, #tpu.memory_space<vmem>>, vector<16xf32>,
        %get3A_2547 = arith.index_cast %scan3A_2511 : i32 to index
        %get3A_2548 = arith.constant 64 : index
        %get3A_2549 = tpu.vector_load %arg31[%get3A_2547, %get3A_2548] {strides = array<i32>} : memref<128x96xf32, #tpu.memory_space<vmem>>, vector<16xf32>,
        %get3A_2550 = arith.index_cast %scan3A_2511 : i32 to index
        %get3A_2551 = arith.constant 80 : index
        %get3A_2552 = tpu.vector_load %arg31[%get3A_2550, %get3A_2551] {strides = array<i32>} : memref<128x96xf32, #tpu.memory_space<vmem>>, vector<16xf32>,
        %get3A_2553 = arith.index_cast %scan3A_2511 : i32 to index
        %get3A_2554 = arith.constant 0 : index
        %get3A_2555 = tpu.vector_load %arg32[%get3A_2553, %get3A_2554] {strides = array<i32>} : memref<128x96xf32, #tpu.memory_space<vmem>>, vector<16xf32>,
        %get3A_2556 = arith.index_cast %scan3A_2511 : i32 to index
        %get3A_2557 = arith.constant 16 : index
        %get3A_2558 = tpu.vector_load %arg32[%get3A_2556, %get3A_2557] {strides = array<i32>} : memref<128x96xf32, #tpu.memory_space<vmem>>, vector<16xf32>,
        %get3A_2559 = arith.index_cast %scan3A_2511 : i32 to index
        %get3A_2560 = arith.constant 32 : index
        %get3A_2561 = tpu.vector_load %arg32[%get3A_2559, %get3A_2560] {strides = array<i32>} : memref<128x96xf32, #tpu.memory_space<vmem>>, vector<16xf32>,
        %get3A_2562 = arith.index_cast %scan3A_2511 : i32 to index
        %get3A_2563 = arith.constant 48 : index
        %get3A_2564 = tpu.vector_load %arg32[%get3A_2562, %get3A_2563] {strides = array<i32>} : memref<128x96xf32, #tpu.memory_space<vmem>>, vector<16xf32>,
        %get3A_2565 = arith.index_cast %scan3A_2511 : i32 to index
        %get3A_2566 = arith.constant 64 : index
        %get3A_2567 = tpu.vector_load %arg32[%get3A_2565, %get3A_2566] {strides = array<i32>} : memref<128x96xf32, #tpu.memory_space<vmem>>, vector<16xf32>,
        %get3A_2568 = arith.index_cast %scan3A_2511 : i32 to index
        %get3A_2569 = arith.constant 80 : index
        %get3A_2570 = tpu.vector_load %arg32[%get3A_2568, %get3A_2569] {strides = array<i32>} : memref<128x96xf32, #tpu.memory_space<vmem>>, vector<16xf32>,
        %get3A_2571 = arith.index_cast %scan3A_2511 : i32 to index
        %get3A_2572 = arith.constant 0 : index
        %get3A_2573 = tpu.vector_load %arg33[%get3A_2571, %get3A_2572] {strides = array<i32>} : memref<128x96xf32, #tpu.memory_space<vmem>>, vector<16xf32>,
        %get3A_2574 = arith.index_cast %scan3A_2511 : i32 to index
        %get3A_2575 = arith.constant 16 : index
        %get3A_2576 = tpu.vector_load %arg33[%get3A_2574, %get3A_2575] {strides = array<i32>} : memref<128x96xf32, #tpu.memory_space<vmem>>, vector<16xf32>,
        %get3A_2577 = arith.index_cast %scan3A_2511 : i32 to index
        %get3A_2578 = arith.constant 32 : index
        %get3A_2579 = tpu.vector_load %arg33[%get3A_2577, %get3A_2578] {strides = array<i32>} : memref<128x96xf32, #tpu.memory_space<vmem>>, vector<16xf32>,
        %get3A_2580 = arith.index_cast %scan3A_2511 : i32 to index
        %get3A_2581 = arith.constant 48 : index
        %get3A_2582 = tpu.vector_load %arg33[%get3A_2580, %get3A_2581] {strides = array<i32>} : memref<128x96xf32, #tpu.memory_space<vmem>>, vector<16xf32>,
        %get3A_2583 = arith.index_cast %scan3A_2511 : i32 to index
        %get3A_2584 = arith.constant 64 : index
        %get3A_2585 = tpu.vector_load %arg33[%get3A_2583, %get3A_2584] {strides = array<i32>} : memref<128x96xf32, #tpu.memory_space<vmem>>, vector<16xf32>,
        %get3A_2586 = arith.index_cast %scan3A_2511 : i32 to index
        %get3A_2587 = arith.constant 80 : index
        %get3A_2588 = tpu.vector_load %arg33[%get3A_2586, %get3A_2587] {strides = array<i32>} : memref<128x96xf32, #tpu.memory_space<vmem>>, vector<16xf32>,
        %mul3A_2589 = arith.mulf %gather3A_2513, %get3A_2519 : vector<16xf32>
        %mul3A_2590 = arith.mulf %gather3A_2514, %get3A_2537 : vector<16xf32>
        %add3A_2591 = arith.addf %mul3A_2589, %mul3A_2590 : vector<16xf32>
        %mul3A_2592 = arith.mulf %gather3A_2515, %get3A_2555 : vector<16xf32>
        %mul3A_2593 = arith.mulf %gather3A_2516, %get3A_2573 : vector<16xf32>
        %add3A_2594 = arith.addf %mul3A_2592, %mul3A_2593 : vector<16xf32>
        %add3A_2595 = arith.addf %add3A_2591, %add3A_2594 : vector<16xf32>
        %mul3A_2596 = arith.mulf %gather3A_2513, %get3A_2522 : vector<16xf32>
        %mul3A_2597 = arith.mulf %gather3A_2514, %get3A_2540 : vector<16xf32>
        %add3A_2598 = arith.addf %mul3A_2596, %mul3A_2597 : vector<16xf32>
        %mul3A_2599 = arith.mulf %gather3A_2515, %get3A_2558 : vector<16xf32>
        %mul3A_2600 = arith.mulf %gather3A_2516, %get3A_2576 : vector<16xf32>
        %add3A_2601 = arith.addf %mul3A_2599, %mul3A_2600 : vector<16xf32>
        %add3A_2602 = arith.addf %add3A_2598, %add3A_2601 : vector<16xf32>
        %mul3A_2603 = arith.mulf %gather3A_2513, %get3A_2525 : vector<16xf32>
        %mul3A_2604 = arith.mulf %gather3A_2514, %get3A_2543 : vector<16xf32>
        %add3A_2605 = arith.addf %mul3A_2603, %mul3A_2604 : vector<16xf32>
        %mul3A_2606 = arith.mulf %gather3A_2515, %get3A_2561 : vector<16xf32>
        %mul3A_2607 = arith.mulf %gather3A_2516, %get3A_2579 : vector<16xf32>
        %add3A_2608 = arith.addf %mul3A_2606, %mul3A_2607 : vector<16xf32>
        %add3A_2609 = arith.addf %add3A_2605, %add3A_2608 : vector<16xf32>
        %mul3A_2610 = arith.mulf %gather3A_2513, %get3A_2528 : vector<16xf32>
        %mul3A_2611 = arith.mulf %gather3A_2514, %get3A_2546 : vector<16xf32>
        %add3A_2612 = arith.addf %mul3A_2610, %mul3A_2611 : vector<16xf32>
        %mul3A_2613 = arith.mulf %gather3A_2515, %get3A_2564 : vector<16xf32>
        %mul3A_2614 = arith.mulf %gather3A_2516, %get3A_2582 : vector<16xf32>
        %add3A_2615 = arith.addf %mul3A_2613, %mul3A_2614 : vector<16xf32>
        %add3A_2616 = arith.addf %add3A_2612, %add3A_2615 : vector<16xf32>
        %mul3A_2617 = arith.mulf %gather3A_2513, %get3A_2531 : vector<16xf32>
        %mul3A_2618 = arith.mulf %gather3A_2514, %get3A_2549 : vector<16xf32>
        %add3A_2619 = arith.addf %mul3A_2617, %mul3A_2618 : vector<16xf32>
        %mul3A_2620 = arith.mulf %gather3A_2515, %get3A_2567 : vector<16xf32>
        %mul3A_2621 = arith.mulf %gather3A_2516, %get3A_2585 : vector<16xf32>
        %add3A_2622 = arith.addf %mul3A_2620, %mul3A_2621 : vector<16xf32>
        %add3A_2623 = arith.addf %add3A_2619, %add3A_2622 : vector<16xf32>
        %mul3A_2624 = arith.mulf %gather3A_2513, %get3A_2534 : vector<16xf32>
        %mul3A_2625 = arith.mulf %gather3A_2514, %get3A_2552 : vector<16xf32>
        %add3A_2626 = arith.addf %mul3A_2624, %mul3A_2625 : vector<16xf32>
        %mul3A_2627 = arith.mulf %gather3A_2515, %get3A_2570 : vector<16xf32>
        %mul3A_2628 = arith.mulf %gather3A_2516, %get3A_2588 : vector<16xf32>
        %add3A_2629 = arith.addf %mul3A_2627, %mul3A_2628 : vector<16xf32>
        %add3A_2630 = arith.addf %add3A_2626, %add3A_2629 : vector<16xf32>
        tpu.vector_store_idx %arg35[%shift_right_logical3A_2263, %and3A_2266, %broadcast_in_dim3A_2512], %add3A_2595 : memref<12x8x129xf32, #tpu.memory_space<vmem>>[vector<16xi32>, vector<16xi32>, vector<16xi32>], vector<16xf32>,
        tpu.vector_store_idx %arg35[%shift_right_logical3A_2272, %and3A_2275, %broadcast_in_dim3A_2512], %add3A_2602 : memref<12x8x129xf32, #tpu.memory_space<vmem>>[vector<16xi32>, vector<16xi32>, vector<16xi32>], vector<16xf32>,
        tpu.vector_store_idx %arg35[%shift_right_logical3A_2281, %and3A_2284, %broadcast_in_dim3A_2512], %add3A_2609 : memref<12x8x129xf32, #tpu.memory_space<vmem>>[vector<16xi32>, vector<16xi32>, vector<16xi32>], vector<16xf32>,
        tpu.vector_store_idx %arg35[%shift_right_logical3A_2290, %and3A_2293, %broadcast_in_dim3A_2512], %add3A_2616 : memref<12x8x129xf32, #tpu.memory_space<vmem>>[vector<16xi32>, vector<16xi32>, vector<16xi32>], vector<16xf32>,
        tpu.vector_store_idx %arg35[%shift_right_logical3A_2299, %and3A_2302, %broadcast_in_dim3A_2512], %add3A_2623 : memref<12x8x129xf32, #tpu.memory_space<vmem>>[vector<16xi32>, vector<16xi32>, vector<16xi32>], vector<16xf32>,
        tpu.vector_store_idx %arg35[%shift_right_logical3A_2308, %and3A_2311, %broadcast_in_dim3A_2512], %add3A_2630 : memref<12x8x129xf32, #tpu.memory_space<vmem>>[vector<16xi32>, vector<16xi32>, vector<16xi32>], vector<16xf32>,
        %scan3A_2631 = arith.constant 2 : i32
        %scan3A_2632 = arith.addi %scan3A_2392, %scan3A_2631 : i32
        %broadcast_in_dim3A_2633 = vector.broadcast %scan3A_2632 : i32 to vector<16xi32>
        %gather3A_2634 = tpu.vector_load_idx %arg22[%broadcast_in_dim3A_2633] : memref<128xf32, #tpu.memory_space<vmem>>[vector<16xi32>], vector<16xf32>,
        %gather3A_2635 = tpu.vector_load_idx %arg23[%broadcast_in_dim3A_2633] : memref<128xf32, #tpu.memory_space<vmem>>[vector<16xi32>], vector<16xf32>,
        %gather3A_2636 = tpu.vector_load_idx %arg24[%broadcast_in_dim3A_2633] : memref<128xf32, #tpu.memory_space<vmem>>[vector<16xi32>], vector<16xf32>,
        %gather3A_2637 = tpu.vector_load_idx %arg25[%broadcast_in_dim3A_2633] : memref<128xf32, #tpu.memory_space<vmem>>[vector<16xi32>], vector<16xf32>,
        %get3A_2638 = arith.index_cast %scan3A_2632 : i32 to index
        %get3A_2639 = arith.constant 0 : index
        %get3A_2640 = tpu.vector_load %arg30[%get3A_2638, %get3A_2639] {strides = array<i32>} : memref<128x96xf32, #tpu.memory_space<vmem>>, vector<16xf32>,
        %get3A_2641 = arith.index_cast %scan3A_2632 : i32 to index
        %get3A_2642 = arith.constant 16 : index
        %get3A_2643 = tpu.vector_load %arg30[%get3A_2641, %get3A_2642] {strides = array<i32>} : memref<128x96xf32, #tpu.memory_space<vmem>>, vector<16xf32>,
        %get3A_2644 = arith.index_cast %scan3A_2632 : i32 to index
        %get3A_2645 = arith.constant 32 : index
        %get3A_2646 = tpu.vector_load %arg30[%get3A_2644, %get3A_2645] {strides = array<i32>} : memref<128x96xf32, #tpu.memory_space<vmem>>, vector<16xf32>,
        %get3A_2647 = arith.index_cast %scan3A_2632 : i32 to index
        %get3A_2648 = arith.constant 48 : index
        %get3A_2649 = tpu.vector_load %arg30[%get3A_2647, %get3A_2648] {strides = array<i32>} : memref<128x96xf32, #tpu.memory_space<vmem>>, vector<16xf32>,
        %get3A_2650 = arith.index_cast %scan3A_2632 : i32 to index
        %get3A_2651 = arith.constant 64 : index
        %get3A_2652 = tpu.vector_load %arg30[%get3A_2650, %get3A_2651] {strides = array<i32>} : memref<128x96xf32, #tpu.memory_space<vmem>>, vector<16xf32>,
        %get3A_2653 = arith.index_cast %scan3A_2632 : i32 to index
        %get3A_2654 = arith.constant 80 : index
        %get3A_2655 = tpu.vector_load %arg30[%get3A_2653, %get3A_2654] {strides = array<i32>} : memref<128x96xf32, #tpu.memory_space<vmem>>, vector<16xf32>,
        %get3A_2656 = arith.index_cast %scan3A_2632 : i32 to index
        %get3A_2657 = arith.constant 0 : index
        %get3A_2658 = tpu.vector_load %arg31[%get3A_2656, %get3A_2657] {strides = array<i32>} : memref<128x96xf32, #tpu.memory_space<vmem>>, vector<16xf32>,
        %get3A_2659 = arith.index_cast %scan3A_2632 : i32 to index
        %get3A_2660 = arith.constant 16 : index
        %get3A_2661 = tpu.vector_load %arg31[%get3A_2659, %get3A_2660] {strides = array<i32>} : memref<128x96xf32, #tpu.memory_space<vmem>>, vector<16xf32>,
        %get3A_2662 = arith.index_cast %scan3A_2632 : i32 to index
        %get3A_2663 = arith.constant 32 : index
        %get3A_2664 = tpu.vector_load %arg31[%get3A_2662, %get3A_2663] {strides = array<i32>} : memref<128x96xf32, #tpu.memory_space<vmem>>, vector<16xf32>,
        %get3A_2665 = arith.index_cast %scan3A_2632 : i32 to index
        %get3A_2666 = arith.constant 48 : index
        %get3A_2667 = tpu.vector_load %arg31[%get3A_2665, %get3A_2666] {strides = array<i32>} : memref<128x96xf32, #tpu.memory_space<vmem>>, vector<16xf32>,
        %get3A_2668 = arith.index_cast %scan3A_2632 : i32 to index
        %get3A_2669 = arith.constant 64 : index
        %get3A_2670 = tpu.vector_load %arg31[%get3A_2668, %get3A_2669] {strides = array<i32>} : memref<128x96xf32, #tpu.memory_space<vmem>>, vector<16xf32>,
        %get3A_2671 = arith.index_cast %scan3A_2632 : i32 to index
        %get3A_2672 = arith.constant 80 : index
        %get3A_2673 = tpu.vector_load %arg31[%get3A_2671, %get3A_2672] {strides = array<i32>} : memref<128x96xf32, #tpu.memory_space<vmem>>, vector<16xf32>,
        %get3A_2674 = arith.index_cast %scan3A_2632 : i32 to index
        %get3A_2675 = arith.constant 0 : index
        %get3A_2676 = tpu.vector_load %arg32[%get3A_2674, %get3A_2675] {strides = array<i32>} : memref<128x96xf32, #tpu.memory_space<vmem>>, vector<16xf32>,
        %get3A_2677 = arith.index_cast %scan3A_2632 : i32 to index
        %get3A_2678 = arith.constant 16 : index
        %get3A_2679 = tpu.vector_load %arg32[%get3A_2677, %get3A_2678] {strides = array<i32>} : memref<128x96xf32, #tpu.memory_space<vmem>>, vector<16xf32>,
        %get3A_2680 = arith.index_cast %scan3A_2632 : i32 to index
        %get3A_2681 = arith.constant 32 : index
        %get3A_2682 = tpu.vector_load %arg32[%get3A_2680, %get3A_2681] {strides = array<i32>} : memref<128x96xf32, #tpu.memory_space<vmem>>, vector<16xf32>,
        %get3A_2683 = arith.index_cast %scan3A_2632 : i32 to index
        %get3A_2684 = arith.constant 48 : index
        %get3A_2685 = tpu.vector_load %arg32[%get3A_2683, %get3A_2684] {strides = array<i32>} : memref<128x96xf32, #tpu.memory_space<vmem>>, vector<16xf32>,
        %get3A_2686 = arith.index_cast %scan3A_2632 : i32 to index
        %get3A_2687 = arith.constant 64 : index
        %get3A_2688 = tpu.vector_load %arg32[%get3A_2686, %get3A_2687] {strides = array<i32>} : memref<128x96xf32, #tpu.memory_space<vmem>>, vector<16xf32>,
        %get3A_2689 = arith.index_cast %scan3A_2632 : i32 to index
        %get3A_2690 = arith.constant 80 : index
        %get3A_2691 = tpu.vector_load %arg32[%get3A_2689, %get3A_2690] {strides = array<i32>} : memref<128x96xf32, #tpu.memory_space<vmem>>, vector<16xf32>,
        %get3A_2692 = arith.index_cast %scan3A_2632 : i32 to index
        %get3A_2693 = arith.constant 0 : index
        %get3A_2694 = tpu.vector_load %arg33[%get3A_2692, %get3A_2693] {strides = array<i32>} : memref<128x96xf32, #tpu.memory_space<vmem>>, vector<16xf32>,
        %get3A_2695 = arith.index_cast %scan3A_2632 : i32 to index
        %get3A_2696 = arith.constant 16 : index
        %get3A_2697 = tpu.vector_load %arg33[%get3A_2695, %get3A_2696] {strides = array<i32>} : memref<128x96xf32, #tpu.memory_space<vmem>>, vector<16xf32>,
        %get3A_2698 = arith.index_cast %scan3A_2632 : i32 to index
        %get3A_2699 = arith.constant 32 : index
        %get3A_2700 = tpu.vector_load %arg33[%get3A_2698, %get3A_2699] {strides = array<i32>} : memref<128x96xf32, #tpu.memory_space<vmem>>, vector<16xf32>,
        %get3A_2701 = arith.index_cast %scan3A_2632 : i32 to index
        %get3A_2702 = arith.constant 48 : index
        %get3A_2703 = tpu.vector_load %arg33[%get3A_2701, %get3A_2702] {strides = array<i32>} : memref<128x96xf32, #tpu.memory_space<vmem>>, vector<16xf32>,
        %get3A_2704 = arith.index_cast %scan3A_2632 : i32 to index
        %get3A_2705 = arith.constant 64 : index
        %get3A_2706 = tpu.vector_load %arg33[%get3A_2704, %get3A_2705] {strides = array<i32>} : memref<128x96xf32, #tpu.memory_space<vmem>>, vector<16xf32>,
        %get3A_2707 = arith.index_cast %scan3A_2632 : i32 to index
        %get3A_2708 = arith.constant 80 : index
        %get3A_2709 = tpu.vector_load %arg33[%get3A_2707, %get3A_2708] {strides = array<i32>} : memref<128x96xf32, #tpu.memory_space<vmem>>, vector<16xf32>,
        %mul3A_2710 = arith.mulf %gather3A_2634, %get3A_2640 : vector<16xf32>
        %mul3A_2711 = arith.mulf %gather3A_2635, %get3A_2658 : vector<16xf32>
        %add3A_2712 = arith.addf %mul3A_2710, %mul3A_2711 : vector<16xf32>
        %mul3A_2713 = arith.mulf %gather3A_2636, %get3A_2676 : vector<16xf32>
        %mul3A_2714 = arith.mulf %gather3A_2637, %get3A_2694 : vector<16xf32>
        %add3A_2715 = arith.addf %mul3A_2713, %mul3A_2714 : vector<16xf32>
        %add3A_2716 = arith.addf %add3A_2712, %add3A_2715 : vector<16xf32>
        %mul3A_2717 = arith.mulf %gather3A_2634, %get3A_2643 : vector<16xf32>
        %mul3A_2718 = arith.mulf %gather3A_2635, %get3A_2661 : vector<16xf32>
        %add3A_2719 = arith.addf %mul3A_2717, %mul3A_2718 : vector<16xf32>
        %mul3A_2720 = arith.mulf %gather3A_2636, %get3A_2679 : vector<16xf32>
        %mul3A_2721 = arith.mulf %gather3A_2637, %get3A_2697 : vector<16xf32>
        %add3A_2722 = arith.addf %mul3A_2720, %mul3A_2721 : vector<16xf32>
        %add3A_2723 = arith.addf %add3A_2719, %add3A_2722 : vector<16xf32>
        %mul3A_2724 = arith.mulf %gather3A_2634, %get3A_2646 : vector<16xf32>
        %mul3A_2725 = arith.mulf %gather3A_2635, %get3A_2664 : vector<16xf32>
        %add3A_2726 = arith.addf %mul3A_2724, %mul3A_2725 : vector<16xf32>
        %mul3A_2727 = arith.mulf %gather3A_2636, %get3A_2682 : vector<16xf32>
        %mul3A_2728 = arith.mulf %gather3A_2637, %get3A_2700 : vector<16xf32>
        %add3A_2729 = arith.addf %mul3A_2727, %mul3A_2728 : vector<16xf32>
        %add3A_2730 = arith.addf %add3A_2726, %add3A_2729 : vector<16xf32>
        %mul3A_2731 = arith.mulf %gather3A_2634, %get3A_2649 : vector<16xf32>
        %mul3A_2732 = arith.mulf %gather3A_2635, %get3A_2667 : vector<16xf32>
        %add3A_2733 = arith.addf %mul3A_2731, %mul3A_2732 : vector<16xf32>
        %mul3A_2734 = arith.mulf %gather3A_2636, %get3A_2685 : vector<16xf32>
        %mul3A_2735 = arith.mulf %gather3A_2637, %get3A_2703 : vector<16xf32>
        %add3A_2736 = arith.addf %mul3A_2734, %mul3A_2735 : vector<16xf32>
        %add3A_2737 = arith.addf %add3A_2733, %add3A_2736 : vector<16xf32>
        %mul3A_2738 = arith.mulf %gather3A_2634, %get3A_2652 : vector<16xf32>
        %mul3A_2739 = arith.mulf %gather3A_2635, %get3A_2670 : vector<16xf32>
        %add3A_2740 = arith.addf %mul3A_2738, %mul3A_2739 : vector<16xf32>
        %mul3A_2741 = arith.mulf %gather3A_2636, %get3A_2688 : vector<16xf32>
        %mul3A_2742 = arith.mulf %gather3A_2637, %get3A_2706 : vector<16xf32>
        %add3A_2743 = arith.addf %mul3A_2741, %mul3A_2742 : vector<16xf32>
        %add3A_2744 = arith.addf %add3A_2740, %add3A_2743 : vector<16xf32>
        %mul3A_2745 = arith.mulf %gather3A_2634, %get3A_2655 : vector<16xf32>
        %mul3A_2746 = arith.mulf %gather3A_2635, %get3A_2673 : vector<16xf32>
        %add3A_2747 = arith.addf %mul3A_2745, %mul3A_2746 : vector<16xf32>
        %mul3A_2748 = arith.mulf %gather3A_2636, %get3A_2691 : vector<16xf32>
        %mul3A_2749 = arith.mulf %gather3A_2637, %get3A_2709 : vector<16xf32>
        %add3A_2750 = arith.addf %mul3A_2748, %mul3A_2749 : vector<16xf32>
        %add3A_2751 = arith.addf %add3A_2747, %add3A_2750 : vector<16xf32>
        tpu.vector_store_idx %arg35[%shift_right_logical3A_2263, %and3A_2266, %broadcast_in_dim3A_2633], %add3A_2716 : memref<12x8x129xf32, #tpu.memory_space<vmem>>[vector<16xi32>, vector<16xi32>, vector<16xi32>], vector<16xf32>,
        tpu.vector_store_idx %arg35[%shift_right_logical3A_2272, %and3A_2275, %broadcast_in_dim3A_2633], %add3A_2723 : memref<12x8x129xf32, #tpu.memory_space<vmem>>[vector<16xi32>, vector<16xi32>, vector<16xi32>], vector<16xf32>,
        tpu.vector_store_idx %arg35[%shift_right_logical3A_2281, %and3A_2284, %broadcast_in_dim3A_2633], %add3A_2730 : memref<12x8x129xf32, #tpu.memory_space<vmem>>[vector<16xi32>, vector<16xi32>, vector<16xi32>], vector<16xf32>,
        tpu.vector_store_idx %arg35[%shift_right_logical3A_2290, %and3A_2293, %broadcast_in_dim3A_2633], %add3A_2737 : memref<12x8x129xf32, #tpu.memory_space<vmem>>[vector<16xi32>, vector<16xi32>, vector<16xi32>], vector<16xf32>,
        tpu.vector_store_idx %arg35[%shift_right_logical3A_2299, %and3A_2302, %broadcast_in_dim3A_2633], %add3A_2744 : memref<12x8x129xf32, #tpu.memory_space<vmem>>[vector<16xi32>, vector<16xi32>, vector<16xi32>], vector<16xf32>,
        tpu.vector_store_idx %arg35[%shift_right_logical3A_2308, %and3A_2311, %broadcast_in_dim3A_2633], %add3A_2751 : memref<12x8x129xf32, #tpu.memory_space<vmem>>[vector<16xi32>, vector<16xi32>, vector<16xi32>], vector<16xf32>,
        %scan3A_2752 = arith.constant 3 : i32
        %scan3A_2753 = arith.addi %scan3A_2392, %scan3A_2752 : i32
        %broadcast_in_dim3A_2754 = vector.broadcast %scan3A_2753 : i32 to vector<16xi32>
        %gather3A_2755 = tpu.vector_load_idx %arg22[%broadcast_in_dim3A_2754] : memref<128xf32, #tpu.memory_space<vmem>>[vector<16xi32>], vector<16xf32>,
        %gather3A_2756 = tpu.vector_load_idx %arg23[%broadcast_in_dim3A_2754] : memref<128xf32, #tpu.memory_space<vmem>>[vector<16xi32>], vector<16xf32>,
        %gather3A_2757 = tpu.vector_load_idx %arg24[%broadcast_in_dim3A_2754] : memref<128xf32, #tpu.memory_space<vmem>>[vector<16xi32>], vector<16xf32>,
        %gather3A_2758 = tpu.vector_load_idx %arg25[%broadcast_in_dim3A_2754] : memref<128xf32, #tpu.memory_space<vmem>>[vector<16xi32>], vector<16xf32>,
        %get3A_2759 = arith.index_cast %scan3A_2753 : i32 to index
        %get3A_2760 = arith.constant 0 : index
        %get3A_2761 = tpu.vector_load %arg30[%get3A_2759, %get3A_2760] {strides = array<i32>} : memref<128x96xf32, #tpu.memory_space<vmem>>, vector<16xf32>,
        %get3A_2762 = arith.index_cast %scan3A_2753 : i32 to index
        %get3A_2763 = arith.constant 16 : index
        %get3A_2764 = tpu.vector_load %arg30[%get3A_2762, %get3A_2763] {strides = array<i32>} : memref<128x96xf32, #tpu.memory_space<vmem>>, vector<16xf32>,
        %get3A_2765 = arith.index_cast %scan3A_2753 : i32 to index
        %get3A_2766 = arith.constant 32 : index
        %get3A_2767 = tpu.vector_load %arg30[%get3A_2765, %get3A_2766] {strides = array<i32>} : memref<128x96xf32, #tpu.memory_space<vmem>>, vector<16xf32>,
        %get3A_2768 = arith.index_cast %scan3A_2753 : i32 to index
        %get3A_2769 = arith.constant 48 : index
        %get3A_2770 = tpu.vector_load %arg30[%get3A_2768, %get3A_2769] {strides = array<i32>} : memref<128x96xf32, #tpu.memory_space<vmem>>, vector<16xf32>,
        %get3A_2771 = arith.index_cast %scan3A_2753 : i32 to index
        %get3A_2772 = arith.constant 64 : index
        %get3A_2773 = tpu.vector_load %arg30[%get3A_2771, %get3A_2772] {strides = array<i32>} : memref<128x96xf32, #tpu.memory_space<vmem>>, vector<16xf32>,
        %get3A_2774 = arith.index_cast %scan3A_2753 : i32 to index
        %get3A_2775 = arith.constant 80 : index
        %get3A_2776 = tpu.vector_load %arg30[%get3A_2774, %get3A_2775] {strides = array<i32>} : memref<128x96xf32, #tpu.memory_space<vmem>>, vector<16xf32>,
        %get3A_2777 = arith.index_cast %scan3A_2753 : i32 to index
        %get3A_2778 = arith.constant 0 : index
        %get3A_2779 = tpu.vector_load %arg31[%get3A_2777, %get3A_2778] {strides = array<i32>} : memref<128x96xf32, #tpu.memory_space<vmem>>, vector<16xf32>,
        %get3A_2780 = arith.index_cast %scan3A_2753 : i32 to index
        %get3A_2781 = arith.constant 16 : index
        %get3A_2782 = tpu.vector_load %arg31[%get3A_2780, %get3A_2781] {strides = array<i32>} : memref<128x96xf32, #tpu.memory_space<vmem>>, vector<16xf32>,
        %get3A_2783 = arith.index_cast %scan3A_2753 : i32 to index
        %get3A_2784 = arith.constant 32 : index
        %get3A_2785 = tpu.vector_load %arg31[%get3A_2783, %get3A_2784] {strides = array<i32>} : memref<128x96xf32, #tpu.memory_space<vmem>>, vector<16xf32>,
        %get3A_2786 = arith.index_cast %scan3A_2753 : i32 to index
        %get3A_2787 = arith.constant 48 : index
        %get3A_2788 = tpu.vector_load %arg31[%get3A_2786, %get3A_2787] {strides = array<i32>} : memref<128x96xf32, #tpu.memory_space<vmem>>, vector<16xf32>,
        %get3A_2789 = arith.index_cast %scan3A_2753 : i32 to index
        %get3A_2790 = arith.constant 64 : index
        %get3A_2791 = tpu.vector_load %arg31[%get3A_2789, %get3A_2790] {strides = array<i32>} : memref<128x96xf32, #tpu.memory_space<vmem>>, vector<16xf32>,
        %get3A_2792 = arith.index_cast %scan3A_2753 : i32 to index
        %get3A_2793 = arith.constant 80 : index
        %get3A_2794 = tpu.vector_load %arg31[%get3A_2792, %get3A_2793] {strides = array<i32>} : memref<128x96xf32, #tpu.memory_space<vmem>>, vector<16xf32>,
        %get3A_2795 = arith.index_cast %scan3A_2753 : i32 to index
        %get3A_2796 = arith.constant 0 : index
        %get3A_2797 = tpu.vector_load %arg32[%get3A_2795, %get3A_2796] {strides = array<i32>} : memref<128x96xf32, #tpu.memory_space<vmem>>, vector<16xf32>,
        %get3A_2798 = arith.index_cast %scan3A_2753 : i32 to index
        %get3A_2799 = arith.constant 16 : index
        %get3A_2800 = tpu.vector_load %arg32[%get3A_2798, %get3A_2799] {strides = array<i32>} : memref<128x96xf32, #tpu.memory_space<vmem>>, vector<16xf32>,
        %get3A_2801 = arith.index_cast %scan3A_2753 : i32 to index
        %get3A_2802 = arith.constant 32 : index
        %get3A_2803 = tpu.vector_load %arg32[%get3A_2801, %get3A_2802] {strides = array<i32>} : memref<128x96xf32, #tpu.memory_space<vmem>>, vector<16xf32>,
        %get3A_2804 = arith.index_cast %scan3A_2753 : i32 to index
        %get3A_2805 = arith.constant 48 : index
        %get3A_2806 = tpu.vector_load %arg32[%get3A_2804, %get3A_2805] {strides = array<i32>} : memref<128x96xf32, #tpu.memory_space<vmem>>, vector<16xf32>,
        %get3A_2807 = arith.index_cast %scan3A_2753 : i32 to index
        %get3A_2808 = arith.constant 64 : index
        %get3A_2809 = tpu.vector_load %arg32[%get3A_2807, %get3A_2808] {strides = array<i32>} : memref<128x96xf32, #tpu.memory_space<vmem>>, vector<16xf32>,
        %get3A_2810 = arith.index_cast %scan3A_2753 : i32 to index
        %get3A_2811 = arith.constant 80 : index
        %get3A_2812 = tpu.vector_load %arg32[%get3A_2810, %get3A_2811] {strides = array<i32>} : memref<128x96xf32, #tpu.memory_space<vmem>>, vector<16xf32>,
        %get3A_2813 = arith.index_cast %scan3A_2753 : i32 to index
        %get3A_2814 = arith.constant 0 : index
        %get3A_2815 = tpu.vector_load %arg33[%get3A_2813, %get3A_2814] {strides = array<i32>} : memref<128x96xf32, #tpu.memory_space<vmem>>, vector<16xf32>,
        %get3A_2816 = arith.index_cast %scan3A_2753 : i32 to index
        %get3A_2817 = arith.constant 16 : index
        %get3A_2818 = tpu.vector_load %arg33[%get3A_2816, %get3A_2817] {strides = array<i32>} : memref<128x96xf32, #tpu.memory_space<vmem>>, vector<16xf32>,
        %get3A_2819 = arith.index_cast %scan3A_2753 : i32 to index
        %get3A_2820 = arith.constant 32 : index
        %get3A_2821 = tpu.vector_load %arg33[%get3A_2819, %get3A_2820] {strides = array<i32>} : memref<128x96xf32, #tpu.memory_space<vmem>>, vector<16xf32>,
        %get3A_2822 = arith.index_cast %scan3A_2753 : i32 to index
        %get3A_2823 = arith.constant 48 : index
        %get3A_2824 = tpu.vector_load %arg33[%get3A_2822, %get3A_2823] {strides = array<i32>} : memref<128x96xf32, #tpu.memory_space<vmem>>, vector<16xf32>,
        %get3A_2825 = arith.index_cast %scan3A_2753 : i32 to index
        %get3A_2826 = arith.constant 64 : index
        %get3A_2827 = tpu.vector_load %arg33[%get3A_2825, %get3A_2826] {strides = array<i32>} : memref<128x96xf32, #tpu.memory_space<vmem>>, vector<16xf32>,
        %get3A_2828 = arith.index_cast %scan3A_2753 : i32 to index
        %get3A_2829 = arith.constant 80 : index
        %get3A_2830 = tpu.vector_load %arg33[%get3A_2828, %get3A_2829] {strides = array<i32>} : memref<128x96xf32, #tpu.memory_space<vmem>>, vector<16xf32>,
        %mul3A_2831 = arith.mulf %gather3A_2755, %get3A_2761 : vector<16xf32>
        %mul3A_2832 = arith.mulf %gather3A_2756, %get3A_2779 : vector<16xf32>
        %add3A_2833 = arith.addf %mul3A_2831, %mul3A_2832 : vector<16xf32>
        %mul3A_2834 = arith.mulf %gather3A_2757, %get3A_2797 : vector<16xf32>
        %mul3A_2835 = arith.mulf %gather3A_2758, %get3A_2815 : vector<16xf32>
        %add3A_2836 = arith.addf %mul3A_2834, %mul3A_2835 : vector<16xf32>
        %add3A_2837 = arith.addf %add3A_2833, %add3A_2836 : vector<16xf32>
        %mul3A_2838 = arith.mulf %gather3A_2755, %get3A_2764 : vector<16xf32>
        %mul3A_2839 = arith.mulf %gather3A_2756, %get3A_2782 : vector<16xf32>
        %add3A_2840 = arith.addf %mul3A_2838, %mul3A_2839 : vector<16xf32>
        %mul3A_2841 = arith.mulf %gather3A_2757, %get3A_2800 : vector<16xf32>
        %mul3A_2842 = arith.mulf %gather3A_2758, %get3A_2818 : vector<16xf32>
        %add3A_2843 = arith.addf %mul3A_2841, %mul3A_2842 : vector<16xf32>
        %add3A_2844 = arith.addf %add3A_2840, %add3A_2843 : vector<16xf32>
        %mul3A_2845 = arith.mulf %gather3A_2755, %get3A_2767 : vector<16xf32>
        %mul3A_2846 = arith.mulf %gather3A_2756, %get3A_2785 : vector<16xf32>
        %add3A_2847 = arith.addf %mul3A_2845, %mul3A_2846 : vector<16xf32>
        %mul3A_2848 = arith.mulf %gather3A_2757, %get3A_2803 : vector<16xf32>
        %mul3A_2849 = arith.mulf %gather3A_2758, %get3A_2821 : vector<16xf32>
        %add3A_2850 = arith.addf %mul3A_2848, %mul3A_2849 : vector<16xf32>
        %add3A_2851 = arith.addf %add3A_2847, %add3A_2850 : vector<16xf32>
        %mul3A_2852 = arith.mulf %gather3A_2755, %get3A_2770 : vector<16xf32>
        %mul3A_2853 = arith.mulf %gather3A_2756, %get3A_2788 : vector<16xf32>
        %add3A_2854 = arith.addf %mul3A_2852, %mul3A_2853 : vector<16xf32>
        %mul3A_2855 = arith.mulf %gather3A_2757, %get3A_2806 : vector<16xf32>
        %mul3A_2856 = arith.mulf %gather3A_2758, %get3A_2824 : vector<16xf32>
        %add3A_2857 = arith.addf %mul3A_2855, %mul3A_2856 : vector<16xf32>
        %add3A_2858 = arith.addf %add3A_2854, %add3A_2857 : vector<16xf32>
        %mul3A_2859 = arith.mulf %gather3A_2755, %get3A_2773 : vector<16xf32>
        %mul3A_2860 = arith.mulf %gather3A_2756, %get3A_2791 : vector<16xf32>
        %add3A_2861 = arith.addf %mul3A_2859, %mul3A_2860 : vector<16xf32>
        %mul3A_2862 = arith.mulf %gather3A_2757, %get3A_2809 : vector<16xf32>
        %mul3A_2863 = arith.mulf %gather3A_2758, %get3A_2827 : vector<16xf32>
        %add3A_2864 = arith.addf %mul3A_2862, %mul3A_2863 : vector<16xf32>
        %add3A_2865 = arith.addf %add3A_2861, %add3A_2864 : vector<16xf32>
        %mul3A_2866 = arith.mulf %gather3A_2755, %get3A_2776 : vector<16xf32>
        %mul3A_2867 = arith.mulf %gather3A_2756, %get3A_2794 : vector<16xf32>
        %add3A_2868 = arith.addf %mul3A_2866, %mul3A_2867 : vector<16xf32>
        %mul3A_2869 = arith.mulf %gather3A_2757, %get3A_2812 : vector<16xf32>
        %mul3A_2870 = arith.mulf %gather3A_2758, %get3A_2830 : vector<16xf32>
        %add3A_2871 = arith.addf %mul3A_2869, %mul3A_2870 : vector<16xf32>
        %add3A_2872 = arith.addf %add3A_2868, %add3A_2871 : vector<16xf32>
        tpu.vector_store_idx %arg35[%shift_right_logical3A_2263, %and3A_2266, %broadcast_in_dim3A_2754], %add3A_2837 : memref<12x8x129xf32, #tpu.memory_space<vmem>>[vector<16xi32>, vector<16xi32>, vector<16xi32>], vector<16xf32>,
        tpu.vector_store_idx %arg35[%shift_right_logical3A_2272, %and3A_2275, %broadcast_in_dim3A_2754], %add3A_2844 : memref<12x8x129xf32, #tpu.memory_space<vmem>>[vector<16xi32>, vector<16xi32>, vector<16xi32>], vector<16xf32>,
        tpu.vector_store_idx %arg35[%shift_right_logical3A_2281, %and3A_2284, %broadcast_in_dim3A_2754], %add3A_2851 : memref<12x8x129xf32, #tpu.memory_space<vmem>>[vector<16xi32>, vector<16xi32>, vector<16xi32>], vector<16xf32>,
        tpu.vector_store_idx %arg35[%shift_right_logical3A_2290, %and3A_2293, %broadcast_in_dim3A_2754], %add3A_2858 : memref<12x8x129xf32, #tpu.memory_space<vmem>>[vector<16xi32>, vector<16xi32>, vector<16xi32>], vector<16xf32>,
        tpu.vector_store_idx %arg35[%shift_right_logical3A_2299, %and3A_2302, %broadcast_in_dim3A_2754], %add3A_2865 : memref<12x8x129xf32, #tpu.memory_space<vmem>>[vector<16xi32>, vector<16xi32>, vector<16xi32>], vector<16xf32>,
        tpu.vector_store_idx %arg35[%shift_right_logical3A_2308, %and3A_2311, %broadcast_in_dim3A_2754], %add3A_2872 : memref<12x8x129xf32, #tpu.memory_space<vmem>>[vector<16xi32>, vector<16xi32>, vector<16xi32>], vector<16xf32>,
      }
      %scan3A_2317 = arith.constant 128 : i32
      %add3A_2318 = arith.constant 1 : i32
      %add3A_2319 = arith.addi %mul3A_1061, %add3A_2318 : i32
      %mul3A_2320 = arith.constant 128 : i32
      %mul3A_2321 = arith.muli %add3A_2319, %mul3A_2320 : i32
      %add3A_2322 = arith.addi %mul3A_2, %mul3A_2321 : i32
      %jit3A_2323 = arith.constant 384 : i32
      %div3A_2324 = arith.divsi %add3A_2322, %jit3A_2323 : i32
      %sign3A_2325 = arith.constant 0 : i32
      %sign3A_2326 = arith.cmpi sgt, %add3A_2322, %sign3A_2325 : i32
      %sign3A_2327 = arith.extui %sign3A_2326 : i1 to i32
      %sign3A_2328 = arith.constant 0 : i32
      %sign3A_2329 = arith.cmpi slt, %add3A_2322, %sign3A_2328 : i32
      %sign3A_2330 = arith.extui %sign3A_2329 : i1 to i32
      %sign3A_2331 = arith.subi %sign3A_2327, %sign3A_2330 : i32
      %sign3A_2332 = arith.constant 0 : i32
      %sign3A_2333 = arith.cmpi sgt, %jit3A_2323, %sign3A_2332 : i32
      %sign3A_2334 = arith.extui %sign3A_2333 : i1 to i32
      %sign3A_2335 = arith.constant 0 : i32
      %sign3A_2336 = arith.cmpi slt, %jit3A_2323, %sign3A_2335 : i32
      %sign3A_2337 = arith.extui %sign3A_2336 : i1 to i32
      %sign3A_2338 = arith.subi %sign3A_2334, %sign3A_2337 : i32
      %ne3A_2339 = arith.cmpi ne, %sign3A_2331, %sign3A_2338 : i32
      %rem3A_2340 = arith.remsi %add3A_2322, %jit3A_2323 : i32
      %ne3A_2341 = arith.constant 0 : i32
      %ne3A_2342 = arith.cmpi ne, %rem3A_2340, %ne3A_2341 : i32
      %and3A_2343 = arith.andi %ne3A_2339, %ne3A_2342 : i1
      %sub3A_2344 = arith.constant 1 : i32
      %sub3A_2345 = arith.subi %div3A_2324, %sub3A_2344 : i32
      %select_n3A_2346 = arith.select %and3A_2343, %sub3A_2345, %div3A_2324 : i32
      %mul3A_2347 = arith.constant 384 : i32
      %mul3A_2348 = arith.muli %select_n3A_2346, %mul3A_2347 : i32
      %sub3A_2349 = arith.subi %add3A_2322, %mul3A_2348 : i32
      %jit3A_2350 = arith.constant 128 : i32
      %div3A_2351 = arith.divsi %sub3A_2349, %jit3A_2350 : i32
      %sign3A_2352 = arith.constant 0 : i32
      %sign3A_2353 = arith.cmpi sgt, %sub3A_2349, %sign3A_2352 : i32
      %sign3A_2354 = arith.extui %sign3A_2353 : i1 to i32
      %sign3A_2355 = arith.constant 0 : i32
      %sign3A_2356 = arith.cmpi slt, %sub3A_2349, %sign3A_2355 : i32
      %sign3A_2357 = arith.extui %sign3A_2356 : i1 to i32
      %sign3A_2358 = arith.subi %sign3A_2354, %sign3A_2357 : i32
      %sign3A_2359 = arith.constant 0 : i32
      %sign3A_2360 = arith.cmpi sgt, %jit3A_2350, %sign3A_2359 : i32
      %sign3A_2361 = arith.extui %sign3A_2360 : i1 to i32
      %sign3A_2362 = arith.constant 0 : i32
      %sign3A_2363 = arith.cmpi slt, %jit3A_2350, %sign3A_2362 : i32
      %sign3A_2364 = arith.extui %sign3A_2363 : i1 to i32
      %sign3A_2365 = arith.subi %sign3A_2361, %sign3A_2364 : i32
      %ne3A_2366 = arith.cmpi ne, %sign3A_2358, %sign3A_2365 : i32
      %rem3A_2367 = arith.remsi %sub3A_2349, %jit3A_2350 : i32
      %ne3A_2368 = arith.constant 0 : i32
      %ne3A_2369 = arith.cmpi ne, %rem3A_2367, %ne3A_2368 : i32
      %and3A_2370 = arith.andi %ne3A_2366, %ne3A_2369 : i1
      %sub3A_2371 = arith.constant 1 : i32
      %sub3A_2372 = arith.subi %div3A_2351, %sub3A_2371 : i32
      %select_n3A_2373 = arith.select %and3A_2370, %sub3A_2372, %div3A_2351 : i32
      %dma_start3A_2374 = arith.constant 0 : i32
      %dma_start3A_2375 = arith.constant 0 : i32
      %dma_start3A_2376 = arith.constant 0 : i32
      %dma_start3A_2377 = tpu.memref_slice %arg35[%dma_start3A_2374, %dma_start3A_2375, %dma_start3A_2376] : memref<12x8x129xf32, #tpu.memory_space<vmem>> -> memref<12x8x128xf32, #tpu.memory_space<vmem>>
      %dma_start3A_2378 = arith.constant 0 : i32
      %dma_start3A_2379 = arith.constant 0 : i32
      %dma_start3A_2380 = arith.constant 0 : i32
      %dma_start3A_2381 = tpu.memref_slice %arg5[%select_n3A_2346, %dma_start3A_2378, %select_n3A_2373, %dma_start3A_2379, %dma_start3A_2380] : memref<1536x12x3x8x128xf32, #tpu.memory_space<hbm>> -> memref<1x12x1x8x128xf32, #tpu.memory_space<hbm>>
      %dma_start3A_2382 = tpu.memref_squeeze %dma_start3A_2381 : memref<1x12x1x8x128xf32, #tpu.memory_space<hbm>> -> memref<12x8x128xf32, #tpu.memory_space<hbm>>
      %dma_start3A_2383 = arith.constant 0 : i32
      %dma_start3A_2384 = arith.constant 0 : i32
      %dma_start3A_2385 = arith.constant 0 : i32
      %dma_start3A_2386 = tpu.memref_slice %arg5[%select_n3A_2346, %dma_start3A_2383, %select_n3A_2373, %dma_start3A_2384, %dma_start3A_2385] : memref<1536x12x3x8x128xf32, #tpu.memory_space<hbm>> -> memref<1x12x1x8x128xf32, #tpu.memory_space<hbm>>
      %dma_start3A_2387 = tpu.memref_squeeze %dma_start3A_2386 : memref<1x12x1x8x128xf32, #tpu.memory_space<hbm>> -> memref<12x8x128xf32, #tpu.memory_space<hbm>>
      %dma_start3A_2388 = arith.constant 0 : i32
      %dma_start3A_2389 = arith.constant 0 : i32
      %dma_start3A_2390 = arith.constant 0 : i32
      %dma_start3A_2391 = tpu.memref_slice %arg35[%dma_start3A_2388, %dma_start3A_2389, %dma_start3A_2390] : memref<12x8x129xf32, #tpu.memory_space<vmem>> -> memref<12x8x128xf32, #tpu.memory_space<vmem>>
      tpu.enqueue_dma source(%dma_start3A_2391 : memref<12x8x128xf32, #tpu.memory_space<vmem>>) target(%dma_start3A_2387 : memref<12x8x128xf32, #tpu.memory_space<hbm>>) target_semaphore(%arg41 : memref<!tpu.dma_semaphore, #tpu.memory_space<semaphore_mem>>)
    }
    %scan3A_1018 = arith.constant 72 : i32
    %dma_wait3A_1019 = arith.constant 0 : i32
    %dma_wait3A_1020 = arith.constant 0 : i32
    %dma_wait3A_1021 = arith.constant 0 : i32
    %dma_wait3A_1022 = arith.constant 0 : i32
    %dma_wait3A_1023 = arith.constant 0 : i32
    %dma_wait3A_1024 = tpu.memref_slice %arg34[%dma_wait3A_1021, %dma_wait3A_1022, %dma_wait3A_1023] : memref<12x8x129xf32, #tpu.memory_space<vmem>> -> memref<12x8x128xf32, #tpu.memory_space<vmem>>
    %dma_wait3A_1025 = arith.constant 0 : i32
    %dma_wait3A_1026 = arith.constant 0 : i32
    %dma_wait3A_1027 = arith.constant 0 : i32
    %dma_wait3A_1028 = tpu.memref_slice %arg5[%dma_wait3A_1019, %dma_wait3A_1025, %dma_wait3A_1020, %dma_wait3A_1026, %dma_wait3A_1027] : memref<1536x12x3x8x128xf32, #tpu.memory_space<hbm>> -> memref<1x12x1x8x128xf32, #tpu.memory_space<hbm>>
    %dma_wait3A_1029 = tpu.memref_squeeze %dma_wait3A_1028 : memref<1x12x1x8x128xf32, #tpu.memory_space<hbm>> -> memref<12x8x128xf32, #tpu.memory_space<hbm>>
    %dma_wait3A_1030 = arith.constant 0 : i32
    %dma_wait3A_1031 = arith.constant 0 : i32
    %dma_wait3A_1032 = arith.constant 0 : i32
    %dma_wait3A_1033 = tpu.memref_slice %arg5[%dma_wait3A_1019, %dma_wait3A_1030, %dma_wait3A_1020, %dma_wait3A_1031, %dma_wait3A_1032] : memref<1536x12x3x8x128xf32, #tpu.memory_space<hbm>> -> memref<1x12x1x8x128xf32, #tpu.memory_space<hbm>>
    %dma_wait3A_1034 = tpu.memref_squeeze %dma_wait3A_1033 : memref<1x12x1x8x128xf32, #tpu.memory_space<hbm>> -> memref<12x8x128xf32, #tpu.memory_space<hbm>>
    %dma_wait3A_1035 = arith.constant 0 : i32
    %dma_wait3A_1036 = arith.constant 0 : i32
    %dma_wait3A_1037 = arith.constant 0 : i32
    %dma_wait3A_1038 = tpu.memref_slice %arg34[%dma_wait3A_1035, %dma_wait3A_1036, %dma_wait3A_1037] : memref<12x8x129xf32, #tpu.memory_space<vmem>> -> memref<12x8x128xf32, #tpu.memory_space<vmem>>
    tpu.wait_dma2 semaphore(%arg40 : memref<!tpu.dma_semaphore, #tpu.memory_space<semaphore_mem>>) src(%dma_wait3A_1038 : memref<12x8x128xf32, #tpu.memory_space<vmem>>) dst(%dma_wait3A_1034 : memref<12x8x128xf32, #tpu.memory_space<hbm>>)
    %dma_wait3A_1039 = arith.constant 0 : i32
    %dma_wait3A_1040 = arith.constant 0 : i32
    %dma_wait3A_1041 = arith.constant 0 : i32
    %dma_wait3A_1042 = arith.constant 0 : i32
    %dma_wait3A_1043 = arith.constant 0 : i32
    %dma_wait3A_1044 = tpu.memref_slice %arg35[%dma_wait3A_1041, %dma_wait3A_1042, %dma_wait3A_1043] : memref<12x8x129xf32, #tpu.memory_space<vmem>> -> memref<12x8x128xf32, #tpu.memory_space<vmem>>
    %dma_wait3A_1045 = arith.constant 0 : i32
    %dma_wait3A_1046 = arith.constant 0 : i32
    %dma_wait3A_1047 = arith.constant 0 : i32
    %dma_wait3A_1048 = tpu.memref_slice %arg5[%dma_wait3A_1039, %dma_wait3A_1045, %dma_wait3A_1040, %dma_wait3A_1046, %dma_wait3A_1047] : memref<1536x12x3x8x128xf32, #tpu.memory_space<hbm>> -> memref<1x12x1x8x128xf32, #tpu.memory_space<hbm>>
    %dma_wait3A_1049 = tpu.memref_squeeze %dma_wait3A_1048 : memref<1x12x1x8x128xf32, #tpu.memory_space<hbm>> -> memref<12x8x128xf32, #tpu.memory_space<hbm>>
    %dma_wait3A_1050 = arith.constant 0 : i32
    %dma_wait3A_1051 = arith.constant 0 : i32
    %dma_wait3A_1052 = arith.constant 0 : i32
    %dma_wait3A_1053 = tpu.memref_slice %arg5[%dma_wait3A_1039, %dma_wait3A_1050, %dma_wait3A_1040, %dma_wait3A_1051, %dma_wait3A_1052] : memref<1536x12x3x8x128xf32, #tpu.memory_space<hbm>> -> memref<1x12x1x8x128xf32, #tpu.memory_space<hbm>>
    %dma_wait3A_1054 = tpu.memref_squeeze %dma_wait3A_1053 : memref<1x12x1x8x128xf32, #tpu.memory_space<hbm>> -> memref<12x8x128xf32, #tpu.memory_space<hbm>>
    %dma_wait3A_1055 = arith.constant 0 : i32
    %dma_wait3A_1056 = arith.constant 0 : i32
    %dma_wait3A_1057 = arith.constant 0 : i32
    %dma_wait3A_1058 = tpu.memref_slice %arg35[%dma_wait3A_1055, %dma_wait3A_1056, %dma_wait3A_1057] : memref<12x8x129xf32, #tpu.memory_space<vmem>> -> memref<12x8x128xf32, #tpu.memory_space<vmem>>
    tpu.wait_dma2 semaphore(%arg41 : memref<!tpu.dma_semaphore, #tpu.memory_space<semaphore_mem>>) src(%dma_wait3A_1058 : memref<12x8x128xf32, #tpu.memory_space<vmem>>) dst(%dma_wait3A_1054 : memref<12x8x128xf32, #tpu.memory_space<hbm>>)
    return
  }
}

</mosaic_0001>

<sc_bundles>
// kernel: kernel.3.cloned.1.call-start
scs
__scs_entry_jumppad:
0x0: {  	(pc) =	sbr.rel $0x88, $3  }
0x1: {  	(tag) =	ssettag $0x0;
	lr =	simm.s32 $0x1  }
0x2: {  	[smem:$0x3F9F] =	sst lr;
	_ =	strace $0xD0000000  }
0x3: {  	_ = 	snop  }
0x4: {  	_ = 	snop  }
0x5: {  	_ = 	snop  }
0x6: {  	_ = 	snop  }
0x7: {  	_ = 	snop  }
__scs_overlays_trampoline_lowered:
0x8: {  	[smem:$0x3FAE] =	sst s0  }
0x9: {  	[smem:$0x3FAF] =	sst s1  }
0xa: {  	[smem:$0x3FB0] =	sst s2  }
0xb: {  	[smem:$0x3FB1] =	sst s3  }
0xc: {  	[smem:$0x3FB2] =	sst s4  }
0xd: {  	[smem:$0x3FB3] =	sst s5  }
0xe: {  	[smem:$0x3FB4] =	sst s6  }
0xf: {  	[smem:$0x3FB5] =	sst s7  }
0x10: {  	[smem:$0x3FB6] =	sst s8  }
0x11: {  	[smem:$0x3FB7] =	sst s9;
	s0 =	simm.s32 @!p0 $0x0  }
0x12: {  	s1 =	sld [smem:$0x3F9D];
	s0 =	simm.s32 @p0 $0x1  }
0x13: {  	[smem:$0x3FB8] =	sst s0;
	s0 =	simm.s32 @!p1 $0x0  }
0x14: {  	s2 =	sld [smem:$0x3F9C];
	s0 =	simm.s32 @p1 $0x1  }
0x15: {  	[smem:$0x3FB9] =	sst s0;
	s0 =	simm.s32 @!p2 $0x0  }
0x16: {  	s3 =	sld [smem:$0x3FDB];
	s0 =	simm.s32 @p2 $0x1  }
0x17: {  	s4 =	simm.s32 $0x1BF5;
	[smem:$0x3FBB] =	sst s0  }
0x18: {  	s0 =	sld [smem:$0x3F9E];
	_ =	swait.ge [sflag:s4], $0x0  }
0x19: {  	s7 =	sld [smem:$0x3F9F]  }
0x1a: {  	s8 =	sadd.s32 $0xFFFFE003, lr  }
0x1b: {  	s9 =	sadd.s32 $0xFFFFFEF7, lr;
	s5 =	simm.s32 $0xFFFFFFFF;
	p2 =	slt.u32 s8, $0xFFFFF086  }
0x1c: {  	p1 =	slt.u32 s9, $0xF7A;
	s5 =	simm.s32 @!p2 $0x0  }
0x1d: {  	s5 =	simm.s32 @p1 $0x1;
	p0 =	seq.s32 s7, s2  }
0x1e: {  	s7 =	smul.u32 @!p0 $0xF7A, s2;
	p2 =	seq.s32 @!p0 s5, $0x0  }
0x1f: {  	s9 =	smul.u32 $0xF7A, s1;
	s8 =	simm.s32 @!p0 $0x1BF5;
	p2 =	por !p2, p0  }
0x20: {  	[sflag:s8] =	ssyncset.s32 @!p0 $0xFFFFF086;
	s6 =	sadd.s32 @!p0 s3, s7;
	s7 =	simm.s32 @!p0 $0x108  }
0x21: {  	s3 =	sadd.s32 s3, s9;
	s6 =	sadd.s32 @!p0 $0x88, s6;
	s7 =	simm.s32 @p2 $0x1082  }
0x22: {  	[simem:s7], [sflag:s8] =	dma.local @!p0 [hbm:s6], $0xF7A  }
0x23: {  	s9 =	sor.u32 $0xD0000000, s2;
	s6 =	simm.s32 $0x108;
	_ =	swait.ge @!p0 [sflag:s8], $0x0  }
0x24: {  	s3 =	sadd.s32 $0x88, s3;
	s6 =	simm.s32 @!p1 $0x1082;
	[sflag:s4] =	ssyncset.s32 $0xFFFFF086  }
0x25: {  	[simem:s6], [sflag:s4] =	dma.local [hbm:s3], $0xF7A  }
0x26: {  	[smem:$0x3F9F] =	sst s1;
	(tag) =	ssettag s2;
	_ =	strace s9  }
0x27: {  	s1 =	sld [smem:$0x3FAF]  }
0x28: {  	s2 =	sld [smem:$0x3FB0]  }
0x29: {  	s4 =	sld [smem:$0x3FB2]  }
0x2a: {  	p0 =	seq.s32 s5, $0x0;
	s5 =	sld [smem:$0x3FB3]  }
0x2b: {  	s6 =	sld [smem:$0x3FB4]  }
0x2c: {  	s7 =	sld [smem:$0x3FB5]  }
0x2d: {  	s3 =	simm.s32 $0x108;
	s8 =	sld [smem:$0x3FB6]  }
0x2e: {  	s3 =	simm.s32 @!p0 $0x1082;
	s9 =	sld [smem:$0x3FB7]  }
0x2f: {  	lr =	sadd.s32 s0, s3;
	s0 =	sld [smem:$0x3FAE]  }
0x30: {  	s3 =	sld [smem:$0x3FB1]  }
0x31: {  	[smem:$0x3FBA] =	sst s10  }
0x32: {  	s10 =	sld [smem:$0x3FB8];
	_ =	sdelay $0x3  }
0x33: {  	p0 =	seq.s32 s10, $0x1;
	s10 =	sld [smem:$0x3FBA];
	_ =	sdelay $0x3  }
0x34: {  	[smem:$0x3FBA] =	sst s10  }
0x35: {  	s10 =	sld [smem:$0x3FB9];
	_ =	sdelay $0x3  }
0x36: {  	p1 =	seq.s32 s10, $0x1;
	s10 =	sld [smem:$0x3FBA];
	_ =	sdelay $0x3  }
0x37: {  	[smem:$0x3FBA] =	sst s10  }
0x38: {  	s10 =	sld [smem:$0x3FBB]  }
0x39: {  	_ = 	snop;
	(pc) =	sbr.ind lr, $3  }
0x3a: {  	_ = 	snop  }
0x3b: {  	_ = 	snop  }
0x3c: {  	p2 =	seq.s32 s10, $0x1;
	s10 =	sld [smem:$0x3FBA]  }
0x3d: {  	_ =	shalt  }
0x3e: {  	_ =	shalt  }
0x3f: {  	_ =	shalt  }
0x40: {  	_ =	shalt  }
0x41: {  	_ =	shalt  }
0x42: {  	_ =	shalt  }
0x43: {  	_ =	shalt  }
0x44: {  	_ =	shalt  }
0x45: {  	_ =	shalt  }
0x46: {  	_ =	shalt  }
0x47: {  	_ =	shalt  }
0x48: {  	_ =	shalt  }
0x49: {  	_ =	shalt  }
0x4a: {  	_ =	shalt  }
0x4b: {  	_ =	shalt  }
0x4c: {  	_ =	shalt  }
0x4d: {  	_ =	shalt  }
0x4e: {  	_ =	shalt  }
0x4f: {  	_ =	shalt  }
0x50: {  	_ =	shalt  }
0x51: {  	_ =	shalt  }
0x52: {  	_ =	shalt  }
0x53: {  	_ =	shalt  }
0x54: {  	_ =	shalt  }
0x55: {  	_ =	shalt  }
0x56: {  	_ =	shalt  }
0x57: {  	_ =	shalt  }
0x58: {  	_ =	shalt  }
0x59: {  	_ =	shalt  }
0x5a: {  	_ =	shalt  }
0x5b: {  	_ =	shalt  }
0x5c: {  	_ =	shalt  }
0x5d: {  	_ =	shalt  }
0x5e: {  	_ =	shalt  }
0x5f: {  	_ =	shalt  }
0x60: {  	_ =	shalt  }
0x61: {  	_ =	shalt  }
0x62: {  	_ =	shalt  }
0x63: {  	_ =	shalt  }
0x64: {  	_ =	shalt  }
0x65: {  	_ =	shalt  }
0x66: {  	_ =	shalt  }
0x67: {  	_ =	shalt  }
0x68: {  	_ =	shalt  }
0x69: {  	_ =	shalt  }
0x6a: {  	_ =	shalt  }
0x6b: {  	_ =	shalt  }
0x6c: {  	_ =	shalt  }
0x6d: {  	_ =	shalt  }
0x6e: {  	_ =	shalt  }
0x6f: {  	_ =	shalt  }
0x70: {  	_ =	shalt  }
0x71: {  	_ =	shalt  }
0x72: {  	_ =	shalt  }
0x73: {  	_ =	shalt  }
0x74: {  	_ =	shalt  }
0x75: {  	_ =	shalt  }
0x76: {  	_ =	shalt  }
0x77: {  	_ =	shalt  }
0x78: {  	_ =	shalt  }
0x79: {  	_ =	shalt  }
0x7a: {  	_ =	shalt  }
0x7b: {  	_ =	shalt  }
0x7c: {  	_ =	shalt  }
0x7d: {  	_ =	shalt  }
0x7e: {  	_ =	shalt  }
0x7f: {  	_ =	shalt  }
0x80: {  	_ =	shalt  }
0x81: {  	_ =	shalt  }
0x82: {  	_ =	shalt  }
0x83: {  	_ =	shalt  }
0x84: {  	_ =	shalt  }
0x85: {  	_ =	shalt  }
0x86: {  	_ =	shalt  }
0x87: {  	_ =	shalt  }
.Lfunc_end0:
.L_simem_size_0:
called_computation_lowered:
.L_overlay_start_0:
0x88: {  	s2 =	sld [smem:$0x3FD9]  }
0x89: {  	s3 =	sld [smem:$0x3FFE];
	_ =	sdelay $0x1  }
0x8a: {  	s1 =	srdreg.scid  }
0x8b: {  	s0 =	sand.u32 $0x1, s1  }
0x8c: {  	s17 =	sshll.u32 s0, $0xA;
	s2 =	sadd.s32 s3, s2  }
0x8d: {  	s2 =	sadd.s32 s2, s17  }
0x8e: {  	[smem:$0x3FC6] =	sst s2  }
0x8f: {  	_ = 	snop  }
0x90: {  	s2 =	sld [smem:$0x3FD0];
	(tm) =	ssettm $0x1  }
0x91: {  	s18 =	sld [smem:$0x3FFB];
	_ =	sdelay $0x3  }
0x92: {  	_ =	strace s18  }
0x93: {  	s3 =	sld [smem:$0x3FFC];
	_ =	sdelay $0x3  }
0x94: {  	_ =	strace s3  }
0x95: {  	s3 =	sld [smem:$0x3FFD];
	_ =	sdelay $0x3  }
0x96: {  	_ =	strace s3  }
0x97: {  	_ =	strace $0x8FFFFFFF  }
0x98: {  	s19 =	sld [smem:$0x3FDB];
	_ =	sdelay $0x1  }
0x99: {  	s4 =	simm.s32 $_scs_section_size  }
0x9a: {  	s5 =	simm.s32 $_size__tile_overlayer_lowered;
	s6 =	simm.s32 $_tile_overlayer_lowered  }
0x9b: {  	s22 =	simm.s32 $0x1BFF;
	s21 =	sshll.u32 s6, $0x1;
	s3 =	sadd.s32 s4, s19  }
0x9c: {  	s7 =	simm.s32 $0x0;
	s20 =	sshll.u32 s5, $0x1;
	s5 =	sadd.s32 s21, s3  }
0x9d: {  	[timem:s7], [sflag:s22] =	dma.local [hbm:s5], s20  }
0x9e: {  	_ =	swait.ge [sflag:s22], s20  }
0x9f: {  	s4 =	ssub.s32 $0x0, s20;
	[sflag:s22] =	ssyncset.done $0x0  }
0xa0: {  	[sflag:s22] =	ssyncadd.s32 s4;
	_ =	sdelay $0x1  }
0xa1: {  	s23 =	simm.s32 $0x1B8B  }
0xa2: {  	_ =	swait.ge [sflag:s23], $0x1  }
0xa3: {  	[sflag:s23] =	ssyncset.done $0x0  }
0xa4: {  	s25 =	simm.s32 $0x1B8E;
	s24 =	sld [smem:$0x3FFE];
	[sflag:s23] =	ssyncadd.s32 $0xFFFFFFFF  }
0xa5: {  	s26 =	simm.s32 $execute0_lowered;
	[smem:$0x3FD2] =	sst s25  }
0xa6: {  	s5 =	sshll.u32 s26, $0x1;
	_ =	strace $0x80000046;
	[dreg:$0x1] =	wrdreg $0xFFFFFFFF  }
0xa7: {  	s28 =	simm.s32 $_size_execute0_lowered;
	s3 =	sadd.s32 s3, s5;
	[dreg:$0x0] =	wrdreg $0x0  }
0xa8: {  	s5 =	sshll.u32 s28, $0x1;
	[dreg:$0x2] =	wrdreg s3  }
0xa9: {  	[dreg:$0x3] =	wrdreg s5  }
0xaa: {  	[dreg:$0x4] =	wrdreg $0xC0  }
0xab: {  	_ =	task [dreg:s7], $0x5FFFF  }
0xac: {  	[dreg:$0x1] =	wrdreg $0xFFFFFFFF  }
0xad: {  	[dreg:$0x0] =	wrdreg $0x60  }
0xae: {  	[dreg:$0x2] =	wrdreg s24  }
0xaf: {  	[dreg:$0x3] =	wrdreg s2  }
0xb0: {  	[dreg:$0x4] =	wrdreg $0x9  }
0xb1: {  	_ =	task.clear_ibuf [dreg:s7], $0x5FFFF;
	_ =	strace $0x90000046  }
0xb2: {  	s29 =	simm.s32 $0x9;
	_ =	strace $0x80000048  }
0xb3: {  	_ =	swait.ge [sflag:s29], $0x1  }
0xb4: {  	[sflag:s29] =	ssyncadd.s32 $0xFFFFFFFF  }
0xb5: {  	_ =	strace $0x90000048  }
0xb6: {  	_ =	sfence  }
0xb7: {  	s30 =	sld [smem:$0x0];
	_ =	sdelay $0x2  }
0xb8: {  	s31 =	sshll.u32 s1, $0xD;
	s1 =	sshrl.u32 s1, $0x2  }
0xb9: {  	s3 =	sand.u32 $0x4000, s31;
	s1 =	sadd.s32 s1, s30  }
0xba: {  	s0 =	sor.u32 s3, s0;
	s1 =	sshll.u32 s1, $0x11  }
0xbb: {  	s0 =	sor.u32 s1, s0  }
0xbc: {  	s0 =	sadd.s32 $0x8F2B, s0  }
0xbd: {  	[sflag:s0] =	ssyncadd.remote.s32 $0x1  }
0xbe: {  	_ =	sfence.sel $0xFFFF  }
0xbf: {  	[dreg:$0x0] =	wrdreg $0xFFFFFFFF;
	(pc) =	sbr.abs _section_cstart, $3  }
0xc0: {  	[dreg:$0x1] =	wrdreg $0xFFFFFFFF  }
0xc1: {  	_ =	task.clear_ibuf [dreg:s7], $0x2FFFF;
	_ =	strace $0x9FFFFFFF  }
0xc2: {  	(tm) =	ssettm $0x7FFFFFFF  }
0xc3: {  	_ =	shalt  }
tec
execute0_lowered:
.L_overlay_start_1:
0x0: {  	(tag) =	ssettag $0x1  }
0x1: {  	s0 =	srdreg.scid;
	s1 =	stileid.u32  }
0x2: {  	s0 =	sand.u32 $0x1, s0;
	s1 =	sshll.u32 s1, $0x1  }
0x3: {  	s1 =	sor.u32 s0, s1  }
0x4: {  	s1 =	smul.u32 $0x4800, s1  }
0x5: {  	v0 =	vlaneseq.u32  }
0x6: {  	v2 =	vor.u32 s1, v0  }
0x7: {  	v1 =	vmul.u32 $0xAAAAAAAB, v2;
	_ =	sdelay $0x1  }
0x8: {  	v3 =	vshll.u32 v1, $0x19;
	v1 =	vshrl.u32 v1, $0x7  }
0x9: {  	v4 =	vmov s1;
	v1 =	vor.u32 v3, v1  }
0xa: {  	vm0 =	veq.s32 v4, v0;
	vm1 =	vgt.u32 v1, $0xAAAAAA  }
0xb: {  	s4 =	simm.s32 $0x0;
	v3 =	vimm.s32 $0x0;
	v1 =	vmulhi.u32 $0xAAAAAB, v4;
	vm0 =	vmand vm0, vm1  }
0xc: {  	[smem:$0x7FF] =	sst s4;
	v3 =	vsel vm0, $0xFFFFFFFF, v3  }
0xd: {  	s2 =	rddreg [dreg:$0x0];
	_ =	strace $0x80000047;
	v3 =	vadd.s32 v3, v1  }
0xe: {  	(v2sf) =	vpush v3, $0xD;
	_ =	sdelay $0x1  }
0xf: {  	(v2sf) =	vpush v3, $0xC;
	_ =	sdelay $0x1  }
0x10: {  	(v2sf) =	vpush v3, $0xE;
	_ =	sdelay $0x1  }
0x11: {  	(v2sf) =	vpush v3, $0xF;
	_ =	sdelay $0x1  }
0x12: {  	(v2sf) =	vpush v3, $0x9;
	_ =	sdelay $0x1  }
0x13: {  	(v2sf) =	vpush v3, $0x8;
	_ =	sdelay $0x1  }
0x14: {  	(v2sf) =	vpush v3, $0xA;
	_ =	sdelay $0x1  }
0x15: {  	(v2sf) =	vpush v3, $0xB  }
0x16: {  	s5 =	spop (v2sf)  }
0x17: {  	(v2sf) =	vpush v3, $0x5;
	s6 =	smulhi.u32 $0x2AAAAAAB, s5;
	s5 =	sshra.s32 s5, $0x1F  }
0x18: {  	s7 =	spop (v2sf);
	s5 =	smul.u32 $0x2AAAAAAB, s5  }
0x19: {  	(v2sf) =	vpush v3, $0x4;
	s8 =	smulhi.u32 $0x2AAAAAAB, s7;
	s7 =	sshra.s32 s7, $0x1F  }
0x1a: {  	s9 =	spop (v2sf);
	s7 =	smul.u32 $0x2AAAAAAB, s7  }
0x1b: {  	(v2sf) =	vpush v3, $0x6;
	s11 =	smulhi.u32 $0x2AAAAAAB, s9;
	s9 =	sshra.s32 s9, $0x1F  }
0x1c: {  	s10 =	spop (v2sf);
	s9 =	smul.u32 $0x2AAAAAAB, s9  }
0x1d: {  	(v2sf) =	vpush v3, $0x7;
	s12 =	smulhi.u32 $0x2AAAAAAB, s10;
	s10 =	sshra.s32 s10, $0x1F  }
0x1e: {  	s24 =	spop (v2sf);
	s13 =	smul.u32 $0x2AAAAAAB, s10  }
0x1f: {  	(v2sf) =	vpush v3, $0x1;
	s14 =	smulhi.u32 $0x2AAAAAAB, s24;
	s10 =	sshra.s32 s24, $0x1F  }
0x20: {  	(v2sf) =	vpush v3, $0x0;
	s25 =	spop (v2sf);
	s16 =	smul.u32 $0x2AAAAAAB, s10  }
0x21: {  	s17 =	smulhi.u32 $0x2AAAAAAB, s25;
	s10 =	sshra.s32 s25, $0x1F  }
0x22: {  	s15 =	spop (v2sf);
	s18 =	smul.u32 $0x2AAAAAAB, s10  }
0x23: {  	(v2sf) =	vpush v3, $0x2;
	s19 =	smulhi.u32 $0x2AAAAAAB, s15;
	s26 =	sshra.s32 s15, $0x1F  }
0x24: {  	s29 =	spop (v2sf);
	s20 =	smul.u32 $0x2AAAAAAB, s26  }
0x25: {  	s21 =	smulhi.u32 $0x2AAAAAAB, s29;
	s30 =	sshra.s32 s29, $0x1F  }
0x26: {  	s22 =	smul.u32 $0x2AAAAAAB, s30;
	s31 =	spop (v2sf)  }
0x27: {  	s9 =	sadd.s32 s9, s11;
	s23 =	smulhi.u32 $0x2AAAAAAB, s31;
	s15 =	sshra.s32 s31, $0x1F  }
0x28: {  	s10 =	sadd.s32 s5, s6;
	s24 =	spop (v2sf);
	s25 =	smul.u32 $0x2AAAAAAB, s15  }
0x29: {  	s11 =	sadd.s32 s18, s17;
	s26 =	smulhi.u32 $0x2AAAAAAB, s24;
	s29 =	sshra.s32 s24, $0x1F  }
0x2a: {  	(v2sf) =	vpush v3, $0x3;
	s3 =	spop (v2sf);
	s15 =	sadd.s32 s7, s8;
	s28 =	smul.u32 $0x2AAAAAAB, s29  }
0x2b: {  	s8 =	sadd.s32 s13, s12;
	s12 =	smulhi.u32 $0x2AAAAAAB, s3;
	s5 =	sshra.s32 s3, $0x1F  }
0x2c: {  	s6 =	sadd.s32 s20, s19;
	s30 =	spop (v2sf);
	s29 =	smul.u32 $0x2AAAAAAB, s5  }
0x2d: {  	s7 =	sadd.s32 s16, s14;
	s3 =	smulhi.u32 $0x2AAAAAAB, s30;
	s18 =	sshra.s32 s30, $0x1F  }
0x2e: {  	s31 =	spop (v2sf);
	s5 =	sadd.s32 s22, s21;
	s20 =	smul.u32 $0x2AAAAAAB, s18  }
0x2f: {  	s14 =	sadd.s32 s25, s23;
	s19 =	spop (v2sf);
	s22 =	smulhi.u32 $0x2AAAAAAB, s31  }
0x30: {  	s13 =	sshra.s32 s31, $0x1F;
	s16 =	sadd.s32 s28, s26;
	s31 =	sshrl.u32 s10, $0x1F  }
0x31: {  	s26 =	sshrl.u32 s11, $0x1F;
	s10 =	sshrl.u32 s10, $0x6;
	s25 =	smul.u32 $0x2AAAAAAB, s13  }
0x32: {  	s24 =	spop (v2sf);
	s30 =	smulhi.u32 $0x2AAAAAAB, s19;
	s18 =	sshra.s32 s19, $0x1F  }
0x33: {  	s13 =	sadd.s32 s29, s12;
	s29 =	sshrl.u32 s7, $0x1F;
	s18 =	smul.u32 $0x2AAAAAAB, s18  }
0x34: {  	vm13 =	vcmask $0xB08;
	v4 =	vmov s26;
	s12 =	sadd.s32 s20, s3;
	s3 =	sshrl.u32 s15, $0x1F;
	s19 =	smulhi.u32 $0x2AAAAAAB, s24  }
0x35: {  	s21 =	sshra.s32 s24, $0x1F;
	v4 =	vsel vm13, s29, v4;
	s29 =	sshrl.u32 s14, $0x1F;
	s17 =	sadd.s32 s25, s22;
	v1 =	vmov s3  }
0x36: {  	vm14 =	vcmask $0x1310;
	vm2 =	vcmask $0x1B18;
	s25 =	sshrl.u32 s9, $0x1F;
	s22 =	sshrl.u32 s8, $0x1F;
	v1 =	vsel vm13, s31, v1;
	s31 =	sshrl.u32 s6, $0x1F  }
0x37: {  	v5 =	vimm.s32 $0xECA86420;
	s21 =	smul.u32 $0x2AAAAAAB, s21;
	s3 =	sshrl.u32 s5, $0x1F;
	s18 =	sadd.s32 s18, s30;
	v1 =	vsel vm14, s25, v1;
	v4 =	vsel vm14, s31, v4  }
0x38: {  	v5 =	vunpack.c.l.s4.s8 v5;
	s15 =	sshrl.u32 s15, $0x6;
	s9 =	sshrl.u32 s9, $0x6;
	v1 =	vsel vm2, s22, v1;
	v4 =	vsel vm2, s3, v4;
	s3 =	sshrl.u32 s18, $0x1F  }
0x39: {  	s19 =	sadd.s32 s21, s19;
	s22 =	sshrl.u32 s17, $0x1F;
	v7 =	vmov s3;
	v1 =	vcombine.low v4, v1;
	s30 =	spop (v2sf)  }
0x3a: {  	v4 =	vunpack.c.0.s8.s32 v5;
	v5 =	vsel vm13, s22, v7;
	v7 =	vmov s15;
	s25 =	smulhi.u32 $0x2AAAAAAB, s30;
	s26 =	sshra.s32 s30, $0x1F;
	s30 =	sshrl.u32 s16, $0x1F  }
0x3b: {  	s8 =	sshrl.u32 s8, $0x6;
	s24 =	sshrl.u32 s19, $0x1F;
	v7 =	vsel vm13, s10, v7;
	v6 =	vmov s30;
	s20 =	smul.u32 $0x2AAAAAAB, s26  }
0x3c: {  	s31 =	sshrl.u32 s13, $0x1F;
	s3 =	sshrl.u32 s14, $0x6;
	v5 =	vsel vm14, s24, v5;
	v7 =	vsel vm14, s9, v7;
	s30 =	sshrl.u32 s16, $0x6;
	v6 =	vsel vm13, s29, v6  }
0x3d: {  	v7 =	vsel vm2, s8, v7;
	s29 =	sshrl.u32 s11, $0x6;
	v9 =	vmov s30;
	s20 =	sadd.s32 s20, s25;
	v6 =	vsel vm14, s31, v6;
	s25 =	sshrl.u32 s12, $0x1F  }
0x3e: {  	s7 =	sshrl.u32 s7, $0x6;
	s13 =	sshrl.u32 s13, $0x6;
	s31 =	sshrl.u32 s18, $0x6;
	v8 =	vmov s29;
	v9 =	vsel vm13, s3, v9;
	v6 =	vsel vm2, s25, v6  }
0x3f: {  	s6 =	sshrl.u32 s6, $0x6;
	s11 =	sshrl.u32 s17, $0x6;
	s26 =	sshrl.u32 s20, $0x1F;
	v10 =	vmov s31;
	v8 =	vsel vm13, s7, v8;
	v9 =	vsel vm14, s13, v9  }
0x40: {  	s14 =	sshrl.u32 s19, $0x6;
	s15 =	sshrl.u32 s12, $0x6;
	v5 =	vsel vm2, s26, v5;
	v10 =	vsel vm13, s11, v10;
	v8 =	vsel vm14, s6, v8  }
0x41: {  	s5 =	sshrl.u32 s5, $0x6;
	s16 =	sshrl.u32 s20, $0x6;
	v9 =	vsel vm2, s15, v9;
	v5 =	vcombine.low v5, v6;
	v10 =	vsel vm14, s14, v10  }
0x42: {  	v6 =	vmul.u32 $0x2, v0;
	v8 =	vsel vm2, s5, v8;
	v10 =	vsel vm2, s16, v10  }
0x43: {  	v7 =	vcombine.low v8, v7;
	v8 =	vcombine.low v10, v9  }
0x44: {  	s22 =	sor.u32 $0x50, s1;
	v1 =	vperm.xlane v1, v4;
	v5 =	vperm.xlane v5, v6  }
0x45: {  	v14 =	vmov s22;
	s17 =	sor.u32 $0x10, s1;
	v4 =	vperm.xlane v7, v4;
	v6 =	vperm.xlane v8, v6  }
0x46: {  	vm15 =	vmmov $0xff;
	v14 =	vmulhi.u32 $0xAAAAAAAB, v14;
	v7 =	vmov s17  }
0x47: {  	v1 =	vsel vm15, v5, v1;
	v4 =	vsel vm15, v6, v4;
	v6 =	vmul.u32 $0xFFFFFE80, v3  }
0x48: {  	s18 =	sor.u32 $0x20, s1;
	v5 =	vmulhi.u32 $0xAAAAAAAB, v7;
	v1 =	vadd.s32 v1, v4  }
0x49: {  	v1 =	vmul.u32 $0x180, v1;
	v4 =	vadd.s32 v2, v6;
	v2 =	vmov s18  }
0x4a: {  	s19 =	sor.u32 $0x30, s1;
	v5 =	vshrl.u32 v5, $0x8;
	v8 =	vmulhi.u32 $0xAAAAAAAB, v2  }
0x4b: {  	v10 =	vmov s19;
	v6 =	vmulhi.u32 $0xAAAAAB, v5;
	v3 =	vsub.s32 v3, v1  }
0x4c: {  	v10 =	vmulhi.u32 $0xAAAAAAAB, v10;
	v2 =	vcvt.s32.f32 v3;
	v8 =	vshrl.u32 v8, $0x8  }
0x4d: {  	v3 =	vcvt.s32.f32 v4;
	v4 =	vmul.u32 $0x180, v6;
	v6 =	vmul.u32 $0xFFFFFE80, v8  }
0x4e: {  	v18 =	vshrl.u32 v14, $0x8;
	v9 =	vmulhi.u32 $0xAAAAAB, v8  }
0x4f: {  	v19 =	vmul.u32 $0xFFFFFE80, v18;
	v7 =	vmul.u32 $0xFFFFFE80, v5;
	v11 =	vadd.s32 s18, v6  }
0x50: {  	v6 =	vmul.u32 $0x180, v9;
	v9 =	vor.u32 v0, v11;
	v11 =	vshrl.u32 v10, $0x8  }
0x51: {  	s24 =	sor.u32 $0x60, s1;
	v7 =	vadd.s32 s17, v7;
	v10 =	vmul.u32 $0xFFFFFE80, v11;
	v12 =	vmulhi.u32 $0xAAAAAB, v11  }
0x52: {  	v15 =	vmov s24;
	s20 =	sor.u32 $0x40, s1;
	v19 =	vadd.s32 s22, v19;
	v7 =	vor.u32 v0, v7  }
0x53: {  	v13 =	vadd.s32 s19, v10;
	v10 =	vmul.u32 $0x180, v12;
	v12 =	vmov s20  }
0x54: {  	v7 =	vcvt.s32.f32 v7;
	v5 =	vsub.s32 v5, v4;
	v12 =	vmulhi.u32 $0xAAAAAAAB, v12  }
0x55: {  	s25 =	sor.u32 $0x70, s1;
	v5 =	vcvt.s32.f32 v5;
	v8 =	vsub.s32 v8, v6;
	v9 =	vcvt.s32.f32 v9  }
0x56: {  	s0 =	ssub.s32 $0x2, s0;
	v16 =	vshrl.u32 v12, $0x8;
	v12 =	vmulhi.u32 $0xAAAAAAAB, v15;
	v15 =	vmov s25  }
0x57: {  	s21 =	sshrl.u32 s0, $0x1;
	v8 =	vcvt.s32.f32 v8;
	v13 =	vor.u32 v0, v13;
	v14 =	vmulhi.u32 $0xAAAAAAAB, v15  }
0x58: {  	s23 =	sshrl.u32 s1, $0x3;
	s0 =	ssub.s32 s0, s21;
	v11 =	vsub.s32 v11, v10;
	v13 =	vcvt.s32.f32 v13;
	v15 =	vmulhi.u32 $0xAAAAAB, v16  }
0x59: {  	s28 =	simm.s32 $0x2;
	s21 =	simm.s32 $0x4;
	s0 =	smax.u32 s0, $0x1;
	v11 =	vcvt.s32.f32 v11;
	v17 =	vmul.u32 $0xFFFFFE80, v16;
	v20 =	vshrl.u32 v12, $0x8  }
0x5a: {  	[dreg:$0x8] =	wrdreg s0;
	s10 =	simm.s32 $0x3;
	s12 =	sor.u32 $0x100, s1;
	v23 =	vshrl.u32 v14, $0x8;
	v12 =	vmul.u32 $0x180, v15;
	v15 =	vmulhi.u32 $0xAAAAAB, v18  }
0x5b: {  	s7 =	sadd.s32 $0x800, s2;
	s31 =	sor.u32 $0x180, s1;
	s22 =	simm.s32 $0x800;
	v21 =	vmul.u32 $0xFFFFFE80, v20;
	v14 =	vadd.s32 s20, v17;
	v17 =	vmul.u32 $0xFFFFFE80, v23  }
0x5c: {  	s6 =	sadd.s32 $0x12800, s2;
	s26 =	sor.u32 $0x10, s23;
	[dreg:$0x7] =	wrdreg s31;
	v22 =	vor.u32 v0, v14;
	v25 =	vmulhi.u32 $0xAAAAAB, v23;
	v14 =	vmul.u32 $0x180, v15  }
0x5d: {  	s11 =	simm.s32 $0x600;
	s5 =	sadd.s32 $0x900800, s2;
	s3 =	sadd.s32 s6, s23;
	v16 =	vsub.s32 v16, v12;
	v24 =	vadd.s32 s25, v17;
	v17 =	vmulhi.u32 $0xAAAAAB, v20  }
0x5e: {  	s2 =	sadd.s32 s7, s23;
	s29 =	sadd.s32 s6, s26;
	[dreg:$0x3] =	wrdreg s3;
	v21 =	vadd.s32 s24, v21;
	v15 =	vcvt.s32.f32 v16;
	v18 =	vsub.s32 v18, v14  }
0x5f: {  	s30 =	sadd.s32 s7, s26;
	s14 =	simm.s32 $0x680;
	[dreg:$0x4] =	wrdreg s2;
	v24 =	vor.u32 v0, v24;
	v16 =	vmul.u32 $0x180, v17;
	v17 =	vcvt.s32.f32 v22  }
0x60: {  	s23 =	simm.s32 $0x880;
	s26 =	simm.s32 $0x1BD00;
	[dreg:$0x5] =	wrdreg s29;
	v22 =	vor.u32 v0, v19;
	v18 =	vcvt.s32.f32 v18;
	v19 =	vmul.u32 $0x180, v25  }
0x61: {  	[dreg:$0x6] =	wrdreg s30;
	s16 =	simm.s32 $0x1;
	s3 =	simm.s32 $0x0;
	v24 =	vcvt.s32.f32 v24;
	v26 =	vsub.s32 v20, v16;
	v20 =	vcvt.s32.f32 v22  }
0x62: {  	s17 =	simm.s32 $0x80;
	s18 =	simm.s32 $0x700;
	s19 =	simm.s32 $0x780;
	v22 =	vor.u32 v0, v21;
	v23 =	vsub.s32 v23, v19;
	v21 =	vcvt.s32.f32 v26  }
0x63: {  	s20 =	simm.s32 $0x18A00;
	s24 =	simm.s32 $0x900;
	s25 =	simm.s32 $0x980;
	v22 =	vcvt.s32.f32 v22;
	v23 =	vcvt.s32.f32 v23  }
.LBB2_1:
0x64: {  	[dreg:$0x9] =	wrdreg s3  }
0x65: {  	s0 =	rddreg [dreg:$0x3]  }
0x66: {  	[tilespmem:s4], [sflag:$0x1] =	stream.linear.gather [hbm4b:s0+s4], $0x80, $0x38;
	[tilespmem:$0x1F000] =	vst v63  }
0x67: {  	s9 =	rddreg [dreg:$0x4];
	s2 =	simm.s32 $0x100  }
0x68: {  	[tilespmem:s2], [sflag:$0x1] =	stream.linear.gather [hbm4b:s9+s4], $0x80, $0x38;
	[tilespmem:$0x1F000] =	vst v63  }
0x69: {  	_ =	swait.ge [sflag:s16], $0x80  }
0x6a: {  	[sflag:s16] =	ssyncset.done $0x0  }
0x6b: {  	[sflag:s16] =	ssyncadd.s32 $0xFFFFFF80  }
0x6c: {  	_ =	swait.ge [sflag:s16], $0x80  }
0x6d: {  	[sflag:s16] =	ssyncset.done $0x0  }
0x6e: {  	[sflag:s16] =	ssyncadd.s32 $0xFFFFFF80  }
0x6f: {  	v25 =	vld [tilespmem:$0x0]  }
0x70: {  	v26 =	vld [tilespmem:$0x100]  }
0x71: {  	v28 =	vld [tilespmem:$0x10]  }
0x72: {  	v31 =	vld [tilespmem:$0x110]  }
0x73: {  	v35 =	vld [tilespmem:$0x20]  }
0x74: {  	v37 =	vld [tilespmem:$0x120]  }
0x75: {  	v42 =	vld [tilespmem:$0x30];
	_ =	sdelay $0x1  }
0x76: {  	v25 =	vsub.f32 v2, v25  }
0x77: {  	v26 =	vsub.f32 v3, v26;
	v28 =	vsub.f32 v5, v28  }
0x78: {  	v31 =	vsub.f32 v7, v31;
	v57 =	vsub.f32 v8, v35  }
0x79: {  	v43 =	vld [tilespmem:$0x130];
	v58 =	vsub.f32 v9, v37;
	v42 =	vsub.f32 v11, v42;
	v27 =	vmax.f32 v25, $0.0e+00  }
0x7a: {  	v29 =	vmax.f32 v26, $0.0e+00;
	v32 =	vmax.f32 v28, $0.0e+00;
	v41 =	vmax.f32 v57, $0.0e+00  }
0x7b: {  	v62 =	vmax.f32 v58, $0.0e+00;
	v27 =	vmin.f32 v27, $3.820000000e+02;
	v29 =	vmin.f32 v29, $3.820000000e+02  }
0x7c: {  	v32 =	vmin.f32 v32, $3.820000000e+02;
	v61 =	vmin.f32 v41, $3.820000000e+02;
	v27 =	vtrunc.f32 v27  }
0x7d: {  	v41 =	vmin.f32 v62, $3.820000000e+02;
	v29 =	vtrunc.f32 v29;
	v32 =	vtrunc.f32 v32  }
0x7e: {  	v48 =	vsub.f32 v13, v43;
	v41 =	vtrunc.f32 v41;
	v27 =	vcvt.f32.s32 v27  }
0x7f: {  	v52 =	vmax.f32 v31, $0.0e+00;
	v29 =	vcvt.f32.s32 v29;
	v32 =	vcvt.f32.s32 v32  }
0x80: {  	v50 =	vmax.f32 v42, $0.0e+00;
	v62 =	vld [tilespmem:$0x140];
	v41 =	vcvt.f32.s32 v41;
	v30 =	vcvt.s32.f32 v27  }
0x81: {  	v51 =	vcvt.s32.f32 v29;
	v27 =	vadd.s32 v27, v1;
	v33 =	vcvt.s32.f32 v32  }
0x82: {  	v56 =	vadd.s32 v32, v4;
	v47 =	vcvt.s32.f32 v41;
	v27 =	vmul.u32 $0x180, v27  }
0x83: {  	v25 =	vsub.f32 v25, v30;
	v26 =	vsub.f32 v26, v51;
	v30 =	vmin.f32 v52, $3.820000000e+02  }
0x84: {  	v28 =	vsub.f32 v28, v33;
	v51 =	vmin.f32 v50, $3.820000000e+02;
	v52 =	vmax.f32 v48, $0.0e+00  }
0x85: {  	v50 =	vsub.f32 v17, v62;
	v30 =	vtrunc.f32 v30;
	v27 =	vadd.s32 v29, v27  }
0x86: {  	v25 =	vmax.f32 v25, $0.0e+00;
	v26 =	vmax.f32 v26, $0.0e+00;
	v30 =	vcvt.f32.s32 v30  }
0x87: {  	v37 =	vmin.f32 v52, $3.820000000e+02;
	v25 =	vmin.f32 v25, $1.000000000e+00;
	v26 =	vmin.f32 v26, $1.000000000e+00  }
0x88: {  	v53 =	vsub.f32 $1.000000000e+00, v25;
	v34 =	vsub.f32 $1.000000000e+00, v26;
	v54 =	vcvt.s32.f32 v30  }
0x89: {  	v36 =	vadd.s32 $0x1, v27;
	v38 =	vadd.s32 $0x180, v27;
	v39 =	vadd.s32 $0x181, v27  }
0x8a: {  	v40 =	vmul.f32 v34, v53;
	v29 =	vmul.f32 v26, v53;
	v31 =	vsub.f32 v31, v54  }
0x8b: {  	v28 =	vmax.f32 v28, $0.0e+00;
	v33 =	vmul.f32 v34, v25;
	v25 =	vmul.f32 v26, v25  }
0x8c: {  	v26 =	vmin.f32 v28, $1.000000000e+00;
	v34 =	vtrunc.f32 v51;
	v55 =	vmax.f32 v31, $0.0e+00  }
0x8d: {  	[tilespmem:$0x200] =	vst v27;
	v59 =	vsub.f32 $1.000000000e+00, v26;
	v31 =	vmul.u32 $0x180, v56;
	v28 =	vmin.f32 v55, $1.000000000e+00  }
0x8e: {  	[tilespmem:$0x280] =	vst v36;
	v54 =	vcvt.f32.s32 v34;
	v55 =	vtrunc.f32 v37;
	v60 =	vsub.f32 $1.000000000e+00, v28  }
0x8f: {  	[tilespmem:$0x300] =	vst v38;
	v30 =	vadd.s32 v30, v31;
	v31 =	vtrunc.f32 v61;
	v35 =	vmul.f32 v28, v59  }
0x90: {  	[tilespmem:$0x380] =	vst v39;
	v56 =	vcvt.f32.s32 v55;
	v55 =	vmax.f32 v50, $0.0e+00;
	v45 =	vadd.s32 $0x1, v30  }
0x91: {  	[tilespmem:$0x600] =	vst v40;
	v31 =	vcvt.f32.s32 v31;
	v46 =	vadd.s32 $0x180, v30;
	v49 =	vadd.s32 $0x181, v30  }
0x92: {  	[tilespmem:$0x700] =	vst v33;
	v33 =	vmin.f32 v55, $3.820000000e+02;
	v44 =	vmul.f32 v60, v59;
	v27 =	vmul.f32 v60, v26  }
0x93: {  	[tilespmem:$0x680] =	vst v29;
	v26 =	vmul.f32 v28, v26;
	v28 =	vsub.f32 v58, v47;
	v34 =	vcvt.s32.f32 v56  }
0x94: {  	v52 =	vld [tilespmem:$0x50];
	[tilespmem:$0x780] =	vst v25;
	v33 =	vtrunc.f32 v33;
	v63 =	vcvt.s32.f32 v31;
	v53 =	vadd.s32 v31, v6  }
0x95: {  	[tilespmem:$0x210] =	vst v30;
	v31 =	vadd.s32 v54, v10;
	v33 =	vcvt.f32.s32 v33;
	v28 =	vmax.f32 v28, $0.0e+00  }
0x96: {  	v59 =	vld [tilespmem:$0x40];
	[tilespmem:$0x290] =	vst v45;
	v29 =	vmul.u32 $0x180, v53;
	v34 =	vsub.f32 v48, v34;
	v31 =	vmul.u32 $0x180, v31  }
0x97: {  	[tilespmem:$0x310] =	vst v46;
	v32 =	vsub.f32 v57, v63;
	v28 =	vmin.f32 v28, $1.000000000e+00;
	v57 =	vcvt.s32.f32 v54  }
0x98: {  	[tilespmem:$0x390] =	vst v49;
	v29 =	vadd.s32 v41, v29;
	v61 =	vsub.f32 $1.000000000e+00, v28;
	v48 =	vmax.f32 v34, $0.0e+00  }
0x99: {  	[tilespmem:$0x690] =	vst v35;
	v53 =	vadd.s32 v56, v31;
	v41 =	vsub.f32 v18, v52;
	v32 =	vmax.f32 v32, $0.0e+00  }
0x9a: {  	[tilespmem:$0x610] =	vst v44;
	v60 =	vadd.s32 $0x1, v29;
	v63 =	vadd.s32 $0x180, v29;
	v45 =	vadd.s32 $0x181, v29  }
0x9b: {  	[tilespmem:$0x710] =	vst v27;
	v49 =	vsub.f32 v15, v59;
	v27 =	vmin.f32 v48, $1.000000000e+00;
	v59 =	vadd.s32 $0x180, v53  }
0x9c: {  	[tilespmem:$0x790] =	vst v26;
	v56 =	vld [tilespmem:$0x150];
	v25 =	vmin.f32 v32, $1.000000000e+00;
	v32 =	vsub.f32 v42, v57;
	v51 =	vsub.f32 $1.000000000e+00, v27  }
0x9d: {  	[tilespmem:$0x320] =	vst v63;
	v63 =	vadd.s32 $0x181, v53;
	v58 =	vsub.f32 $1.000000000e+00, v25;
	v40 =	vmul.f32 v61, v25  }
0x9e: {  	[tilespmem:$0x220] =	vst v29;
	v25 =	vmul.f32 v28, v25;
	v37 =	vmax.f32 v49, $0.0e+00;
	v32 =	vmax.f32 v32, $0.0e+00  }
0x9f: {  	[tilespmem:$0x230] =	vst v53;
	v54 =	vmin.f32 v37, $3.820000000e+02;
	v46 =	vmul.f32 v61, v58;
	v30 =	vmul.f32 v28, v58  }
0xa0: {  	[tilespmem:$0x2A0] =	vst v60;
	v47 =	vmin.f32 v32, $1.000000000e+00;
	v31 =	vtrunc.f32 v54;
	v58 =	vadd.s32 $0x1, v53  }
0xa1: {  	v61 =	vcvt.s32.f32 v33;
	v62 =	vsub.f32 v20, v56;
	[tilespmem:$0x720] =	vst v40;
	v40 =	vmax.f32 v41, $0.0e+00  }
0xa2: {  	[tilespmem:$0x3A0] =	vst v45;
	v26 =	vsub.f32 $1.000000000e+00, v47;
	v31 =	vcvt.f32.s32 v31;
	v43 =	vmin.f32 v40, $3.820000000e+02  }
0xa3: {  	[tilespmem:$0x7A0] =	vst v25;
	v35 =	vmul.f32 v51, v47;
	v25 =	vsub.f32 v50, v61;
	v28 =	vtrunc.f32 v43  }
0xa4: {  	[tilespmem:$0x330] =	vst v59;
	v44 =	vmax.f32 v62, $0.0e+00;
	v57 =	vmul.f32 v51, v26;
	v26 =	vmul.f32 v27, v26  }
0xa5: {  	[tilespmem:$0x3B0] =	vst v63;
	v63 =	vld [tilespmem:$0x70];
	v60 =	vcvt.s32.f32 v31;
	v27 =	vmul.f32 v27, v47;
	v32 =	vmin.f32 v44, $3.820000000e+02  }
0xa6: {  	[tilespmem:$0x620] =	vst v46;
	v46 =	vld [tilespmem:$0x60];
	v31 =	vadd.s32 v31, v12;
	v28 =	vcvt.f32.s32 v28;
	v32 =	vtrunc.f32 v32  }
0xa7: {  	[tilespmem:$0x2B0] =	vst v58;
	v50 =	vld [tilespmem:$0x160];
	v25 =	vmax.f32 v25, $0.0e+00;
	v31 =	vmul.u32 $0x180, v31;
	v34 =	vsub.f32 v49, v60  }
0xa8: {  	[tilespmem:$0x6A0] =	vst v30;
	v32 =	vcvt.f32.s32 v32;
	v25 =	vmin.f32 v25, $1.000000000e+00;
	v47 =	vcvt.s32.f32 v28  }
0xa9: {  	[tilespmem:$0x730] =	vst v35;
	v28 =	vadd.s32 v28, v14;
	v31 =	vadd.s32 v33, v31;
	v51 =	vsub.f32 $1.000000000e+00, v25  }
0xaa: {  	[tilespmem:$0x6B0] =	vst v26;
	v45 =	vmax.f32 v34, $0.0e+00;
	v49 =	vcvt.s32.f32 v32;
	v26 =	vadd.s32 $0x1, v31  }
0xab: {  	[tilespmem:$0x630] =	vst v57;
	v36 =	vsub.f32 v41, v47;
	v52 =	vadd.s32 $0x180, v31;
	v34 =	vsub.f32 v21, v46  }
0xac: {  	[tilespmem:$0x7B0] =	vst v27;
	v56 =	vsub.f32 v22, v50;
	v46 =	vsub.f32 v23, v63;
	v29 =	vmin.f32 v45, $1.000000000e+00  }
0xad: {  	v53 =	vadd.s32 $0x181, v31;
	[tilespmem:$0x240] =	vst v31;
	v48 =	vsub.f32 $1.000000000e+00, v29;
	v30 =	vsub.f32 v62, v49  }
0xae: {  	[tilespmem:$0x2C0] =	vst v26;
	v54 =	vmul.f32 v51, v29;
	v55 =	vmax.f32 v36, $0.0e+00;
	v57 =	vmax.f32 v34, $0.0e+00  }
0xaf: {  	[tilespmem:$0x340] =	vst v52;
	v59 =	vmax.f32 v56, $0.0e+00;
	v58 =	vmin.f32 v57, $3.820000000e+02;
	v27 =	vmul.f32 v51, v48  }
0xb0: {  	[tilespmem:$0x3C0] =	vst v53;
	v60 =	vmin.f32 v59, $3.820000000e+02;
	v33 =	vmul.f32 v25, v48;
	v25 =	vmul.f32 v25, v29  }
0xb1: {  	v26 =	vmax.f32 v30, $0.0e+00;
	v29 =	vmin.f32 v55, $1.000000000e+00;
	v35 =	vtrunc.f32 v58;
	[tilespmem:$0x740] =	vst v54  }
0xb2: {  	v41 =	vld [tilespmem:$0x170];
	v48 =	vmax.f32 v46, $0.0e+00;
	v61 =	vsub.f32 $1.000000000e+00, v29;
	[tilespmem:$0x640] =	vst v27;
	v27 =	vmul.u32 $0x180, v28  }
0xb3: {  	v26 =	vmin.f32 v26, $1.000000000e+00;
	v35 =	vcvt.f32.s32 v35;
	v49 =	vmin.f32 v48, $3.820000000e+02;
	[tilespmem:$0x6C0] =	vst v33  }
0xb4: {  	v28 =	vtrunc.f32 v60;
	[tilespmem:$0x7C0] =	vst v25;
	v33 =	vmul.f32 v26, v61;
	v27 =	vadd.s32 v32, v27  }
0xb5: {  	v62 =	vsub.f32 $1.000000000e+00, v26;
	v52 =	vtrunc.f32 v49;
	v26 =	vmul.f32 v26, v29;
	[tilespmem:$0x250] =	vst v27  }
0xb6: {  	v28 =	vcvt.f32.s32 v28;
	v40 =	vcvt.s32.f32 v35;
	v47 =	vadd.s32 v35, v16;
	[tilespmem:$0x6D0] =	vst v33  }
0xb7: {  	v42 =	vmul.f32 v62, v61;
	v32 =	vsub.f32 v24, v41;
	v25 =	vadd.s32 $0x1, v27;
	[tilespmem:$0x7D0] =	vst v26  }
0xb8: {  	v31 =	vsub.f32 v34, v40;
	v43 =	vcvt.s32.f32 v28;
	v44 =	vadd.s32 $0x180, v27;
	[tilespmem:$0x2D0] =	vst v25  }
0xb9: {  	v27 =	vadd.s32 $0x181, v27;
	v25 =	vmul.f32 v62, v29;
	[tilespmem:$0x350] =	vst v44;
	v29 =	vmul.u32 $0x180, v47  }
0xba: {  	[tilespmem:$0x3D0] =	vst v27;
	v50 =	vmax.f32 v32, $0.0e+00;
	v45 =	vmax.f32 v31, $0.0e+00;
	v30 =	vsub.f32 v56, v43  }
0xbb: {  	v51 =	vmin.f32 v50, $3.820000000e+02;
	v27 =	vmin.f32 v45, $1.000000000e+00;
	[tilespmem:$0x750] =	vst v25;
	v25 =	vadd.s32 v28, v29  }
0xbc: {  	[tilespmem:$0x650] =	vst v42;
	v29 =	vcvt.f32.s32 v52;
	v28 =	vtrunc.f32 v51;
	v30 =	vmax.f32 v30, $0.0e+00  }
0xbd: {  	v26 =	vadd.s32 $0x1, v25;
	[tilespmem:$0x260] =	vst v25;
	v53 =	vsub.f32 $1.000000000e+00, v27;
	v30 =	vmin.f32 v30, $1.000000000e+00  }
0xbe: {  	v28 =	vcvt.f32.s32 v28;
	[tilespmem:$0x2E0] =	vst v26;
	v26 =	vadd.s32 $0x180, v25;
	v54 =	vsub.f32 $1.000000000e+00, v30  }
0xbf: {  	v55 =	vcvt.s32.f32 v29;
	v25 =	vadd.s32 $0x181, v25;
	[tilespmem:$0x360] =	vst v26;
	v57 =	vmul.f32 v30, v53  }
0xc0: {  	v56 =	vcvt.s32.f32 v28;
	[tilespmem:$0x3E0] =	vst v25;
	v26 =	vmul.f32 v54, v53  }
0xc1: {  	v29 =	vadd.s32 v29, v19;
	v25 =	vsub.f32 v46, v55;
	v58 =	vmul.f32 v54, v27;
	[tilespmem:$0x6E0] =	vst v57  }
0xc2: {  	v29 =	vmul.u32 $0x180, v29;
	v27 =	vmul.f32 v30, v27;
	[tilespmem:$0x660] =	vst v26;
	v26 =	vsub.f32 v32, v56  }
0xc3: {  	v25 =	vmax.f32 v25, $0.0e+00;
	[tilespmem:$0x760] =	vst v58  }
0xc4: {  	[tilespmem:$0x7E0] =	vst v27;
	v25 =	vmin.f32 v25, $1.000000000e+00;
	v27 =	vadd.s32 v28, v29;
	v26 =	vmax.f32 v26, $0.0e+00  }
0xc5: {  	[tilespmem:$0x270] =	vst v27;
	v28 =	vadd.s32 $0x1, v27;
	v59 =	vsub.f32 $1.000000000e+00, v25;
	v26 =	vmin.f32 v26, $1.000000000e+00  }
0xc6: {  	v61 =	vadd.s32 $0x180, v27;
	v27 =	vadd.s32 $0x181, v27;
	[tilespmem:$0x2F0] =	vst v28;
	v60 =	vsub.f32 $1.000000000e+00, v26  }
0xc7: {  	[tilespmem:$0x3F0] =	vst v27;
	v27 =	vmul.f32 v26, v59  }
0xc8: {  	[tilespmem:$0x370] =	vst v61;
	v62 =	vmul.f32 v60, v59  }
0xc9: {  	v63 =	vmul.f32 v60, v25;
	[tilespmem:$0x6F0] =	vst v27  }
0xca: {  	v25 =	vmul.f32 v26, v25;
	[tilespmem:$0x670] =	vst v62  }
0xcb: {  	[tilespmem:$0x770] =	vst v63  }
0xcc: {  	s13 =	simm.s32 $0x200;
	s15 =	simm.s32 $0xA00;
	[tilespmem:$0x7F0] =	vst v25  }
0xcd: {  	[tilespmem:s15], [sflag:$0x3] =	stream.indirect.gather [hbm4b:s5+s17], $0x60, s13, s17, $0xb8;
	[tilespmem:$0x1F000] =	vst v63  }
0xce: {  	s30 =	simm.s32 $0x280;
	s31 =	simm.s32 $0x3A00  }
0xcf: {  	[tilespmem:s31], [sflag:$0x3] =	stream.indirect.gather [hbm4b:s5+s17], $0x60, s30, s17, $0xb8;
	[tilespmem:$0x1F000] =	vst v63  }
0xd0: {  	s3 =	simm.s32 $0x300;
	s8 =	simm.s32 $0x6A00  }
0xd1: {  	[tilespmem:s8], [sflag:$0x3] =	stream.indirect.gather [hbm4b:s5+s17], $0x60, s3, s17, $0xb8;
	[tilespmem:$0x1F000] =	vst v63  }
0xd2: {  	s9 =	simm.s32 $0x380;
	s13 =	simm.s32 $0x9A00  }
0xd3: {  	[tilespmem:s13], [sflag:$0x3] =	stream.indirect.gather [hbm4b:s5+s17], $0x60, s9, s17, $0xb8;
	[tilespmem:$0x1F000] =	vst v63  }
0xd4: {  	s15 =	rddreg [dreg:$0x5]  }
0xd5: {  	[tilespmem:s17], [sflag:$0x2] =	stream.linear.gather [hbm4b:s15+s4], $0x80, $0x38;
	[tilespmem:$0x1F000] =	vst v63  }
0xd6: {  	s29 =	simm.s32 $0x0;
	s30 =	rddreg [dreg:$0x6];
	s31 =	simm.s32 $0x180  }
0xd7: {  	[tilespmem:s31], [sflag:$0x2] =	stream.linear.gather [hbm4b:s30+s4], $0x80, $0x38;
	[tilespmem:$0x1F000] =	vst v63  }
.LBB2_3:
0xd8: {  	s30 =	sshll.u32 s29, $0x8  }
0xd9: {  	s0 =	sadd.s32 s30, s1  }
0xda: {  	_ =	swait.ge [sflag:s28], $0x80;
	s13 =	sadd.s32 $0x80, s0  }
0xdb: {  	[sflag:s28] =	ssyncset.done $0x0;
	v25 =	vmov s13  }
0xdc: {  	[sflag:s28] =	ssyncadd.s32 $0xFFFFFF80;
	v25 =	vmulhi.u32 $0x2AAAAAAB, v25  }
0xdd: {  	_ =	swait.ge [sflag:s28], $0x80  }
0xde: {  	[sflag:s28] =	ssyncset.done $0x0;
	v25 =	vshrl.u32 v25, $0x6  }
0xdf: {  	[sflag:s28] =	ssyncadd.s32 $0xFFFFFF80;
	v26 =	vmulhi.u32 $0xAAAAAB, v25  }
0xe0: {  	v28 =	vld [tilespmem:$0x80];
	v27 =	vmul.u32 $0xFFFFFE80, v25  }
0xe1: {  	v29 =	vld [tilespmem:$0x180];
	v26 =	vmul.u32 $0x180, v26  }
0xe2: {  	v27 =	vadd.s32 s13, v27  }
0xe3: {  	v27 =	vadd.s32 v0, v27;
	v25 =	vsub.s32 v25, v26  }
0xe4: {  	s2 =	sadd.s32 $0x90, s0;
	v27 =	vcvt.s32.f32 v27;
	v25 =	vcvt.s32.f32 v25  }
0xe5: {  	v50 =	vmov s2  }
0xe6: {  	v27 =	vsub.f32 v27, v29;
	v29 =	vmulhi.u32 $0x2AAAAAAB, v50;
	v25 =	vsub.f32 v25, v28;
	_ =	sdelay $0x1  }
0xe7: {  	v29 =	vshrl.u32 v29, $0x6;
	v28 =	vmax.f32 v25, $0.0e+00  }
0xe8: {  	v30 =	vmax.f32 v27, $0.0e+00;
	v31 =	vmulhi.u32 $0xAAAAAB, v29;
	v28 =	vmin.f32 v28, $3.820000000e+02  }
0xe9: {  	v30 =	vmin.f32 v30, $3.820000000e+02;
	v28 =	vtrunc.f32 v28  }
0xea: {  	s15 =	sadd.s32 $0xA0, s0;
	v34 =	vld [tilespmem:$0x90];
	v30 =	vtrunc.f32 v30;
	v31 =	vmul.u32 $0x180, v31;
	v28 =	vcvt.f32.s32 v28  }
0xeb: {  	v55 =	vmov s15;
	v30 =	vcvt.f32.s32 v30  }
0xec: {  	v51 =	vmul.u32 $0xFFFFFE80, v29;
	v29 =	vsub.s32 v29, v31;
	v32 =	vcvt.s32.f32 v28  }
0xed: {  	s3 =	sadd.s32 $0xB0, s0;
	v33 =	vcvt.s32.f32 v30;
	v29 =	vcvt.s32.f32 v29;
	v26 =	vadd.s32 v28, v26  }
0xee: {  	v61 =	vmov s3;
	v26 =	vmul.u32 $0x180, v26;
	v25 =	vsub.f32 v25, v32  }
0xef: {  	v52 =	vld [tilespmem:$0x190];
	v27 =	vsub.f32 v27, v33;
	v32 =	vadd.s32 s2, v51;
	v29 =	vsub.f32 v29, v34  }
0xf0: {  	v34 =	vmulhi.u32 $0x2AAAAAAB, v55;
	v26 =	vadd.s32 v30, v26;
	v25 =	vmax.f32 v25, $0.0e+00  }
0xf1: {  	v35 =	vmin.f32 v25, $1.000000000e+00;
	v25 =	vmax.f32 v27, $0.0e+00;
	v27 =	vadd.s32 v0, v32  }
0xf2: {  	v34 =	vshrl.u32 v34, $0x6;
	v53 =	vmin.f32 v25, $1.000000000e+00;
	v25 =	vcvt.s32.f32 v27  }
0xf3: {  	v38 =	vadd.s32 $0x1, v26;
	v42 =	vadd.s32 $0x180, v26;
	v40 =	vmul.u32 $0xFFFFFE80, v34  }
0xf4: {  	v57 =	vmulhi.u32 $0xAAAAAB, v34;
	v27 =	vsub.f32 $1.000000000e+00, v35;
	v33 =	vsub.f32 v25, v52  }
0xf5: {  	v54 =	vsub.f32 $1.000000000e+00, v53;
	v58 =	vadd.s32 s15, v40;
	v25 =	vmax.f32 v29, $0.0e+00  }
0xf6: {  	v32 =	vmul.f32 v53, v35;
	v36 =	vmin.f32 v25, $3.820000000e+02;
	v37 =	vmax.f32 v33, $0.0e+00  }
0xf7: {  	v25 =	vmul.f32 v54, v27;
	v36 =	vtrunc.f32 v36;
	v37 =	vmin.f32 v37, $3.820000000e+02  }
0xf8: {  	v40 =	vadd.s32 $0x181, v26;
	v36 =	vcvt.f32.s32 v36;
	v56 =	vtrunc.f32 v37  }
0xf9: {  	v27 =	vmul.f32 v53, v27;
	v37 =	vmul.u32 $0x180, v57;
	v30 =	vcvt.f32.s32 v56  }
0xfa: {  	v41 =	vld [tilespmem:$0xA0];
	v28 =	vmul.f32 v54, v35;
	v39 =	vcvt.s32.f32 v36;
	v31 =	vadd.s32 v36, v31  }
0xfb: {  	v44 =	vld [tilespmem:$0x1A0];
	v34 =	vsub.s32 v34, v37;
	v31 =	vmul.u32 $0x180, v31;
	v43 =	vcvt.s32.f32 v30  }
0xfc: {  	s8 =	sadd.s32 $0xC0, s0;
	v29 =	vsub.f32 v29, v39;
	v39 =	vadd.s32 v0, v58;
	v34 =	vcvt.s32.f32 v34  }
0xfd: {  	v57 =	vmov s8;
	v59 =	vcvt.s32.f32 v39;
	v39 =	vmulhi.u32 $0x2AAAAAAB, v61  }
0xfe: {  	v30 =	vadd.s32 v30, v31;
	v33 =	vsub.f32 v33, v43;
	v29 =	vmax.f32 v29, $0.0e+00  }
0xff: {  	v34 =	vsub.f32 v34, v41;
	v43 =	vadd.s32 $0x1, v30;
	v49 =	vadd.s32 $0x180, v30  }
0x100: {  	s15 =	sadd.s32 $0xE0, s0;
	v50 =	vadd.s32 $0x181, v30;
	v29 =	vmin.f32 v29, $1.000000000e+00;
	v35 =	vsub.f32 v59, v44  }
0x101: {  	v39 =	vshrl.u32 v39, $0x6;
	v59 =	vmulhi.u32 $0x2AAAAAAB, v57;
	[tilespmem:$0x590] =	vst v50;
	v50 =	vmov s15  }
0x102: {  	v33 =	vmax.f32 v33, $0.0e+00;
	v60 =	vmax.f32 v34, $0.0e+00;
	v54 =	vmulhi.u32 $0xAAAAAB, v39  }
0x103: {  	v55 =	vsub.f32 $1.000000000e+00, v29;
	v36 =	vmin.f32 v60, $3.820000000e+02;
	v62 =	vmax.f32 v35, $0.0e+00  }
0x104: {  	v58 =	vmul.u32 $0xFFFFFE80, v39;
	v41 =	vmin.f32 v62, $3.820000000e+02;
	v36 =	vtrunc.f32 v36  }
0x105: {  	v33 =	vmin.f32 v33, $1.000000000e+00;
	v36 =	vcvt.f32.s32 v36;
	v41 =	vtrunc.f32 v41  }
0x106: {  	v46 =	vsub.f32 $1.000000000e+00, v33;
	v63 =	vcvt.f32.s32 v41;
	v41 =	vmul.u32 $0x180, v54  }
0x107: {  	v44 =	vmul.f32 v33, v55;
	v45 =	vcvt.s32.f32 v36;
	v36 =	vadd.s32 v36, v37  }
0x108: {  	v51 =	vld [tilespmem:$0x1B0];
	v37 =	vadd.s32 s3, v58;
	v47 =	vcvt.s32.f32 v63;
	v56 =	vsub.s32 v39, v41  }
0x109: {  	v39 =	vshrl.u32 v59, $0x6;
	v34 =	vsub.f32 v34, v45;
	v45 =	vmul.f32 v46, v55  }
0x10a: {  	v48 =	vld [tilespmem:$0xB0];
	v37 =	vadd.s32 v0, v37;
	v46 =	vmul.f32 v46, v29;
	v53 =	vmulhi.u32 $0xAAAAAB, v39  }
0x10b: {  	v36 =	vmul.u32 $0x180, v36;
	v37 =	vcvt.s32.f32 v37;
	v29 =	vmul.f32 v33, v29  }
0x10c: {  	v55 =	vmul.u32 $0xFFFFFE80, v39;
	v35 =	vsub.f32 v35, v47;
	v47 =	vcvt.s32.f32 v56  }
0x10d: {  	v34 =	vmax.f32 v34, $0.0e+00;
	v33 =	vmul.u32 $0x180, v53;
	v37 =	vsub.f32 v37, v51  }
0x10e: {  	v55 =	vadd.s32 s8, v55;
	v34 =	vmin.f32 v34, $1.000000000e+00;
	v35 =	vmax.f32 v35, $0.0e+00  }
0x10f: {  	v47 =	vsub.f32 v47, v48;
	v55 =	vadd.s32 v0, v55;
	v35 =	vmin.f32 v35, $1.000000000e+00  }
0x110: {  	v60 =	vsub.f32 $1.000000000e+00, v34;
	v39 =	vsub.s32 v39, v33;
	v56 =	vmax.f32 v37, $0.0e+00  }
0x111: {  	v61 =	vld [tilespmem:$0xC0];
	v55 =	vcvt.s32.f32 v55;
	v52 =	vmax.f32 v47, $0.0e+00;
	v54 =	vsub.f32 $1.000000000e+00, v35  }
0x112: {  	[tilespmem:$0x400] =	vst v26;
	v39 =	vcvt.s32.f32 v39;
	v26 =	vmul.f32 v35, v34;
	v52 =	vmin.f32 v52, $3.820000000e+02  }
0x113: {  	v56 =	vmin.f32 v56, $3.820000000e+02;
	v48 =	vmul.f32 v35, v60;
	v52 =	vtrunc.f32 v52  }
0x114: {  	v31 =	vadd.s32 v63, v36;
	v56 =	vtrunc.f32 v56;
	v52 =	vcvt.f32.s32 v52  }
0x115: {  	[tilespmem:$0x500] =	vst v42;
	v63 =	vld [tilespmem:$0x1C0];
	v42 =	vadd.s32 $0x181, v31;
	v53 =	vmul.f32 v54, v60;
	v56 =	vcvt.f32.s32 v56  }
0x116: {  	v54 =	vmul.f32 v54, v34;
	v36 =	vsub.f32 v39, v61;
	v62 =	vcvt.s32.f32 v52  }
0x117: {  	s9 =	sadd.s32 $0xD0, s0;
	v39 =	vadd.s32 $0x1, v31;
	v34 =	vadd.s32 $0x180, v31;
	v61 =	vcvt.s32.f32 v56  }
0x118: {  	[tilespmem:$0x800] =	vst v25;
	v25 =	vadd.s32 v52, v41;
	v52 =	vmov s9;
	v47 =	vsub.f32 v47, v62  }
0x119: {  	v37 =	vsub.f32 v37, v61;
	v25 =	vmul.u32 $0x180, v25;
	v62 =	vmax.f32 v36, $0.0e+00  }
0x11a: {  	[tilespmem:$0x480] =	vst v38;
	v51 =	vmin.f32 v62, $3.820000000e+02;
	v60 =	vmax.f32 v47, $0.0e+00;
	v47 =	vsub.f32 v55, v63  }
0x11b: {  	[tilespmem:$0x580] =	vst v40;
	v25 =	vadd.s32 v56, v25;
	v51 =	vtrunc.f32 v51;
	v55 =	vmax.f32 v37, $0.0e+00  }
0x11c: {  	[tilespmem:$0x880] =	vst v27;
	v35 =	vmin.f32 v60, $1.000000000e+00;
	v40 =	vcvt.f32.s32 v51;
	v63 =	vmax.f32 v47, $0.0e+00  }
0x11d: {  	[tilespmem:$0x410] =	vst v30;
	v30 =	vadd.s32 $0x1, v25;
	v62 =	vsub.f32 $1.000000000e+00, v35;
	v38 =	vmin.f32 v63, $3.820000000e+02  }
0x11e: {  	[tilespmem:$0x900] =	vst v28;
	v28 =	vmin.f32 v55, $1.000000000e+00;
	v57 =	vcvt.s32.f32 v40;
	v27 =	vtrunc.f32 v38  }
0x11f: {  	[tilespmem:$0x490] =	vst v43;
	v63 =	vsub.f32 $1.000000000e+00, v28;
	v38 =	vmulhi.u32 $0x2AAAAAAB, v52;
	v43 =	vmul.f32 v28, v62  }
0x120: {  	[tilespmem:$0x980] =	vst v32;
	v37 =	vadd.s32 $0x180, v25;
	v28 =	vmul.f32 v28, v35;
	v27 =	vcvt.f32.s32 v27  }
0x121: {  	[tilespmem:$0x810] =	vst v45;
	v58 =	vsub.f32 v36, v57;
	v45 =	vmul.f32 v63, v62;
	v59 =	vshrl.u32 v38, $0x6  }
0x122: {  	[tilespmem:$0x510] =	vst v49;
	v52 =	vadd.s32 $0x181, v25;
	v60 =	vcvt.s32.f32 v27;
	v61 =	vmulhi.u32 $0xAAAAAB, v59  }
0x123: {  	[tilespmem:$0x420] =	vst v31;
	v31 =	vmul.f32 v63, v35;
	v32 =	vmax.f32 v58, $0.0e+00;
	v55 =	vmul.u32 $0xFFFFFE80, v59  }
0x124: {  	s0 =	sadd.s32 $0xF0, s0;
	[tilespmem:$0x890] =	vst v44;
	v57 =	vld [tilespmem:$0x1D0];
	v32 =	vmin.f32 v32, $1.000000000e+00;
	v38 =	vsub.f32 v47, v60;
	v41 =	vmul.u32 $0x180, v61  }
0x125: {  	[tilespmem:$0x910] =	vst v46;
	v56 =	vld [tilespmem:$0xD0];
	v58 =	vadd.s32 s9, v55;
	v60 =	vsub.f32 $1.000000000e+00, v32;
	v47 =	vmov s0  }
0x126: {  	[tilespmem:$0x990] =	vst v29;
	v44 =	vadd.s32 v0, v58;
	v38 =	vmax.f32 v38, $0.0e+00;
	v36 =	vsub.s32 v59, v41  }
0x127: {  	[tilespmem:$0x5A0] =	vst v42;
	v59 =	vadd.s32 v40, v33;
	v61 =	vcvt.s32.f32 v44;
	v40 =	vmulhi.u32 $0x2AAAAAAB, v50  }
0x128: {  	[tilespmem:$0x9A0] =	vst v26;
	v38 =	vmin.f32 v38, $1.000000000e+00;
	v36 =	vcvt.s32.f32 v36;
	v29 =	vmul.u32 $0x180, v59  }
0x129: {  	[tilespmem:$0x4A0] =	vst v39;
	v62 =	vsub.f32 $1.000000000e+00, v38;
	v63 =	vsub.f32 v61, v57;
	v33 =	vmul.f32 v38, v60  }
0x12a: {  	[tilespmem:$0x430] =	vst v25;
	v40 =	vshrl.u32 v40, $0x6;
	v25 =	vmul.f32 v38, v32;
	v36 =	vsub.f32 v36, v56  }
0x12b: {  	[tilespmem:$0x820] =	vst v53;
	v53 =	vmulhi.u32 $0xAAAAAB, v40;
	v26 =	vadd.s32 v27, v29;
	v59 =	vmul.u32 $0xFFFFFE80, v40  }
0x12c: {  	[tilespmem:$0x520] =	vst v34;
	v34 =	vmul.f32 v62, v60;
	v51 =	vmax.f32 v63, $0.0e+00;
	v27 =	vmul.f32 v62, v32  }
0x12d: {  	[tilespmem:$0x8A0] =	vst v48;
	v57 =	vadd.s32 $0x1, v26;
	v58 =	vadd.s32 $0x180, v26;
	v61 =	vadd.s32 $0x181, v26  }
0x12e: {  	[tilespmem:$0x920] =	vst v54;
	v62 =	vld [tilespmem:$0x1E0];
	v49 =	vmax.f32 v36, $0.0e+00;
	v42 =	vmin.f32 v51, $3.820000000e+02;
	v38 =	vmul.u32 $0x180, v53  }
0x12f: {  	[tilespmem:$0x4B0] =	vst v30;
	v56 =	vld [tilespmem:$0xE0];
	v35 =	vadd.s32 s15, v59;
	v39 =	vmin.f32 v49, $3.820000000e+02;
	v42 =	vtrunc.f32 v42  }
0x130: {  	[tilespmem:$0x530] =	vst v37;
	v35 =	vadd.s32 v0, v35;
	v49 =	vmulhi.u32 $0x2AAAAAAB, v47;
	v39 =	vtrunc.f32 v39  }
0x131: {  	[tilespmem:$0x5B0] =	vst v52;
	v42 =	vcvt.f32.s32 v42;
	v60 =	vsub.s32 v40, v38;
	v44 =	vcvt.s32.f32 v35  }
0x132: {  	[tilespmem:$0x440] =	vst v26;
	v39 =	vcvt.f32.s32 v39;
	v37 =	vcvt.s32.f32 v60;
	v35 =	vshrl.u32 v49, $0x6  }
0x133: {  	[tilespmem:$0x540] =	vst v58;
	v55 =	vcvt.s32.f32 v42;
	v26 =	vsub.f32 v44, v62;
	v58 =	vmul.u32 $0xFFFFFE80, v35  }
0x134: {  	[tilespmem:$0x8B0] =	vst v43;
	v54 =	vcvt.s32.f32 v39;
	v39 =	vadd.s32 v39, v41;
	v37 =	vsub.f32 v37, v56  }
0x135: {  	[tilespmem:$0x9B0] =	vst v28;
	v32 =	vsub.f32 v63, v55;
	v39 =	vmul.u32 $0x180, v39;
	v52 =	vmax.f32 v26, $0.0e+00  }
0x136: {  	[tilespmem:$0x830] =	vst v45;
	v29 =	vsub.f32 v36, v54;
	v46 =	vmax.f32 v37, $0.0e+00;
	v36 =	vmin.f32 v52, $3.820000000e+02  }
0x137: {  	[tilespmem:$0x930] =	vst v31;
	v54 =	vmulhi.u32 $0xAAAAAB, v35;
	v32 =	vmax.f32 v32, $0.0e+00;
	v45 =	vadd.s32 v42, v39  }
0x138: {  	[tilespmem:$0x8C0] =	vst v33;
	v48 =	vmin.f32 v46, $3.820000000e+02;
	v36 =	vtrunc.f32 v36;
	v29 =	vmax.f32 v29, $0.0e+00  }
0x139: {  	[tilespmem:$0x9C0] =	vst v25;
	v63 =	vmin.f32 v32, $1.000000000e+00;
	v50 =	vadd.s32 $0x1, v45;
	v51 =	vadd.s32 $0x180, v45  }
0x13a: {  	[tilespmem:$0x4C0] =	vst v57;
	v32 =	vtrunc.f32 v48;
	v57 =	vcvt.f32.s32 v36;
	v41 =	vmul.u32 $0x180, v54  }
0x13b: {  	[tilespmem:$0x5C0] =	vst v61;
	v59 =	vld [tilespmem:$0xF0];
	v36 =	vadd.s32 s0, v58;
	v28 =	vadd.s32 $0x181, v45;
	v32 =	vcvt.f32.s32 v32  }
0x13c: {  	[tilespmem:$0x840] =	vst v34;
	v60 =	vld [tilespmem:$0x1F0];
	v29 =	vmin.f32 v29, $1.000000000e+00;
	v55 =	vsub.f32 $1.000000000e+00, v63;
	v62 =	vadd.s32 v0, v36  }
0x13d: {  	[tilespmem:$0x940] =	vst v27;
	v25 =	vcvt.s32.f32 v57;
	v35 =	vsub.s32 v35, v41;
	v56 =	vcvt.s32.f32 v32  }
0x13e: {  	[tilespmem:$0x450] =	vst v45;
	v53 =	vsub.f32 $1.000000000e+00, v29;
	v61 =	vmul.f32 v55, v29;
	v35 =	vcvt.s32.f32 v35  }
0x13f: {  	[tilespmem:$0x4D0] =	vst v50;
	v29 =	vmul.f32 v63, v29;
	v25 =	vsub.f32 v26, v25;
	v26 =	vcvt.s32.f32 v62  }
0x140: {  	[tilespmem:$0x550] =	vst v51;
	v32 =	vadd.s32 v32, v38;
	v27 =	vmul.f32 v55, v53;
	v37 =	vsub.f32 v37, v56  }
0x141: {  	[tilespmem:$0x5D0] =	vst v28;
	v40 =	vmul.f32 v63, v53;
	v63 =	vsub.f32 v35, v59;
	v26 =	vsub.f32 v26, v60  }
0x142: {  	[tilespmem:$0x850] =	vst v27;
	v25 =	vmax.f32 v25, $0.0e+00;
	v27 =	vmul.u32 $0x180, v32;
	v43 =	vmax.f32 v37, $0.0e+00  }
0x143: {  	[tilespmem:$0x950] =	vst v61;
	v45 =	vmax.f32 v63, $0.0e+00;
	v25 =	vmin.f32 v25, $1.000000000e+00;
	v44 =	vmin.f32 v43, $1.000000000e+00  }
0x144: {  	[tilespmem:$0x9D0] =	vst v29;
	v32 =	vmin.f32 v45, $3.820000000e+02;
	v46 =	vmax.f32 v26, $0.0e+00;
	v27 =	vadd.s32 v57, v27  }
0x145: {  	[tilespmem:$0x8D0] =	vst v40;
	v50 =	vsub.f32 $1.000000000e+00, v25;
	v47 =	vmin.f32 v46, $3.820000000e+02;
	v32 =	vtrunc.f32 v32  }
0x146: {  	v48 =	vadd.s32 $0x1, v27;
	[tilespmem:$0x460] =	vst v27;
	v32 =	vcvt.f32.s32 v32;
	v30 =	vtrunc.f32 v47  }
0x147: {  	v49 =	vsub.f32 $1.000000000e+00, v44;
	v51 =	vadd.s32 $0x180, v27;
	[tilespmem:$0x4E0] =	vst v48;
	v30 =	vcvt.f32.s32 v30  }
0x148: {  	v27 =	vadd.s32 $0x181, v27;
	[tilespmem:$0x560] =	vst v51;
	v57 =	vmul.f32 v50, v44;
	v52 =	vcvt.s32.f32 v32  }
0x149: {  	[tilespmem:$0x5E0] =	vst v27;
	v53 =	vmul.f32 v50, v49;
	v54 =	vcvt.s32.f32 v30  }
0x14a: {  	v55 =	vmul.f32 v25, v49;
	v56 =	vadd.s32 v32, v41;
	[tilespmem:$0x960] =	vst v57;
	v27 =	vsub.f32 v63, v52  }
0x14b: {  	v25 =	vmul.f32 v25, v44;
	[tilespmem:$0x860] =	vst v53;
	v58 =	vmul.u32 $0x180, v56;
	v26 =	vsub.f32 v26, v54  }
0x14c: {  	[tilespmem:$0x8E0] =	vst v55;
	v27 =	vmax.f32 v27, $0.0e+00  }
0x14d: {  	[tilespmem:$0x9E0] =	vst v25;
	v26 =	vmax.f32 v26, $0.0e+00;
	v25 =	vmin.f32 v27, $1.000000000e+00;
	v27 =	vadd.s32 v30, v58  }
0x14e: {  	v26 =	vmin.f32 v26, $1.000000000e+00;
	[tilespmem:$0x470] =	vst v27;
	v28 =	vadd.s32 $0x1, v27;
	v59 =	vsub.f32 $1.000000000e+00, v25  }
0x14f: {  	v61 =	vadd.s32 $0x180, v27;
	v27 =	vadd.s32 $0x181, v27;
	v60 =	vsub.f32 $1.000000000e+00, v26;
	[tilespmem:$0x4F0] =	vst v28  }
0x150: {  	[tilespmem:$0x5F0] =	vst v27;
	v27 =	vmul.f32 v26, v59  }
0x151: {  	[tilespmem:$0x570] =	vst v61;
	v62 =	vmul.f32 v60, v59  }
0x152: {  	v63 =	vmul.f32 v60, v25;
	[tilespmem:$0x8F0] =	vst v27  }
0x153: {  	v25 =	vmul.f32 v26, v25;
	[tilespmem:$0x870] =	vst v62  }
0x154: {  	[tilespmem:$0x970] =	vst v63  }
0x155: {  	s3 =	simm.s32 $0x400;
	s8 =	simm.s32 $0xCA00;
	[tilespmem:$0x9F0] =	vst v25  }
0x156: {  	[tilespmem:s8], [sflag:$0x4] =	stream.indirect.gather [hbm4b:s5+s17], $0x60, s3, s17, $0xb8;
	[tilespmem:$0x1F000] =	vst v63  }
0x157: {  	p1 =	seq.s32 s29, $0x47;
	s9 =	simm.s32 $0x480;
	s15 =	simm.s32 $0xFA00  }
0x158: {  	[tilespmem:s15], [sflag:$0x4] =	stream.indirect.gather [hbm4b:s5+s17], $0x60, s9, s17, $0xb8;
	[tilespmem:$0x1F000] =	vst v63  }
0x159: {  	s0 =	sadd.s32 @!p1 s30, s12;
	s3 =	simm.s32 $0x500;
	s8 =	simm.s32 $0x12A00  }
0x15a: {  	[tilespmem:s8], [sflag:$0x4] =	stream.indirect.gather [hbm4b:s5+s17], $0x60, s3, s17, $0xb8;
	[tilespmem:$0x1F000] =	vst v63  }
0x15b: {  	s0 =	sshrl.u32 @!p1 s0, $0x3;
	s9 =	simm.s32 $0x580;
	s15 =	simm.s32 $0x15A00  }
0x15c: {  	[tilespmem:s15], [sflag:$0x4] =	stream.indirect.gather [hbm4b:s5+s17], $0x60, s9, s17, $0xb8;
	[tilespmem:$0x1F000] =	vst v63  }
0x15d: {  	s2 =	sadd.s32 @!p1 s6, s0;
	s8 =	simm.s32 @!p1 $0x0  }
0x15e: {  	[tilespmem:s8], [sflag:$0x1] =	stream.linear.gather @!p1 [hbm4b:s2+s8], $0x80, $0x38;
	[tilespmem:$0x1F000] =	vst v63  }
0x15f: {  	s0 =	sadd.s32 @!p1 s7, s0;
	s2 =	simm.s32 @!p1 $0x100  }
0x160: {  	[tilespmem:s2], [sflag:$0x1] =	stream.linear.gather @!p1 [hbm4b:s0+s8], $0x80, $0x38;
	[tilespmem:$0x1F000] =	vst v63  }
0x161: {  	_ =	swait.ge [sflag:s10], $0x3000  }
0x162: {  	[sflag:s10] =	ssyncset.done $0x0  }
0x163: {  	[sflag:s10] =	ssyncadd.s32 $0xFFFFD000  }
0x164: {  	_ =	swait.ge [sflag:s10], $0x3000  }
0x165: {  	[sflag:s10] =	ssyncset.done $0x0  }
0x166: {  	[sflag:s10] =	ssyncadd.s32 $0xFFFFD000  }
0x167: {  	_ =	swait.ge [sflag:s10], $0x3000  }
0x168: {  	[sflag:s10] =	ssyncset.done $0x0  }
0x169: {  	[sflag:s10] =	ssyncadd.s32 $0xFFFFD000  }
0x16a: {  	_ =	swait.ge [sflag:s10], $0x3000  }
0x16b: {  	p0 =	seq.s32 s29, $0x0;
	[sflag:s10] =	ssyncset.done $0x0  }
0x16c: {  	s0 =	simm.s32 @!p0 $0x5;
	[sflag:s10] =	ssyncadd.s32 $0xFFFFD000  }
0x16d: {  	s29 =	sadd.s32 $0x1, s29;
	s31 =	simm.s32 $0x0;
	_ =	swait.ge @!p0 [sflag:s0], $0x3000  }
0x16e: {  	s15 =	simm.s32 $0x6AC0;
	s2 =	simm.s32 $0xAC0;
	[sflag:s0] =	ssyncset.done @!p0 $0x0  }
0x16f: {  	s8 =	simm.s32 $0x9AC0;
	[sflag:s0] =	ssyncadd.s32 @!p0 $0xFFFFD000;
	s0 =	simm.s32 $0x3AC0  }
.LBB2_4:
0x170: {  	v25 =	vld [tilespmem:s2+$0xFFFFFF40]  }
0x171: {  	v31 =	vld [tilespmem:s2+$0xFFFFFF50]  }
0x172: {  	v32 =	vld [tilespmem:s2+$0xFFFFFF60]  }
0x173: {  	v33 =	vld [tilespmem:s2+$0xFFFFFF70]  }
0x174: {  	v34 =	vld [tilespmem:s0+$0xFFFFFF40]  }
0x175: {  	v35 =	vld [tilespmem:s0+$0xFFFFFF50]  }
0x176: {  	v26 =	vmov s31;
	v36 =	vld [tilespmem:s0+$0xFFFFFF60]  }
0x177: {  	v37 =	vld [tilespmem:s0+$0xFFFFFF70]  }
0x178: {  	v38 =	vld [tilespmem:s15+$0xFFFFFF40]  }
0x179: {  	v39 =	vld [tilespmem:s8+$0xFFFFFF40]  }
0x17a: {  	v40 =	vld [tilespmem:s15+$0xFFFFFF50]  }
0x17b: {  	v27 =	vld.idx.msk [tilespmem:v26+s11+$0x0], $0xffff  }
0x17c: {  	v28 =	vld.idx.msk [tilespmem:v26+s14+$0x0], $0xffff  }
0x17d: {  	v29 =	vld.idx.msk [tilespmem:v26+s18+$0x0], $0xffff  }
0x17e: {  	v30 =	vld.idx.msk [tilespmem:v26+s19+$0x0], $0xffff  }
0x17f: {  	v41 =	vld [tilespmem:s8+$0xFFFFFF50]  }
0x180: {  	v42 =	vld [tilespmem:s15+$0xFFFFFF60]  }
0x181: {  	v43 =	vld [tilespmem:s8+$0xFFFFFF60];
	v25 =	vmul.f32 v25, v27  }
0x182: {  	v44 =	vld [tilespmem:s15+$0xFFFFFF70];
	v34 =	vmul.f32 v34, v28;
	v38 =	vmul.f32 v38, v29  }
0x183: {  	v45 =	vld [tilespmem:s8+$0xFFFFFF70];
	v39 =	vmul.f32 v39, v30;
	v31 =	vmul.f32 v31, v27  }
0x184: {  	v56 =	vld [tilespmem:s2+$0xFFFFFF80];
	v52 =	vmul.f32 v35, v28;
	v54 =	vmul.f32 v40, v29  }
0x185: {  	v57 =	vld [tilespmem:s0+$0xFFFFFF80];
	v55 =	vmul.f32 v41, v30;
	v32 =	vmul.f32 v32, v27  }
0x186: {  	v60 =	vld [tilespmem:s15+$0xFFFFFF80];
	v36 =	vmul.f32 v36, v28;
	v58 =	vmul.f32 v43, v30  }
0x187: {  	v63 =	vld [tilespmem:s8+$0xFFFFFF80];
	v33 =	vmul.f32 v33, v27;
	v25 =	vadd.f32 v34, v25;
	v53 =	vadd.f32 v39, v38  }
0x188: {  	v47 =	vld [tilespmem:s2+$0xFFFFFF90];
	v59 =	vmul.f32 v37, v28;
	v61 =	vmul.f32 v44, v29  }
0x189: {  	v49 =	vld [tilespmem:s0+$0xFFFFFF90];
	v62 =	vmul.f32 v45, v30;
	v35 =	vadd.f32 v53, v25;
	v25 =	vmul.f32 v42, v29  }
0x18a: {  	v50 =	vmul.f32 v56, v27;
	v31 =	vadd.f32 v52, v31;
	v38 =	vadd.f32 v55, v54  }
0x18b: {  	v51 =	vmul.f32 v57, v28;
	v32 =	vadd.f32 v36, v32;
	v25 =	vadd.f32 v58, v25  }
0x18c: {  	v37 =	vmul.f32 v60, v29;
	v33 =	vadd.f32 v59, v33;
	v48 =	vadd.f32 v62, v61  }
0x18d: {  	v52 =	vld [tilespmem:s15+$0xFFFFFF90];
	v55 =	vmul.f32 v63, v30;
	v32 =	vadd.f32 v25, v32;
	v25 =	vmul.u32 $0x88, v0  }
0x18e: {  	v54 =	vand.u32 $0x7C, v26;
	v36 =	vmul.f32 v47, v27;
	v39 =	vmul.f32 v49, v28;
	v53 =	vld [tilespmem:s8+$0xFFFFFF90]  }
0x18f: {  	v31 =	vadd.f32 v38, v31;
	v56 =	vadd.s32 v25, v54;
	v26 =	vadd.s32 $0x880, v25  }
0x190: {  	v33 =	vadd.f32 v48, v33;
	v27 =	vadd.s32 $0x1100, v25;
	v57 =	vadd.s32 v26, v54  }
0x191: {  	v38 =	vadd.f32 v51, v50;
	v28 =	vadd.s32 $0x1980, v25;
	v58 =	vadd.s32 v27, v54  }
0x192: {  	v41 =	vmul.f32 v52, v29;
	v29 =	vadd.s32 $0x2200, v25;
	v46 =	vadd.s32 v28, v54  }
0x193: {  	v34 =	vmul.f32 v53, v30;
	v30 =	vadd.s32 $0x2A80, v25;
	v47 =	vadd.s32 v29, v54  }
0x194: {  	s9 =	sadd.s32 $0x1, s31;
	v37 =	vadd.f32 v55, v37;
	v59 =	vadd.s32 v30, v54;
	[tilespmem:v56+s20+$0x0] =	vst.idx.msk $0xffff, v35  }
0x195: {  	v36 =	vadd.f32 v39, v36;
	v34 =	vadd.f32 v34, v41;
	[tilespmem:v57+s20+$0x0] =	vst.idx.msk $0xffff, v31;
	v31 =	vmov s9  }
0x196: {  	v37 =	vadd.f32 v37, v38;
	[tilespmem:v58+s20+$0x0] =	vst.idx.msk $0xffff, v32  }
0x197: {  	v60 =	vadd.f32 v34, v36;
	[tilespmem:v46+s20+$0x0] =	vst.idx.msk $0xffff, v33  }
0x198: {  	[tilespmem:v47+s20+$0x0] =	vst.idx.msk $0xffff, v37  }
0x199: {  	[tilespmem:v59+s20+$0x0] =	vst.idx.msk $0xffff, v60  }
0x19a: {  	v32 =	vld.idx.msk [tilespmem:v31+s11+$0x0], $0xffff  }
0x19b: {  	v33 =	vld.idx.msk [tilespmem:v31+s14+$0x0], $0xffff  }
0x19c: {  	v34 =	vld.idx.msk [tilespmem:v31+s18+$0x0], $0xffff  }
0x19d: {  	v35 =	vld.idx.msk [tilespmem:v31+s19+$0x0], $0xffff  }
0x19e: {  	v61 =	vld [tilespmem:s2+$0xFFFFFFA0]  }
0x19f: {  	v37 =	vld [tilespmem:s2+$0xFFFFFFB0]  }
0x1a0: {  	v62 =	vld [tilespmem:s2+$0xFFFFFFC0]  }
0x1a1: {  	v63 =	vld [tilespmem:s2+$0xFFFFFFD0]  }
0x1a2: {  	v53 =	vld [tilespmem:s0+$0xFFFFFFA0]  }
0x1a3: {  	v54 =	vld [tilespmem:s0+$0xFFFFFFB0]  }
0x1a4: {  	v55 =	vld [tilespmem:s0+$0xFFFFFFC0]  }
0x1a5: {  	v43 =	vld [tilespmem:s0+$0xFFFFFFD0]  }
0x1a6: {  	v44 =	vld [tilespmem:s15+$0xFFFFFFA0]  }
0x1a7: {  	v45 =	vld [tilespmem:s8+$0xFFFFFFA0]  }
0x1a8: {  	v46 =	vld [tilespmem:s15+$0xFFFFFFB0]  }
0x1a9: {  	v47 =	vld [tilespmem:s8+$0xFFFFFFB0]  }
0x1aa: {  	v48 =	vld [tilespmem:s15+$0xFFFFFFC0];
	v36 =	vmul.f32 v61, v32  }
0x1ab: {  	v49 =	vld [tilespmem:s8+$0xFFFFFFC0];
	v40 =	vmul.f32 v53, v33;
	v44 =	vmul.f32 v44, v34  }
0x1ac: {  	v50 =	vld [tilespmem:s15+$0xFFFFFFD0];
	v45 =	vmul.f32 v45, v35;
	v37 =	vmul.f32 v37, v32  }
0x1ad: {  	v51 =	vld [tilespmem:s8+$0xFFFFFFD0];
	v56 =	vmul.f32 v54, v33;
	v57 =	vmul.f32 v46, v34  }
0x1ae: {  	v41 =	vld [tilespmem:s2+$0xFFFFFFE0];
	v58 =	vmul.f32 v47, v35;
	v38 =	vmul.f32 v62, v32  }
0x1af: {  	v52 =	vld [tilespmem:s0+$0xFFFFFFE0];
	v42 =	vmul.f32 v55, v33;
	v59 =	vmul.f32 v48, v34  }
0x1b0: {  	v47 =	vld [tilespmem:s2+$0xFFFFFFF0];
	v60 =	vmul.f32 v49, v35;
	v39 =	vmul.f32 v63, v32  }
0x1b1: {  	v31 =	vand.u32 $0x7D, v31;
	v49 =	vld [tilespmem:s0+$0xFFFFFFF0];
	v61 =	vmul.f32 v43, v33;
	v62 =	vmul.f32 v50, v34  }
0x1b2: {  	v43 =	vld [tilespmem:s15+$0xFFFFFFE0];
	v63 =	vmul.f32 v51, v35;
	v36 =	vadd.f32 v40, v36;
	v44 =	vadd.f32 v45, v44  }
0x1b3: {  	v54 =	vld [tilespmem:s8+$0xFFFFFFE0];
	v41 =	vmul.f32 v41, v32;
	v37 =	vadd.f32 v56, v37;
	v45 =	vadd.f32 v58, v57  }
0x1b4: {  	v53 =	vadd.s32 v28, v31;
	v38 =	vadd.f32 v42, v38;
	v55 =	vadd.f32 v60, v59;
	v56 =	vld [tilespmem:s15+$0xFFFFFFF0]  }
0x1b5: {  	v39 =	vadd.f32 v61, v39;
	v57 =	vadd.f32 v63, v62;
	v58 =	vld [tilespmem:s8+$0xFFFFFFF0];
	v59 =	vmul.f32 v52, v33  }
0x1b6: {  	v60 =	vadd.s32 v25, v31;
	v62 =	vadd.s32 v26, v31;
	v36 =	vadd.f32 v44, v36  }
0x1b7: {  	v52 =	vadd.s32 v27, v31;
	v37 =	vadd.f32 v45, v37;
	v38 =	vadd.f32 v55, v38  }
0x1b8: {  	v39 =	vadd.f32 v57, v39;
	v43 =	vmul.f32 v43, v34;
	v63 =	vmul.f32 v54, v35  }
0x1b9: {  	v61 =	vadd.f32 v59, v41;
	v32 =	vmul.f32 v47, v32;
	v33 =	vmul.f32 v49, v33  }
0x1ba: {  	v54 =	vadd.s32 v29, v31;
	v34 =	vmul.f32 v56, v34;
	v35 =	vmul.f32 v58, v35  }
0x1bb: {  	s3 =	sadd.s32 $0x2, s31;
	v31 =	vadd.s32 v30, v31;
	v43 =	vadd.f32 v63, v43;
	[tilespmem:v60+s20+$0x0] =	vst.idx.msk $0xffff, v36  }
0x1bc: {  	v32 =	vadd.f32 v33, v32;
	[tilespmem:v62+s20+$0x0] =	vst.idx.msk $0xffff, v37;
	v55 =	vadd.f32 v35, v34;
	v34 =	vmov s3  }
0x1bd: {  	v56 =	vadd.f32 v43, v61;
	[tilespmem:v52+s20+$0x0] =	vst.idx.msk $0xffff, v38  }
0x1be: {  	[tilespmem:v53+s20+$0x0] =	vst.idx.msk $0xffff, v39;
	v32 =	vadd.f32 v55, v32  }
0x1bf: {  	[tilespmem:v54+s20+$0x0] =	vst.idx.msk $0xffff, v56  }
0x1c0: {  	[tilespmem:v31+s20+$0x0] =	vst.idx.msk $0xffff, v32  }
0x1c1: {  	v31 =	vld.idx.msk [tilespmem:v34+s11+$0x0], $0xffff  }
0x1c2: {  	v32 =	vld.idx.msk [tilespmem:v34+s14+$0x0], $0xffff  }
0x1c3: {  	v33 =	vld.idx.msk [tilespmem:v34+s18+$0x0], $0xffff  }
0x1c4: {  	v35 =	vld.idx.msk [tilespmem:v34+s19+$0x0], $0xffff  }
0x1c5: {  	v36 =	vld [tilespmem:s2+$0x0]  }
0x1c6: {  	v37 =	vld [tilespmem:s2+$0x10]  }
0x1c7: {  	v38 =	vld [tilespmem:s2+$0x20]  }
0x1c8: {  	v39 =	vld [tilespmem:s2+$0x30]  }
0x1c9: {  	v57 =	vld [tilespmem:s0+$0x0]  }
0x1ca: {  	v41 =	vld [tilespmem:s0+$0x10]  }
0x1cb: {  	v42 =	vld [tilespmem:s0+$0x20]  }
0x1cc: {  	v43 =	vld [tilespmem:s0+$0x30]  }
0x1cd: {  	v44 =	vld [tilespmem:s15+$0x0]  }
0x1ce: {  	v58 =	vld [tilespmem:s8+$0x0]  }
0x1cf: {  	v59 =	vld [tilespmem:s15+$0x10]  }
0x1d0: {  	v47 =	vld [tilespmem:s8+$0x10]  }
0x1d1: {  	v48 =	vld [tilespmem:s15+$0x20]  }
0x1d2: {  	v60 =	vld [tilespmem:s8+$0x20];
	v36 =	vmul.f32 v36, v31;
	v40 =	vmul.f32 v57, v32  }
0x1d3: {  	v61 =	vld [tilespmem:s15+$0x30];
	v44 =	vmul.f32 v44, v33;
	v45 =	vmul.f32 v58, v35  }
0x1d4: {  	v62 =	vld [tilespmem:s8+$0x30];
	v37 =	vmul.f32 v37, v31;
	v63 =	vmul.f32 v41, v32  }
0x1d5: {  	v52 =	vld [tilespmem:s0+$0x40];
	v56 =	vmul.f32 v59, v33;
	v57 =	vmul.f32 v47, v35  }
0x1d6: {  	v49 =	vld [tilespmem:s0+$0x50];
	v38 =	vmul.f32 v38, v31;
	v42 =	vmul.f32 v42, v32  }
0x1d7: {  	v55 =	vld [tilespmem:s15+$0x50];
	v34 =	vand.u32 $0x7E, v34;
	v58 =	vmul.f32 v48, v33;
	v59 =	vmul.f32 v60, v35  }
0x1d8: {  	v41 =	vld [tilespmem:s2+$0x40];
	v39 =	vmul.f32 v39, v31;
	v60 =	vmul.f32 v43, v32;
	v36 =	vadd.f32 v40, v36  }
0x1d9: {  	v47 =	vld [tilespmem:s2+$0x50];
	v61 =	vmul.f32 v61, v33;
	v44 =	vadd.f32 v45, v44;
	v37 =	vadd.f32 v63, v37  }
0x1da: {  	v62 =	vmul.f32 v62, v35;
	v45 =	vadd.f32 v57, v56;
	v63 =	vld [tilespmem:s8+$0x40];
	v38 =	vadd.f32 v42, v38  }
0x1db: {  	v51 =	vadd.s32 v28, v34;
	v43 =	vld [tilespmem:s15+$0x40];
	v54 =	vadd.f32 v59, v58;
	v39 =	vadd.f32 v60, v39  }
0x1dc: {  	v56 =	vadd.f32 v62, v61;
	v57 =	vld [tilespmem:s8+$0x50];
	v58 =	vmul.f32 v52, v32;
	v59 =	vadd.s32 v25, v34  }
0x1dd: {  	v61 =	vadd.s32 v26, v34;
	v32 =	vmul.f32 v49, v32;
	v36 =	vadd.f32 v44, v36  }
0x1de: {  	v52 =	vadd.s32 v29, v34;
	v37 =	vadd.f32 v45, v37;
	v38 =	vadd.f32 v54, v38  }
0x1df: {  	v41 =	vmul.f32 v41, v31;
	v62 =	vmul.f32 v63, v35;
	v63 =	vadd.s32 v27, v34  }
0x1e0: {  	v39 =	vadd.f32 v56, v39;
	v43 =	vmul.f32 v43, v33;
	v31 =	vmul.f32 v47, v31  }
0x1e1: {  	v33 =	vmul.f32 v55, v33;
	v60 =	vadd.f32 v58, v41;
	v35 =	vmul.f32 v57, v35  }
0x1e2: {  	s3 =	sadd.s32 $0x3, s31;
	[tilespmem:v59+s20+$0x0] =	vst.idx.msk $0xffff, v36;
	v34 =	vadd.s32 v30, v34;
	v43 =	vadd.f32 v62, v43  }
0x1e3: {  	v31 =	vadd.f32 v32, v31;
	[tilespmem:v61+s20+$0x0] =	vst.idx.msk $0xffff, v37;
	v53 =	vadd.f32 v35, v33;
	v33 =	vmov s3  }
0x1e4: {  	v54 =	vadd.f32 v43, v60;
	[tilespmem:v63+s20+$0x0] =	vst.idx.msk $0xffff, v38  }
0x1e5: {  	v31 =	vadd.f32 v53, v31;
	[tilespmem:v51+s20+$0x0] =	vst.idx.msk $0xffff, v39  }
0x1e6: {  	[tilespmem:v52+s20+$0x0] =	vst.idx.msk $0xffff, v54  }
0x1e7: {  	[tilespmem:v34+s20+$0x0] =	vst.idx.msk $0xffff, v31  }
0x1e8: {  	v31 =	vld.idx.msk [tilespmem:v33+s11+$0x0], $0xffff  }
0x1e9: {  	v32 =	vld.idx.msk [tilespmem:v33+s14+$0x0], $0xffff  }
0x1ea: {  	v34 =	vld.idx.msk [tilespmem:v33+s18+$0x0], $0xffff  }
0x1eb: {  	v35 =	vld.idx.msk [tilespmem:v33+s19+$0x0], $0xffff  }
0x1ec: {  	v36 =	vld [tilespmem:s2+$0x60]  }
0x1ed: {  	v37 =	vld [tilespmem:s2+$0x70]  }
0x1ee: {  	v38 =	vld [tilespmem:s2+$0x80]  }
0x1ef: {  	v39 =	vld [tilespmem:s2+$0x90]  }
0x1f0: {  	v55 =	vld [tilespmem:s0+$0x60]  }
0x1f1: {  	v41 =	vld [tilespmem:s0+$0x70]  }
0x1f2: {  	v42 =	vld [tilespmem:s0+$0x80]  }
0x1f3: {  	v43 =	vld [tilespmem:s0+$0x90]  }
0x1f4: {  	v44 =	vld [tilespmem:s15+$0x60]  }
0x1f5: {  	v56 =	vld [tilespmem:s8+$0x60]  }
0x1f6: {  	v57 =	vld [tilespmem:s15+$0x70]  }
0x1f7: {  	v47 =	vld [tilespmem:s8+$0x70]  }
0x1f8: {  	v48 =	vld [tilespmem:s15+$0x80];
	v36 =	vmul.f32 v36, v31  }
0x1f9: {  	v58 =	vld [tilespmem:s8+$0x80];
	v40 =	vmul.f32 v55, v32;
	v44 =	vmul.f32 v44, v34  }
0x1fa: {  	v59 =	vld [tilespmem:s15+$0x90];
	v45 =	vmul.f32 v56, v35;
	v37 =	vmul.f32 v37, v31  }
0x1fb: {  	v60 =	vld [tilespmem:s8+$0x90];
	v61 =	vmul.f32 v41, v32;
	v62 =	vmul.f32 v57, v34  }
0x1fc: {  	v52 =	vld [tilespmem:s0+$0xA0];
	v63 =	vmul.f32 v47, v35;
	v38 =	vmul.f32 v38, v31  }
0x1fd: {  	v49 =	vld [tilespmem:s0+$0xB0];
	v42 =	vmul.f32 v42, v32;
	v55 =	vmul.f32 v48, v34  }
0x1fe: {  	v53 =	vld [tilespmem:s8+$0xB0];
	v56 =	vmul.f32 v58, v35;
	v39 =	vmul.f32 v39, v31  }
0x1ff: {  	v33 =	vand.u32 $0x7F, v33;
	v41 =	vld [tilespmem:s2+$0xA0];
	v57 =	vmul.f32 v43, v32;
	v58 =	vmul.f32 v59, v34  }
0x200: {  	v47 =	vld [tilespmem:s2+$0xB0];
	v59 =	vmul.f32 v60, v35;
	v36 =	vadd.f32 v40, v36;
	v44 =	vadd.f32 v45, v44  }
0x201: {  	v43 =	vld [tilespmem:s15+$0xA0];
	v54 =	vmul.f32 v52, v32;
	v37 =	vadd.f32 v61, v37;
	v45 =	vadd.f32 v63, v62  }
0x202: {  	v60 =	vld [tilespmem:s8+$0xA0];
	v32 =	vmul.f32 v49, v32;
	v38 =	vadd.f32 v42, v38;
	v61 =	vadd.f32 v56, v55  }
0x203: {  	v62 =	vld [tilespmem:s15+$0xB0];
	v39 =	vadd.f32 v57, v39;
	v63 =	vadd.f32 v59, v58;
	v55 =	vadd.s32 v25, v33  }
0x204: {  	v57 =	vadd.s32 v26, v33;
	v36 =	vadd.f32 v44, v36;
	v37 =	vadd.f32 v45, v37  }
0x205: {  	v59 =	vadd.s32 v27, v33;
	v38 =	vadd.f32 v61, v38;
	v39 =	vadd.f32 v63, v39  }
0x206: {  	v61 =	vadd.s32 v29, v33;
	v41 =	vmul.f32 v41, v31;
	v43 =	vmul.f32 v43, v34  }
0x207: {  	v58 =	vmul.f32 v60, v35;
	v31 =	vmul.f32 v47, v31;
	v60 =	vadd.s32 v28, v33  }
0x208: {  	v35 =	vmul.f32 v53, v35;
	v33 =	vadd.s32 v30, v33;
	v34 =	vmul.f32 v62, v34  }
0x209: {  	p2 =	slt.u32 s31, $0x7C;
	v56 =	vadd.f32 v54, v41;
	v43 =	vadd.f32 v58, v43;
	[tilespmem:v55+s20+$0x0] =	vst.idx.msk $0xffff, v36  }
.Ltmp0:
0x20a: {  	v31 =	vadd.f32 v32, v31;
	[tilespmem:v57+s20+$0x0] =	vst.idx.msk $0xffff, v37;
	v62 =	vadd.f32 v35, v34;
	(pc) =	sbr.rel @p2 .LBB2_4-.Ltmp0, $4  }
0x20b: {  	v63 =	vadd.f32 v43, v56;
	[tilespmem:v59+s20+$0x0] =	vst.idx.msk $0xffff, v38  }
0x20c: {  	[tilespmem:v60+s20+$0x0] =	vst.idx.msk $0xffff, v39;
	v31 =	vadd.f32 v62, v31  }
0x20d: {  	s31 =	sadd.s32 $0x4, s31;
	s0 =	sadd.s32 $0x180, s0;
	[tilespmem:v61+s20+$0x0] =	vst.idx.msk $0xffff, v63  }
0x20e: {  	s2 =	sadd.s32 $0x180, s2;
	s8 =	sadd.s32 $0x180, s8;
	s15 =	sadd.s32 $0x180, s15;
	[tilespmem:v33+s20+$0x0] =	vst.idx.msk $0xffff, v31  }
0x20f: {  	s0 =	sadd.s32 s1, s30  }
0x210: {  	s2 =	smulhi.u32 $0x2AAAAAAB, s0;
	_ =	sdelay $0x1  }
0x211: {  	s2 =	sshrl.u32 s2, $0x6  }
0x212: {  	s2 =	smul.u32 $0x1080, s2;
	_ =	sdelay $0x1  }
0x213: {  	s0 =	sadd.s32 s0, s2  }
0x214: {  	s9 =	rddreg [dreg:$0x1];
	s0 =	sand.u32 $0x1FFFFF80, s0  }
0x215: {  	s15 =	simm.s32 $0x18A00;
	s2 =	sadd.s32 s9, s0  }
0x216: {  	[hbm4b:s2+s4] =	stream.linear.scatter [tilespmem:s15], [sflag:$0x5], $0x80, $0x38;
	[tilespmem:$0x1F000] =	vst v63  }
0x217: {  	s3 =	simm.s32 $0x18A88;
	s8 =	sadd.s32 $0x10, s2  }
0x218: {  	[hbm4b:s8+s4] =	stream.linear.scatter [tilespmem:s3], [sflag:$0x5], $0x80, $0x38;
	[tilespmem:$0x1F000] =	vst v63  }
0x219: {  	s9 =	sadd.s32 $0x20, s2;
	s8 =	simm.s32 $0x18B10  }
0x21a: {  	[hbm4b:s9+s4] =	stream.linear.scatter [tilespmem:s8], [sflag:$0x5], $0x80, $0x38;
	[tilespmem:$0x1F000] =	vst v63  }
0x21b: {  	s15 =	simm.s32 $0x18B98;
	s3 =	sadd.s32 $0x30, s2  }
0x21c: {  	[hbm4b:s3+s4] =	stream.linear.scatter [tilespmem:s15], [sflag:$0x5], $0x80, $0x38;
	[tilespmem:$0x1F000] =	vst v63  }
0x21d: {  	s8 =	simm.s32 $0x18C20;
	s9 =	sadd.s32 $0x40, s2  }
0x21e: {  	[hbm4b:s9+s4] =	stream.linear.scatter [tilespmem:s8], [sflag:$0x5], $0x80, $0x38;
	[tilespmem:$0x1F000] =	vst v63  }
0x21f: {  	s0 =	simm.s32 $0x440;
	s15 =	simm.s32 $0x18CA8;
	s3 =	sadd.s32 $0x50, s2  }
0x220: {  	[hbm4b:s3+s4] =	stream.linear.scatter [tilespmem:s15], [sflag:$0x5], $0x80, $0x38;
	[tilespmem:$0x1F000] =	vst v63  }
0x221: {  	s31 =	sadd.s32 $0x70, s2;
	s9 =	simm.s32 $0x18D30;
	s15 =	sadd.s32 $0x60, s2  }
0x222: {  	[hbm4b:s15+s4] =	stream.linear.scatter [tilespmem:s9], [sflag:$0x5], $0x80, $0x38;
	[tilespmem:$0x1F000] =	vst v63  }
0x223: {  	s8 =	simm.s32 $0x2200;
	s2 =	sadd.s32 $0x180, s2;
	s15 =	simm.s32 $0x18DB8  }
.LBB2_6:
0x224: {  	[hbm4b:s31+s4] =	stream.linear.scatter [tilespmem:s15], [sflag:$0x5], $0x80, $0x38;
	[tilespmem:$0x1F000] =	vst v63  }
0x225: {  	s9 =	smov.u32 s0;
	s0 =	smov.u32 s8  }
0x226: {  	s3 =	sadd.s32 $0x1100, s8;
	s0 =	sshra.s32 s0, $0x2;
	s15 =	sadd.s32 $0x18A00, s9  }
0x227: {  	[hbm4b:s2+s4] =	stream.linear.scatter [tilespmem:s15], [sflag:$0x5], $0x80, $0x38;
	[tilespmem:$0x1F000] =	vst v63  }
0x228: {  	p2 =	sne.s32 s8, $0xBB00;
	s8 =	sadd.s32 $0x18A88, s9;
	s15 =	sadd.s32 $0x10, s2  }
0x229: {  	[hbm4b:s15+s4] =	stream.linear.scatter [tilespmem:s8], [sflag:$0x5], $0x80, $0x38;
	[tilespmem:$0x1F000] =	vst v63  }
0x22a: {  	s8 =	sadd.s32 $0x18B10, s9;
	s15 =	sadd.s32 $0x20, s2  }
0x22b: {  	[hbm4b:s15+s4] =	stream.linear.scatter [tilespmem:s8], [sflag:$0x5], $0x80, $0x38;
	[tilespmem:$0x1F000] =	vst v63  }
0x22c: {  	s8 =	sadd.s32 $0x18B98, s9;
	s15 =	sadd.s32 $0x30, s2  }
0x22d: {  	[hbm4b:s15+s4] =	stream.linear.scatter [tilespmem:s8], [sflag:$0x5], $0x80, $0x38;
	[tilespmem:$0x1F000] =	vst v63  }
0x22e: {  	s8 =	sadd.s32 $0x18C20, s9;
	s15 =	sadd.s32 $0x40, s2  }
0x22f: {  	[hbm4b:s15+s4] =	stream.linear.scatter [tilespmem:s8], [sflag:$0x5], $0x80, $0x38;
	[tilespmem:$0x1F000] =	vst v63  }
.Ltmp1:
0x230: {  	s8 =	sadd.s32 $0x18CA8, s9;
	s15 =	sadd.s32 $0x50, s2;
	(pc) =	sbr.rel @p2 .LBB2_6-.Ltmp1, $4  }
0x231: {  	[hbm4b:s15+s4] =	stream.linear.scatter [tilespmem:s8], [sflag:$0x5], $0x80, $0x38;
	[tilespmem:$0x1F000] =	vst v63  }
0x232: {  	s31 =	sadd.s32 $0x70, s2;
	s8 =	sadd.s32 $0x18D30, s9;
	s15 =	sadd.s32 $0x60, s2  }
0x233: {  	[hbm4b:s15+s4] =	stream.linear.scatter [tilespmem:s8], [sflag:$0x5], $0x80, $0x38;
	[tilespmem:$0x1F000] =	vst v63  }
0x234: {  	s2 =	sadd.s32 $0x180, s2;
	s15 =	sadd.s32 $0x18DB8, s9;
	s8 =	smov.u32 s3  }
0x235: {  	[hbm4b:s31+s4] =	stream.linear.scatter [tilespmem:s15], [sflag:$0x5], $0x80, $0x38;
	[tilespmem:$0x1F000] =	vst v63  }
0x236: {  	s3 =	sadd.s32 $0x18A00, s0  }
0x237: {  	[hbm4b:s2+s4] =	stream.linear.scatter [tilespmem:s3], [sflag:$0x5], $0x80, $0x38;
	[tilespmem:$0x1F000] =	vst v63  }
0x238: {  	s31 =	sadd.s32 $0x18A88, s0;
	s8 =	sadd.s32 $0x10, s2  }
0x239: {  	[hbm4b:s8+s4] =	stream.linear.scatter [tilespmem:s31], [sflag:$0x5], $0x80, $0x38;
	[tilespmem:$0x1F000] =	vst v63  }
0x23a: {  	s9 =	sadd.s32 $0x20, s2;
	s8 =	sadd.s32 $0x18B10, s0  }
0x23b: {  	[hbm4b:s9+s4] =	stream.linear.scatter [tilespmem:s8], [sflag:$0x5], $0x80, $0x38;
	[tilespmem:$0x1F000] =	vst v63  }
0x23c: {  	s15 =	sadd.s32 $0x18B98, s0;
	s31 =	sadd.s32 $0x30, s2  }
0x23d: {  	[hbm4b:s31+s4] =	stream.linear.scatter [tilespmem:s15], [sflag:$0x5], $0x80, $0x38;
	[tilespmem:$0x1F000] =	vst v63  }
0x23e: {  	s8 =	sadd.s32 $0x18C20, s0;
	s9 =	sadd.s32 $0x40, s2  }
0x23f: {  	[hbm4b:s9+s4] =	stream.linear.scatter [tilespmem:s8], [sflag:$0x5], $0x80, $0x38;
	[tilespmem:$0x1F000] =	vst v63  }
0x240: {  	s15 =	sadd.s32 $0x18CA8, s0;
	s31 =	sadd.s32 $0x50, s2  }
0x241: {  	[hbm4b:s31+s4] =	stream.linear.scatter [tilespmem:s15], [sflag:$0x5], $0x80, $0x38;
	[tilespmem:$0x1F000] =	vst v63  }
.Ltmp2:
0x242: {  	_ = 	snop;
	(pc) =	sbr.rel @p1 .LBB2_9-.Ltmp2, $4  }
0x243: {  	s8 =	sadd.s32 $0x18D30, s0;
	s9 =	sadd.s32 $0x60, s2  }
0x244: {  	[hbm4b:s9+s4] =	stream.linear.scatter [tilespmem:s8], [sflag:$0x5], $0x80, $0x38;
	[tilespmem:$0x1F000] =	vst v63  }
0x245: {  	s15 =	sadd.s32 $0x18DB8, s0;
	s31 =	sadd.s32 $0x70, s2  }
0x246: {  	[hbm4b:s31+s4] =	stream.linear.scatter [tilespmem:s15], [sflag:$0x5], $0x80, $0x38;
	[tilespmem:$0x1F000] =	vst v63  }
0x247: {  	s0 =	sadd.s32 s30, s12  }
0x248: {  	_ =	swait.ge [sflag:s16], $0x80;
	v31 =	vmov s0  }
0x249: {  	[sflag:s16] =	ssyncset.done $0x0;
	v31 =	vmulhi.u32 $0x2AAAAAAB, v31  }
0x24a: {  	[sflag:s16] =	ssyncadd.s32 $0xFFFFFF80  }
0x24b: {  	_ =	swait.ge [sflag:s16], $0x80;
	v31 =	vshrl.u32 v31, $0x6  }
0x24c: {  	[sflag:s16] =	ssyncset.done $0x0;
	v32 =	vmulhi.u32 $0xAAAAAB, v31  }
0x24d: {  	[sflag:s16] =	ssyncadd.s32 $0xFFFFFF80  }
0x24e: {  	v34 =	vmul.u32 $0xFFFFFE80, v31;
	v33 =	vld [tilespmem:$0x0];
	v32 =	vmul.u32 $0x180, v32  }
0x24f: {  	v35 =	vld [tilespmem:$0x100]  }
0x250: {  	v34 =	vadd.s32 s0, v34;
	v31 =	vsub.s32 v31, v32  }
0x251: {  	v34 =	vadd.s32 v0, v34;
	v31 =	vcvt.s32.f32 v31  }
0x252: {  	v51 =	vcvt.s32.f32 v34  }
0x253: {  	v31 =	vsub.f32 v31, v33  }
0x254: {  	s2 =	sor.u32 $0x10, s0;
	v33 =	vsub.f32 v51, v35  }
0x255: {  	v53 =	vmov s2;
	v52 =	vmax.f32 v31, $0.0e+00  }
0x256: {  	s8 =	sor.u32 $0x20, s0;
	v35 =	vmulhi.u32 $0x2AAAAAAB, v53;
	v36 =	vmax.f32 v33, $0.0e+00;
	v34 =	vmin.f32 v52, $3.820000000e+02  }
0x257: {  	v60 =	vmov s8;
	v36 =	vmin.f32 v36, $3.820000000e+02;
	v34 =	vtrunc.f32 v34  }
0x258: {  	v35 =	vshrl.u32 v35, $0x6;
	v36 =	vtrunc.f32 v36;
	v34 =	vcvt.f32.s32 v34  }
0x259: {  	v62 =	vmulhi.u32 $0x2AAAAAAB, v60;
	v40 =	vmul.u32 $0xFFFFFE80, v35;
	v36 =	vcvt.f32.s32 v36  }
0x25a: {  	v38 =	vmulhi.u32 $0xAAAAAB, v35;
	v37 =	vcvt.s32.f32 v34  }
0x25b: {  	v57 =	vadd.s32 s2, v40;
	v39 =	vcvt.s32.f32 v36;
	v32 =	vadd.s32 v34, v32  }
0x25c: {  	s9 =	sor.u32 $0x30, s0;
	v56 =	vld [tilespmem:$0x110];
	v32 =	vmul.u32 $0x180, v32;
	v31 =	vsub.f32 v31, v37;
	v37 =	vmul.u32 $0x180, v38  }
0x25d: {  	v54 =	vld [tilespmem:$0x10];
	v33 =	vsub.f32 v33, v39;
	v39 =	vadd.s32 v0, v57;
	v57 =	vmov s9  }
0x25e: {  	v32 =	vadd.s32 v36, v32;
	v58 =	vcvt.s32.f32 v39;
	v39 =	vshrl.u32 v62, $0x6  }
0x25f: {  	v31 =	vmax.f32 v31, $0.0e+00;
	v35 =	vsub.s32 v35, v37;
	v33 =	vmax.f32 v33, $0.0e+00  }
0x260: {  	v38 =	vadd.s32 $0x1, v32;
	v55 =	vcvt.s32.f32 v35;
	v31 =	vmin.f32 v31, $1.000000000e+00  }
0x261: {  	v33 =	vmin.f32 v33, $1.000000000e+00;
	v35 =	vsub.f32 v58, v56;
	v41 =	vsub.f32 $1.000000000e+00, v31  }
0x262: {  	v40 =	vadd.s32 $0x180, v32;
	v43 =	vsub.f32 $1.000000000e+00, v33;
	v34 =	vsub.f32 v55, v54  }
0x263: {  	v44 =	vmulhi.u32 $0xAAAAAB, v39;
	v49 =	vmul.u32 $0xFFFFFE80, v39;
	v42 =	vmax.f32 v35, $0.0e+00  }
0x264: {  	v42 =	vmin.f32 v42, $3.820000000e+02;
	v47 =	vmul.f32 v43, v41;
	v59 =	vmax.f32 v34, $0.0e+00  }
0x265: {  	v41 =	vmul.f32 v33, v41;
	v42 =	vtrunc.f32 v42;
	v61 =	vmin.f32 v59, $3.820000000e+02  }
0x266: {  	v44 =	vmul.u32 $0x180, v44;
	v42 =	vcvt.f32.s32 v42;
	v36 =	vtrunc.f32 v61  }
0x267: {  	v55 =	vadd.s32 s8, v49;
	v43 =	vmul.f32 v43, v31;
	v36 =	vcvt.f32.s32 v36  }
0x268: {  	v54 =	vld [tilespmem:$0x120];
	v39 =	vsub.s32 v39, v44;
	v31 =	vmul.f32 v33, v31;
	v63 =	vcvt.s32.f32 v42  }
0x269: {  	v48 =	vld [tilespmem:$0x20];
	v53 =	vcvt.s32.f32 v39;
	v46 =	vcvt.s32.f32 v36;
	v36 =	vadd.s32 v36, v37  }
0x26a: {  	v35 =	vsub.f32 v35, v63;
	v37 =	vadd.s32 v0, v55;
	v36 =	vmul.u32 $0x180, v36  }
0x26b: {  	v45 =	vadd.s32 $0x181, v32;
	v59 =	vmulhi.u32 $0x2AAAAAAB, v57;
	v37 =	vcvt.s32.f32 v37  }
0x26c: {  	v34 =	vsub.f32 v34, v46;
	v35 =	vmax.f32 v35, $0.0e+00;
	v36 =	vadd.s32 v42, v36  }
0x26d: {  	v37 =	vsub.f32 v37, v54;
	v35 =	vmin.f32 v35, $1.000000000e+00;
	v42 =	vshrl.u32 v59, $0x6  }
0x26e: {  	v52 =	vmax.f32 v34, $0.0e+00;
	v34 =	vsub.f32 v53, v48;
	v46 =	vadd.s32 $0x1, v36  }
0x26f: {  	v50 =	vmulhi.u32 $0xAAAAAB, v42;
	v51 =	vsub.f32 $1.000000000e+00, v35;
	v53 =	vadd.s32 $0x180, v36  }
0x270: {  	v33 =	vmin.f32 v52, $1.000000000e+00;
	v60 =	vmax.f32 v37, $0.0e+00;
	v56 =	vmax.f32 v34, $0.0e+00  }
0x271: {  	v61 =	vsub.f32 $1.000000000e+00, v33;
	v48 =	vmin.f32 v60, $3.820000000e+02;
	v58 =	vmin.f32 v56, $3.820000000e+02  }
0x272: {  	s15 =	sor.u32 $0x40, s0;
	v50 =	vmul.u32 $0x180, v50;
	v48 =	vtrunc.f32 v48;
	v39 =	vtrunc.f32 v58  }
0x273: {  	v54 =	vld [tilespmem:$0x30];
	v60 =	vmov s15;
	v48 =	vcvt.f32.s32 v48;
	v55 =	vmul.f32 v51, v61  }
0x274: {  	v56 =	vmul.u32 $0xFFFFFE80, v42;
	v49 =	vmul.f32 v35, v61;
	v51 =	vmul.f32 v51, v33  }
0x275: {  	v42 =	vsub.s32 v42, v50;
	v61 =	vmulhi.u32 $0x2AAAAAAB, v60;
	v39 =	vcvt.f32.s32 v39  }
0x276: {  	v57 =	vadd.s32 $0x181, v36;
	v33 =	vmul.f32 v35, v33;
	v42 =	vcvt.s32.f32 v42  }
0x277: {  	v63 =	vadd.s32 s9, v56;
	v62 =	vcvt.s32.f32 v48;
	v52 =	vcvt.s32.f32 v39  }
0x278: {  	v42 =	vsub.f32 v42, v54;
	v39 =	vadd.s32 v39, v44;
	v44 =	vshrl.u32 v61, $0x6  }
0x279: {  	v37 =	vsub.f32 v37, v62;
	v39 =	vmul.u32 $0x180, v39;
	v59 =	vmulhi.u32 $0xAAAAAB, v44  }
0x27a: {  	v54 =	vld [tilespmem:$0x130];
	v61 =	vmul.u32 $0xFFFFFE80, v44;
	v34 =	vsub.f32 v34, v52;
	v62 =	vmax.f32 v42, $0.0e+00  }
0x27b: {  	v52 =	vadd.s32 v0, v63;
	v37 =	vmax.f32 v37, $0.0e+00;
	v56 =	vmin.f32 v62, $3.820000000e+02  }
0x27c: {  	v52 =	vcvt.s32.f32 v52;
	v35 =	vadd.s32 v48, v39;
	v39 =	vmul.u32 $0x180, v59  }
0x27d: {  	v61 =	vadd.s32 s15, v61;
	v34 =	vmax.f32 v34, $0.0e+00;
	v56 =	vtrunc.f32 v56  }
0x27e: {  	v37 =	vmin.f32 v37, $1.000000000e+00;
	v61 =	vadd.s32 v0, v61;
	v56 =	vcvt.f32.s32 v56  }
0x27f: {  	v48 =	vld [tilespmem:$0x40];
	v34 =	vmin.f32 v34, $1.000000000e+00;
	v60 =	vsub.f32 $1.000000000e+00, v37;
	v52 =	vsub.f32 v52, v54  }
0x280: {  	v44 =	vsub.s32 v44, v39;
	v61 =	vcvt.s32.f32 v61;
	v54 =	vcvt.s32.f32 v56  }
0x281: {  	v58 =	vsub.f32 $1.000000000e+00, v34;
	v44 =	vcvt.s32.f32 v44;
	v62 =	vmax.f32 v52, $0.0e+00  }
0x282: {  	[tilespmem:$0x200] =	vst v32;
	v32 =	vmul.f32 v37, v34;
	v62 =	vmin.f32 v62, $3.820000000e+02;
	v42 =	vsub.f32 v42, v54;
	v54 =	vld [tilespmem:$0x140]  }
0x283: {  	[tilespmem:$0x300] =	vst v40;
	v40 =	vadd.s32 $0x181, v35;
	v59 =	vmul.f32 v60, v58;
	v62 =	vtrunc.f32 v62  }
0x284: {  	v58 =	vmul.f32 v37, v58;
	v44 =	vsub.f32 v44, v48;
	v62 =	vcvt.f32.s32 v62  }
0x285: {  	v60 =	vmul.f32 v60, v34;
	v48 =	vadd.s32 $0x1, v35;
	v34 =	vadd.s32 $0x180, v35  }
0x286: {  	[tilespmem:$0x280] =	vst v38;
	v63 =	vmax.f32 v44, $0.0e+00;
	v37 =	vmax.f32 v42, $0.0e+00;
	v38 =	vcvt.s32.f32 v62  }
0x287: {  	v37 =	vmin.f32 v37, $1.000000000e+00;
	v42 =	vsub.f32 v61, v54;
	v54 =	vmin.f32 v63, $3.820000000e+02  }
0x288: {  	s31 =	sor.u32 $0x50, s0;
	[tilespmem:$0x380] =	vst v45;
	v38 =	vsub.f32 v52, v38;
	v63 =	vadd.s32 v56, v50;
	v61 =	vtrunc.f32 v54  }
0x289: {  	[tilespmem:$0x600] =	vst v47;
	v52 =	vmul.u32 $0x180, v63;
	v54 =	vmov s31;
	v45 =	vmax.f32 v42, $0.0e+00  }
0x28a: {  	[tilespmem:$0x680] =	vst v41;
	v50 =	vcvt.f32.s32 v61;
	v38 =	vmax.f32 v38, $0.0e+00;
	v47 =	vmulhi.u32 $0x2AAAAAAB, v54  }
0x28b: {  	[tilespmem:$0x780] =	vst v31;
	v45 =	vmin.f32 v45, $3.820000000e+02;
	v31 =	vmin.f32 v38, $1.000000000e+00;
	v38 =	vadd.s32 v62, v52  }
0x28c: {  	[tilespmem:$0x210] =	vst v36;
	v62 =	vsub.f32 $1.000000000e+00, v37;
	v45 =	vtrunc.f32 v45;
	v56 =	vcvt.s32.f32 v50  }
0x28d: {  	[tilespmem:$0x310] =	vst v53;
	v36 =	vadd.s32 $0x1, v38;
	v53 =	vsub.f32 $1.000000000e+00, v31;
	v41 =	vcvt.f32.s32 v45  }
0x28e: {  	[tilespmem:$0x700] =	vst v43;
	v45 =	vadd.s32 $0x180, v38;
	v52 =	vmul.f32 v31, v62;
	v31 =	vmul.f32 v31, v37  }
0x28f: {  	s3 =	sor.u32 $0x60, s0;
	[tilespmem:$0x610] =	vst v55;
	v43 =	vsub.f32 v44, v56;
	v44 =	vshrl.u32 v47, $0x6;
	v55 =	vmul.f32 v53, v62  }
0x290: {  	[tilespmem:$0x220] =	vst v35;
	v62 =	vadd.s32 v50, v39;
	v35 =	vmul.f32 v53, v37;
	v56 =	vmov s3  }
0x291: {  	[tilespmem:$0x790] =	vst v33;
	v61 =	vcvt.s32.f32 v41;
	v47 =	vmulhi.u32 $0xAAAAAB, v44;
	v63 =	vmul.u32 $0xFFFFFE80, v44  }
0x292: {  	s0 =	sor.u32 $0x70, s0;
	[tilespmem:$0x2A0] =	vst v48;
	v33 =	vmul.u32 $0x180, v62;
	v48 =	vmulhi.u32 $0x2AAAAAAB, v56;
	v62 =	vadd.s32 $0x181, v38  }
0x293: {  	v54 =	vld [tilespmem:$0x50];
	[tilespmem:$0x6B0] =	vst v52;
	v52 =	vmov s0;
	v43 =	vmax.f32 v43, $0.0e+00;
	v42 =	vsub.f32 v42, v61  }
0x294: {  	[tilespmem:$0x290] =	vst v46;
	v47 =	vmul.u32 $0x180, v47;
	v43 =	vmin.f32 v43, $1.000000000e+00;
	v61 =	vld [tilespmem:$0x150];
	v46 =	vadd.s32 s31, v63  }
0x295: {  	[tilespmem:$0x390] =	vst v57;
	v48 =	vshrl.u32 v48, $0x6;
	v53 =	vadd.s32 v41, v33;
	v46 =	vadd.s32 v0, v46  }
0x296: {  	[tilespmem:$0x690] =	vst v49;
	v63 =	vsub.f32 $1.000000000e+00, v43;
	v42 =	vmax.f32 v42, $0.0e+00;
	v44 =	vsub.s32 v44, v47  }
0x297: {  	[tilespmem:$0x320] =	vst v34;
	v46 =	vcvt.s32.f32 v46;
	v42 =	vmin.f32 v42, $1.000000000e+00;
	v44 =	vcvt.s32.f32 v44  }
0x298: {  	[tilespmem:$0x6A0] =	vst v58;
	v58 =	vadd.s32 $0x1, v53;
	v49 =	vsub.f32 $1.000000000e+00, v42;
	v39 =	vmul.f32 v42, v63  }
0x299: {  	[tilespmem:$0x230] =	vst v38;
	v38 =	vmul.f32 v42, v43;
	v44 =	vsub.f32 v44, v54;
	v37 =	vsub.f32 v46, v61  }
0x29a: {  	[tilespmem:$0x720] =	vst v60;
	v60 =	vmul.u32 $0xFFFFFE80, v48;
	v34 =	vmul.f32 v49, v63;
	v63 =	vmulhi.u32 $0xAAAAAB, v48  }
0x29b: {  	[tilespmem:$0x710] =	vst v51;
	v33 =	vmul.f32 v49, v43;
	v54 =	vmax.f32 v44, $0.0e+00;
	v61 =	vmax.f32 v37, $0.0e+00  }
0x29c: {  	[tilespmem:$0x3A0] =	vst v40;
	v57 =	vmin.f32 v54, $3.820000000e+02;
	v46 =	vmin.f32 v61, $3.820000000e+02;
	v43 =	vmul.u32 $0x180, v63;
	v63 =	vld [tilespmem:$0x160]  }
0x29d: {  	[tilespmem:$0x7A0] =	vst v32;
	v42 =	vadd.s32 s3, v60;
	v40 =	vtrunc.f32 v57;
	v46 =	vtrunc.f32 v46  }
0x29e: {  	[tilespmem:$0x620] =	vst v59;
	v42 =	vadd.s32 v0, v42;
	v57 =	vld [tilespmem:$0x60];
	v40 =	vcvt.f32.s32 v40;
	v46 =	vcvt.f32.s32 v46  }
0x29f: {  	[tilespmem:$0x2B0] =	vst v36;
	v59 =	vadd.s32 $0x180, v53;
	v50 =	vcvt.s32.f32 v42;
	v61 =	vsub.s32 v48, v43  }
0x2a0: {  	[tilespmem:$0x330] =	vst v45;
	v54 =	vcvt.s32.f32 v40;
	v56 =	vcvt.s32.f32 v46;
	v40 =	vadd.s32 v40, v47  }
0x2a1: {  	[tilespmem:$0x7B0] =	vst v31;
	v45 =	vcvt.s32.f32 v61;
	v40 =	vmul.u32 $0x180, v40;
	v32 =	vsub.f32 v50, v63  }
0x2a2: {  	[tilespmem:$0x3B0] =	vst v62;
	v62 =	vadd.s32 $0x181, v53;
	v41 =	vsub.f32 v44, v54;
	v37 =	vsub.f32 v37, v56  }
0x2a3: {  	[tilespmem:$0x240] =	vst v53;
	v53 =	vmulhi.u32 $0x2AAAAAAB, v52;
	v45 =	vsub.f32 v45, v57;
	v31 =	vadd.s32 v46, v40  }
0x2a4: {  	[tilespmem:$0x630] =	vst v55;
	v56 =	vmax.f32 v32, $0.0e+00;
	v41 =	vmax.f32 v41, $0.0e+00;
	v37 =	vmax.f32 v37, $0.0e+00  }
0x2a5: {  	[tilespmem:$0x730] =	vst v35;
	v51 =	vmax.f32 v45, $0.0e+00;
	v54 =	vadd.s32 $0x1, v31;
	v55 =	vadd.s32 $0x180, v31  }
0x2a6: {  	[tilespmem:$0x2C0] =	vst v58;
	v44 =	vmin.f32 v56, $3.820000000e+02;
	v35 =	vmin.f32 v41, $1.000000000e+00;
	v37 =	vmin.f32 v37, $1.000000000e+00  }
0x2a7: {  	[tilespmem:$0x340] =	vst v59;
	v40 =	vmin.f32 v51, $3.820000000e+02;
	v41 =	vshrl.u32 v53, $0x6;
	v44 =	vtrunc.f32 v44  }
0x2a8: {  	[tilespmem:$0x6C0] =	vst v39;
	v40 =	vtrunc.f32 v40;
	v57 =	vsub.f32 $1.000000000e+00, v35;
	v59 =	vsub.f32 $1.000000000e+00, v37  }
0x2a9: {  	[tilespmem:$0x250] =	vst v31;
	v31 =	vadd.s32 $0x181, v31;
	v58 =	vmulhi.u32 $0xAAAAAB, v41;
	v39 =	vcvt.f32.s32 v44  }
0x2aa: {  	v52 =	vld [tilespmem:$0x170];
	[tilespmem:$0x3C0] =	vst v62;
	v61 =	vmul.u32 $0xFFFFFE80, v41;
	v40 =	vcvt.f32.s32 v40;
	v63 =	vmul.f32 v59, v57  }
0x2ab: {  	v62 =	vld [tilespmem:$0x70];
	[tilespmem:$0x7C0] =	vst v38;
	v47 =	vmul.u32 $0x180, v58;
	v46 =	vmul.f32 v37, v57;
	v53 =	vcvt.s32.f32 v39  }
0x2ac: {  	[tilespmem:$0x640] =	vst v34;
	v44 =	vadd.s32 s0, v61;
	v34 =	vmul.f32 v59, v35;
	v60 =	vcvt.s32.f32 v40  }
0x2ad: {  	[tilespmem:$0x2D0] =	vst v54;
	v54 =	vadd.s32 v0, v44;
	v57 =	vadd.s32 v40, v43;
	v41 =	vsub.s32 v41, v47  }
0x2ae: {  	[tilespmem:$0x740] =	vst v33;
	v32 =	vsub.f32 v32, v53;
	v36 =	vcvt.s32.f32 v54;
	v41 =	vcvt.s32.f32 v41  }
0x2af: {  	[tilespmem:$0x350] =	vst v55;
	v35 =	vmul.f32 v37, v35;
	v58 =	vmul.u32 $0x180, v57;
	v45 =	vsub.f32 v45, v60  }
0x2b0: {  	[tilespmem:$0x3D0] =	vst v31;
	v36 =	vsub.f32 v36, v52;
	v32 =	vmax.f32 v32, $0.0e+00;
	v55 =	vsub.f32 v41, v62  }
0x2b1: {  	[tilespmem:$0x650] =	vst v63;
	v33 =	vadd.s32 v39, v58;
	v56 =	vmax.f32 v45, $0.0e+00;
	v32 =	vmin.f32 v32, $1.000000000e+00  }
0x2b2: {  	[tilespmem:$0x6D0] =	vst v46;
	v31 =	vmin.f32 v56, $1.000000000e+00;
	v60 =	vmax.f32 v36, $0.0e+00;
	v59 =	vmax.f32 v55, $0.0e+00  }
0x2b3: {  	[tilespmem:$0x750] =	vst v34;
	v45 =	vsub.f32 $1.000000000e+00, v32;
	v61 =	vmin.f32 v60, $3.820000000e+02;
	v38 =	vmin.f32 v59, $3.820000000e+02  }
0x2b4: {  	[tilespmem:$0x7D0] =	vst v35;
	v63 =	vsub.f32 $1.000000000e+00, v31;
	v34 =	vtrunc.f32 v61;
	v38 =	vtrunc.f32 v38  }
0x2b5: {  	v62 =	vadd.s32 $0x1, v33;
	[tilespmem:$0x260] =	vst v33;
	v34 =	vcvt.f32.s32 v34;
	v38 =	vcvt.f32.s32 v38  }
0x2b6: {  	v46 =	vadd.s32 $0x180, v33;
	[tilespmem:$0x2E0] =	vst v62;
	v49 =	vmul.f32 v45, v63  }
0x2b7: {  	v33 =	vadd.s32 $0x181, v33;
	[tilespmem:$0x360] =	vst v46;
	v50 =	vcvt.s32.f32 v34;
	v48 =	vcvt.s32.f32 v38  }
0x2b8: {  	[tilespmem:$0x3E0] =	vst v33;
	v52 =	vmul.f32 v32, v63;
	v54 =	vadd.s32 v38, v47  }
0x2b9: {  	[tilespmem:$0x660] =	vst v49;
	v53 =	vsub.f32 v36, v50;
	v51 =	vsub.f32 v55, v48;
	v55 =	vmul.f32 v45, v31  }
0x2ba: {  	[tilespmem:$0x6E0] =	vst v52;
	v56 =	vmul.u32 $0x180, v54;
	v31 =	vmul.f32 v32, v31  }
0x2bb: {  	v35 =	vmax.f32 v53, $0.0e+00;
	[tilespmem:$0x760] =	vst v55  }
0x2bc: {  	v32 =	vadd.s32 v34, v56;
	[tilespmem:$0x7E0] =	vst v31;
	v57 =	vmin.f32 v35, $1.000000000e+00  }
0x2bd: {  	v33 =	vmax.f32 v51, $0.0e+00;
	[tilespmem:$0x270] =	vst v32;
	v34 =	vadd.s32 $0x1, v32;
	v59 =	vsub.f32 $1.000000000e+00, v57  }
0x2be: {  	v60 =	vadd.s32 $0x180, v32;
	v31 =	vmin.f32 v33, $1.000000000e+00;
	[tilespmem:$0x2F0] =	vst v34  }
0x2bf: {  	v32 =	vadd.s32 $0x181, v32;
	[tilespmem:$0x370] =	vst v60;
	v58 =	vsub.f32 $1.000000000e+00, v31;
	v63 =	vmul.f32 v59, v31  }
0x2c0: {  	[tilespmem:$0x3F0] =	vst v32;
	v31 =	vmul.f32 v57, v31  }
0x2c1: {  	v61 =	vmul.f32 v59, v58;
	[tilespmem:$0x770] =	vst v63  }
0x2c2: {  	v62 =	vmul.f32 v57, v58;
	[tilespmem:$0x7F0] =	vst v31  }
0x2c3: {  	[tilespmem:$0x670] =	vst v61  }
0x2c4: {  	s8 =	simm.s32 $0x200;
	s9 =	simm.s32 $0xA00;
	[tilespmem:$0x6F0] =	vst v62  }
0x2c5: {  	[tilespmem:s9], [sflag:$0x3] =	stream.indirect.gather [hbm4b:s5+s17], $0x60, s8, s17, $0xb8;
	[tilespmem:$0x1F000] =	vst v63  }
0x2c6: {  	s15 =	simm.s32 $0x280;
	s31 =	simm.s32 $0x3A00  }
0x2c7: {  	[tilespmem:s31], [sflag:$0x3] =	stream.indirect.gather [hbm4b:s5+s17], $0x60, s15, s17, $0xb8;
	[tilespmem:$0x1F000] =	vst v63  }
0x2c8: {  	s15 =	rddreg [dreg:$0x7]  }
0x2c9: {  	s2 =	simm.s32 $0x300;
	s3 =	simm.s32 $0x6A00;
	s0 =	sadd.s32 s30, s15  }
0x2ca: {  	[tilespmem:s3], [sflag:$0x3] =	stream.indirect.gather [hbm4b:s5+s17], $0x60, s2, s17, $0xb8;
	[tilespmem:$0x1F000] =	vst v63  }
0x2cb: {  	s8 =	simm.s32 $0x380;
	s9 =	simm.s32 $0x9A00;
	s0 =	sshrl.u32 s0, $0x3  }
0x2cc: {  	[tilespmem:s9], [sflag:$0x3] =	stream.indirect.gather [hbm4b:s5+s17], $0x60, s8, s17, $0xb8;
	[tilespmem:$0x1F000] =	vst v63  }
0x2cd: {  	s30 =	sadd.s32 s6, s0  }
0x2ce: {  	[tilespmem:s17], [sflag:$0x2] =	stream.linear.gather [hbm4b:s30+s4], $0x80, $0x38;
	[tilespmem:$0x1F000] =	vst v63  }
0x2cf: {  	s31 =	simm.s32 $0x180;
	s0 =	sadd.s32 s7, s0  }
0x2d0: {  	[tilespmem:s31], [sflag:$0x2] =	stream.linear.gather [hbm4b:s0+s4], $0x80, $0x38;
	[tilespmem:$0x1F000] =	vst v63  }
.LBB2_9:
0x2d1: {  	_ =	swait.ge [sflag:s21], $0x3000  }
0x2d2: {  	[sflag:s21] =	ssyncset.done $0x0  }
0x2d3: {  	[sflag:s21] =	ssyncadd.s32 $0xFFFFD000  }
0x2d4: {  	_ =	swait.ge [sflag:s21], $0x3000  }
0x2d5: {  	[sflag:s21] =	ssyncset.done $0x0  }
0x2d6: {  	[sflag:s21] =	ssyncadd.s32 $0xFFFFD000  }
0x2d7: {  	_ =	swait.ge [sflag:s21], $0x3000  }
0x2d8: {  	[sflag:s21] =	ssyncset.done $0x0  }
0x2d9: {  	[sflag:s21] =	ssyncadd.s32 $0xFFFFD000  }
0x2da: {  	_ =	swait.ge [sflag:s21], $0x3000  }
0x2db: {  	[sflag:s21] =	ssyncset.done $0x0  }
0x2dc: {  	s0 =	simm.s32 @!p0 $0x6;
	[sflag:s21] =	ssyncadd.s32 $0xFFFFD000  }
0x2dd: {  	s2 =	simm.s32 $0xCAC0;
	_ =	swait.ge @!p0 [sflag:s0], $0x3000  }
0x2de: {  	s8 =	simm.s32 $0xFAC0;
	s15 =	simm.s32 $0x12AC0;
	[sflag:s0] =	ssyncset.done @!p0 $0x0  }
0x2df: {  	s30 =	simm.s32 $0x15AC0;
	[sflag:s0] =	ssyncadd.s32 @!p0 $0xFFFFD000;
	s0 =	simm.s32 $0x0  }
.LBB2_10:
0x2e0: {  	v36 =	vld [tilespmem:s2+$0xFFFFFF40]  }
0x2e1: {  	v37 =	vld [tilespmem:s2+$0xFFFFFF50]  }
0x2e2: {  	v38 =	vld [tilespmem:s2+$0xFFFFFF60]  }
0x2e3: {  	v39 =	vld [tilespmem:s2+$0xFFFFFF70]  }
0x2e4: {  	v40 =	vld [tilespmem:s8+$0xFFFFFF40]  }
0x2e5: {  	v31 =	vmov s0;
	v41 =	vld [tilespmem:s8+$0xFFFFFF50]  }
0x2e6: {  	v42 =	vld [tilespmem:s8+$0xFFFFFF60]  }
0x2e7: {  	v43 =	vld [tilespmem:s8+$0xFFFFFF70]  }
0x2e8: {  	v44 =	vld [tilespmem:s15+$0xFFFFFF40]  }
0x2e9: {  	v45 =	vld [tilespmem:s30+$0xFFFFFF40]  }
0x2ea: {  	v32 =	vld.idx.msk [tilespmem:v31+s22+$0x0], $0xffff  }
0x2eb: {  	v33 =	vld.idx.msk [tilespmem:v31+s23+$0x0], $0xffff  }
0x2ec: {  	v34 =	vld.idx.msk [tilespmem:v31+s24+$0x0], $0xffff  }
0x2ed: {  	v35 =	vld.idx.msk [tilespmem:v31+s25+$0x0], $0xffff  }
0x2ee: {  	v46 =	vld [tilespmem:s15+$0xFFFFFF50]  }
0x2ef: {  	v47 =	vld [tilespmem:s30+$0xFFFFFF50]  }
0x2f0: {  	v48 =	vld [tilespmem:s15+$0xFFFFFF60]  }
0x2f1: {  	v49 =	vld [tilespmem:s30+$0xFFFFFF60];
	v36 =	vmul.f32 v36, v32;
	v40 =	vmul.f32 v40, v33  }
0x2f2: {  	v50 =	vld [tilespmem:s15+$0xFFFFFF70];
	v44 =	vmul.f32 v44, v34;
	v45 =	vmul.f32 v45, v35  }
0x2f3: {  	v51 =	vld [tilespmem:s30+$0xFFFFFF70];
	v37 =	vmul.f32 v37, v32;
	v57 =	vmul.f32 v41, v33  }
0x2f4: {  	v52 =	vld [tilespmem:s8+$0xFFFFFF80];
	v58 =	vmul.f32 v46, v34;
	v59 =	vmul.f32 v47, v35  }
0x2f5: {  	v55 =	vld [tilespmem:s30+$0xFFFFFF80];
	v38 =	vmul.f32 v38, v32;
	v42 =	vmul.f32 v42, v33  }
0x2f6: {  	v31 =	vand.u32 $0x7C, v31;
	v41 =	vld [tilespmem:s2+$0xFFFFFF80];
	v60 =	vmul.f32 v48, v34;
	v61 =	vmul.f32 v49, v35  }
0x2f7: {  	v47 =	vld [tilespmem:s2+$0xFFFFFF90];
	v39 =	vmul.f32 v39, v32;
	v62 =	vmul.f32 v43, v33;
	v36 =	vadd.f32 v40, v36  }
0x2f8: {  	v49 =	vld [tilespmem:s8+$0xFFFFFF90];
	v63 =	vmul.f32 v50, v34;
	v44 =	vadd.f32 v45, v44;
	v37 =	vadd.f32 v57, v37  }
0x2f9: {  	v43 =	vld [tilespmem:s15+$0xFFFFFF80];
	v54 =	vmul.f32 v51, v35;
	v45 =	vadd.f32 v59, v58;
	v38 =	vadd.f32 v42, v38  }
0x2fa: {  	v53 =	vadd.s32 v27, v31;
	v56 =	vadd.f32 v61, v60;
	v57 =	vld [tilespmem:s15+$0xFFFFFF90];
	v39 =	vadd.f32 v62, v39  }
0x2fb: {  	v58 =	vadd.f32 v54, v63;
	v59 =	vld [tilespmem:s30+$0xFFFFFF90];
	v60 =	vmul.f32 v52, v33;
	v61 =	vadd.s32 v25, v31  }
0x2fc: {  	v63 =	vadd.s32 v26, v31;
	v52 =	vmul.f32 v55, v35;
	v54 =	vadd.s32 v28, v31  }
0x2fd: {  	v55 =	vadd.s32 v29, v31;
	v31 =	vadd.s32 v30, v31;
	v36 =	vadd.f32 v44, v36  }
0x2fe: {  	v37 =	vadd.f32 v45, v37;
	v41 =	vmul.f32 v41, v32;
	v43 =	vmul.f32 v43, v34  }
0x2ff: {  	v38 =	vadd.f32 v56, v38;
	v32 =	vmul.f32 v47, v32;
	v33 =	vmul.f32 v49, v33  }
0x300: {  	v39 =	vadd.f32 v58, v39;
	v34 =	vmul.f32 v57, v34;
	v35 =	vmul.f32 v59, v35  }
0x301: {  	s3 =	sadd.s32 $0x1, s0;
	v62 =	vadd.f32 v60, v41;
	v43 =	vadd.f32 v52, v43;
	[tilespmem:v61+s26+$0x0] =	vst.idx.msk $0xffff, v36  }
0x302: {  	v32 =	vadd.f32 v33, v32;
	[tilespmem:v63+s26+$0x0] =	vst.idx.msk $0xffff, v37;
	v56 =	vadd.f32 v35, v34;
	v34 =	vmov s3  }
0x303: {  	v57 =	vadd.f32 v43, v62;
	[tilespmem:v53+s26+$0x0] =	vst.idx.msk $0xffff, v38  }
0x304: {  	[tilespmem:v54+s26+$0x0] =	vst.idx.msk $0xffff, v39;
	v32 =	vadd.f32 v56, v32  }
0x305: {  	[tilespmem:v55+s26+$0x0] =	vst.idx.msk $0xffff, v57  }
0x306: {  	[tilespmem:v31+s26+$0x0] =	vst.idx.msk $0xffff, v32  }
0x307: {  	v31 =	vld.idx.msk [tilespmem:v34+s22+$0x0], $0xffff  }
0x308: {  	v32 =	vld.idx.msk [tilespmem:v34+s23+$0x0], $0xffff  }
0x309: {  	v33 =	vld.idx.msk [tilespmem:v34+s24+$0x0], $0xffff  }
0x30a: {  	v35 =	vld.idx.msk [tilespmem:v34+s25+$0x0], $0xffff  }
0x30b: {  	v36 =	vld [tilespmem:s2+$0xFFFFFFA0]  }
0x30c: {  	v37 =	vld [tilespmem:s2+$0xFFFFFFB0]  }
0x30d: {  	v38 =	vld [tilespmem:s2+$0xFFFFFFC0]  }
0x30e: {  	v39 =	vld [tilespmem:s2+$0xFFFFFFD0]  }
0x30f: {  	v58 =	vld [tilespmem:s8+$0xFFFFFFA0]  }
0x310: {  	v41 =	vld [tilespmem:s8+$0xFFFFFFB0]  }
0x311: {  	v42 =	vld [tilespmem:s8+$0xFFFFFFC0]  }
0x312: {  	v43 =	vld [tilespmem:s8+$0xFFFFFFD0]  }
0x313: {  	v44 =	vld [tilespmem:s15+$0xFFFFFFA0]  }
0x314: {  	v59 =	vld [tilespmem:s30+$0xFFFFFFA0]  }
0x315: {  	v60 =	vld [tilespmem:s15+$0xFFFFFFB0]  }
0x316: {  	v47 =	vld [tilespmem:s30+$0xFFFFFFB0]  }
0x317: {  	v48 =	vld [tilespmem:s15+$0xFFFFFFC0]  }
0x318: {  	v61 =	vld [tilespmem:s30+$0xFFFFFFC0];
	v36 =	vmul.f32 v36, v31;
	v40 =	vmul.f32 v58, v32  }
0x319: {  	v62 =	vld [tilespmem:s15+$0xFFFFFFD0];
	v44 =	vmul.f32 v44, v33;
	v45 =	vmul.f32 v59, v35  }
0x31a: {  	v63 =	vld [tilespmem:s30+$0xFFFFFFD0];
	v37 =	vmul.f32 v37, v31;
	v56 =	vmul.f32 v41, v32  }
0x31b: {  	v52 =	vld [tilespmem:s8+$0xFFFFFFE0];
	v57 =	vmul.f32 v60, v33;
	v58 =	vmul.f32 v47, v35  }
0x31c: {  	v49 =	vld [tilespmem:s8+$0xFFFFFFF0];
	v38 =	vmul.f32 v38, v31;
	v42 =	vmul.f32 v42, v32  }
0x31d: {  	v54 =	vld [tilespmem:s30+$0xFFFFFFE0];
	v34 =	vand.u32 $0x7D, v34;
	v59 =	vmul.f32 v48, v33;
	v60 =	vmul.f32 v61, v35  }
0x31e: {  	v41 =	vld [tilespmem:s2+$0xFFFFFFE0];
	v39 =	vmul.f32 v39, v31;
	v61 =	vmul.f32 v43, v32;
	v36 =	vadd.f32 v40, v36  }
0x31f: {  	v47 =	vld [tilespmem:s2+$0xFFFFFFF0];
	v62 =	vmul.f32 v62, v33;
	v44 =	vadd.f32 v45, v44;
	v37 =	vadd.f32 v56, v37  }
0x320: {  	v43 =	vld [tilespmem:s15+$0xFFFFFFE0];
	v63 =	vmul.f32 v63, v35;
	v45 =	vadd.f32 v58, v57;
	v38 =	vadd.f32 v42, v38  }
0x321: {  	v53 =	vadd.s32 v28, v34;
	v55 =	vadd.f32 v60, v59;
	v56 =	vld [tilespmem:s15+$0xFFFFFFF0];
	v39 =	vadd.f32 v61, v39  }
0x322: {  	v57 =	vadd.f32 v63, v62;
	v58 =	vld [tilespmem:s30+$0xFFFFFFF0];
	v59 =	vmul.f32 v52, v32;
	v60 =	vadd.s32 v25, v34  }
0x323: {  	v62 =	vadd.s32 v26, v34;
	v63 =	vmul.f32 v54, v35;
	v52 =	vadd.s32 v27, v34  }
0x324: {  	v32 =	vmul.f32 v49, v32;
	v54 =	vadd.s32 v29, v34;
	v34 =	vadd.s32 v30, v34  }
0x325: {  	v36 =	vadd.f32 v44, v36;
	v37 =	vadd.f32 v45, v37;
	v41 =	vmul.f32 v41, v31  }
0x326: {  	v38 =	vadd.f32 v55, v38;
	v43 =	vmul.f32 v43, v33;
	v31 =	vmul.f32 v47, v31  }
0x327: {  	v39 =	vadd.f32 v57, v39;
	v33 =	vmul.f32 v56, v33;
	v35 =	vmul.f32 v58, v35  }
0x328: {  	s9 =	sadd.s32 $0x2, s0;
	v61 =	vadd.f32 v59, v41;
	v43 =	vadd.f32 v63, v43;
	[tilespmem:v60+s26+$0x0] =	vst.idx.msk $0xffff, v36  }
0x329: {  	v31 =	vadd.f32 v32, v31;
	[tilespmem:v62+s26+$0x0] =	vst.idx.msk $0xffff, v37;
	v55 =	vadd.f32 v35, v33;
	v33 =	vmov s9  }
0x32a: {  	v56 =	vadd.f32 v43, v61;
	[tilespmem:v52+s26+$0x0] =	vst.idx.msk $0xffff, v38  }
0x32b: {  	[tilespmem:v53+s26+$0x0] =	vst.idx.msk $0xffff, v39;
	v31 =	vadd.f32 v55, v31  }
0x32c: {  	[tilespmem:v54+s26+$0x0] =	vst.idx.msk $0xffff, v56  }
0x32d: {  	[tilespmem:v34+s26+$0x0] =	vst.idx.msk $0xffff, v31  }
0x32e: {  	v31 =	vld.idx.msk [tilespmem:v33+s22+$0x0], $0xffff  }
0x32f: {  	v32 =	vld.idx.msk [tilespmem:v33+s23+$0x0], $0xffff  }
0x330: {  	v34 =	vld.idx.msk [tilespmem:v33+s24+$0x0], $0xffff  }
0x331: {  	v35 =	vld.idx.msk [tilespmem:v33+s25+$0x0], $0xffff  }
0x332: {  	v36 =	vld [tilespmem:s2+$0x0]  }
0x333: {  	v37 =	vld [tilespmem:s2+$0x10]  }
0x334: {  	v38 =	vld [tilespmem:s2+$0x20]  }
0x335: {  	v39 =	vld [tilespmem:s2+$0x30]  }
0x336: {  	v57 =	vld [tilespmem:s8+$0x0]  }
0x337: {  	v41 =	vld [tilespmem:s8+$0x10]  }
0x338: {  	v42 =	vld [tilespmem:s8+$0x20]  }
0x339: {  	v43 =	vld [tilespmem:s8+$0x30]  }
0x33a: {  	v44 =	vld [tilespmem:s15+$0x0]  }
0x33b: {  	v58 =	vld [tilespmem:s30+$0x0]  }
0x33c: {  	v59 =	vld [tilespmem:s15+$0x10]  }
0x33d: {  	v47 =	vld [tilespmem:s30+$0x10]  }
0x33e: {  	v48 =	vld [tilespmem:s15+$0x20]  }
0x33f: {  	v60 =	vld [tilespmem:s30+$0x20];
	v36 =	vmul.f32 v36, v31;
	v40 =	vmul.f32 v57, v32  }
0x340: {  	v61 =	vld [tilespmem:s15+$0x30];
	v44 =	vmul.f32 v44, v34;
	v45 =	vmul.f32 v58, v35  }
0x341: {  	v62 =	vld [tilespmem:s30+$0x30];
	v37 =	vmul.f32 v37, v31;
	v63 =	vmul.f32 v41, v32  }
0x342: {  	v52 =	vld [tilespmem:s8+$0x40];
	v56 =	vmul.f32 v59, v34;
	v57 =	vmul.f32 v47, v35  }
0x343: {  	v49 =	vld [tilespmem:s8+$0x50];
	v38 =	vmul.f32 v38, v31;
	v42 =	vmul.f32 v42, v32  }
0x344: {  	v55 =	vld [tilespmem:s15+$0x50];
	v33 =	vand.u32 $0x7E, v33;
	v58 =	vmul.f32 v48, v34;
	v59 =	vmul.f32 v60, v35  }
0x345: {  	v41 =	vld [tilespmem:s2+$0x40];
	v39 =	vmul.f32 v39, v31;
	v60 =	vmul.f32 v43, v32;
	v36 =	vadd.f32 v40, v36  }
0x346: {  	v47 =	vld [tilespmem:s2+$0x50];
	v61 =	vmul.f32 v61, v34;
	v44 =	vadd.f32 v45, v44;
	v37 =	vadd.f32 v63, v37  }
0x347: {  	v62 =	vmul.f32 v62, v35;
	v45 =	vadd.f32 v57, v56;
	v63 =	vld [tilespmem:s30+$0x40];
	v38 =	vadd.f32 v42, v38  }
0x348: {  	v51 =	vadd.s32 v28, v33;
	v43 =	vld [tilespmem:s15+$0x40];
	v54 =	vadd.f32 v59, v58;
	v39 =	vadd.f32 v60, v39  }
0x349: {  	v56 =	vadd.f32 v62, v61;
	v57 =	vld [tilespmem:s30+$0x50];
	v58 =	vmul.f32 v52, v32;
	v59 =	vadd.s32 v25, v33  }
0x34a: {  	v61 =	vadd.s32 v26, v33;
	v32 =	vmul.f32 v49, v32;
	v36 =	vadd.f32 v44, v36  }
0x34b: {  	v52 =	vadd.s32 v29, v33;
	v37 =	vadd.f32 v45, v37;
	v38 =	vadd.f32 v54, v38  }
0x34c: {  	v41 =	vmul.f32 v41, v31;
	v62 =	vmul.f32 v63, v35;
	v63 =	vadd.s32 v27, v33  }
0x34d: {  	v39 =	vadd.f32 v56, v39;
	v43 =	vmul.f32 v43, v34;
	v31 =	vmul.f32 v47, v31  }
0x34e: {  	v34 =	vmul.f32 v55, v34;
	v60 =	vadd.f32 v58, v41;
	v35 =	vmul.f32 v57, v35  }
0x34f: {  	s31 =	sadd.s32 $0x3, s0;
	[tilespmem:v59+s26+$0x0] =	vst.idx.msk $0xffff, v36;
	v33 =	vadd.s32 v30, v33;
	v43 =	vadd.f32 v62, v43  }
0x350: {  	v31 =	vadd.f32 v32, v31;
	[tilespmem:v61+s26+$0x0] =	vst.idx.msk $0xffff, v37;
	v53 =	vadd.f32 v35, v34;
	v34 =	vmov s31  }
0x351: {  	v54 =	vadd.f32 v43, v60;
	[tilespmem:v63+s26+$0x0] =	vst.idx.msk $0xffff, v38  }
0x352: {  	v31 =	vadd.f32 v53, v31;
	[tilespmem:v51+s26+$0x0] =	vst.idx.msk $0xffff, v39  }
0x353: {  	[tilespmem:v52+s26+$0x0] =	vst.idx.msk $0xffff, v54  }
0x354: {  	[tilespmem:v33+s26+$0x0] =	vst.idx.msk $0xffff, v31  }
0x355: {  	v31 =	vld.idx.msk [tilespmem:v34+s22+$0x0], $0xffff  }
0x356: {  	v32 =	vld.idx.msk [tilespmem:v34+s23+$0x0], $0xffff  }
0x357: {  	v33 =	vld.idx.msk [tilespmem:v34+s24+$0x0], $0xffff  }
0x358: {  	v35 =	vld.idx.msk [tilespmem:v34+s25+$0x0], $0xffff  }
0x359: {  	v36 =	vld [tilespmem:s2+$0x60]  }
0x35a: {  	v37 =	vld [tilespmem:s2+$0x70]  }
0x35b: {  	v38 =	vld [tilespmem:s2+$0x80]  }
0x35c: {  	v39 =	vld [tilespmem:s2+$0x90]  }
0x35d: {  	v55 =	vld [tilespmem:s8+$0x60]  }
0x35e: {  	v41 =	vld [tilespmem:s8+$0x70]  }
0x35f: {  	v42 =	vld [tilespmem:s8+$0x80]  }
0x360: {  	v43 =	vld [tilespmem:s8+$0x90]  }
0x361: {  	v44 =	vld [tilespmem:s15+$0x60]  }
0x362: {  	v56 =	vld [tilespmem:s30+$0x60]  }
0x363: {  	v57 =	vld [tilespmem:s15+$0x70]  }
0x364: {  	v47 =	vld [tilespmem:s30+$0x70]  }
0x365: {  	v48 =	vld [tilespmem:s15+$0x80];
	v36 =	vmul.f32 v36, v31  }
0x366: {  	v58 =	vld [tilespmem:s30+$0x80];
	v40 =	vmul.f32 v55, v32;
	v44 =	vmul.f32 v44, v33  }
0x367: {  	v59 =	vld [tilespmem:s15+$0x90];
	v45 =	vmul.f32 v56, v35;
	v37 =	vmul.f32 v37, v31  }
0x368: {  	v60 =	vld [tilespmem:s30+$0x90];
	v61 =	vmul.f32 v41, v32;
	v62 =	vmul.f32 v57, v33  }
0x369: {  	v52 =	vld [tilespmem:s8+$0xA0];
	v63 =	vmul.f32 v47, v35;
	v38 =	vmul.f32 v38, v31  }
0x36a: {  	v49 =	vld [tilespmem:s8+$0xB0];
	v42 =	vmul.f32 v42, v32;
	v55 =	vmul.f32 v48, v33  }
0x36b: {  	v53 =	vld [tilespmem:s30+$0xB0];
	v56 =	vmul.f32 v58, v35;
	v39 =	vmul.f32 v39, v31  }
0x36c: {  	v34 =	vand.u32 $0x7F, v34;
	v41 =	vld [tilespmem:s2+$0xA0];
	v57 =	vmul.f32 v43, v32;
	v58 =	vmul.f32 v59, v33  }
0x36d: {  	v47 =	vld [tilespmem:s2+$0xB0];
	v59 =	vmul.f32 v60, v35;
	v36 =	vadd.f32 v40, v36;
	v44 =	vadd.f32 v45, v44  }
0x36e: {  	v43 =	vld [tilespmem:s15+$0xA0];
	v54 =	vmul.f32 v52, v32;
	v37 =	vadd.f32 v61, v37;
	v45 =	vadd.f32 v63, v62  }
0x36f: {  	v60 =	vld [tilespmem:s30+$0xA0];
	v32 =	vmul.f32 v49, v32;
	v38 =	vadd.f32 v42, v38;
	v61 =	vadd.f32 v56, v55  }
0x370: {  	v62 =	vld [tilespmem:s15+$0xB0];
	v39 =	vadd.f32 v57, v39;
	v63 =	vadd.f32 v59, v58;
	v55 =	vadd.s32 v25, v34  }
0x371: {  	v57 =	vadd.s32 v26, v34;
	v36 =	vadd.f32 v44, v36;
	v37 =	vadd.f32 v45, v37  }
0x372: {  	v59 =	vadd.s32 v27, v34;
	v38 =	vadd.f32 v61, v38;
	v39 =	vadd.f32 v63, v39  }
0x373: {  	v61 =	vadd.s32 v29, v34;
	v41 =	vmul.f32 v41, v31;
	v43 =	vmul.f32 v43, v33  }
0x374: {  	v58 =	vmul.f32 v60, v35;
	v31 =	vmul.f32 v47, v31;
	v60 =	vadd.s32 v28, v34  }
0x375: {  	v35 =	vmul.f32 v53, v35;
	v34 =	vadd.s32 v30, v34;
	v33 =	vmul.f32 v62, v33  }
0x376: {  	p0 =	slt.u32 s0, $0x7C;
	v56 =	vadd.f32 v54, v41;
	v43 =	vadd.f32 v58, v43;
	[tilespmem:v55+s26+$0x0] =	vst.idx.msk $0xffff, v36  }
.Ltmp3:
0x377: {  	v31 =	vadd.f32 v32, v31;
	[tilespmem:v57+s26+$0x0] =	vst.idx.msk $0xffff, v37;
	v62 =	vadd.f32 v35, v33;
	(pc) =	sbr.rel @p0 .LBB2_10-.Ltmp3, $4  }
0x378: {  	v63 =	vadd.f32 v43, v56;
	[tilespmem:v59+s26+$0x0] =	vst.idx.msk $0xffff, v38  }
0x379: {  	[tilespmem:v60+s26+$0x0] =	vst.idx.msk $0xffff, v39;
	v31 =	vadd.f32 v62, v31  }
0x37a: {  	s0 =	sadd.s32 $0x4, s0;
	s8 =	sadd.s32 $0x180, s8;
	[tilespmem:v61+s26+$0x0] =	vst.idx.msk $0xffff, v63  }
0x37b: {  	s2 =	sadd.s32 $0x180, s2;
	s30 =	sadd.s32 $0x180, s30;
	s15 =	sadd.s32 $0x180, s15;
	[tilespmem:v34+s26+$0x0] =	vst.idx.msk $0xffff, v31  }
0x37c: {  	s0 =	smulhi.u32 $0xAAAAAAAB, s13;
	_ =	sdelay $0x1  }
0x37d: {  	s0 =	sshrl.u32 s0, $0x8  }
0x37e: {  	s0 =	smul.u32 $0x1080, s0;
	_ =	sdelay $0x1  }
0x37f: {  	s0 =	sadd.s32 s13, s0  }
0x380: {  	s2 =	rddreg [dreg:$0x1];
	s0 =	sand.u32 $0x1FFFFF80, s0  }
0x381: {  	s8 =	simm.s32 $0x1BD00;
	s2 =	sadd.s32 s2, s0  }
0x382: {  	[hbm4b:s2+s4] =	stream.linear.scatter [tilespmem:s8], [sflag:$0x6], $0x80, $0x38;
	[tilespmem:$0x1F000] =	vst v63  }
0x383: {  	s9 =	simm.s32 $0x1BD88;
	s3 =	sadd.s32 $0x10, s2  }
0x384: {  	[hbm4b:s3+s4] =	stream.linear.scatter [tilespmem:s9], [sflag:$0x6], $0x80, $0x38;
	[tilespmem:$0x1F000] =	vst v63  }
0x385: {  	s30 =	simm.s32 $0x1BE98;
	s13 =	simm.s32 $0x1BE10;
	s15 =	sadd.s32 $0x20, s2  }
0x386: {  	[hbm4b:s15+s4] =	stream.linear.scatter [tilespmem:s13], [sflag:$0x6], $0x80, $0x38;
	[tilespmem:$0x1F000] =	vst v63  }
0x387: {  	s0 =	simm.s32 $0x440;
	s31 =	sadd.s32 $0x30, s2;
	s8 =	simm.s32 $0x1BF20  }
0x388: {  	[hbm4b:s31+s4] =	stream.linear.scatter [tilespmem:s30], [sflag:$0x6], $0x80, $0x38;
	[tilespmem:$0x1F000] =	vst v63  }
0x389: {  	s9 =	sadd.s32 $0x40, s2;
	s13 =	simm.s32 $0x1BFA8;
	s15 =	sadd.s32 $0x50, s2  }
0x38a: {  	[hbm4b:s9+s4] =	stream.linear.scatter [tilespmem:s8], [sflag:$0x6], $0x80, $0x38;
	[tilespmem:$0x1F000] =	vst v63  }
0x38b: {  	s30 =	simm.s32 $0x1C030;
	s31 =	sadd.s32 $0x60, s2;
	s8 =	simm.s32 $0x2200  }
0x38c: {  	[hbm4b:s15+s4] =	stream.linear.scatter [tilespmem:s13], [sflag:$0x6], $0x80, $0x38;
	[tilespmem:$0x1F000] =	vst v63  }
0x38d: {  	s13 =	simm.s32 $0x1C0B8;
	s15 =	sadd.s32 $0x70, s2;
	s2 =	sadd.s32 $0x180, s2  }
0x38e: {  	[hbm4b:s31+s4] =	stream.linear.scatter [tilespmem:s30], [sflag:$0x6], $0x80, $0x38;
	[tilespmem:$0x1F000] =	vst v63  }
.LBB2_12:
0x38f: {  	[hbm4b:s15+s4] =	stream.linear.scatter [tilespmem:s13], [sflag:$0x6], $0x80, $0x38;
	[tilespmem:$0x1F000] =	vst v63  }
0x390: {  	s3 =	smov.u32 s0;
	s0 =	smov.u32 s8  }
0x391: {  	s9 =	sadd.s32 $0x1100, s8;
	s0 =	sshra.s32 s0, $0x2;
	s13 =	sadd.s32 $0x1BD00, s3  }
0x392: {  	[hbm4b:s2+s4] =	stream.linear.scatter [tilespmem:s13], [sflag:$0x6], $0x80, $0x38;
	[tilespmem:$0x1F000] =	vst v63  }
0x393: {  	p0 =	seq.s32 s8, $0xBB00;
	s8 =	sadd.s32 $0x1BD88, s3;
	s13 =	sadd.s32 $0x10, s2  }
0x394: {  	[hbm4b:s13+s4] =	stream.linear.scatter [tilespmem:s8], [sflag:$0x6], $0x80, $0x38;
	[tilespmem:$0x1F000] =	vst v63  }
0x395: {  	s8 =	sadd.s32 $0x1BE10, s3;
	s13 =	sadd.s32 $0x20, s2  }
0x396: {  	[hbm4b:s13+s4] =	stream.linear.scatter [tilespmem:s8], [sflag:$0x6], $0x80, $0x38;
	[tilespmem:$0x1F000] =	vst v63  }
0x397: {  	s8 =	sadd.s32 $0x1BE98, s3;
	s13 =	sadd.s32 $0x30, s2  }
0x398: {  	[hbm4b:s13+s4] =	stream.linear.scatter [tilespmem:s8], [sflag:$0x6], $0x80, $0x38;
	[tilespmem:$0x1F000] =	vst v63  }
0x399: {  	s8 =	sadd.s32 $0x1BF20, s3;
	s13 =	sadd.s32 $0x40, s2  }
0x39a: {  	[hbm4b:s13+s4] =	stream.linear.scatter [tilespmem:s8], [sflag:$0x6], $0x80, $0x38;
	[tilespmem:$0x1F000] =	vst v63  }
.Ltmp4:
0x39b: {  	s8 =	sadd.s32 $0x1BFA8, s3;
	s13 =	sadd.s32 $0x50, s2;
	(pc) =	sbr.rel @!p0 .LBB2_12-.Ltmp4, $4  }
0x39c: {  	[hbm4b:s13+s4] =	stream.linear.scatter [tilespmem:s8], [sflag:$0x6], $0x80, $0x38;
	[tilespmem:$0x1F000] =	vst v63  }
0x39d: {  	s15 =	sadd.s32 $0x70, s2;
	s8 =	sadd.s32 $0x1C030, s3;
	s13 =	sadd.s32 $0x60, s2  }
0x39e: {  	[hbm4b:s13+s4] =	stream.linear.scatter [tilespmem:s8], [sflag:$0x6], $0x80, $0x38;
	[tilespmem:$0x1F000] =	vst v63  }
0x39f: {  	s2 =	sadd.s32 $0x180, s2;
	s13 =	sadd.s32 $0x1C0B8, s3;
	s8 =	smov.u32 s9  }
0x3a0: {  	[hbm4b:s15+s4] =	stream.linear.scatter [tilespmem:s13], [sflag:$0x6], $0x80, $0x38;
	[tilespmem:$0x1F000] =	vst v63  }
0x3a1: {  	s3 =	sadd.s32 $0x1BD00, s0  }
0x3a2: {  	[hbm4b:s2+s4] =	stream.linear.scatter [tilespmem:s3], [sflag:$0x6], $0x80, $0x38;
	[tilespmem:$0x1F000] =	vst v63  }
0x3a3: {  	s31 =	sadd.s32 $0x1BD88, s0;
	s8 =	sadd.s32 $0x10, s2  }
0x3a4: {  	[hbm4b:s8+s4] =	stream.linear.scatter [tilespmem:s31], [sflag:$0x6], $0x80, $0x38;
	[tilespmem:$0x1F000] =	vst v63  }
0x3a5: {  	s9 =	sadd.s32 $0x20, s2;
	s8 =	sadd.s32 $0x1BE10, s0  }
0x3a6: {  	[hbm4b:s9+s4] =	stream.linear.scatter [tilespmem:s8], [sflag:$0x6], $0x80, $0x38;
	[tilespmem:$0x1F000] =	vst v63  }
0x3a7: {  	s13 =	sadd.s32 $0x1BE98, s0;
	s15 =	sadd.s32 $0x30, s2  }
0x3a8: {  	[hbm4b:s15+s4] =	stream.linear.scatter [tilespmem:s13], [sflag:$0x6], $0x80, $0x38;
	[tilespmem:$0x1F000] =	vst v63  }
0x3a9: {  	s30 =	sadd.s32 $0x1BF20, s0;
	s31 =	sadd.s32 $0x40, s2  }
0x3aa: {  	[hbm4b:s31+s4] =	stream.linear.scatter [tilespmem:s30], [sflag:$0x6], $0x80, $0x38;
	[tilespmem:$0x1F000] =	vst v63  }
0x3ab: {  	s8 =	sadd.s32 $0x1BFA8, s0;
	s9 =	sadd.s32 $0x50, s2  }
0x3ac: {  	[hbm4b:s9+s4] =	stream.linear.scatter [tilespmem:s8], [sflag:$0x6], $0x80, $0x38;
	[tilespmem:$0x1F000] =	vst v63  }
0x3ad: {  	s13 =	sadd.s32 $0x1C030, s0;
	s15 =	sadd.s32 $0x60, s2  }
0x3ae: {  	[hbm4b:s15+s4] =	stream.linear.scatter [tilespmem:s13], [sflag:$0x6], $0x80, $0x38;
	[tilespmem:$0x1F000] =	vst v63  }
0x3af: {  	s30 =	sadd.s32 $0x1C0B8, s0;
	s31 =	sadd.s32 $0x70, s2  }
0x3b0: {  	[hbm4b:s31+s4] =	stream.linear.scatter [tilespmem:s30], [sflag:$0x6], $0x80, $0x38;
	[tilespmem:$0x1F000] =	vst v63  }
0x3b1: {  	p0 =	seq.s32 s29, $0x48  }
.Ltmp5:
0x3b2: {  	_ = 	snop;
	(pc) =	sbr.rel @!p0 .LBB2_3-.Ltmp5, $1  }
0x3b3: {  	_ =	sdelay $0x3  }
0x3b4: {  	s0 =	simm.s32 $0x5  }
0x3b5: {  	_ =	swait.ge [sflag:s0], $0x3000  }
0x3b6: {  	[sflag:s0] =	ssyncset.done $0x0  }
0x3b7: {  	s2 =	simm.s32 $0x6;
	[sflag:s0] =	ssyncadd.s32 $0xFFFFD000  }
0x3b8: {  	_ =	swait.ge [sflag:s2], $0x3000  }
0x3b9: {  	s3 =	rddreg [dreg:$0x9]  }
0x3ba: {  	s31 =	rddreg [dreg:$0x8];
	s3 =	sadd.s32 $0x1, s3  }
0x3bb: {  	p0 =	sne.s32 s3, s31  }
.Ltmp6:
0x3bc: {  	_ = 	snop;
	(pc) =	sbr.rel @p0 .LBB2_1-.Ltmp6, $3  }
0x3bd: {  	_ =	sdelay $0x1  }
0x3be: {  	[sflag:s2] =	ssyncset.done $0x0  }
0x3bf: {  	[sflag:s2] =	ssyncadd.s32 $0xFFFFD000  }
0x3c0: {  	_ =	sfence.sel $0x180000  }
0x3c1: {  	[bflag:$0x0] =	sbarrier.arrive $0xFFFF  }
0x3c2: {  	_ =	strace $0x90000047  }
0x3c3: {  	s0 =	stileid.u32;
	[bflag:$0x2] =	sbarrier.arrive $0xFFFF  }
0x3c4: {  	p0 =	sne.s32 s0, $0x0;
	s0 =	rddreg [dreg:$0x2]  }
0x3c5: {  	s0 =	sadd.s32 @!p0 $0x100000, s0  }
0x3c6: {  	[sflag:s0] =	ssyncadd.tile.s32 @!p0 $0x1;
	_ =	shalt  }
.Lfunc_end2:
_tile_overlayer_lowered:
.L_overlay_start_2:
0x3c7: {  	(tag) =	ssettag $0x2  }
0x3c8: {  	s0 =	rddreg [dreg:$0x0];
	s2 =	stileid.u32  }
0x3c9: {  	s1 =	rddreg [dreg:$0x1];
	p0 =	sne.s32 s2, $0x0  }
0x3ca: {  	s3 =	rddreg [dreg:$0x2];
	[bflag:$0x3] =	sbarrier.arrive $0xFFFF;
	s2 =	simm.s32 @!p0 $0x1C07  }
0x3cb: {  	[timem:s3], [sflag:s2] =	dma.local @!p0 [hbm:s0], s1  }
0x3cc: {  	s0 =	simm.s32 @!p0 $0x7  }
0x3cd: {  	_ =	swait.ge @!p0 [sflag:s0], s1  }
0x3ce: {  	s1 =	ssub.s32 @!p0 $0x0, s1;
	[sflag:s0] =	ssyncset.done @!p0 $0x0  }
0x3cf: {  	[sflag:s0] =	ssyncadd.s32 @!p0 s1  }
0x3d0: {  	[bflag:$0x3] =	sbarrier.arrive $0xFFFF  }
0x3d1: {  	_ =	shalt  }

</sc_bundles>
